<compile_context>
chip_gen: v7x
topology: tpu7x:2x2x1
jax: 0.10.2.dev20260603
libtpu: 0.0.44.dev20260713+nightly
codegen_flags: <defaults>
</compile_context>

<pallas_src>
import functools

import jax
import jax.numpy as jnp
from jax import lax
from jax.experimental import pallas as pl
from jax.experimental.pallas import tpu as pltpu
from jax.experimental.pallas import tpu_sc as plsc

NC = 2
NS = 16
NW = NC * NS
BW = 128
L = 16
NG = BW // L


def _body(xt_hbm, emb4_hbm, post_hbm, out_hbm, tok_v, idx4_a, idx4_b, rows_a,
          rows_b, xp_a, xp_b, pos_v, sem_a, sem_b, sem_oa, sem_ob):
    cid = lax.axis_index("c")
    sid = lax.axis_index("s")
    wid = sid * NC + cid

    seq = xt_hbm.shape[0]
    hid = pos_v.shape[0]
    b0 = wid * BW

    pltpu.sync_copy(post_hbm, pos_v)
    pltpu.sync_copy(xt_hbm.at[pl.ds(0, seq), pl.ds(b0, BW)], tok_v)

    iota = lax.iota(jnp.int32, L)
    ridx = [iota + g * L for g in range(NG)]

    def fire(s, idx_buf, rows_buf, sem):
        for g in range(NG):
            tv = tok_v[s, pl.ds(g * L, L)]
            idx_buf[pl.ds(g * L, L)] = lax.shift_right_logical(tv, 2)
        return pltpu.async_copy(emb4_hbm.at[idx_buf], rows_buf, sem)

    def compute(s, rows_buf, xp_buf, sem_o):
        @pl.when(s >= 2)
        def _():
            pltpu.make_async_copy(
                out_hbm.at[0, pl.ds(0, hid), pl.ds(b0, BW)],
                xp_buf, sem_o).wait()

        sv = jnp.full((L,), s, jnp.int32)
        cbase = []
        for g in range(NG):
            tv = tok_v[s, pl.ds(g * L, L)]
            cbase.append(lax.shift_left(jnp.bitwise_and(tv, 3), 5))

        @plsc.parallel_loop(0, hid, step=1, unroll=4)
        def _h(h):
            hv = jnp.full((L,), h, jnp.int32)
            p = plsc.load_gather(pos_v, [hv, sv])
            for g in range(NG):
                vec = plsc.load_gather(rows_buf, [ridx[g], cbase[g] + hv])
                xp_buf[h, pl.ds(g * L, L)] = vec + p

        pltpu.async_copy(
            xp_buf, out_hbm.at[s, pl.ds(0, hid), pl.ds(b0, BW)], sem_o)

    cp0 = fire(0, idx4_a, rows_a, sem_a)

    def sloop(i, carry):
        s0 = 2 * i
        s1 = s0 + 1
        s2 = jnp.minimum(s0 + 2, seq - 1)
        cp_b = fire(s1, idx4_b, rows_b, sem_b)
        pltpu.make_async_copy(emb4_hbm.at[idx4_a], rows_a, sem_a).wait()
        compute(s0, rows_a, xp_a, sem_oa)
        cp_a = fire(s2, idx4_a, rows_a, sem_a)
        pltpu.make_async_copy(emb4_hbm.at[idx4_b], rows_b, sem_b).wait()
        compute(s1, rows_b, xp_b, sem_ob)
        return carry

    lax.fori_loop(0, seq // 2, sloop, 0)
    pltpu.make_async_copy(emb4_hbm.at[idx4_a], rows_a, sem_a).wait()
    for xp_buf, sem_o in ((xp_a, sem_oa), (xp_b, sem_ob)):
        pltpu.make_async_copy(
            out_hbm.at[0, pl.ds(0, hid), pl.ds(b0, BW)],
            xp_buf, sem_o).wait()


def _prep(embt_hbm, out4_hbm, in_a, in_b, out_a, out_b, tin_v,
          sem_ia, sem_ib, sem_oa, sem_ob):
    cid = lax.axis_index("c")
    sid = lax.axis_index("s")
    wid = sid * NC + cid

    vocab = embt_hbm.shape[1]
    n_full = vocab // 512
    tail = vocab - n_full * 512
    nw = (n_full - wid + NW - 1) // NW
    last = wid + NW * (nw - 1)
    npair = (n_full + NW - 1) // NW // 2 + (((n_full + NW - 1) // NW) % 2)

    iota = lax.iota(jnp.int32, L)
    t0 = lax.shift_left(lax.shift_right_logical(iota, 3), 2)
    t1 = t0 + 8
    hrow = jnp.bitwise_and(iota, 7)

    def fire_in(c, buf, sem):
        for tr in range(4):
            for tc in range(4):
                pltpu.async_copy(
                    embt_hbm.at[pl.ds(tr * 8, 8),
                                pl.ds(c * 512 + tc * 128, 128)],
                    buf.at[tr * 4 + tc], sem)

    def wait_in(buf, sem):
        for t in range(16):
            pltpu.make_async_copy(
                embt_hbm.at[pl.ds(0, 8), pl.ds(0, 128)],
                buf.at[t], sem).wait()

    def wait_out(buf, sem):
        pltpu.make_async_copy(
            out4_hbm.at[pl.ds(0, 128)], buf, sem).wait()

    def xpose(in_buf, out_buf):
        @plsc.parallel_loop(0, 128, step=1, unroll=4)
        def _r(r):
            for q in range(4):
                jb = lax.shift_left(r, 2) + q
                tv = jnp.full((L,), lax.shift_right_logical(jb, 7), jnp.int32)
                jv = jnp.full((L,), jnp.bitwise_and(jb, 127), jnp.int32)
                out_buf[r, pl.ds(q * 32, L)] = plsc.load_gather(
                    in_buf, [t0 + tv, hrow, jv])
                out_buf[r, pl.ds(q * 32 + L, L)] = plsc.load_gather(
                    in_buf, [t1 + tv, hrow, jv])

    cp0 = fire_in(jnp.minimum(wid, last), in_a, sem_ia)

    def kloop(i, carry):
        ca = jnp.minimum(wid + NW * (2 * i), last)
        cb = jnp.minimum(wid + NW * (2 * i + 1), last)
        cn = jnp.minimum(wid + NW * (2 * i + 2), last)
        wait_in(in_a, sem_ia)
        fire_in(cb, in_b, sem_ib)

        @pl.when(i >= 1)
        def _():
            wait_out(out_a, sem_oa)
        xpose(in_a, out_a)
        pltpu.async_copy(out_a, out4_hbm.at[pl.ds(ca * 128, 128)], sem_oa)

        wait_in(in_b, sem_ib)
        fire_in(cn, in_a, sem_ia)

        @pl.when(i >= 1)
        def _():
            wait_out(out_b, sem_ob)
        xpose(in_b, out_b)
        pltpu.async_copy(out_b, out4_hbm.at[pl.ds(cb * 128, 128)], sem_ob)
        return carry

    lax.fori_loop(0, npair, kloop, 0)
    wait_in(in_a, sem_ia)
    wait_out(out_a, sem_oa)
    wait_out(out_b, sem_ob)

    if tail:
        @pl.when(wid == 1)
        def _tail():
            base = n_full * 512
            for tr in range(4):
                pltpu.sync_copy(
                    embt_hbm.at[pl.ds(tr * 8, 8), pl.ds(base, tail)],
                    tin_v.at[tr])
            tt0 = lax.shift_right_logical(iota, 3)
            tt1 = tt0 + 2

            @plsc.parallel_loop(0, tail // 4, step=1, unroll=4)
            def _r(r):
                for q in range(4):
                    jv = jnp.full((L,), lax.shift_left(r, 2) + q, jnp.int32)
                    out_a[r, pl.ds(q * 32, L)] = plsc.load_gather(
                        tin_v, [tt0, hrow, jv])
                    out_a[r, pl.ds(q * 32 + L, L)] = plsc.load_gather(
                        tin_v, [tt1, hrow, jv])

            pltpu.sync_copy(
                out_a.at[pl.ds(0, tail // 4)],
                out4_hbm.at[pl.ds(base // 4, tail // 4)])


def kernel(x, emb_table, pos_table):
    batch, seq_len = x.shape
    hid = emb_table.shape[1]

    xt = jnp.transpose(x)
    embt = jnp.transpose(emb_table)
    post = jnp.transpose(pos_table)

    prep = pl.kernel(
        _prep,
        out_type=jax.ShapeDtypeStruct(
            (emb_table.shape[0] * hid // 128, 128), jnp.float32),
        mesh=plsc.VectorSubcoreMesh(core_axis_name="c", subcore_axis_name="s"),
        scratch_types=[
            pltpu.VMEM((16, 8, 128), jnp.float32),
            pltpu.VMEM((16, 8, 128), jnp.float32),
            pltpu.VMEM((128, 128), jnp.float32),
            pltpu.VMEM((128, 128), jnp.float32),
            pltpu.VMEM((4, 8, 64), jnp.float32),
            pltpu.SemaphoreType.DMA,
            pltpu.SemaphoreType.DMA,
            pltpu.SemaphoreType.DMA,
            pltpu.SemaphoreType.DMA,
        ],
        compiler_params=pltpu.CompilerParams(
            use_tc_tiling_on_sc=True, needs_layout_passes=False),
    )
    emb4 = prep(embt)

    call = pl.kernel(
        _body,
        out_type=jax.ShapeDtypeStruct((seq_len, hid, batch), jnp.float32),
        mesh=plsc.VectorSubcoreMesh(core_axis_name="c", subcore_axis_name="s"),
        scratch_types=[
            pltpu.VMEM((seq_len, BW), jnp.int32),
            pltpu.VMEM((BW,), jnp.int32),
            pltpu.VMEM((BW,), jnp.int32),
            pltpu.VMEM((BW, 128), jnp.float32),
            pltpu.VMEM((BW, 128), jnp.float32),
            pltpu.VMEM((hid, BW), jnp.float32),
            pltpu.VMEM((hid, BW), jnp.float32),
            pltpu.VMEM((hid, seq_len), jnp.float32),
            pltpu.SemaphoreType.DMA,
            pltpu.SemaphoreType.DMA,
            pltpu.SemaphoreType.DMA,
            pltpu.SemaphoreType.DMA,
        ],
        compiler_params=pltpu.CompilerParams(
            use_tc_tiling_on_sc=True, needs_layout_passes=False),
    )
    out = call(xt, emb4, post)
    return jnp.transpose(out, (2, 0, 1))

# --- scband reference (transcript-rebuilt; emitter-appended) ---
"""Pipeline reference for scband-token-embedding-77902116815099 (READ-ONLY COPY).

The authoritative reference and input builder live on the scoring server;
editing this copy changes nothing except your own understanding.
"""

import jax, jax.numpy as jnp
import numpy as np

NUM_VOCAB = 1000000
MAXLEN = 200
NUM_HID = 32
BATCH = 4096
SEQ_LEN = 200


def setup_inputs(seed: int = 0) -> dict:
    key = jax.random.key(seed)
    k1, k2, k3 = jax.random.split(key, 3)
    x = jax.random.randint(k1, (BATCH, SEQ_LEN), 0, NUM_VOCAB, dtype=jnp.int64 if jax.config.jax_enable_x64 else jnp.int32)
    emb_table = jax.random.normal(k2, (NUM_VOCAB, NUM_HID), dtype=jnp.float32) * 0.02
    pos_table = jax.random.normal(k3, (MAXLEN, NUM_HID), dtype=jnp.float32) * 0.02
    return {"x": x, "emb_table": emb_table, "pos_table": pos_table}


def reference(x, emb_table, pos_table):
    batch_size, seq_len = x.shape
    tok = jnp.take(emb_table, x, axis=0)  # [B, S, H]
    positions = jnp.arange(seq_len, dtype=jnp.int32)[None, :]  # [1, S]
    pos = jnp.take(pos_table, positions, axis=0)  # [1, S, H]
    return tok + pos

if __name__ == "__main__":
    import jax
    _d = setup_inputs()
    print(jax.jit(kernel)(*tuple(_d.values())))

</pallas_src>

<mosaic_0001>
#map = affine_map<(d0, d1) -> (0, 0)>
module attributes {stable_mosaic.version = 14 : i64} {
  func.func @_prep(%arg0: i32, %arg1: i32, %arg2: memref<32x1000000xf32, #tpu.memory_space<hbm>>, %arg3: memref<250000x128xf32, #tpu.memory_space<hbm>>, %arg4: memref<16x8x128xf32, #tpu.memory_space<vmem>>, %arg5: memref<16x8x128xf32, #tpu.memory_space<vmem>>, %arg6: memref<128x128xf32, #tpu.memory_space<vmem>>, %arg7: memref<128x128xf32, #tpu.memory_space<vmem>>, %arg8: memref<4x8x64xf32, #tpu.memory_space<vmem>>, %arg9: memref<!tpu.dma_semaphore, #tpu.memory_space<semaphore_mem>>, %arg10: memref<!tpu.dma_semaphore, #tpu.memory_space<semaphore_mem>>, %arg11: memref<!tpu.dma_semaphore, #tpu.memory_space<semaphore_mem>>, %arg12: memref<!tpu.dma_semaphore, #tpu.memory_space<semaphore_mem>>) attributes {dimension_semantics = [#tpu.dimension_semantics<core_parallel>, #tpu.dimension_semantics<subcore_parallel>], iteration_bounds = array<i64: 2, 16>, scalar_prefetch = 0 : i64, scratch_operands = 9 : i64, tpu.core_type = #tpu.core_type<sc_vector_subcore>, window_params = [{transform_indices = #map}, {transform_indices = #map}]} {
    %mul3A = arith.constant 2 : i32
    %mul3A_0 = arith.muli %arg1, %mul3A : i32
    %add3A = arith.addi %mul3A_0, %arg0 : i32
    %sub3A = arith.constant 1953 : i32
    %sub3A_1 = arith.subi %sub3A, %add3A : i32
    %add3A_2 = arith.constant 32 : i32
    %add3A_3 = arith.addi %sub3A_1, %add3A_2 : i32
    %sub3A_4 = arith.constant 1 : i32
    %sub3A_5 = arith.subi %add3A_3, %sub3A_4 : i32
    %jit3A = arith.constant 32 : i32
    %div3A = arith.divsi %sub3A_5, %jit3A : i32
    %sign3A = arith.constant 0 : i32
    %sign3A_6 = arith.cmpi sgt, %sub3A_5, %sign3A : i32
    %sign3A_7 = arith.extui %sign3A_6 : i1 to i32
    %sign3A_8 = arith.constant 0 : i32
    %sign3A_9 = arith.cmpi slt, %sub3A_5, %sign3A_8 : i32
    %sign3A_10 = arith.extui %sign3A_9 : i1 to i32
    %sign3A_11 = arith.subi %sign3A_7, %sign3A_10 : i32
    %sign3A_12 = arith.constant 0 : i32
    %sign3A_13 = arith.cmpi sgt, %jit3A, %sign3A_12 : i32
    %sign3A_14 = arith.extui %sign3A_13 : i1 to i32
    %sign3A_15 = arith.constant 0 : i32
    %sign3A_16 = arith.cmpi slt, %jit3A, %sign3A_15 : i32
    %sign3A_17 = arith.extui %sign3A_16 : i1 to i32
    %sign3A_18 = arith.subi %sign3A_14, %sign3A_17 : i32
    %ne3A = arith.cmpi ne, %sign3A_11, %sign3A_18 : i32
    %rem3A = arith.remsi %sub3A_5, %jit3A : i32
    %ne3A_19 = arith.constant 0 : i32
    %ne3A_20 = arith.cmpi ne, %rem3A, %ne3A_19 : i32
    %and3A = arith.andi %ne3A, %ne3A_20 : i1
    %sub3A_21 = arith.constant 1 : i32
    %sub3A_22 = arith.subi %div3A, %sub3A_21 : i32
    %select_n3A = arith.select %and3A, %sub3A_22, %div3A : i32
    %sub3A_23 = arith.constant 1 : i32
    %sub3A_24 = arith.subi %select_n3A, %sub3A_23 : i32
    %mul3A_25 = arith.constant 32 : i32
    %mul3A_26 = arith.muli %mul3A_25, %sub3A_24 : i32
    %add3A_27 = arith.addi %add3A, %mul3A_26 : i32
    %iota3A = tpu.iota {dimensions = array<i32: 0>} : vector<16xi32>
    %shift_right_logical3A = arith.constant 3 : i32
    %shift_right_logical3A_28 = vector.broadcast %shift_right_logical3A : i32 to vector<16xi32>
    %shift_right_logical3A_29 = arith.shrui %iota3A, %shift_right_logical3A_28 : vector<16xi32>
    %shift_left3A = arith.constant 2 : i32
    %shift_left3A_30 = vector.broadcast %shift_left3A : i32 to vector<16xi32>
    %shift_left3A_31 = arith.shli %shift_right_logical3A_29, %shift_left3A_30 : vector<16xi32>
    %add3A_32 = arith.constant 8 : i32
    %add3A_33 = vector.broadcast %add3A_32 : i32 to vector<16xi32>
    %add3A_34 = arith.addi %shift_left3A_31, %add3A_33 : vector<16xi32>
    %and3A_35 = arith.constant 7 : i32
    %and3A_36 = vector.broadcast %and3A_35 : i32 to vector<16xi32>
    %and3A_37 = arith.andi %iota3A, %and3A_36 : vector<16xi32>
    %min3A = arith.minsi %add3A, %add3A_27 : i32
    %mul3A_38 = arith.constant 512 : i32
    %mul3A_39 = arith.muli %min3A, %mul3A_38 : i32
    %add3A_40 = arith.constant 0 : i32
    %add3A_41 = arith.addi %mul3A_39, %add3A_40 : i32
    %dma_start3A = arith.constant 0 : i32
    %dma_start3A_42 = arith.constant 0 : i32
    %dma_start3A_43 = arith.constant 0 : i32
    %dma_start3A_44 = tpu.memref_slice %arg4[%dma_start3A, %dma_start3A_42, %dma_start3A_43] : memref<16x8x128xf32, #tpu.memory_space<vmem>> -> memref<1x8x128xf32, #tpu.memory_space<vmem>>
    %dma_start3A_45 = tpu.memref_squeeze %dma_start3A_44 : memref<1x8x128xf32, #tpu.memory_space<vmem>> -> memref<8x128xf32, #tpu.memory_space<vmem>>
    %dma_start3A_46 = arith.constant 0 : i32
    %dma_start3A_47 = tpu.memref_slice %arg2[%dma_start3A_46, %add3A_41] : memref<32x1000000xf32, #tpu.memory_space<hbm>> -> memref<8x128xf32, #tpu.memory_space<hbm>>
    %dma_start3A_48 = arith.constant 0 : i32
    %dma_start3A_49 = arith.constant 0 : i32
    %dma_start3A_50 = tpu.memref_slice %arg4[%dma_start3A, %dma_start3A_48, %dma_start3A_49] : memref<16x8x128xf32, #tpu.memory_space<vmem>> -> memref<1x8x128xf32, #tpu.memory_space<vmem>>
    %dma_start3A_51 = tpu.memref_squeeze %dma_start3A_50 : memref<1x8x128xf32, #tpu.memory_space<vmem>> -> memref<8x128xf32, #tpu.memory_space<vmem>>
    %dma_start3A_52 = arith.constant 0 : i32
    %dma_start3A_53 = tpu.memref_slice %arg2[%dma_start3A_52, %add3A_41] : memref<32x1000000xf32, #tpu.memory_space<hbm>> -> memref<8x128xf32, #tpu.memory_space<hbm>>
    tpu.enqueue_dma source(%dma_start3A_53 : memref<8x128xf32, #tpu.memory_space<hbm>>) target(%dma_start3A_51 : memref<8x128xf32, #tpu.memory_space<vmem>>) target_semaphore(%arg9 : memref<!tpu.dma_semaphore, #tpu.memory_space<semaphore_mem>>)
    %mul3A_54 = arith.constant 512 : i32
    %mul3A_55 = arith.muli %min3A, %mul3A_54 : i32
    %add3A_56 = arith.constant 128 : i32
    %add3A_57 = arith.addi %mul3A_55, %add3A_56 : i32
    %dma_start3A_58 = arith.constant 1 : i32
    %dma_start3A_59 = arith.constant 0 : i32
    %dma_start3A_60 = arith.constant 0 : i32
    %dma_start3A_61 = tpu.memref_slice %arg4[%dma_start3A_58, %dma_start3A_59, %dma_start3A_60] : memref<16x8x128xf32, #tpu.memory_space<vmem>> -> memref<1x8x128xf32, #tpu.memory_space<vmem>>
    %dma_start3A_62 = tpu.memref_squeeze %dma_start3A_61 : memref<1x8x128xf32, #tpu.memory_space<vmem>> -> memref<8x128xf32, #tpu.memory_space<vmem>>
    %dma_start3A_63 = arith.constant 0 : i32
    %dma_start3A_64 = tpu.memref_slice %arg2[%dma_start3A_63, %add3A_57] : memref<32x1000000xf32, #tpu.memory_space<hbm>> -> memref<8x128xf32, #tpu.memory_space<hbm>>
    %dma_start3A_65 = arith.constant 0 : i32
    %dma_start3A_66 = arith.constant 0 : i32
    %dma_start3A_67 = tpu.memref_slice %arg4[%dma_start3A_58, %dma_start3A_65, %dma_start3A_66] : memref<16x8x128xf32, #tpu.memory_space<vmem>> -> memref<1x8x128xf32, #tpu.memory_space<vmem>>
    %dma_start3A_68 = tpu.memref_squeeze %dma_start3A_67 : memref<1x8x128xf32, #tpu.memory_space<vmem>> -> memref<8x128xf32, #tpu.memory_space<vmem>>
    %dma_start3A_69 = arith.constant 0 : i32
    %dma_start3A_70 = tpu.memref_slice %arg2[%dma_start3A_69, %add3A_57] : memref<32x1000000xf32, #tpu.memory_space<hbm>> -> memref<8x128xf32, #tpu.memory_space<hbm>>
    tpu.enqueue_dma source(%dma_start3A_70 : memref<8x128xf32, #tpu.memory_space<hbm>>) target(%dma_start3A_68 : memref<8x128xf32, #tpu.memory_space<vmem>>) target_semaphore(%arg9 : memref<!tpu.dma_semaphore, #tpu.memory_space<semaphore_mem>>)
    %mul3A_71 = arith.constant 512 : i32
    %mul3A_72 = arith.muli %min3A, %mul3A_71 : i32
    %add3A_73 = arith.constant 256 : i32
    %add3A_74 = arith.addi %mul3A_72, %add3A_73 : i32
    %dma_start3A_75 = arith.constant 2 : i32
    %dma_start3A_76 = arith.constant 0 : i32
    %dma_start3A_77 = arith.constant 0 : i32
    %dma_start3A_78 = tpu.memref_slice %arg4[%dma_start3A_75, %dma_start3A_76, %dma_start3A_77] : memref<16x8x128xf32, #tpu.memory_space<vmem>> -> memref<1x8x128xf32, #tpu.memory_space<vmem>>
    %dma_start3A_79 = tpu.memref_squeeze %dma_start3A_78 : memref<1x8x128xf32, #tpu.memory_space<vmem>> -> memref<8x128xf32, #tpu.memory_space<vmem>>
    %dma_start3A_80 = arith.constant 0 : i32
    %dma_start3A_81 = tpu.memref_slice %arg2[%dma_start3A_80, %add3A_74] : memref<32x1000000xf32, #tpu.memory_space<hbm>> -> memref<8x128xf32, #tpu.memory_space<hbm>>
    %dma_start3A_82 = arith.constant 0 : i32
    %dma_start3A_83 = arith.constant 0 : i32
    %dma_start3A_84 = tpu.memref_slice %arg4[%dma_start3A_75, %dma_start3A_82, %dma_start3A_83] : memref<16x8x128xf32, #tpu.memory_space<vmem>> -> memref<1x8x128xf32, #tpu.memory_space<vmem>>
    %dma_start3A_85 = tpu.memref_squeeze %dma_start3A_84 : memref<1x8x128xf32, #tpu.memory_space<vmem>> -> memref<8x128xf32, #tpu.memory_space<vmem>>
    %dma_start3A_86 = arith.constant 0 : i32
    %dma_start3A_87 = tpu.memref_slice %arg2[%dma_start3A_86, %add3A_74] : memref<32x1000000xf32, #tpu.memory_space<hbm>> -> memref<8x128xf32, #tpu.memory_space<hbm>>
    tpu.enqueue_dma source(%dma_start3A_87 : memref<8x128xf32, #tpu.memory_space<hbm>>) target(%dma_start3A_85 : memref<8x128xf32, #tpu.memory_space<vmem>>) target_semaphore(%arg9 : memref<!tpu.dma_semaphore, #tpu.memory_space<semaphore_mem>>)
    %mul3A_88 = arith.constant 512 : i32
    %mul3A_89 = arith.muli %min3A, %mul3A_88 : i32
    %add3A_90 = arith.constant 384 : i32
    %add3A_91 = arith.addi %mul3A_89, %add3A_90 : i32
    %dma_start3A_92 = arith.constant 3 : i32
    %dma_start3A_93 = arith.constant 0 : i32
    %dma_start3A_94 = arith.constant 0 : i32
    %dma_start3A_95 = tpu.memref_slice %arg4[%dma_start3A_92, %dma_start3A_93, %dma_start3A_94] : memref<16x8x128xf32, #tpu.memory_space<vmem>> -> memref<1x8x128xf32, #tpu.memory_space<vmem>>
    %dma_start3A_96 = tpu.memref_squeeze %dma_start3A_95 : memref<1x8x128xf32, #tpu.memory_space<vmem>> -> memref<8x128xf32, #tpu.memory_space<vmem>>
    %dma_start3A_97 = arith.constant 0 : i32
    %dma_start3A_98 = tpu.memref_slice %arg2[%dma_start3A_97, %add3A_91] : memref<32x1000000xf32, #tpu.memory_space<hbm>> -> memref<8x128xf32, #tpu.memory_space<hbm>>
    %dma_start3A_99 = arith.constant 0 : i32
    %dma_start3A_100 = arith.constant 0 : i32
    %dma_start3A_101 = tpu.memref_slice %arg4[%dma_start3A_92, %dma_start3A_99, %dma_start3A_100] : memref<16x8x128xf32, #tpu.memory_space<vmem>> -> memref<1x8x128xf32, #tpu.memory_space<vmem>>
    %dma_start3A_102 = tpu.memref_squeeze %dma_start3A_101 : memref<1x8x128xf32, #tpu.memory_space<vmem>> -> memref<8x128xf32, #tpu.memory_space<vmem>>
    %dma_start3A_103 = arith.constant 0 : i32
    %dma_start3A_104 = tpu.memref_slice %arg2[%dma_start3A_103, %add3A_91] : memref<32x1000000xf32, #tpu.memory_space<hbm>> -> memref<8x128xf32, #tpu.memory_space<hbm>>
    tpu.enqueue_dma source(%dma_start3A_104 : memref<8x128xf32, #tpu.memory_space<hbm>>) target(%dma_start3A_102 : memref<8x128xf32, #tpu.memory_space<vmem>>) target_semaphore(%arg9 : memref<!tpu.dma_semaphore, #tpu.memory_space<semaphore_mem>>)
    %mul3A_105 = arith.constant 512 : i32
    %mul3A_106 = arith.muli %min3A, %mul3A_105 : i32
    %add3A_107 = arith.constant 0 : i32
    %add3A_108 = arith.addi %mul3A_106, %add3A_107 : i32
    %dma_start3A_109 = arith.constant 4 : i32
    %dma_start3A_110 = arith.constant 0 : i32
    %dma_start3A_111 = arith.constant 0 : i32
    %dma_start3A_112 = tpu.memref_slice %arg4[%dma_start3A_109, %dma_start3A_110, %dma_start3A_111] : memref<16x8x128xf32, #tpu.memory_space<vmem>> -> memref<1x8x128xf32, #tpu.memory_space<vmem>>
    %dma_start3A_113 = tpu.memref_squeeze %dma_start3A_112 : memref<1x8x128xf32, #tpu.memory_space<vmem>> -> memref<8x128xf32, #tpu.memory_space<vmem>>
    %dma_start3A_114 = arith.constant 8 : i32
    %dma_start3A_115 = tpu.memref_slice %arg2[%dma_start3A_114, %add3A_108] : memref<32x1000000xf32, #tpu.memory_space<hbm>> -> memref<8x128xf32, #tpu.memory_space<hbm>>
    %dma_start3A_116 = arith.constant 0 : i32
    %dma_start3A_117 = arith.constant 0 : i32
    %dma_start3A_118 = tpu.memref_slice %arg4[%dma_start3A_109, %dma_start3A_116, %dma_start3A_117] : memref<16x8x128xf32, #tpu.memory_space<vmem>> -> memref<1x8x128xf32, #tpu.memory_space<vmem>>
    %dma_start3A_119 = tpu.memref_squeeze %dma_start3A_118 : memref<1x8x128xf32, #tpu.memory_space<vmem>> -> memref<8x128xf32, #tpu.memory_space<vmem>>
    %dma_start3A_120 = arith.constant 8 : i32
    %dma_start3A_121 = tpu.memref_slice %arg2[%dma_start3A_120, %add3A_108] : memref<32x1000000xf32, #tpu.memory_space<hbm>> -> memref<8x128xf32, #tpu.memory_space<hbm>>
    tpu.enqueue_dma source(%dma_start3A_121 : memref<8x128xf32, #tpu.memory_space<hbm>>) target(%dma_start3A_119 : memref<8x128xf32, #tpu.memory_space<vmem>>) target_semaphore(%arg9 : memref<!tpu.dma_semaphore, #tpu.memory_space<semaphore_mem>>)
    %mul3A_122 = arith.constant 512 : i32
    %mul3A_123 = arith.muli %min3A, %mul3A_122 : i32
    %add3A_124 = arith.constant 128 : i32
    %add3A_125 = arith.addi %mul3A_123, %add3A_124 : i32
    %dma_start3A_126 = arith.constant 5 : i32
    %dma_start3A_127 = arith.constant 0 : i32
    %dma_start3A_128 = arith.constant 0 : i32
    %dma_start3A_129 = tpu.memref_slice %arg4[%dma_start3A_126, %dma_start3A_127, %dma_start3A_128] : memref<16x8x128xf32, #tpu.memory_space<vmem>> -> memref<1x8x128xf32, #tpu.memory_space<vmem>>
    %dma_start3A_130 = tpu.memref_squeeze %dma_start3A_129 : memref<1x8x128xf32, #tpu.memory_space<vmem>> -> memref<8x128xf32, #tpu.memory_space<vmem>>
    %dma_start3A_131 = arith.constant 8 : i32
    %dma_start3A_132 = tpu.memref_slice %arg2[%dma_start3A_131, %add3A_125] : memref<32x1000000xf32, #tpu.memory_space<hbm>> -> memref<8x128xf32, #tpu.memory_space<hbm>>
    %dma_start3A_133 = arith.constant 0 : i32
    %dma_start3A_134 = arith.constant 0 : i32
    %dma_start3A_135 = tpu.memref_slice %arg4[%dma_start3A_126, %dma_start3A_133, %dma_start3A_134] : memref<16x8x128xf32, #tpu.memory_space<vmem>> -> memref<1x8x128xf32, #tpu.memory_space<vmem>>
    %dma_start3A_136 = tpu.memref_squeeze %dma_start3A_135 : memref<1x8x128xf32, #tpu.memory_space<vmem>> -> memref<8x128xf32, #tpu.memory_space<vmem>>
    %dma_start3A_137 = arith.constant 8 : i32
    %dma_start3A_138 = tpu.memref_slice %arg2[%dma_start3A_137, %add3A_125] : memref<32x1000000xf32, #tpu.memory_space<hbm>> -> memref<8x128xf32, #tpu.memory_space<hbm>>
    tpu.enqueue_dma source(%dma_start3A_138 : memref<8x128xf32, #tpu.memory_space<hbm>>) target(%dma_start3A_136 : memref<8x128xf32, #tpu.memory_space<vmem>>) target_semaphore(%arg9 : memref<!tpu.dma_semaphore, #tpu.memory_space<semaphore_mem>>)
    %mul3A_139 = arith.constant 512 : i32
    %mul3A_140 = arith.muli %min3A, %mul3A_139 : i32
    %add3A_141 = arith.constant 256 : i32
    %add3A_142 = arith.addi %mul3A_140, %add3A_141 : i32
    %dma_start3A_143 = arith.constant 6 : i32
    %dma_start3A_144 = arith.constant 0 : i32
    %dma_start3A_145 = arith.constant 0 : i32
    %dma_start3A_146 = tpu.memref_slice %arg4[%dma_start3A_143, %dma_start3A_144, %dma_start3A_145] : memref<16x8x128xf32, #tpu.memory_space<vmem>> -> memref<1x8x128xf32, #tpu.memory_space<vmem>>
    %dma_start3A_147 = tpu.memref_squeeze %dma_start3A_146 : memref<1x8x128xf32, #tpu.memory_space<vmem>> -> memref<8x128xf32, #tpu.memory_space<vmem>>
    %dma_start3A_148 = arith.constant 8 : i32
    %dma_start3A_149 = tpu.memref_slice %arg2[%dma_start3A_148, %add3A_142] : memref<32x1000000xf32, #tpu.memory_space<hbm>> -> memref<8x128xf32, #tpu.memory_space<hbm>>
    %dma_start3A_150 = arith.constant 0 : i32
    %dma_start3A_151 = arith.constant 0 : i32
    %dma_start3A_152 = tpu.memref_slice %arg4[%dma_start3A_143, %dma_start3A_150, %dma_start3A_151] : memref<16x8x128xf32, #tpu.memory_space<vmem>> -> memref<1x8x128xf32, #tpu.memory_space<vmem>>
    %dma_start3A_153 = tpu.memref_squeeze %dma_start3A_152 : memref<1x8x128xf32, #tpu.memory_space<vmem>> -> memref<8x128xf32, #tpu.memory_space<vmem>>
    %dma_start3A_154 = arith.constant 8 : i32
    %dma_start3A_155 = tpu.memref_slice %arg2[%dma_start3A_154, %add3A_142] : memref<32x1000000xf32, #tpu.memory_space<hbm>> -> memref<8x128xf32, #tpu.memory_space<hbm>>
    tpu.enqueue_dma source(%dma_start3A_155 : memref<8x128xf32, #tpu.memory_space<hbm>>) target(%dma_start3A_153 : memref<8x128xf32, #tpu.memory_space<vmem>>) target_semaphore(%arg9 : memref<!tpu.dma_semaphore, #tpu.memory_space<semaphore_mem>>)
    %mul3A_156 = arith.constant 512 : i32
    %mul3A_157 = arith.muli %min3A, %mul3A_156 : i32
    %add3A_158 = arith.constant 384 : i32
    %add3A_159 = arith.addi %mul3A_157, %add3A_158 : i32
    %dma_start3A_160 = arith.constant 7 : i32
    %dma_start3A_161 = arith.constant 0 : i32
    %dma_start3A_162 = arith.constant 0 : i32
    %dma_start3A_163 = tpu.memref_slice %arg4[%dma_start3A_160, %dma_start3A_161, %dma_start3A_162] : memref<16x8x128xf32, #tpu.memory_space<vmem>> -> memref<1x8x128xf32, #tpu.memory_space<vmem>>
    %dma_start3A_164 = tpu.memref_squeeze %dma_start3A_163 : memref<1x8x128xf32, #tpu.memory_space<vmem>> -> memref<8x128xf32, #tpu.memory_space<vmem>>
    %dma_start3A_165 = arith.constant 8 : i32
    %dma_start3A_166 = tpu.memref_slice %arg2[%dma_start3A_165, %add3A_159] : memref<32x1000000xf32, #tpu.memory_space<hbm>> -> memref<8x128xf32, #tpu.memory_space<hbm>>
    %dma_start3A_167 = arith.constant 0 : i32
    %dma_start3A_168 = arith.constant 0 : i32
    %dma_start3A_169 = tpu.memref_slice %arg4[%dma_start3A_160, %dma_start3A_167, %dma_start3A_168] : memref<16x8x128xf32, #tpu.memory_space<vmem>> -> memref<1x8x128xf32, #tpu.memory_space<vmem>>
    %dma_start3A_170 = tpu.memref_squeeze %dma_start3A_169 : memref<1x8x128xf32, #tpu.memory_space<vmem>> -> memref<8x128xf32, #tpu.memory_space<vmem>>
    %dma_start3A_171 = arith.constant 8 : i32
    %dma_start3A_172 = tpu.memref_slice %arg2[%dma_start3A_171, %add3A_159] : memref<32x1000000xf32, #tpu.memory_space<hbm>> -> memref<8x128xf32, #tpu.memory_space<hbm>>
    tpu.enqueue_dma source(%dma_start3A_172 : memref<8x128xf32, #tpu.memory_space<hbm>>) target(%dma_start3A_170 : memref<8x128xf32, #tpu.memory_space<vmem>>) target_semaphore(%arg9 : memref<!tpu.dma_semaphore, #tpu.memory_space<semaphore_mem>>)
    %mul3A_173 = arith.constant 512 : i32
    %mul3A_174 = arith.muli %min3A, %mul3A_173 : i32
    %add3A_175 = arith.constant 0 : i32
    %add3A_176 = arith.addi %mul3A_174, %add3A_175 : i32
    %dma_start3A_177 = arith.constant 8 : i32
    %dma_start3A_178 = arith.constant 0 : i32
    %dma_start3A_179 = arith.constant 0 : i32
    %dma_start3A_180 = tpu.memref_slice %arg4[%dma_start3A_177, %dma_start3A_178, %dma_start3A_179] : memref<16x8x128xf32, #tpu.memory_space<vmem>> -> memref<1x8x128xf32, #tpu.memory_space<vmem>>
    %dma_start3A_181 = tpu.memref_squeeze %dma_start3A_180 : memref<1x8x128xf32, #tpu.memory_space<vmem>> -> memref<8x128xf32, #tpu.memory_space<vmem>>
    %dma_start3A_182 = arith.constant 16 : i32
    %dma_start3A_183 = tpu.memref_slice %arg2[%dma_start3A_182, %add3A_176] : memref<32x1000000xf32, #tpu.memory_space<hbm>> -> memref<8x128xf32, #tpu.memory_space<hbm>>
    %dma_start3A_184 = arith.constant 0 : i32
    %dma_start3A_185 = arith.constant 0 : i32
    %dma_start3A_186 = tpu.memref_slice %arg4[%dma_start3A_177, %dma_start3A_184, %dma_start3A_185] : memref<16x8x128xf32, #tpu.memory_space<vmem>> -> memref<1x8x128xf32, #tpu.memory_space<vmem>>
    %dma_start3A_187 = tpu.memref_squeeze %dma_start3A_186 : memref<1x8x128xf32, #tpu.memory_space<vmem>> -> memref<8x128xf32, #tpu.memory_space<vmem>>
    %dma_start3A_188 = arith.constant 16 : i32
    %dma_start3A_189 = tpu.memref_slice %arg2[%dma_start3A_188, %add3A_176] : memref<32x1000000xf32, #tpu.memory_space<hbm>> -> memref<8x128xf32, #tpu.memory_space<hbm>>
    tpu.enqueue_dma source(%dma_start3A_189 : memref<8x128xf32, #tpu.memory_space<hbm>>) target(%dma_start3A_187 : memref<8x128xf32, #tpu.memory_space<vmem>>) target_semaphore(%arg9 : memref<!tpu.dma_semaphore, #tpu.memory_space<semaphore_mem>>)
    %mul3A_190 = arith.constant 512 : i32
    %mul3A_191 = arith.muli %min3A, %mul3A_190 : i32
    %add3A_192 = arith.constant 128 : i32
    %add3A_193 = arith.addi %mul3A_191, %add3A_192 : i32
    %dma_start3A_194 = arith.constant 9 : i32
    %dma_start3A_195 = arith.constant 0 : i32
    %dma_start3A_196 = arith.constant 0 : i32
    %dma_start3A_197 = tpu.memref_slice %arg4[%dma_start3A_194, %dma_start3A_195, %dma_start3A_196] : memref<16x8x128xf32, #tpu.memory_space<vmem>> -> memref<1x8x128xf32, #tpu.memory_space<vmem>>
    %dma_start3A_198 = tpu.memref_squeeze %dma_start3A_197 : memref<1x8x128xf32, #tpu.memory_space<vmem>> -> memref<8x128xf32, #tpu.memory_space<vmem>>
    %dma_start3A_199 = arith.constant 16 : i32
    %dma_start3A_200 = tpu.memref_slice %arg2[%dma_start3A_199, %add3A_193] : memref<32x1000000xf32, #tpu.memory_space<hbm>> -> memref<8x128xf32, #tpu.memory_space<hbm>>
    %dma_start3A_201 = arith.constant 0 : i32
    %dma_start3A_202 = arith.constant 0 : i32
    %dma_start3A_203 = tpu.memref_slice %arg4[%dma_start3A_194, %dma_start3A_201, %dma_start3A_202] : memref<16x8x128xf32, #tpu.memory_space<vmem>> -> memref<1x8x128xf32, #tpu.memory_space<vmem>>
    %dma_start3A_204 = tpu.memref_squeeze %dma_start3A_203 : memref<1x8x128xf32, #tpu.memory_space<vmem>> -> memref<8x128xf32, #tpu.memory_space<vmem>>
    %dma_start3A_205 = arith.constant 16 : i32
    %dma_start3A_206 = tpu.memref_slice %arg2[%dma_start3A_205, %add3A_193] : memref<32x1000000xf32, #tpu.memory_space<hbm>> -> memref<8x128xf32, #tpu.memory_space<hbm>>
    tpu.enqueue_dma source(%dma_start3A_206 : memref<8x128xf32, #tpu.memory_space<hbm>>) target(%dma_start3A_204 : memref<8x128xf32, #tpu.memory_space<vmem>>) target_semaphore(%arg9 : memref<!tpu.dma_semaphore, #tpu.memory_space<semaphore_mem>>)
    %mul3A_207 = arith.constant 512 : i32
    %mul3A_208 = arith.muli %min3A, %mul3A_207 : i32
    %add3A_209 = arith.constant 256 : i32
    %add3A_210 = arith.addi %mul3A_208, %add3A_209 : i32
    %dma_start3A_211 = arith.constant 10 : i32
    %dma_start3A_212 = arith.constant 0 : i32
    %dma_start3A_213 = arith.constant 0 : i32
    %dma_start3A_214 = tpu.memref_slice %arg4[%dma_start3A_211, %dma_start3A_212, %dma_start3A_213] : memref<16x8x128xf32, #tpu.memory_space<vmem>> -> memref<1x8x128xf32, #tpu.memory_space<vmem>>
    %dma_start3A_215 = tpu.memref_squeeze %dma_start3A_214 : memref<1x8x128xf32, #tpu.memory_space<vmem>> -> memref<8x128xf32, #tpu.memory_space<vmem>>
    %dma_start3A_216 = arith.constant 16 : i32
    %dma_start3A_217 = tpu.memref_slice %arg2[%dma_start3A_216, %add3A_210] : memref<32x1000000xf32, #tpu.memory_space<hbm>> -> memref<8x128xf32, #tpu.memory_space<hbm>>
    %dma_start3A_218 = arith.constant 0 : i32
    %dma_start3A_219 = arith.constant 0 : i32
    %dma_start3A_220 = tpu.memref_slice %arg4[%dma_start3A_211, %dma_start3A_218, %dma_start3A_219] : memref<16x8x128xf32, #tpu.memory_space<vmem>> -> memref<1x8x128xf32, #tpu.memory_space<vmem>>
    %dma_start3A_221 = tpu.memref_squeeze %dma_start3A_220 : memref<1x8x128xf32, #tpu.memory_space<vmem>> -> memref<8x128xf32, #tpu.memory_space<vmem>>
    %dma_start3A_222 = arith.constant 16 : i32
    %dma_start3A_223 = tpu.memref_slice %arg2[%dma_start3A_222, %add3A_210] : memref<32x1000000xf32, #tpu.memory_space<hbm>> -> memref<8x128xf32, #tpu.memory_space<hbm>>
    tpu.enqueue_dma source(%dma_start3A_223 : memref<8x128xf32, #tpu.memory_space<hbm>>) target(%dma_start3A_221 : memref<8x128xf32, #tpu.memory_space<vmem>>) target_semaphore(%arg9 : memref<!tpu.dma_semaphore, #tpu.memory_space<semaphore_mem>>)
    %mul3A_224 = arith.constant 512 : i32
    %mul3A_225 = arith.muli %min3A, %mul3A_224 : i32
    %add3A_226 = arith.constant 384 : i32
    %add3A_227 = arith.addi %mul3A_225, %add3A_226 : i32
    %dma_start3A_228 = arith.constant 11 : i32
    %dma_start3A_229 = arith.constant 0 : i32
    %dma_start3A_230 = arith.constant 0 : i32
    %dma_start3A_231 = tpu.memref_slice %arg4[%dma_start3A_228, %dma_start3A_229, %dma_start3A_230] : memref<16x8x128xf32, #tpu.memory_space<vmem>> -> memref<1x8x128xf32, #tpu.memory_space<vmem>>
    %dma_start3A_232 = tpu.memref_squeeze %dma_start3A_231 : memref<1x8x128xf32, #tpu.memory_space<vmem>> -> memref<8x128xf32, #tpu.memory_space<vmem>>
    %dma_start3A_233 = arith.constant 16 : i32
    %dma_start3A_234 = tpu.memref_slice %arg2[%dma_start3A_233, %add3A_227] : memref<32x1000000xf32, #tpu.memory_space<hbm>> -> memref<8x128xf32, #tpu.memory_space<hbm>>
    %dma_start3A_235 = arith.constant 0 : i32
    %dma_start3A_236 = arith.constant 0 : i32
    %dma_start3A_237 = tpu.memref_slice %arg4[%dma_start3A_228, %dma_start3A_235, %dma_start3A_236] : memref<16x8x128xf32, #tpu.memory_space<vmem>> -> memref<1x8x128xf32, #tpu.memory_space<vmem>>
    %dma_start3A_238 = tpu.memref_squeeze %dma_start3A_237 : memref<1x8x128xf32, #tpu.memory_space<vmem>> -> memref<8x128xf32, #tpu.memory_space<vmem>>
    %dma_start3A_239 = arith.constant 16 : i32
    %dma_start3A_240 = tpu.memref_slice %arg2[%dma_start3A_239, %add3A_227] : memref<32x1000000xf32, #tpu.memory_space<hbm>> -> memref<8x128xf32, #tpu.memory_space<hbm>>
    tpu.enqueue_dma source(%dma_start3A_240 : memref<8x128xf32, #tpu.memory_space<hbm>>) target(%dma_start3A_238 : memref<8x128xf32, #tpu.memory_space<vmem>>) target_semaphore(%arg9 : memref<!tpu.dma_semaphore, #tpu.memory_space<semaphore_mem>>)
    %mul3A_241 = arith.constant 512 : i32
    %mul3A_242 = arith.muli %min3A, %mul3A_241 : i32
    %add3A_243 = arith.constant 0 : i32
    %add3A_244 = arith.addi %mul3A_242, %add3A_243 : i32
    %dma_start3A_245 = arith.constant 12 : i32
    %dma_start3A_246 = arith.constant 0 : i32
    %dma_start3A_247 = arith.constant 0 : i32
    %dma_start3A_248 = tpu.memref_slice %arg4[%dma_start3A_245, %dma_start3A_246, %dma_start3A_247] : memref<16x8x128xf32, #tpu.memory_space<vmem>> -> memref<1x8x128xf32, #tpu.memory_space<vmem>>
    %dma_start3A_249 = tpu.memref_squeeze %dma_start3A_248 : memref<1x8x128xf32, #tpu.memory_space<vmem>> -> memref<8x128xf32, #tpu.memory_space<vmem>>
    %dma_start3A_250 = arith.constant 24 : i32
    %dma_start3A_251 = tpu.memref_slice %arg2[%dma_start3A_250, %add3A_244] : memref<32x1000000xf32, #tpu.memory_space<hbm>> -> memref<8x128xf32, #tpu.memory_space<hbm>>
    %dma_start3A_252 = arith.constant 0 : i32
    %dma_start3A_253 = arith.constant 0 : i32
    %dma_start3A_254 = tpu.memref_slice %arg4[%dma_start3A_245, %dma_start3A_252, %dma_start3A_253] : memref<16x8x128xf32, #tpu.memory_space<vmem>> -> memref<1x8x128xf32, #tpu.memory_space<vmem>>
    %dma_start3A_255 = tpu.memref_squeeze %dma_start3A_254 : memref<1x8x128xf32, #tpu.memory_space<vmem>> -> memref<8x128xf32, #tpu.memory_space<vmem>>
    %dma_start3A_256 = arith.constant 24 : i32
    %dma_start3A_257 = tpu.memref_slice %arg2[%dma_start3A_256, %add3A_244] : memref<32x1000000xf32, #tpu.memory_space<hbm>> -> memref<8x128xf32, #tpu.memory_space<hbm>>
    tpu.enqueue_dma source(%dma_start3A_257 : memref<8x128xf32, #tpu.memory_space<hbm>>) target(%dma_start3A_255 : memref<8x128xf32, #tpu.memory_space<vmem>>) target_semaphore(%arg9 : memref<!tpu.dma_semaphore, #tpu.memory_space<semaphore_mem>>)
    %mul3A_258 = arith.constant 512 : i32
    %mul3A_259 = arith.muli %min3A, %mul3A_258 : i32
    %add3A_260 = arith.constant 128 : i32
    %add3A_261 = arith.addi %mul3A_259, %add3A_260 : i32
    %dma_start3A_262 = arith.constant 13 : i32
    %dma_start3A_263 = arith.constant 0 : i32
    %dma_start3A_264 = arith.constant 0 : i32
    %dma_start3A_265 = tpu.memref_slice %arg4[%dma_start3A_262, %dma_start3A_263, %dma_start3A_264] : memref<16x8x128xf32, #tpu.memory_space<vmem>> -> memref<1x8x128xf32, #tpu.memory_space<vmem>>
    %dma_start3A_266 = tpu.memref_squeeze %dma_start3A_265 : memref<1x8x128xf32, #tpu.memory_space<vmem>> -> memref<8x128xf32, #tpu.memory_space<vmem>>
    %dma_start3A_267 = arith.constant 24 : i32
    %dma_start3A_268 = tpu.memref_slice %arg2[%dma_start3A_267, %add3A_261] : memref<32x1000000xf32, #tpu.memory_space<hbm>> -> memref<8x128xf32, #tpu.memory_space<hbm>>
    %dma_start3A_269 = arith.constant 0 : i32
    %dma_start3A_270 = arith.constant 0 : i32
    %dma_start3A_271 = tpu.memref_slice %arg4[%dma_start3A_262, %dma_start3A_269, %dma_start3A_270] : memref<16x8x128xf32, #tpu.memory_space<vmem>> -> memref<1x8x128xf32, #tpu.memory_space<vmem>>
    %dma_start3A_272 = tpu.memref_squeeze %dma_start3A_271 : memref<1x8x128xf32, #tpu.memory_space<vmem>> -> memref<8x128xf32, #tpu.memory_space<vmem>>
    %dma_start3A_273 = arith.constant 24 : i32
    %dma_start3A_274 = tpu.memref_slice %arg2[%dma_start3A_273, %add3A_261] : memref<32x1000000xf32, #tpu.memory_space<hbm>> -> memref<8x128xf32, #tpu.memory_space<hbm>>
    tpu.enqueue_dma source(%dma_start3A_274 : memref<8x128xf32, #tpu.memory_space<hbm>>) target(%dma_start3A_272 : memref<8x128xf32, #tpu.memory_space<vmem>>) target_semaphore(%arg9 : memref<!tpu.dma_semaphore, #tpu.memory_space<semaphore_mem>>)
    %mul3A_275 = arith.constant 512 : i32
    %mul3A_276 = arith.muli %min3A, %mul3A_275 : i32
    %add3A_277 = arith.constant 256 : i32
    %add3A_278 = arith.addi %mul3A_276, %add3A_277 : i32
    %dma_start3A_279 = arith.constant 14 : i32
    %dma_start3A_280 = arith.constant 0 : i32
    %dma_start3A_281 = arith.constant 0 : i32
    %dma_start3A_282 = tpu.memref_slice %arg4[%dma_start3A_279, %dma_start3A_280, %dma_start3A_281] : memref<16x8x128xf32, #tpu.memory_space<vmem>> -> memref<1x8x128xf32, #tpu.memory_space<vmem>>
    %dma_start3A_283 = tpu.memref_squeeze %dma_start3A_282 : memref<1x8x128xf32, #tpu.memory_space<vmem>> -> memref<8x128xf32, #tpu.memory_space<vmem>>
    %dma_start3A_284 = arith.constant 24 : i32
    %dma_start3A_285 = tpu.memref_slice %arg2[%dma_start3A_284, %add3A_278] : memref<32x1000000xf32, #tpu.memory_space<hbm>> -> memref<8x128xf32, #tpu.memory_space<hbm>>
    %dma_start3A_286 = arith.constant 0 : i32
    %dma_start3A_287 = arith.constant 0 : i32
    %dma_start3A_288 = tpu.memref_slice %arg4[%dma_start3A_279, %dma_start3A_286, %dma_start3A_287] : memref<16x8x128xf32, #tpu.memory_space<vmem>> -> memref<1x8x128xf32, #tpu.memory_space<vmem>>
    %dma_start3A_289 = tpu.memref_squeeze %dma_start3A_288 : memref<1x8x128xf32, #tpu.memory_space<vmem>> -> memref<8x128xf32, #tpu.memory_space<vmem>>
    %dma_start3A_290 = arith.constant 24 : i32
    %dma_start3A_291 = tpu.memref_slice %arg2[%dma_start3A_290, %add3A_278] : memref<32x1000000xf32, #tpu.memory_space<hbm>> -> memref<8x128xf32, #tpu.memory_space<hbm>>
    tpu.enqueue_dma source(%dma_start3A_291 : memref<8x128xf32, #tpu.memory_space<hbm>>) target(%dma_start3A_289 : memref<8x128xf32, #tpu.memory_space<vmem>>) target_semaphore(%arg9 : memref<!tpu.dma_semaphore, #tpu.memory_space<semaphore_mem>>)
    %mul3A_292 = arith.constant 512 : i32
    %mul3A_293 = arith.muli %min3A, %mul3A_292 : i32
    %add3A_294 = arith.constant 384 : i32
    %add3A_295 = arith.addi %mul3A_293, %add3A_294 : i32
    %dma_start3A_296 = arith.constant 15 : i32
    %dma_start3A_297 = arith.constant 0 : i32
    %dma_start3A_298 = arith.constant 0 : i32
    %dma_start3A_299 = tpu.memref_slice %arg4[%dma_start3A_296, %dma_start3A_297, %dma_start3A_298] : memref<16x8x128xf32, #tpu.memory_space<vmem>> -> memref<1x8x128xf32, #tpu.memory_space<vmem>>
    %dma_start3A_300 = tpu.memref_squeeze %dma_start3A_299 : memref<1x8x128xf32, #tpu.memory_space<vmem>> -> memref<8x128xf32, #tpu.memory_space<vmem>>
    %dma_start3A_301 = arith.constant 24 : i32
    %dma_start3A_302 = tpu.memref_slice %arg2[%dma_start3A_301, %add3A_295] : memref<32x1000000xf32, #tpu.memory_space<hbm>> -> memref<8x128xf32, #tpu.memory_space<hbm>>
    %dma_start3A_303 = arith.constant 0 : i32
    %dma_start3A_304 = arith.constant 0 : i32
    %dma_start3A_305 = tpu.memref_slice %arg4[%dma_start3A_296, %dma_start3A_303, %dma_start3A_304] : memref<16x8x128xf32, #tpu.memory_space<vmem>> -> memref<1x8x128xf32, #tpu.memory_space<vmem>>
    %dma_start3A_306 = tpu.memref_squeeze %dma_start3A_305 : memref<1x8x128xf32, #tpu.memory_space<vmem>> -> memref<8x128xf32, #tpu.memory_space<vmem>>
    %dma_start3A_307 = arith.constant 24 : i32
    %dma_start3A_308 = tpu.memref_slice %arg2[%dma_start3A_307, %add3A_295] : memref<32x1000000xf32, #tpu.memory_space<hbm>> -> memref<8x128xf32, #tpu.memory_space<hbm>>
    tpu.enqueue_dma source(%dma_start3A_308 : memref<8x128xf32, #tpu.memory_space<hbm>>) target(%dma_start3A_306 : memref<8x128xf32, #tpu.memory_space<vmem>>) target_semaphore(%arg9 : memref<!tpu.dma_semaphore, #tpu.memory_space<semaphore_mem>>)
    %scan3A = arith.constant 0 : i32
    %scan3A_309 = arith.constant 0 : i32
    %scan3A_310 = arith.constant 31 : i32
    %scan3A_311 = arith.addi %scan3A_309, %scan3A_310 : i32
    %scan3A_312 = arith.constant 1 : i32
    scf.for %scan3A_567 = %scan3A_309 to %scan3A_311 step %scan3A_312  : i32 {
      %mul3A_568 = arith.constant 2 : i32
      %mul3A_569 = arith.muli %mul3A_568, %scan3A_567 : i32
      %mul3A_570 = arith.constant 32 : i32
      %mul3A_571 = arith.muli %mul3A_570, %mul3A_569 : i32
      %add3A_572 = arith.addi %add3A, %mul3A_571 : i32
      %min3A_573 = arith.minsi %add3A_572, %add3A_27 : i32
      %mul3A_574 = arith.constant 2 : i32
      %mul3A_575 = arith.muli %mul3A_574, %scan3A_567 : i32
      %add3A_576 = arith.constant 1 : i32
      %add3A_577 = arith.addi %mul3A_575, %add3A_576 : i32
      %mul3A_578 = arith.constant 32 : i32
      %mul3A_579 = arith.muli %mul3A_578, %add3A_577 : i32
      %add3A_580 = arith.addi %add3A, %mul3A_579 : i32
      %min3A_581 = arith.minsi %add3A_580, %add3A_27 : i32
      %mul3A_582 = arith.constant 2 : i32
      %mul3A_583 = arith.muli %mul3A_582, %scan3A_567 : i32
      %add3A_584 = arith.constant 2 : i32
      %add3A_585 = arith.addi %mul3A_583, %add3A_584 : i32
      %mul3A_586 = arith.constant 32 : i32
      %mul3A_587 = arith.muli %mul3A_586, %add3A_585 : i32
      %add3A_588 = arith.addi %add3A, %mul3A_587 : i32
      %min3A_589 = arith.minsi %add3A_588, %add3A_27 : i32
      %dma_wait3A_590 = arith.constant 0 : i32
      %dma_wait3A_591 = arith.constant 0 : i32
      %dma_wait3A_592 = arith.constant 0 : i32
      %dma_wait3A_593 = tpu.memref_slice %arg4[%dma_wait3A_590, %dma_wait3A_591, %dma_wait3A_592] : memref<16x8x128xf32, #tpu.memory_space<vmem>> -> memref<1x8x128xf32, #tpu.memory_space<vmem>>
      %dma_wait3A_594 = tpu.memref_squeeze %dma_wait3A_593 : memref<1x8x128xf32, #tpu.memory_space<vmem>> -> memref<8x128xf32, #tpu.memory_space<vmem>>
      %dma_wait3A_595 = arith.constant 0 : i32
      %dma_wait3A_596 = arith.constant 0 : i32
      %dma_wait3A_597 = tpu.memref_slice %arg2[%dma_wait3A_595, %dma_wait3A_596] : memref<32x1000000xf32, #tpu.memory_space<hbm>> -> memref<8x128xf32, #tpu.memory_space<hbm>>
      %dma_wait3A_598 = arith.constant 0 : i32
      %dma_wait3A_599 = arith.constant 0 : i32
      %dma_wait3A_600 = tpu.memref_slice %arg4[%dma_wait3A_590, %dma_wait3A_598, %dma_wait3A_599] : memref<16x8x128xf32, #tpu.memory_space<vmem>> -> memref<1x8x128xf32, #tpu.memory_space<vmem>>
      %dma_wait3A_601 = tpu.memref_squeeze %dma_wait3A_600 : memref<1x8x128xf32, #tpu.memory_space<vmem>> -> memref<8x128xf32, #tpu.memory_space<vmem>>
      %dma_wait3A_602 = arith.constant 0 : i32
      %dma_wait3A_603 = arith.constant 0 : i32
      %dma_wait3A_604 = tpu.memref_slice %arg2[%dma_wait3A_602, %dma_wait3A_603] : memref<32x1000000xf32, #tpu.memory_space<hbm>> -> memref<8x128xf32, #tpu.memory_space<hbm>>
      tpu.wait_dma2 semaphore(%arg9 : memref<!tpu.dma_semaphore, #tpu.memory_space<semaphore_mem>>) src(%dma_wait3A_604 : memref<8x128xf32, #tpu.memory_space<hbm>>) dst(%dma_wait3A_601 : memref<8x128xf32, #tpu.memory_space<vmem>>)
      %dma_wait3A_605 = arith.constant 1 : i32
      %dma_wait3A_606 = arith.constant 0 : i32
      %dma_wait3A_607 = arith.constant 0 : i32
      %dma_wait3A_608 = tpu.memref_slice %arg4[%dma_wait3A_605, %dma_wait3A_606, %dma_wait3A_607] : memref<16x8x128xf32, #tpu.memory_space<vmem>> -> memref<1x8x128xf32, #tpu.memory_space<vmem>>
      %dma_wait3A_609 = tpu.memref_squeeze %dma_wait3A_608 : memref<1x8x128xf32, #tpu.memory_space<vmem>> -> memref<8x128xf32, #tpu.memory_space<vmem>>
      %dma_wait3A_610 = arith.constant 0 : i32
      %dma_wait3A_611 = arith.constant 0 : i32
      %dma_wait3A_612 = tpu.memref_slice %arg2[%dma_wait3A_610, %dma_wait3A_611] : memref<32x1000000xf32, #tpu.memory_space<hbm>> -> memref<8x128xf32, #tpu.memory_space<hbm>>
      %dma_wait3A_613 = arith.constant 0 : i32
      %dma_wait3A_614 = arith.constant 0 : i32
      %dma_wait3A_615 = tpu.memref_slice %arg4[%dma_wait3A_605, %dma_wait3A_613, %dma_wait3A_614] : memref<16x8x128xf32, #tpu.memory_space<vmem>> -> memref<1x8x128xf32, #tpu.memory_space<vmem>>
      %dma_wait3A_616 = tpu.memref_squeeze %dma_wait3A_615 : memref<1x8x128xf32, #tpu.memory_space<vmem>> -> memref<8x128xf32, #tpu.memory_space<vmem>>
      %dma_wait3A_617 = arith.constant 0 : i32
      %dma_wait3A_618 = arith.constant 0 : i32
      %dma_wait3A_619 = tpu.memref_slice %arg2[%dma_wait3A_617, %dma_wait3A_618] : memref<32x1000000xf32, #tpu.memory_space<hbm>> -> memref<8x128xf32, #tpu.memory_space<hbm>>
      tpu.wait_dma2 semaphore(%arg9 : memref<!tpu.dma_semaphore, #tpu.memory_space<semaphore_mem>>) src(%dma_wait3A_619 : memref<8x128xf32, #tpu.memory_space<hbm>>) dst(%dma_wait3A_616 : memref<8x128xf32, #tpu.memory_space<vmem>>)
      %dma_wait3A_620 = arith.constant 2 : i32
      %dma_wait3A_621 = arith.constant 0 : i32
      %dma_wait3A_622 = arith.constant 0 : i32
      %dma_wait3A_623 = tpu.memref_slice %arg4[%dma_wait3A_620, %dma_wait3A_621, %dma_wait3A_622] : memref<16x8x128xf32, #tpu.memory_space<vmem>> -> memref<1x8x128xf32, #tpu.memory_space<vmem>>
      %dma_wait3A_624 = tpu.memref_squeeze %dma_wait3A_623 : memref<1x8x128xf32, #tpu.memory_space<vmem>> -> memref<8x128xf32, #tpu.memory_space<vmem>>
      %dma_wait3A_625 = arith.constant 0 : i32
      %dma_wait3A_626 = arith.constant 0 : i32
      %dma_wait3A_627 = tpu.memref_slice %arg2[%dma_wait3A_625, %dma_wait3A_626] : memref<32x1000000xf32, #tpu.memory_space<hbm>> -> memref<8x128xf32, #tpu.memory_space<hbm>>
      %dma_wait3A_628 = arith.constant 0 : i32
      %dma_wait3A_629 = arith.constant 0 : i32
      %dma_wait3A_630 = tpu.memref_slice %arg4[%dma_wait3A_620, %dma_wait3A_628, %dma_wait3A_629] : memref<16x8x128xf32, #tpu.memory_space<vmem>> -> memref<1x8x128xf32, #tpu.memory_space<vmem>>
      %dma_wait3A_631 = tpu.memref_squeeze %dma_wait3A_630 : memref<1x8x128xf32, #tpu.memory_space<vmem>> -> memref<8x128xf32, #tpu.memory_space<vmem>>
      %dma_wait3A_632 = arith.constant 0 : i32
      %dma_wait3A_633 = arith.constant 0 : i32
      %dma_wait3A_634 = tpu.memref_slice %arg2[%dma_wait3A_632, %dma_wait3A_633] : memref<32x1000000xf32, #tpu.memory_space<hbm>> -> memref<8x128xf32, #tpu.memory_space<hbm>>
      tpu.wait_dma2 semaphore(%arg9 : memref<!tpu.dma_semaphore, #tpu.memory_space<semaphore_mem>>) src(%dma_wait3A_634 : memref<8x128xf32, #tpu.memory_space<hbm>>) dst(%dma_wait3A_631 : memref<8x128xf32, #tpu.memory_space<vmem>>)
      %dma_wait3A_635 = arith.constant 3 : i32
      %dma_wait3A_636 = arith.constant 0 : i32
      %dma_wait3A_637 = arith.constant 0 : i32
      %dma_wait3A_638 = tpu.memref_slice %arg4[%dma_wait3A_635, %dma_wait3A_636, %dma_wait3A_637] : memref<16x8x128xf32, #tpu.memory_space<vmem>> -> memref<1x8x128xf32, #tpu.memory_space<vmem>>
      %dma_wait3A_639 = tpu.memref_squeeze %dma_wait3A_638 : memref<1x8x128xf32, #tpu.memory_space<vmem>> -> memref<8x128xf32, #tpu.memory_space<vmem>>
      %dma_wait3A_640 = arith.constant 0 : i32
      %dma_wait3A_641 = arith.constant 0 : i32
      %dma_wait3A_642 = tpu.memref_slice %arg2[%dma_wait3A_640, %dma_wait3A_641] : memref<32x1000000xf32, #tpu.memory_space<hbm>> -> memref<8x128xf32, #tpu.memory_space<hbm>>
      %dma_wait3A_643 = arith.constant 0 : i32
      %dma_wait3A_644 = arith.constant 0 : i32
      %dma_wait3A_645 = tpu.memref_slice %arg4[%dma_wait3A_635, %dma_wait3A_643, %dma_wait3A_644] : memref<16x8x128xf32, #tpu.memory_space<vmem>> -> memref<1x8x128xf32, #tpu.memory_space<vmem>>
      %dma_wait3A_646 = tpu.memref_squeeze %dma_wait3A_645 : memref<1x8x128xf32, #tpu.memory_space<vmem>> -> memref<8x128xf32, #tpu.memory_space<vmem>>
      %dma_wait3A_647 = arith.constant 0 : i32
      %dma_wait3A_648 = arith.constant 0 : i32
      %dma_wait3A_649 = tpu.memref_slice %arg2[%dma_wait3A_647, %dma_wait3A_648] : memref<32x1000000xf32, #tpu.memory_space<hbm>> -> memref<8x128xf32, #tpu.memory_space<hbm>>
      tpu.wait_dma2 semaphore(%arg9 : memref<!tpu.dma_semaphore, #tpu.memory_space<semaphore_mem>>) src(%dma_wait3A_649 : memref<8x128xf32, #tpu.memory_space<hbm>>) dst(%dma_wait3A_646 : memref<8x128xf32, #tpu.memory_space<vmem>>)
      %dma_wait3A_650 = arith.constant 4 : i32
      %dma_wait3A_651 = arith.constant 0 : i32
      %dma_wait3A_652 = arith.constant 0 : i32
      %dma_wait3A_653 = tpu.memref_slice %arg4[%dma_wait3A_650, %dma_wait3A_651, %dma_wait3A_652] : memref<16x8x128xf32, #tpu.memory_space<vmem>> -> memref<1x8x128xf32, #tpu.memory_space<vmem>>
      %dma_wait3A_654 = tpu.memref_squeeze %dma_wait3A_653 : memref<1x8x128xf32, #tpu.memory_space<vmem>> -> memref<8x128xf32, #tpu.memory_space<vmem>>
      %dma_wait3A_655 = arith.constant 0 : i32
      %dma_wait3A_656 = arith.constant 0 : i32
      %dma_wait3A_657 = tpu.memref_slice %arg2[%dma_wait3A_655, %dma_wait3A_656] : memref<32x1000000xf32, #tpu.memory_space<hbm>> -> memref<8x128xf32, #tpu.memory_space<hbm>>
      %dma_wait3A_658 = arith.constant 0 : i32
      %dma_wait3A_659 = arith.constant 0 : i32
      %dma_wait3A_660 = tpu.memref_slice %arg4[%dma_wait3A_650, %dma_wait3A_658, %dma_wait3A_659] : memref<16x8x128xf32, #tpu.memory_space<vmem>> -> memref<1x8x128xf32, #tpu.memory_space<vmem>>
      %dma_wait3A_661 = tpu.memref_squeeze %dma_wait3A_660 : memref<1x8x128xf32, #tpu.memory_space<vmem>> -> memref<8x128xf32, #tpu.memory_space<vmem>>
      %dma_wait3A_662 = arith.constant 0 : i32
      %dma_wait3A_663 = arith.constant 0 : i32
      %dma_wait3A_664 = tpu.memref_slice %arg2[%dma_wait3A_662, %dma_wait3A_663] : memref<32x1000000xf32, #tpu.memory_space<hbm>> -> memref<8x128xf32, #tpu.memory_space<hbm>>
      tpu.wait_dma2 semaphore(%arg9 : memref<!tpu.dma_semaphore, #tpu.memory_space<semaphore_mem>>) src(%dma_wait3A_664 : memref<8x128xf32, #tpu.memory_space<hbm>>) dst(%dma_wait3A_661 : memref<8x128xf32, #tpu.memory_space<vmem>>)
      %dma_wait3A_665 = arith.constant 5 : i32
      %dma_wait3A_666 = arith.constant 0 : i32
      %dma_wait3A_667 = arith.constant 0 : i32
      %dma_wait3A_668 = tpu.memref_slice %arg4[%dma_wait3A_665, %dma_wait3A_666, %dma_wait3A_667] : memref<16x8x128xf32, #tpu.memory_space<vmem>> -> memref<1x8x128xf32, #tpu.memory_space<vmem>>
      %dma_wait3A_669 = tpu.memref_squeeze %dma_wait3A_668 : memref<1x8x128xf32, #tpu.memory_space<vmem>> -> memref<8x128xf32, #tpu.memory_space<vmem>>
      %dma_wait3A_670 = arith.constant 0 : i32
      %dma_wait3A_671 = arith.constant 0 : i32
      %dma_wait3A_672 = tpu.memref_slice %arg2[%dma_wait3A_670, %dma_wait3A_671] : memref<32x1000000xf32, #tpu.memory_space<hbm>> -> memref<8x128xf32, #tpu.memory_space<hbm>>
      %dma_wait3A_673 = arith.constant 0 : i32
      %dma_wait3A_674 = arith.constant 0 : i32
      %dma_wait3A_675 = tpu.memref_slice %arg4[%dma_wait3A_665, %dma_wait3A_673, %dma_wait3A_674] : memref<16x8x128xf32, #tpu.memory_space<vmem>> -> memref<1x8x128xf32, #tpu.memory_space<vmem>>
      %dma_wait3A_676 = tpu.memref_squeeze %dma_wait3A_675 : memref<1x8x128xf32, #tpu.memory_space<vmem>> -> memref<8x128xf32, #tpu.memory_space<vmem>>
      %dma_wait3A_677 = arith.constant 0 : i32
      %dma_wait3A_678 = arith.constant 0 : i32
      %dma_wait3A_679 = tpu.memref_slice %arg2[%dma_wait3A_677, %dma_wait3A_678] : memref<32x1000000xf32, #tpu.memory_space<hbm>> -> memref<8x128xf32, #tpu.memory_space<hbm>>
      tpu.wait_dma2 semaphore(%arg9 : memref<!tpu.dma_semaphore, #tpu.memory_space<semaphore_mem>>) src(%dma_wait3A_679 : memref<8x128xf32, #tpu.memory_space<hbm>>) dst(%dma_wait3A_676 : memref<8x128xf32, #tpu.memory_space<vmem>>)
      %dma_wait3A_680 = arith.constant 6 : i32
      %dma_wait3A_681 = arith.constant 0 : i32
      %dma_wait3A_682 = arith.constant 0 : i32
      %dma_wait3A_683 = tpu.memref_slice %arg4[%dma_wait3A_680, %dma_wait3A_681, %dma_wait3A_682] : memref<16x8x128xf32, #tpu.memory_space<vmem>> -> memref<1x8x128xf32, #tpu.memory_space<vmem>>
      %dma_wait3A_684 = tpu.memref_squeeze %dma_wait3A_683 : memref<1x8x128xf32, #tpu.memory_space<vmem>> -> memref<8x128xf32, #tpu.memory_space<vmem>>
      %dma_wait3A_685 = arith.constant 0 : i32
      %dma_wait3A_686 = arith.constant 0 : i32
      %dma_wait3A_687 = tpu.memref_slice %arg2[%dma_wait3A_685, %dma_wait3A_686] : memref<32x1000000xf32, #tpu.memory_space<hbm>> -> memref<8x128xf32, #tpu.memory_space<hbm>>
      %dma_wait3A_688 = arith.constant 0 : i32
      %dma_wait3A_689 = arith.constant 0 : i32
      %dma_wait3A_690 = tpu.memref_slice %arg4[%dma_wait3A_680, %dma_wait3A_688, %dma_wait3A_689] : memref<16x8x128xf32, #tpu.memory_space<vmem>> -> memref<1x8x128xf32, #tpu.memory_space<vmem>>
      %dma_wait3A_691 = tpu.memref_squeeze %dma_wait3A_690 : memref<1x8x128xf32, #tpu.memory_space<vmem>> -> memref<8x128xf32, #tpu.memory_space<vmem>>
      %dma_wait3A_692 = arith.constant 0 : i32
      %dma_wait3A_693 = arith.constant 0 : i32
      %dma_wait3A_694 = tpu.memref_slice %arg2[%dma_wait3A_692, %dma_wait3A_693] : memref<32x1000000xf32, #tpu.memory_space<hbm>> -> memref<8x128xf32, #tpu.memory_space<hbm>>
      tpu.wait_dma2 semaphore(%arg9 : memref<!tpu.dma_semaphore, #tpu.memory_space<semaphore_mem>>) src(%dma_wait3A_694 : memref<8x128xf32, #tpu.memory_space<hbm>>) dst(%dma_wait3A_691 : memref<8x128xf32, #tpu.memory_space<vmem>>)
      %dma_wait3A_695 = arith.constant 7 : i32
      %dma_wait3A_696 = arith.constant 0 : i32
      %dma_wait3A_697 = arith.constant 0 : i32
      %dma_wait3A_698 = tpu.memref_slice %arg4[%dma_wait3A_695, %dma_wait3A_696, %dma_wait3A_697] : memref<16x8x128xf32, #tpu.memory_space<vmem>> -> memref<1x8x128xf32, #tpu.memory_space<vmem>>
      %dma_wait3A_699 = tpu.memref_squeeze %dma_wait3A_698 : memref<1x8x128xf32, #tpu.memory_space<vmem>> -> memref<8x128xf32, #tpu.memory_space<vmem>>
      %dma_wait3A_700 = arith.constant 0 : i32
      %dma_wait3A_701 = arith.constant 0 : i32
      %dma_wait3A_702 = tpu.memref_slice %arg2[%dma_wait3A_700, %dma_wait3A_701] : memref<32x1000000xf32, #tpu.memory_space<hbm>> -> memref<8x128xf32, #tpu.memory_space<hbm>>
      %dma_wait3A_703 = arith.constant 0 : i32
      %dma_wait3A_704 = arith.constant 0 : i32
      %dma_wait3A_705 = tpu.memref_slice %arg4[%dma_wait3A_695, %dma_wait3A_703, %dma_wait3A_704] : memref<16x8x128xf32, #tpu.memory_space<vmem>> -> memref<1x8x128xf32, #tpu.memory_space<vmem>>
      %dma_wait3A_706 = tpu.memref_squeeze %dma_wait3A_705 : memref<1x8x128xf32, #tpu.memory_space<vmem>> -> memref<8x128xf32, #tpu.memory_space<vmem>>
      %dma_wait3A_707 = arith.constant 0 : i32
      %dma_wait3A_708 = arith.constant 0 : i32
      %dma_wait3A_709 = tpu.memref_slice %arg2[%dma_wait3A_707, %dma_wait3A_708] : memref<32x1000000xf32, #tpu.memory_space<hbm>> -> memref<8x128xf32, #tpu.memory_space<hbm>>
      tpu.wait_dma2 semaphore(%arg9 : memref<!tpu.dma_semaphore, #tpu.memory_space<semaphore_mem>>) src(%dma_wait3A_709 : memref<8x128xf32, #tpu.memory_space<hbm>>) dst(%dma_wait3A_706 : memref<8x128xf32, #tpu.memory_space<vmem>>)
      %dma_wait3A_710 = arith.constant 8 : i32
      %dma_wait3A_711 = arith.constant 0 : i32
      %dma_wait3A_712 = arith.constant 0 : i32
      %dma_wait3A_713 = tpu.memref_slice %arg4[%dma_wait3A_710, %dma_wait3A_711, %dma_wait3A_712] : memref<16x8x128xf32, #tpu.memory_space<vmem>> -> memref<1x8x128xf32, #tpu.memory_space<vmem>>
      %dma_wait3A_714 = tpu.memref_squeeze %dma_wait3A_713 : memref<1x8x128xf32, #tpu.memory_space<vmem>> -> memref<8x128xf32, #tpu.memory_space<vmem>>
      %dma_wait3A_715 = arith.constant 0 : i32
      %dma_wait3A_716 = arith.constant 0 : i32
      %dma_wait3A_717 = tpu.memref_slice %arg2[%dma_wait3A_715, %dma_wait3A_716] : memref<32x1000000xf32, #tpu.memory_space<hbm>> -> memref<8x128xf32, #tpu.memory_space<hbm>>
      %dma_wait3A_718 = arith.constant 0 : i32
      %dma_wait3A_719 = arith.constant 0 : i32
      %dma_wait3A_720 = tpu.memref_slice %arg4[%dma_wait3A_710, %dma_wait3A_718, %dma_wait3A_719] : memref<16x8x128xf32, #tpu.memory_space<vmem>> -> memref<1x8x128xf32, #tpu.memory_space<vmem>>
      %dma_wait3A_721 = tpu.memref_squeeze %dma_wait3A_720 : memref<1x8x128xf32, #tpu.memory_space<vmem>> -> memref<8x128xf32, #tpu.memory_space<vmem>>
      %dma_wait3A_722 = arith.constant 0 : i32
      %dma_wait3A_723 = arith.constant 0 : i32
      %dma_wait3A_724 = tpu.memref_slice %arg2[%dma_wait3A_722, %dma_wait3A_723] : memref<32x1000000xf32, #tpu.memory_space<hbm>> -> memref<8x128xf32, #tpu.memory_space<hbm>>
      tpu.wait_dma2 semaphore(%arg9 : memref<!tpu.dma_semaphore, #tpu.memory_space<semaphore_mem>>) src(%dma_wait3A_724 : memref<8x128xf32, #tpu.memory_space<hbm>>) dst(%dma_wait3A_721 : memref<8x128xf32, #tpu.memory_space<vmem>>)
      %dma_wait3A_725 = arith.constant 9 : i32
      %dma_wait3A_726 = arith.constant 0 : i32
      %dma_wait3A_727 = arith.constant 0 : i32
      %dma_wait3A_728 = tpu.memref_slice %arg4[%dma_wait3A_725, %dma_wait3A_726, %dma_wait3A_727] : memref<16x8x128xf32, #tpu.memory_space<vmem>> -> memref<1x8x128xf32, #tpu.memory_space<vmem>>
      %dma_wait3A_729 = tpu.memref_squeeze %dma_wait3A_728 : memref<1x8x128xf32, #tpu.memory_space<vmem>> -> memref<8x128xf32, #tpu.memory_space<vmem>>
      %dma_wait3A_730 = arith.constant 0 : i32
      %dma_wait3A_731 = arith.constant 0 : i32
      %dma_wait3A_732 = tpu.memref_slice %arg2[%dma_wait3A_730, %dma_wait3A_731] : memref<32x1000000xf32, #tpu.memory_space<hbm>> -> memref<8x128xf32, #tpu.memory_space<hbm>>
      %dma_wait3A_733 = arith.constant 0 : i32
      %dma_wait3A_734 = arith.constant 0 : i32
      %dma_wait3A_735 = tpu.memref_slice %arg4[%dma_wait3A_725, %dma_wait3A_733, %dma_wait3A_734] : memref<16x8x128xf32, #tpu.memory_space<vmem>> -> memref<1x8x128xf32, #tpu.memory_space<vmem>>
      %dma_wait3A_736 = tpu.memref_squeeze %dma_wait3A_735 : memref<1x8x128xf32, #tpu.memory_space<vmem>> -> memref<8x128xf32, #tpu.memory_space<vmem>>
      %dma_wait3A_737 = arith.constant 0 : i32
      %dma_wait3A_738 = arith.constant 0 : i32
      %dma_wait3A_739 = tpu.memref_slice %arg2[%dma_wait3A_737, %dma_wait3A_738] : memref<32x1000000xf32, #tpu.memory_space<hbm>> -> memref<8x128xf32, #tpu.memory_space<hbm>>
      tpu.wait_dma2 semaphore(%arg9 : memref<!tpu.dma_semaphore, #tpu.memory_space<semaphore_mem>>) src(%dma_wait3A_739 : memref<8x128xf32, #tpu.memory_space<hbm>>) dst(%dma_wait3A_736 : memref<8x128xf32, #tpu.memory_space<vmem>>)
      %dma_wait3A_740 = arith.constant 10 : i32
      %dma_wait3A_741 = arith.constant 0 : i32
      %dma_wait3A_742 = arith.constant 0 : i32
      %dma_wait3A_743 = tpu.memref_slice %arg4[%dma_wait3A_740, %dma_wait3A_741, %dma_wait3A_742] : memref<16x8x128xf32, #tpu.memory_space<vmem>> -> memref<1x8x128xf32, #tpu.memory_space<vmem>>
      %dma_wait3A_744 = tpu.memref_squeeze %dma_wait3A_743 : memref<1x8x128xf32, #tpu.memory_space<vmem>> -> memref<8x128xf32, #tpu.memory_space<vmem>>
      %dma_wait3A_745 = arith.constant 0 : i32
      %dma_wait3A_746 = arith.constant 0 : i32
      %dma_wait3A_747 = tpu.memref_slice %arg2[%dma_wait3A_745, %dma_wait3A_746] : memref<32x1000000xf32, #tpu.memory_space<hbm>> -> memref<8x128xf32, #tpu.memory_space<hbm>>
      %dma_wait3A_748 = arith.constant 0 : i32
      %dma_wait3A_749 = arith.constant 0 : i32
      %dma_wait3A_750 = tpu.memref_slice %arg4[%dma_wait3A_740, %dma_wait3A_748, %dma_wait3A_749] : memref<16x8x128xf32, #tpu.memory_space<vmem>> -> memref<1x8x128xf32, #tpu.memory_space<vmem>>
      %dma_wait3A_751 = tpu.memref_squeeze %dma_wait3A_750 : memref<1x8x128xf32, #tpu.memory_space<vmem>> -> memref<8x128xf32, #tpu.memory_space<vmem>>
      %dma_wait3A_752 = arith.constant 0 : i32
      %dma_wait3A_753 = arith.constant 0 : i32
      %dma_wait3A_754 = tpu.memref_slice %arg2[%dma_wait3A_752, %dma_wait3A_753] : memref<32x1000000xf32, #tpu.memory_space<hbm>> -> memref<8x128xf32, #tpu.memory_space<hbm>>
      tpu.wait_dma2 semaphore(%arg9 : memref<!tpu.dma_semaphore, #tpu.memory_space<semaphore_mem>>) src(%dma_wait3A_754 : memref<8x128xf32, #tpu.memory_space<hbm>>) dst(%dma_wait3A_751 : memref<8x128xf32, #tpu.memory_space<vmem>>)
      %dma_wait3A_755 = arith.constant 11 : i32
      %dma_wait3A_756 = arith.constant 0 : i32
      %dma_wait3A_757 = arith.constant 0 : i32
      %dma_wait3A_758 = tpu.memref_slice %arg4[%dma_wait3A_755, %dma_wait3A_756, %dma_wait3A_757] : memref<16x8x128xf32, #tpu.memory_space<vmem>> -> memref<1x8x128xf32, #tpu.memory_space<vmem>>
      %dma_wait3A_759 = tpu.memref_squeeze %dma_wait3A_758 : memref<1x8x128xf32, #tpu.memory_space<vmem>> -> memref<8x128xf32, #tpu.memory_space<vmem>>
      %dma_wait3A_760 = arith.constant 0 : i32
      %dma_wait3A_761 = arith.constant 0 : i32
      %dma_wait3A_762 = tpu.memref_slice %arg2[%dma_wait3A_760, %dma_wait3A_761] : memref<32x1000000xf32, #tpu.memory_space<hbm>> -> memref<8x128xf32, #tpu.memory_space<hbm>>
      %dma_wait3A_763 = arith.constant 0 : i32
      %dma_wait3A_764 = arith.constant 0 : i32
      %dma_wait3A_765 = tpu.memref_slice %arg4[%dma_wait3A_755, %dma_wait3A_763, %dma_wait3A_764] : memref<16x8x128xf32, #tpu.memory_space<vmem>> -> memref<1x8x128xf32, #tpu.memory_space<vmem>>
      %dma_wait3A_766 = tpu.memref_squeeze %dma_wait3A_765 : memref<1x8x128xf32, #tpu.memory_space<vmem>> -> memref<8x128xf32, #tpu.memory_space<vmem>>
      %dma_wait3A_767 = arith.constant 0 : i32
      %dma_wait3A_768 = arith.constant 0 : i32
      %dma_wait3A_769 = tpu.memref_slice %arg2[%dma_wait3A_767, %dma_wait3A_768] : memref<32x1000000xf32, #tpu.memory_space<hbm>> -> memref<8x128xf32, #tpu.memory_space<hbm>>
      tpu.wait_dma2 semaphore(%arg9 : memref<!tpu.dma_semaphore, #tpu.memory_space<semaphore_mem>>) src(%dma_wait3A_769 : memref<8x128xf32, #tpu.memory_space<hbm>>) dst(%dma_wait3A_766 : memref<8x128xf32, #tpu.memory_space<vmem>>)
      %dma_wait3A_770 = arith.constant 12 : i32
      %dma_wait3A_771 = arith.constant 0 : i32
      %dma_wait3A_772 = arith.constant 0 : i32
      %dma_wait3A_773 = tpu.memref_slice %arg4[%dma_wait3A_770, %dma_wait3A_771, %dma_wait3A_772] : memref<16x8x128xf32, #tpu.memory_space<vmem>> -> memref<1x8x128xf32, #tpu.memory_space<vmem>>
      %dma_wait3A_774 = tpu.memref_squeeze %dma_wait3A_773 : memref<1x8x128xf32, #tpu.memory_space<vmem>> -> memref<8x128xf32, #tpu.memory_space<vmem>>
      %dma_wait3A_775 = arith.constant 0 : i32
      %dma_wait3A_776 = arith.constant 0 : i32
      %dma_wait3A_777 = tpu.memref_slice %arg2[%dma_wait3A_775, %dma_wait3A_776] : memref<32x1000000xf32, #tpu.memory_space<hbm>> -> memref<8x128xf32, #tpu.memory_space<hbm>>
      %dma_wait3A_778 = arith.constant 0 : i32
      %dma_wait3A_779 = arith.constant 0 : i32
      %dma_wait3A_780 = tpu.memref_slice %arg4[%dma_wait3A_770, %dma_wait3A_778, %dma_wait3A_779] : memref<16x8x128xf32, #tpu.memory_space<vmem>> -> memref<1x8x128xf32, #tpu.memory_space<vmem>>
      %dma_wait3A_781 = tpu.memref_squeeze %dma_wait3A_780 : memref<1x8x128xf32, #tpu.memory_space<vmem>> -> memref<8x128xf32, #tpu.memory_space<vmem>>
      %dma_wait3A_782 = arith.constant 0 : i32
      %dma_wait3A_783 = arith.constant 0 : i32
      %dma_wait3A_784 = tpu.memref_slice %arg2[%dma_wait3A_782, %dma_wait3A_783] : memref<32x1000000xf32, #tpu.memory_space<hbm>> -> memref<8x128xf32, #tpu.memory_space<hbm>>
      tpu.wait_dma2 semaphore(%arg9 : memref<!tpu.dma_semaphore, #tpu.memory_space<semaphore_mem>>) src(%dma_wait3A_784 : memref<8x128xf32, #tpu.memory_space<hbm>>) dst(%dma_wait3A_781 : memref<8x128xf32, #tpu.memory_space<vmem>>)
      %dma_wait3A_785 = arith.constant 13 : i32
      %dma_wait3A_786 = arith.constant 0 : i32
      %dma_wait3A_787 = arith.constant 0 : i32
      %dma_wait3A_788 = tpu.memref_slice %arg4[%dma_wait3A_785, %dma_wait3A_786, %dma_wait3A_787] : memref<16x8x128xf32, #tpu.memory_space<vmem>> -> memref<1x8x128xf32, #tpu.memory_space<vmem>>
      %dma_wait3A_789 = tpu.memref_squeeze %dma_wait3A_788 : memref<1x8x128xf32, #tpu.memory_space<vmem>> -> memref<8x128xf32, #tpu.memory_space<vmem>>
      %dma_wait3A_790 = arith.constant 0 : i32
      %dma_wait3A_791 = arith.constant 0 : i32
      %dma_wait3A_792 = tpu.memref_slice %arg2[%dma_wait3A_790, %dma_wait3A_791] : memref<32x1000000xf32, #tpu.memory_space<hbm>> -> memref<8x128xf32, #tpu.memory_space<hbm>>
      %dma_wait3A_793 = arith.constant 0 : i32
      %dma_wait3A_794 = arith.constant 0 : i32
      %dma_wait3A_795 = tpu.memref_slice %arg4[%dma_wait3A_785, %dma_wait3A_793, %dma_wait3A_794] : memref<16x8x128xf32, #tpu.memory_space<vmem>> -> memref<1x8x128xf32, #tpu.memory_space<vmem>>
      %dma_wait3A_796 = tpu.memref_squeeze %dma_wait3A_795 : memref<1x8x128xf32, #tpu.memory_space<vmem>> -> memref<8x128xf32, #tpu.memory_space<vmem>>
      %dma_wait3A_797 = arith.constant 0 : i32
      %dma_wait3A_798 = arith.constant 0 : i32
      %dma_wait3A_799 = tpu.memref_slice %arg2[%dma_wait3A_797, %dma_wait3A_798] : memref<32x1000000xf32, #tpu.memory_space<hbm>> -> memref<8x128xf32, #tpu.memory_space<hbm>>
      tpu.wait_dma2 semaphore(%arg9 : memref<!tpu.dma_semaphore, #tpu.memory_space<semaphore_mem>>) src(%dma_wait3A_799 : memref<8x128xf32, #tpu.memory_space<hbm>>) dst(%dma_wait3A_796 : memref<8x128xf32, #tpu.memory_space<vmem>>)
      %dma_wait3A_800 = arith.constant 14 : i32
      %dma_wait3A_801 = arith.constant 0 : i32
      %dma_wait3A_802 = arith.constant 0 : i32
      %dma_wait3A_803 = tpu.memref_slice %arg4[%dma_wait3A_800, %dma_wait3A_801, %dma_wait3A_802] : memref<16x8x128xf32, #tpu.memory_space<vmem>> -> memref<1x8x128xf32, #tpu.memory_space<vmem>>
      %dma_wait3A_804 = tpu.memref_squeeze %dma_wait3A_803 : memref<1x8x128xf32, #tpu.memory_space<vmem>> -> memref<8x128xf32, #tpu.memory_space<vmem>>
      %dma_wait3A_805 = arith.constant 0 : i32
      %dma_wait3A_806 = arith.constant 0 : i32
      %dma_wait3A_807 = tpu.memref_slice %arg2[%dma_wait3A_805, %dma_wait3A_806] : memref<32x1000000xf32, #tpu.memory_space<hbm>> -> memref<8x128xf32, #tpu.memory_space<hbm>>
      %dma_wait3A_808 = arith.constant 0 : i32
      %dma_wait3A_809 = arith.constant 0 : i32
      %dma_wait3A_810 = tpu.memref_slice %arg4[%dma_wait3A_800, %dma_wait3A_808, %dma_wait3A_809] : memref<16x8x128xf32, #tpu.memory_space<vmem>> -> memref<1x8x128xf32, #tpu.memory_space<vmem>>
      %dma_wait3A_811 = tpu.memref_squeeze %dma_wait3A_810 : memref<1x8x128xf32, #tpu.memory_space<vmem>> -> memref<8x128xf32, #tpu.memory_space<vmem>>
      %dma_wait3A_812 = arith.constant 0 : i32
      %dma_wait3A_813 = arith.constant 0 : i32
      %dma_wait3A_814 = tpu.memref_slice %arg2[%dma_wait3A_812, %dma_wait3A_813] : memref<32x1000000xf32, #tpu.memory_space<hbm>> -> memref<8x128xf32, #tpu.memory_space<hbm>>
      tpu.wait_dma2 semaphore(%arg9 : memref<!tpu.dma_semaphore, #tpu.memory_space<semaphore_mem>>) src(%dma_wait3A_814 : memref<8x128xf32, #tpu.memory_space<hbm>>) dst(%dma_wait3A_811 : memref<8x128xf32, #tpu.memory_space<vmem>>)
      %dma_wait3A_815 = arith.constant 15 : i32
      %dma_wait3A_816 = arith.constant 0 : i32
      %dma_wait3A_817 = arith.constant 0 : i32
      %dma_wait3A_818 = tpu.memref_slice %arg4[%dma_wait3A_815, %dma_wait3A_816, %dma_wait3A_817] : memref<16x8x128xf32, #tpu.memory_space<vmem>> -> memref<1x8x128xf32, #tpu.memory_space<vmem>>
      %dma_wait3A_819 = tpu.memref_squeeze %dma_wait3A_818 : memref<1x8x128xf32, #tpu.memory_space<vmem>> -> memref<8x128xf32, #tpu.memory_space<vmem>>
      %dma_wait3A_820 = arith.constant 0 : i32
      %dma_wait3A_821 = arith.constant 0 : i32
      %dma_wait3A_822 = tpu.memref_slice %arg2[%dma_wait3A_820, %dma_wait3A_821] : memref<32x1000000xf32, #tpu.memory_space<hbm>> -> memref<8x128xf32, #tpu.memory_space<hbm>>
      %dma_wait3A_823 = arith.constant 0 : i32
      %dma_wait3A_824 = arith.constant 0 : i32
      %dma_wait3A_825 = tpu.memref_slice %arg4[%dma_wait3A_815, %dma_wait3A_823, %dma_wait3A_824] : memref<16x8x128xf32, #tpu.memory_space<vmem>> -> memref<1x8x128xf32, #tpu.memory_space<vmem>>
      %dma_wait3A_826 = tpu.memref_squeeze %dma_wait3A_825 : memref<1x8x128xf32, #tpu.memory_space<vmem>> -> memref<8x128xf32, #tpu.memory_space<vmem>>
      %dma_wait3A_827 = arith.constant 0 : i32
      %dma_wait3A_828 = arith.constant 0 : i32
      %dma_wait3A_829 = tpu.memref_slice %arg2[%dma_wait3A_827, %dma_wait3A_828] : memref<32x1000000xf32, #tpu.memory_space<hbm>> -> memref<8x128xf32, #tpu.memory_space<hbm>>
      tpu.wait_dma2 semaphore(%arg9 : memref<!tpu.dma_semaphore, #tpu.memory_space<semaphore_mem>>) src(%dma_wait3A_829 : memref<8x128xf32, #tpu.memory_space<hbm>>) dst(%dma_wait3A_826 : memref<8x128xf32, #tpu.memory_space<vmem>>)
      %mul3A_830 = arith.constant 512 : i32
      %mul3A_831 = arith.muli %min3A_581, %mul3A_830 : i32
      %add3A_832 = arith.constant 0 : i32
      %add3A_833 = arith.addi %mul3A_831, %add3A_832 : i32
      %dma_start3A_834 = arith.constant 0 : i32
      %dma_start3A_835 = arith.constant 0 : i32
      %dma_start3A_836 = arith.constant 0 : i32
      %dma_start3A_837 = tpu.memref_slice %arg5[%dma_start3A_834, %dma_start3A_835, %dma_start3A_836] : memref<16x8x128xf32, #tpu.memory_space<vmem>> -> memref<1x8x128xf32, #tpu.memory_space<vmem>>
      %dma_start3A_838 = tpu.memref_squeeze %dma_start3A_837 : memref<1x8x128xf32, #tpu.memory_space<vmem>> -> memref<8x128xf32, #tpu.memory_space<vmem>>
      %dma_start3A_839 = arith.constant 0 : i32
      %dma_start3A_840 = tpu.memref_slice %arg2[%dma_start3A_839, %add3A_833] : memref<32x1000000xf32, #tpu.memory_space<hbm>> -> memref<8x128xf32, #tpu.memory_space<hbm>>
      %dma_start3A_841 = arith.constant 0 : i32
      %dma_start3A_842 = arith.constant 0 : i32
      %dma_start3A_843 = tpu.memref_slice %arg5[%dma_start3A_834, %dma_start3A_841, %dma_start3A_842] : memref<16x8x128xf32, #tpu.memory_space<vmem>> -> memref<1x8x128xf32, #tpu.memory_space<vmem>>
      %dma_start3A_844 = tpu.memref_squeeze %dma_start3A_843 : memref<1x8x128xf32, #tpu.memory_space<vmem>> -> memref<8x128xf32, #tpu.memory_space<vmem>>
      %dma_start3A_845 = arith.constant 0 : i32
      %dma_start3A_846 = tpu.memref_slice %arg2[%dma_start3A_845, %add3A_833] : memref<32x1000000xf32, #tpu.memory_space<hbm>> -> memref<8x128xf32, #tpu.memory_space<hbm>>
      tpu.enqueue_dma source(%dma_start3A_846 : memref<8x128xf32, #tpu.memory_space<hbm>>) target(%dma_start3A_844 : memref<8x128xf32, #tpu.memory_space<vmem>>) target_semaphore(%arg10 : memref<!tpu.dma_semaphore, #tpu.memory_space<semaphore_mem>>)
      %mul3A_847 = arith.constant 512 : i32
      %mul3A_848 = arith.muli %min3A_581, %mul3A_847 : i32
      %add3A_849 = arith.constant 128 : i32
      %add3A_850 = arith.addi %mul3A_848, %add3A_849 : i32
      %dma_start3A_851 = arith.constant 1 : i32
      %dma_start3A_852 = arith.constant 0 : i32
      %dma_start3A_853 = arith.constant 0 : i32
      %dma_start3A_854 = tpu.memref_slice %arg5[%dma_start3A_851, %dma_start3A_852, %dma_start3A_853] : memref<16x8x128xf32, #tpu.memory_space<vmem>> -> memref<1x8x128xf32, #tpu.memory_space<vmem>>
      %dma_start3A_855 = tpu.memref_squeeze %dma_start3A_854 : memref<1x8x128xf32, #tpu.memory_space<vmem>> -> memref<8x128xf32, #tpu.memory_space<vmem>>
      %dma_start3A_856 = arith.constant 0 : i32
      %dma_start3A_857 = tpu.memref_slice %arg2[%dma_start3A_856, %add3A_850] : memref<32x1000000xf32, #tpu.memory_space<hbm>> -> memref<8x128xf32, #tpu.memory_space<hbm>>
      %dma_start3A_858 = arith.constant 0 : i32
      %dma_start3A_859 = arith.constant 0 : i32
      %dma_start3A_860 = tpu.memref_slice %arg5[%dma_start3A_851, %dma_start3A_858, %dma_start3A_859] : memref<16x8x128xf32, #tpu.memory_space<vmem>> -> memref<1x8x128xf32, #tpu.memory_space<vmem>>
      %dma_start3A_861 = tpu.memref_squeeze %dma_start3A_860 : memref<1x8x128xf32, #tpu.memory_space<vmem>> -> memref<8x128xf32, #tpu.memory_space<vmem>>
      %dma_start3A_862 = arith.constant 0 : i32
      %dma_start3A_863 = tpu.memref_slice %arg2[%dma_start3A_862, %add3A_850] : memref<32x1000000xf32, #tpu.memory_space<hbm>> -> memref<8x128xf32, #tpu.memory_space<hbm>>
      tpu.enqueue_dma source(%dma_start3A_863 : memref<8x128xf32, #tpu.memory_space<hbm>>) target(%dma_start3A_861 : memref<8x128xf32, #tpu.memory_space<vmem>>) target_semaphore(%arg10 : memref<!tpu.dma_semaphore, #tpu.memory_space<semaphore_mem>>)
      %mul3A_864 = arith.constant 512 : i32
      %mul3A_865 = arith.muli %min3A_581, %mul3A_864 : i32
      %add3A_866 = arith.constant 256 : i32
      %add3A_867 = arith.addi %mul3A_865, %add3A_866 : i32
      %dma_start3A_868 = arith.constant 2 : i32
      %dma_start3A_869 = arith.constant 0 : i32
      %dma_start3A_870 = arith.constant 0 : i32
      %dma_start3A_871 = tpu.memref_slice %arg5[%dma_start3A_868, %dma_start3A_869, %dma_start3A_870] : memref<16x8x128xf32, #tpu.memory_space<vmem>> -> memref<1x8x128xf32, #tpu.memory_space<vmem>>
      %dma_start3A_872 = tpu.memref_squeeze %dma_start3A_871 : memref<1x8x128xf32, #tpu.memory_space<vmem>> -> memref<8x128xf32, #tpu.memory_space<vmem>>
      %dma_start3A_873 = arith.constant 0 : i32
      %dma_start3A_874 = tpu.memref_slice %arg2[%dma_start3A_873, %add3A_867] : memref<32x1000000xf32, #tpu.memory_space<hbm>> -> memref<8x128xf32, #tpu.memory_space<hbm>>
      %dma_start3A_875 = arith.constant 0 : i32
      %dma_start3A_876 = arith.constant 0 : i32
      %dma_start3A_877 = tpu.memref_slice %arg5[%dma_start3A_868, %dma_start3A_875, %dma_start3A_876] : memref<16x8x128xf32, #tpu.memory_space<vmem>> -> memref<1x8x128xf32, #tpu.memory_space<vmem>>
      %dma_start3A_878 = tpu.memref_squeeze %dma_start3A_877 : memref<1x8x128xf32, #tpu.memory_space<vmem>> -> memref<8x128xf32, #tpu.memory_space<vmem>>
      %dma_start3A_879 = arith.constant 0 : i32
      %dma_start3A_880 = tpu.memref_slice %arg2[%dma_start3A_879, %add3A_867] : memref<32x1000000xf32, #tpu.memory_space<hbm>> -> memref<8x128xf32, #tpu.memory_space<hbm>>
      tpu.enqueue_dma source(%dma_start3A_880 : memref<8x128xf32, #tpu.memory_space<hbm>>) target(%dma_start3A_878 : memref<8x128xf32, #tpu.memory_space<vmem>>) target_semaphore(%arg10 : memref<!tpu.dma_semaphore, #tpu.memory_space<semaphore_mem>>)
      %mul3A_881 = arith.constant 512 : i32
      %mul3A_882 = arith.muli %min3A_581, %mul3A_881 : i32
      %add3A_883 = arith.constant 384 : i32
      %add3A_884 = arith.addi %mul3A_882, %add3A_883 : i32
      %dma_start3A_885 = arith.constant 3 : i32
      %dma_start3A_886 = arith.constant 0 : i32
      %dma_start3A_887 = arith.constant 0 : i32
      %dma_start3A_888 = tpu.memref_slice %arg5[%dma_start3A_885, %dma_start3A_886, %dma_start3A_887] : memref<16x8x128xf32, #tpu.memory_space<vmem>> -> memref<1x8x128xf32, #tpu.memory_space<vmem>>
      %dma_start3A_889 = tpu.memref_squeeze %dma_start3A_888 : memref<1x8x128xf32, #tpu.memory_space<vmem>> -> memref<8x128xf32, #tpu.memory_space<vmem>>
      %dma_start3A_890 = arith.constant 0 : i32
      %dma_start3A_891 = tpu.memref_slice %arg2[%dma_start3A_890, %add3A_884] : memref<32x1000000xf32, #tpu.memory_space<hbm>> -> memref<8x128xf32, #tpu.memory_space<hbm>>
      %dma_start3A_892 = arith.constant 0 : i32
      %dma_start3A_893 = arith.constant 0 : i32
      %dma_start3A_894 = tpu.memref_slice %arg5[%dma_start3A_885, %dma_start3A_892, %dma_start3A_893] : memref<16x8x128xf32, #tpu.memory_space<vmem>> -> memref<1x8x128xf32, #tpu.memory_space<vmem>>
      %dma_start3A_895 = tpu.memref_squeeze %dma_start3A_894 : memref<1x8x128xf32, #tpu.memory_space<vmem>> -> memref<8x128xf32, #tpu.memory_space<vmem>>
      %dma_start3A_896 = arith.constant 0 : i32
      %dma_start3A_897 = tpu.memref_slice %arg2[%dma_start3A_896, %add3A_884] : memref<32x1000000xf32, #tpu.memory_space<hbm>> -> memref<8x128xf32, #tpu.memory_space<hbm>>
      tpu.enqueue_dma source(%dma_start3A_897 : memref<8x128xf32, #tpu.memory_space<hbm>>) target(%dma_start3A_895 : memref<8x128xf32, #tpu.memory_space<vmem>>) target_semaphore(%arg10 : memref<!tpu.dma_semaphore, #tpu.memory_space<semaphore_mem>>)
      %mul3A_898 = arith.constant 512 : i32
      %mul3A_899 = arith.muli %min3A_581, %mul3A_898 : i32
      %add3A_900 = arith.constant 0 : i32
      %add3A_901 = arith.addi %mul3A_899, %add3A_900 : i32
      %dma_start3A_902 = arith.constant 4 : i32
      %dma_start3A_903 = arith.constant 0 : i32
      %dma_start3A_904 = arith.constant 0 : i32
      %dma_start3A_905 = tpu.memref_slice %arg5[%dma_start3A_902, %dma_start3A_903, %dma_start3A_904] : memref<16x8x128xf32, #tpu.memory_space<vmem>> -> memref<1x8x128xf32, #tpu.memory_space<vmem>>
      %dma_start3A_906 = tpu.memref_squeeze %dma_start3A_905 : memref<1x8x128xf32, #tpu.memory_space<vmem>> -> memref<8x128xf32, #tpu.memory_space<vmem>>
      %dma_start3A_907 = arith.constant 8 : i32
      %dma_start3A_908 = tpu.memref_slice %arg2[%dma_start3A_907, %add3A_901] : memref<32x1000000xf32, #tpu.memory_space<hbm>> -> memref<8x128xf32, #tpu.memory_space<hbm>>
      %dma_start3A_909 = arith.constant 0 : i32
      %dma_start3A_910 = arith.constant 0 : i32
      %dma_start3A_911 = tpu.memref_slice %arg5[%dma_start3A_902, %dma_start3A_909, %dma_start3A_910] : memref<16x8x128xf32, #tpu.memory_space<vmem>> -> memref<1x8x128xf32, #tpu.memory_space<vmem>>
      %dma_start3A_912 = tpu.memref_squeeze %dma_start3A_911 : memref<1x8x128xf32, #tpu.memory_space<vmem>> -> memref<8x128xf32, #tpu.memory_space<vmem>>
      %dma_start3A_913 = arith.constant 8 : i32
      %dma_start3A_914 = tpu.memref_slice %arg2[%dma_start3A_913, %add3A_901] : memref<32x1000000xf32, #tpu.memory_space<hbm>> -> memref<8x128xf32, #tpu.memory_space<hbm>>
      tpu.enqueue_dma source(%dma_start3A_914 : memref<8x128xf32, #tpu.memory_space<hbm>>) target(%dma_start3A_912 : memref<8x128xf32, #tpu.memory_space<vmem>>) target_semaphore(%arg10 : memref<!tpu.dma_semaphore, #tpu.memory_space<semaphore_mem>>)
      %mul3A_915 = arith.constant 512 : i32
      %mul3A_916 = arith.muli %min3A_581, %mul3A_915 : i32
      %add3A_917 = arith.constant 128 : i32
      %add3A_918 = arith.addi %mul3A_916, %add3A_917 : i32
      %dma_start3A_919 = arith.constant 5 : i32
      %dma_start3A_920 = arith.constant 0 : i32
      %dma_start3A_921 = arith.constant 0 : i32
      %dma_start3A_922 = tpu.memref_slice %arg5[%dma_start3A_919, %dma_start3A_920, %dma_start3A_921] : memref<16x8x128xf32, #tpu.memory_space<vmem>> -> memref<1x8x128xf32, #tpu.memory_space<vmem>>
      %dma_start3A_923 = tpu.memref_squeeze %dma_start3A_922 : memref<1x8x128xf32, #tpu.memory_space<vmem>> -> memref<8x128xf32, #tpu.memory_space<vmem>>
      %dma_start3A_924 = arith.constant 8 : i32
      %dma_start3A_925 = tpu.memref_slice %arg2[%dma_start3A_924, %add3A_918] : memref<32x1000000xf32, #tpu.memory_space<hbm>> -> memref<8x128xf32, #tpu.memory_space<hbm>>
      %dma_start3A_926 = arith.constant 0 : i32
      %dma_start3A_927 = arith.constant 0 : i32
      %dma_start3A_928 = tpu.memref_slice %arg5[%dma_start3A_919, %dma_start3A_926, %dma_start3A_927] : memref<16x8x128xf32, #tpu.memory_space<vmem>> -> memref<1x8x128xf32, #tpu.memory_space<vmem>>
      %dma_start3A_929 = tpu.memref_squeeze %dma_start3A_928 : memref<1x8x128xf32, #tpu.memory_space<vmem>> -> memref<8x128xf32, #tpu.memory_space<vmem>>
      %dma_start3A_930 = arith.constant 8 : i32
      %dma_start3A_931 = tpu.memref_slice %arg2[%dma_start3A_930, %add3A_918] : memref<32x1000000xf32, #tpu.memory_space<hbm>> -> memref<8x128xf32, #tpu.memory_space<hbm>>
      tpu.enqueue_dma source(%dma_start3A_931 : memref<8x128xf32, #tpu.memory_space<hbm>>) target(%dma_start3A_929 : memref<8x128xf32, #tpu.memory_space<vmem>>) target_semaphore(%arg10 : memref<!tpu.dma_semaphore, #tpu.memory_space<semaphore_mem>>)
      %mul3A_932 = arith.constant 512 : i32
      %mul3A_933 = arith.muli %min3A_581, %mul3A_932 : i32
      %add3A_934 = arith.constant 256 : i32
      %add3A_935 = arith.addi %mul3A_933, %add3A_934 : i32
      %dma_start3A_936 = arith.constant 6 : i32
      %dma_start3A_937 = arith.constant 0 : i32
      %dma_start3A_938 = arith.constant 0 : i32
      %dma_start3A_939 = tpu.memref_slice %arg5[%dma_start3A_936, %dma_start3A_937, %dma_start3A_938] : memref<16x8x128xf32, #tpu.memory_space<vmem>> -> memref<1x8x128xf32, #tpu.memory_space<vmem>>
      %dma_start3A_940 = tpu.memref_squeeze %dma_start3A_939 : memref<1x8x128xf32, #tpu.memory_space<vmem>> -> memref<8x128xf32, #tpu.memory_space<vmem>>
      %dma_start3A_941 = arith.constant 8 : i32
      %dma_start3A_942 = tpu.memref_slice %arg2[%dma_start3A_941, %add3A_935] : memref<32x1000000xf32, #tpu.memory_space<hbm>> -> memref<8x128xf32, #tpu.memory_space<hbm>>
      %dma_start3A_943 = arith.constant 0 : i32
      %dma_start3A_944 = arith.constant 0 : i32
      %dma_start3A_945 = tpu.memref_slice %arg5[%dma_start3A_936, %dma_start3A_943, %dma_start3A_944] : memref<16x8x128xf32, #tpu.memory_space<vmem>> -> memref<1x8x128xf32, #tpu.memory_space<vmem>>
      %dma_start3A_946 = tpu.memref_squeeze %dma_start3A_945 : memref<1x8x128xf32, #tpu.memory_space<vmem>> -> memref<8x128xf32, #tpu.memory_space<vmem>>
      %dma_start3A_947 = arith.constant 8 : i32
      %dma_start3A_948 = tpu.memref_slice %arg2[%dma_start3A_947, %add3A_935] : memref<32x1000000xf32, #tpu.memory_space<hbm>> -> memref<8x128xf32, #tpu.memory_space<hbm>>
      tpu.enqueue_dma source(%dma_start3A_948 : memref<8x128xf32, #tpu.memory_space<hbm>>) target(%dma_start3A_946 : memref<8x128xf32, #tpu.memory_space<vmem>>) target_semaphore(%arg10 : memref<!tpu.dma_semaphore, #tpu.memory_space<semaphore_mem>>)
      %mul3A_949 = arith.constant 512 : i32
      %mul3A_950 = arith.muli %min3A_581, %mul3A_949 : i32
      %add3A_951 = arith.constant 384 : i32
      %add3A_952 = arith.addi %mul3A_950, %add3A_951 : i32
      %dma_start3A_953 = arith.constant 7 : i32
      %dma_start3A_954 = arith.constant 0 : i32
      %dma_start3A_955 = arith.constant 0 : i32
      %dma_start3A_956 = tpu.memref_slice %arg5[%dma_start3A_953, %dma_start3A_954, %dma_start3A_955] : memref<16x8x128xf32, #tpu.memory_space<vmem>> -> memref<1x8x128xf32, #tpu.memory_space<vmem>>
      %dma_start3A_957 = tpu.memref_squeeze %dma_start3A_956 : memref<1x8x128xf32, #tpu.memory_space<vmem>> -> memref<8x128xf32, #tpu.memory_space<vmem>>
      %dma_start3A_958 = arith.constant 8 : i32
      %dma_start3A_959 = tpu.memref_slice %arg2[%dma_start3A_958, %add3A_952] : memref<32x1000000xf32, #tpu.memory_space<hbm>> -> memref<8x128xf32, #tpu.memory_space<hbm>>
      %dma_start3A_960 = arith.constant 0 : i32
      %dma_start3A_961 = arith.constant 0 : i32
      %dma_start3A_962 = tpu.memref_slice %arg5[%dma_start3A_953, %dma_start3A_960, %dma_start3A_961] : memref<16x8x128xf32, #tpu.memory_space<vmem>> -> memref<1x8x128xf32, #tpu.memory_space<vmem>>
      %dma_start3A_963 = tpu.memref_squeeze %dma_start3A_962 : memref<1x8x128xf32, #tpu.memory_space<vmem>> -> memref<8x128xf32, #tpu.memory_space<vmem>>
      %dma_start3A_964 = arith.constant 8 : i32
      %dma_start3A_965 = tpu.memref_slice %arg2[%dma_start3A_964, %add3A_952] : memref<32x1000000xf32, #tpu.memory_space<hbm>> -> memref<8x128xf32, #tpu.memory_space<hbm>>
      tpu.enqueue_dma source(%dma_start3A_965 : memref<8x128xf32, #tpu.memory_space<hbm>>) target(%dma_start3A_963 : memref<8x128xf32, #tpu.memory_space<vmem>>) target_semaphore(%arg10 : memref<!tpu.dma_semaphore, #tpu.memory_space<semaphore_mem>>)
      %mul3A_966 = arith.constant 512 : i32
      %mul3A_967 = arith.muli %min3A_581, %mul3A_966 : i32
      %add3A_968 = arith.constant 0 : i32
      %add3A_969 = arith.addi %mul3A_967, %add3A_968 : i32
      %dma_start3A_970 = arith.constant 8 : i32
      %dma_start3A_971 = arith.constant 0 : i32
      %dma_start3A_972 = arith.constant 0 : i32
      %dma_start3A_973 = tpu.memref_slice %arg5[%dma_start3A_970, %dma_start3A_971, %dma_start3A_972] : memref<16x8x128xf32, #tpu.memory_space<vmem>> -> memref<1x8x128xf32, #tpu.memory_space<vmem>>
      %dma_start3A_974 = tpu.memref_squeeze %dma_start3A_973 : memref<1x8x128xf32, #tpu.memory_space<vmem>> -> memref<8x128xf32, #tpu.memory_space<vmem>>
      %dma_start3A_975 = arith.constant 16 : i32
      %dma_start3A_976 = tpu.memref_slice %arg2[%dma_start3A_975, %add3A_969] : memref<32x1000000xf32, #tpu.memory_space<hbm>> -> memref<8x128xf32, #tpu.memory_space<hbm>>
      %dma_start3A_977 = arith.constant 0 : i32
      %dma_start3A_978 = arith.constant 0 : i32
      %dma_start3A_979 = tpu.memref_slice %arg5[%dma_start3A_970, %dma_start3A_977, %dma_start3A_978] : memref<16x8x128xf32, #tpu.memory_space<vmem>> -> memref<1x8x128xf32, #tpu.memory_space<vmem>>
      %dma_start3A_980 = tpu.memref_squeeze %dma_start3A_979 : memref<1x8x128xf32, #tpu.memory_space<vmem>> -> memref<8x128xf32, #tpu.memory_space<vmem>>
      %dma_start3A_981 = arith.constant 16 : i32
      %dma_start3A_982 = tpu.memref_slice %arg2[%dma_start3A_981, %add3A_969] : memref<32x1000000xf32, #tpu.memory_space<hbm>> -> memref<8x128xf32, #tpu.memory_space<hbm>>
      tpu.enqueue_dma source(%dma_start3A_982 : memref<8x128xf32, #tpu.memory_space<hbm>>) target(%dma_start3A_980 : memref<8x128xf32, #tpu.memory_space<vmem>>) target_semaphore(%arg10 : memref<!tpu.dma_semaphore, #tpu.memory_space<semaphore_mem>>)
      %mul3A_983 = arith.constant 512 : i32
      %mul3A_984 = arith.muli %min3A_581, %mul3A_983 : i32
      %add3A_985 = arith.constant 128 : i32
      %add3A_986 = arith.addi %mul3A_984, %add3A_985 : i32
      %dma_start3A_987 = arith.constant 9 : i32
      %dma_start3A_988 = arith.constant 0 : i32
      %dma_start3A_989 = arith.constant 0 : i32
      %dma_start3A_990 = tpu.memref_slice %arg5[%dma_start3A_987, %dma_start3A_988, %dma_start3A_989] : memref<16x8x128xf32, #tpu.memory_space<vmem>> -> memref<1x8x128xf32, #tpu.memory_space<vmem>>
      %dma_start3A_991 = tpu.memref_squeeze %dma_start3A_990 : memref<1x8x128xf32, #tpu.memory_space<vmem>> -> memref<8x128xf32, #tpu.memory_space<vmem>>
      %dma_start3A_992 = arith.constant 16 : i32
      %dma_start3A_993 = tpu.memref_slice %arg2[%dma_start3A_992, %add3A_986] : memref<32x1000000xf32, #tpu.memory_space<hbm>> -> memref<8x128xf32, #tpu.memory_space<hbm>>
      %dma_start3A_994 = arith.constant 0 : i32
      %dma_start3A_995 = arith.constant 0 : i32
      %dma_start3A_996 = tpu.memref_slice %arg5[%dma_start3A_987, %dma_start3A_994, %dma_start3A_995] : memref<16x8x128xf32, #tpu.memory_space<vmem>> -> memref<1x8x128xf32, #tpu.memory_space<vmem>>
      %dma_start3A_997 = tpu.memref_squeeze %dma_start3A_996 : memref<1x8x128xf32, #tpu.memory_space<vmem>> -> memref<8x128xf32, #tpu.memory_space<vmem>>
      %dma_start3A_998 = arith.constant 16 : i32
      %dma_start3A_999 = tpu.memref_slice %arg2[%dma_start3A_998, %add3A_986] : memref<32x1000000xf32, #tpu.memory_space<hbm>> -> memref<8x128xf32, #tpu.memory_space<hbm>>
      tpu.enqueue_dma source(%dma_start3A_999 : memref<8x128xf32, #tpu.memory_space<hbm>>) target(%dma_start3A_997 : memref<8x128xf32, #tpu.memory_space<vmem>>) target_semaphore(%arg10 : memref<!tpu.dma_semaphore, #tpu.memory_space<semaphore_mem>>)
      %mul3A_1000 = arith.constant 512 : i32
      %mul3A_1001 = arith.muli %min3A_581, %mul3A_1000 : i32
      %add3A_1002 = arith.constant 256 : i32
      %add3A_1003 = arith.addi %mul3A_1001, %add3A_1002 : i32
      %dma_start3A_1004 = arith.constant 10 : i32
      %dma_start3A_1005 = arith.constant 0 : i32
      %dma_start3A_1006 = arith.constant 0 : i32
      %dma_start3A_1007 = tpu.memref_slice %arg5[%dma_start3A_1004, %dma_start3A_1005, %dma_start3A_1006] : memref<16x8x128xf32, #tpu.memory_space<vmem>> -> memref<1x8x128xf32, #tpu.memory_space<vmem>>
      %dma_start3A_1008 = tpu.memref_squeeze %dma_start3A_1007 : memref<1x8x128xf32, #tpu.memory_space<vmem>> -> memref<8x128xf32, #tpu.memory_space<vmem>>
      %dma_start3A_1009 = arith.constant 16 : i32
      %dma_start3A_1010 = tpu.memref_slice %arg2[%dma_start3A_1009, %add3A_1003] : memref<32x1000000xf32, #tpu.memory_space<hbm>> -> memref<8x128xf32, #tpu.memory_space<hbm>>
      %dma_start3A_1011 = arith.constant 0 : i32
      %dma_start3A_1012 = arith.constant 0 : i32
      %dma_start3A_1013 = tpu.memref_slice %arg5[%dma_start3A_1004, %dma_start3A_1011, %dma_start3A_1012] : memref<16x8x128xf32, #tpu.memory_space<vmem>> -> memref<1x8x128xf32, #tpu.memory_space<vmem>>
      %dma_start3A_1014 = tpu.memref_squeeze %dma_start3A_1013 : memref<1x8x128xf32, #tpu.memory_space<vmem>> -> memref<8x128xf32, #tpu.memory_space<vmem>>
      %dma_start3A_1015 = arith.constant 16 : i32
      %dma_start3A_1016 = tpu.memref_slice %arg2[%dma_start3A_1015, %add3A_1003] : memref<32x1000000xf32, #tpu.memory_space<hbm>> -> memref<8x128xf32, #tpu.memory_space<hbm>>
      tpu.enqueue_dma source(%dma_start3A_1016 : memref<8x128xf32, #tpu.memory_space<hbm>>) target(%dma_start3A_1014 : memref<8x128xf32, #tpu.memory_space<vmem>>) target_semaphore(%arg10 : memref<!tpu.dma_semaphore, #tpu.memory_space<semaphore_mem>>)
      %mul3A_1017 = arith.constant 512 : i32
      %mul3A_1018 = arith.muli %min3A_581, %mul3A_1017 : i32
      %add3A_1019 = arith.constant 384 : i32
      %add3A_1020 = arith.addi %mul3A_1018, %add3A_1019 : i32
      %dma_start3A_1021 = arith.constant 11 : i32
      %dma_start3A_1022 = arith.constant 0 : i32
      %dma_start3A_1023 = arith.constant 0 : i32
      %dma_start3A_1024 = tpu.memref_slice %arg5[%dma_start3A_1021, %dma_start3A_1022, %dma_start3A_1023] : memref<16x8x128xf32, #tpu.memory_space<vmem>> -> memref<1x8x128xf32, #tpu.memory_space<vmem>>
      %dma_start3A_1025 = tpu.memref_squeeze %dma_start3A_1024 : memref<1x8x128xf32, #tpu.memory_space<vmem>> -> memref<8x128xf32, #tpu.memory_space<vmem>>
      %dma_start3A_1026 = arith.constant 16 : i32
      %dma_start3A_1027 = tpu.memref_slice %arg2[%dma_start3A_1026, %add3A_1020] : memref<32x1000000xf32, #tpu.memory_space<hbm>> -> memref<8x128xf32, #tpu.memory_space<hbm>>
      %dma_start3A_1028 = arith.constant 0 : i32
      %dma_start3A_1029 = arith.constant 0 : i32
      %dma_start3A_1030 = tpu.memref_slice %arg5[%dma_start3A_1021, %dma_start3A_1028, %dma_start3A_1029] : memref<16x8x128xf32, #tpu.memory_space<vmem>> -> memref<1x8x128xf32, #tpu.memory_space<vmem>>
      %dma_start3A_1031 = tpu.memref_squeeze %dma_start3A_1030 : memref<1x8x128xf32, #tpu.memory_space<vmem>> -> memref<8x128xf32, #tpu.memory_space<vmem>>
      %dma_start3A_1032 = arith.constant 16 : i32
      %dma_start3A_1033 = tpu.memref_slice %arg2[%dma_start3A_1032, %add3A_1020] : memref<32x1000000xf32, #tpu.memory_space<hbm>> -> memref<8x128xf32, #tpu.memory_space<hbm>>
      tpu.enqueue_dma source(%dma_start3A_1033 : memref<8x128xf32, #tpu.memory_space<hbm>>) target(%dma_start3A_1031 : memref<8x128xf32, #tpu.memory_space<vmem>>) target_semaphore(%arg10 : memref<!tpu.dma_semaphore, #tpu.memory_space<semaphore_mem>>)
      %mul3A_1034 = arith.constant 512 : i32
      %mul3A_1035 = arith.muli %min3A_581, %mul3A_1034 : i32
      %add3A_1036 = arith.constant 0 : i32
      %add3A_1037 = arith.addi %mul3A_1035, %add3A_1036 : i32
      %dma_start3A_1038 = arith.constant 12 : i32
      %dma_start3A_1039 = arith.constant 0 : i32
      %dma_start3A_1040 = arith.constant 0 : i32
      %dma_start3A_1041 = tpu.memref_slice %arg5[%dma_start3A_1038, %dma_start3A_1039, %dma_start3A_1040] : memref<16x8x128xf32, #tpu.memory_space<vmem>> -> memref<1x8x128xf32, #tpu.memory_space<vmem>>
      %dma_start3A_1042 = tpu.memref_squeeze %dma_start3A_1041 : memref<1x8x128xf32, #tpu.memory_space<vmem>> -> memref<8x128xf32, #tpu.memory_space<vmem>>
      %dma_start3A_1043 = arith.constant 24 : i32
      %dma_start3A_1044 = tpu.memref_slice %arg2[%dma_start3A_1043, %add3A_1037] : memref<32x1000000xf32, #tpu.memory_space<hbm>> -> memref<8x128xf32, #tpu.memory_space<hbm>>
      %dma_start3A_1045 = arith.constant 0 : i32
      %dma_start3A_1046 = arith.constant 0 : i32
      %dma_start3A_1047 = tpu.memref_slice %arg5[%dma_start3A_1038, %dma_start3A_1045, %dma_start3A_1046] : memref<16x8x128xf32, #tpu.memory_space<vmem>> -> memref<1x8x128xf32, #tpu.memory_space<vmem>>
      %dma_start3A_1048 = tpu.memref_squeeze %dma_start3A_1047 : memref<1x8x128xf32, #tpu.memory_space<vmem>> -> memref<8x128xf32, #tpu.memory_space<vmem>>
      %dma_start3A_1049 = arith.constant 24 : i32
      %dma_start3A_1050 = tpu.memref_slice %arg2[%dma_start3A_1049, %add3A_1037] : memref<32x1000000xf32, #tpu.memory_space<hbm>> -> memref<8x128xf32, #tpu.memory_space<hbm>>
      tpu.enqueue_dma source(%dma_start3A_1050 : memref<8x128xf32, #tpu.memory_space<hbm>>) target(%dma_start3A_1048 : memref<8x128xf32, #tpu.memory_space<vmem>>) target_semaphore(%arg10 : memref<!tpu.dma_semaphore, #tpu.memory_space<semaphore_mem>>)
      %mul3A_1051 = arith.constant 512 : i32
      %mul3A_1052 = arith.muli %min3A_581, %mul3A_1051 : i32
      %add3A_1053 = arith.constant 128 : i32
      %add3A_1054 = arith.addi %mul3A_1052, %add3A_1053 : i32
      %dma_start3A_1055 = arith.constant 13 : i32
      %dma_start3A_1056 = arith.constant 0 : i32
      %dma_start3A_1057 = arith.constant 0 : i32
      %dma_start3A_1058 = tpu.memref_slice %arg5[%dma_start3A_1055, %dma_start3A_1056, %dma_start3A_1057] : memref<16x8x128xf32, #tpu.memory_space<vmem>> -> memref<1x8x128xf32, #tpu.memory_space<vmem>>
      %dma_start3A_1059 = tpu.memref_squeeze %dma_start3A_1058 : memref<1x8x128xf32, #tpu.memory_space<vmem>> -> memref<8x128xf32, #tpu.memory_space<vmem>>
      %dma_start3A_1060 = arith.constant 24 : i32
      %dma_start3A_1061 = tpu.memref_slice %arg2[%dma_start3A_1060, %add3A_1054] : memref<32x1000000xf32, #tpu.memory_space<hbm>> -> memref<8x128xf32, #tpu.memory_space<hbm>>
      %dma_start3A_1062 = arith.constant 0 : i32
      %dma_start3A_1063 = arith.constant 0 : i32
      %dma_start3A_1064 = tpu.memref_slice %arg5[%dma_start3A_1055, %dma_start3A_1062, %dma_start3A_1063] : memref<16x8x128xf32, #tpu.memory_space<vmem>> -> memref<1x8x128xf32, #tpu.memory_space<vmem>>
      %dma_start3A_1065 = tpu.memref_squeeze %dma_start3A_1064 : memref<1x8x128xf32, #tpu.memory_space<vmem>> -> memref<8x128xf32, #tpu.memory_space<vmem>>
      %dma_start3A_1066 = arith.constant 24 : i32
      %dma_start3A_1067 = tpu.memref_slice %arg2[%dma_start3A_1066, %add3A_1054] : memref<32x1000000xf32, #tpu.memory_space<hbm>> -> memref<8x128xf32, #tpu.memory_space<hbm>>
      tpu.enqueue_dma source(%dma_start3A_1067 : memref<8x128xf32, #tpu.memory_space<hbm>>) target(%dma_start3A_1065 : memref<8x128xf32, #tpu.memory_space<vmem>>) target_semaphore(%arg10 : memref<!tpu.dma_semaphore, #tpu.memory_space<semaphore_mem>>)
      %mul3A_1068 = arith.constant 512 : i32
      %mul3A_1069 = arith.muli %min3A_581, %mul3A_1068 : i32
      %add3A_1070 = arith.constant 256 : i32
      %add3A_1071 = arith.addi %mul3A_1069, %add3A_1070 : i32
      %dma_start3A_1072 = arith.constant 14 : i32
      %dma_start3A_1073 = arith.constant 0 : i32
      %dma_start3A_1074 = arith.constant 0 : i32
      %dma_start3A_1075 = tpu.memref_slice %arg5[%dma_start3A_1072, %dma_start3A_1073, %dma_start3A_1074] : memref<16x8x128xf32, #tpu.memory_space<vmem>> -> memref<1x8x128xf32, #tpu.memory_space<vmem>>
      %dma_start3A_1076 = tpu.memref_squeeze %dma_start3A_1075 : memref<1x8x128xf32, #tpu.memory_space<vmem>> -> memref<8x128xf32, #tpu.memory_space<vmem>>
      %dma_start3A_1077 = arith.constant 24 : i32
      %dma_start3A_1078 = tpu.memref_slice %arg2[%dma_start3A_1077, %add3A_1071] : memref<32x1000000xf32, #tpu.memory_space<hbm>> -> memref<8x128xf32, #tpu.memory_space<hbm>>
      %dma_start3A_1079 = arith.constant 0 : i32
      %dma_start3A_1080 = arith.constant 0 : i32
      %dma_start3A_1081 = tpu.memref_slice %arg5[%dma_start3A_1072, %dma_start3A_1079, %dma_start3A_1080] : memref<16x8x128xf32, #tpu.memory_space<vmem>> -> memref<1x8x128xf32, #tpu.memory_space<vmem>>
      %dma_start3A_1082 = tpu.memref_squeeze %dma_start3A_1081 : memref<1x8x128xf32, #tpu.memory_space<vmem>> -> memref<8x128xf32, #tpu.memory_space<vmem>>
      %dma_start3A_1083 = arith.constant 24 : i32
      %dma_start3A_1084 = tpu.memref_slice %arg2[%dma_start3A_1083, %add3A_1071] : memref<32x1000000xf32, #tpu.memory_space<hbm>> -> memref<8x128xf32, #tpu.memory_space<hbm>>
      tpu.enqueue_dma source(%dma_start3A_1084 : memref<8x128xf32, #tpu.memory_space<hbm>>) target(%dma_start3A_1082 : memref<8x128xf32, #tpu.memory_space<vmem>>) target_semaphore(%arg10 : memref<!tpu.dma_semaphore, #tpu.memory_space<semaphore_mem>>)
      %mul3A_1085 = arith.constant 512 : i32
      %mul3A_1086 = arith.muli %min3A_581, %mul3A_1085 : i32
      %add3A_1087 = arith.constant 384 : i32
      %add3A_1088 = arith.addi %mul3A_1086, %add3A_1087 : i32
      %dma_start3A_1089 = arith.constant 15 : i32
      %dma_start3A_1090 = arith.constant 0 : i32
      %dma_start3A_1091 = arith.constant 0 : i32
      %dma_start3A_1092 = tpu.memref_slice %arg5[%dma_start3A_1089, %dma_start3A_1090, %dma_start3A_1091] : memref<16x8x128xf32, #tpu.memory_space<vmem>> -> memref<1x8x128xf32, #tpu.memory_space<vmem>>
      %dma_start3A_1093 = tpu.memref_squeeze %dma_start3A_1092 : memref<1x8x128xf32, #tpu.memory_space<vmem>> -> memref<8x128xf32, #tpu.memory_space<vmem>>
      %dma_start3A_1094 = arith.constant 24 : i32
      %dma_start3A_1095 = tpu.memref_slice %arg2[%dma_start3A_1094, %add3A_1088] : memref<32x1000000xf32, #tpu.memory_space<hbm>> -> memref<8x128xf32, #tpu.memory_space<hbm>>
      %dma_start3A_1096 = arith.constant 0 : i32
      %dma_start3A_1097 = arith.constant 0 : i32
      %dma_start3A_1098 = tpu.memref_slice %arg5[%dma_start3A_1089, %dma_start3A_1096, %dma_start3A_1097] : memref<16x8x128xf32, #tpu.memory_space<vmem>> -> memref<1x8x128xf32, #tpu.memory_space<vmem>>
      %dma_start3A_1099 = tpu.memref_squeeze %dma_start3A_1098 : memref<1x8x128xf32, #tpu.memory_space<vmem>> -> memref<8x128xf32, #tpu.memory_space<vmem>>
      %dma_start3A_1100 = arith.constant 24 : i32
      %dma_start3A_1101 = tpu.memref_slice %arg2[%dma_start3A_1100, %add3A_1088] : memref<32x1000000xf32, #tpu.memory_space<hbm>> -> memref<8x128xf32, #tpu.memory_space<hbm>>
      tpu.enqueue_dma source(%dma_start3A_1101 : memref<8x128xf32, #tpu.memory_space<hbm>>) target(%dma_start3A_1099 : memref<8x128xf32, #tpu.memory_space<vmem>>) target_semaphore(%arg10 : memref<!tpu.dma_semaphore, #tpu.memory_space<semaphore_mem>>)
      %ge3A = arith.constant 1 : i32
      %ge3A_1102 = arith.cmpi sge, %scan3A_567, %ge3A : i32
      %convert_element_type3A_1103 = arith.extui %ge3A_1102 : i1 to i32
      %cond3A_1104 = arith.constant 0 : i32
      %cond3A_1105 = arith.cmpi ne, %convert_element_type3A_1103, %cond3A_1104 : i32
      scf.if %cond3A_1105 {
        %dma_wait3A_1640 = arith.constant 0 : i32
        %dma_wait3A_1641 = arith.constant 0 : i32
        %dma_wait3A_1642 = tpu.memref_slice %arg3[%dma_wait3A_1640, %dma_wait3A_1641] : memref<250000x128xf32, #tpu.memory_space<hbm>> -> memref<128x128xf32, #tpu.memory_space<hbm>>
        %dma_wait3A_1643 = arith.constant 0 : i32
        %dma_wait3A_1644 = arith.constant 0 : i32
        %dma_wait3A_1645 = tpu.memref_slice %arg3[%dma_wait3A_1643, %dma_wait3A_1644] : memref<250000x128xf32, #tpu.memory_space<hbm>> -> memref<128x128xf32, #tpu.memory_space<hbm>>
        tpu.wait_dma2 semaphore(%arg11 : memref<!tpu.dma_semaphore, #tpu.memory_space<semaphore_mem>>) src(%dma_wait3A_1645 : memref<128x128xf32, #tpu.memory_space<hbm>>) dst(%arg6 : memref<128x128xf32, #tpu.memory_space<vmem>>)
      } else {
      }
      %parallel_loop3A = arith.constant 0 : i32
      %parallel_loop3A_1106 = arith.constant 128 : i32
      %parallel_loop3A_1107 = arith.constant 1 : i32
      scf.for %parallel_loop3A_1640 = %parallel_loop3A to %parallel_loop3A_1106 step %parallel_loop3A_1107  : i32 {
        %parallel_loop3A_1641 = arith.constant 2 : i32
        %parallel_loop3A_1642 = arith.shli %parallel_loop3A_1640, %parallel_loop3A_1641 : i32
        %parallel_loop3A_1643 = arith.constant 0 : i32
        %parallel_loop3A_1644 = arith.addi %parallel_loop3A_1642, %parallel_loop3A_1643 : i32
        %parallel_loop3A_1645 = arith.constant 7 : i32
        %parallel_loop3A_1646 = arith.shrui %parallel_loop3A_1644, %parallel_loop3A_1645 : i32
        %parallel_loop3A_1647 = vector.broadcast %parallel_loop3A_1646 : i32 to vector<16xi32>
        %parallel_loop3A_1648 = arith.constant 127 : i32
        %parallel_loop3A_1649 = arith.andi %parallel_loop3A_1644, %parallel_loop3A_1648 : i32
        %parallel_loop3A_1650 = vector.broadcast %parallel_loop3A_1649 : i32 to vector<16xi32>
        %parallel_loop3A_1651 = arith.addi %shift_left3A_31, %parallel_loop3A_1647 : vector<16xi32>
        %parallel_loop3A_1652 = tpu.vector_load_idx %arg4[%parallel_loop3A_1651, %and3A_37, %parallel_loop3A_1650] : memref<16x8x128xf32, #tpu.memory_space<vmem>>[vector<16xi32>, vector<16xi32>, vector<16xi32>], vector<16xf32>,
        %parallel_loop3A_1653 = arith.index_cast %parallel_loop3A_1640 : i32 to index
        %parallel_loop3A_1654 = arith.constant 0 : index
        %parallel_loop3A_1655 = tpu.vector_load %arg6[%parallel_loop3A_1653, %parallel_loop3A_1654] {strides = array<i32>} : memref<128x128xf32, #tpu.memory_space<vmem>>, vector<16xf32>,
        tpu.vector_store %arg6[%parallel_loop3A_1653, %parallel_loop3A_1654], %parallel_loop3A_1652 {strides = array<i32>} : memref<128x128xf32, #tpu.memory_space<vmem>>, vector<16xf32>,
        %parallel_loop3A_1656 = arith.addi %add3A_34, %parallel_loop3A_1647 : vector<16xi32>
        %parallel_loop3A_1657 = tpu.vector_load_idx %arg4[%parallel_loop3A_1656, %and3A_37, %parallel_loop3A_1650] : memref<16x8x128xf32, #tpu.memory_space<vmem>>[vector<16xi32>, vector<16xi32>, vector<16xi32>], vector<16xf32>,
        %parallel_loop3A_1658 = arith.index_cast %parallel_loop3A_1640 : i32 to index
        %parallel_loop3A_1659 = arith.constant 16 : index
        %parallel_loop3A_1660 = tpu.vector_load %arg6[%parallel_loop3A_1658, %parallel_loop3A_1659] {strides = array<i32>} : memref<128x128xf32, #tpu.memory_space<vmem>>, vector<16xf32>,
        tpu.vector_store %arg6[%parallel_loop3A_1658, %parallel_loop3A_1659], %parallel_loop3A_1657 {strides = array<i32>} : memref<128x128xf32, #tpu.memory_space<vmem>>, vector<16xf32>,
        %parallel_loop3A_1661 = arith.constant 2 : i32
        %parallel_loop3A_1662 = arith.shli %parallel_loop3A_1640, %parallel_loop3A_1661 : i32
        %parallel_loop3A_1663 = arith.constant 1 : i32
        %parallel_loop3A_1664 = arith.addi %parallel_loop3A_1662, %parallel_loop3A_1663 : i32
        %parallel_loop3A_1665 = arith.constant 7 : i32
        %parallel_loop3A_1666 = arith.shrui %parallel_loop3A_1664, %parallel_loop3A_1665 : i32
        %parallel_loop3A_1667 = vector.broadcast %parallel_loop3A_1666 : i32 to vector<16xi32>
        %parallel_loop3A_1668 = arith.constant 127 : i32
        %parallel_loop3A_1669 = arith.andi %parallel_loop3A_1664, %parallel_loop3A_1668 : i32
        %parallel_loop3A_1670 = vector.broadcast %parallel_loop3A_1669 : i32 to vector<16xi32>
        %parallel_loop3A_1671 = arith.addi %shift_left3A_31, %parallel_loop3A_1667 : vector<16xi32>
        %parallel_loop3A_1672 = tpu.vector_load_idx %arg4[%parallel_loop3A_1671, %and3A_37, %parallel_loop3A_1670] : memref<16x8x128xf32, #tpu.memory_space<vmem>>[vector<16xi32>, vector<16xi32>, vector<16xi32>], vector<16xf32>,
        %parallel_loop3A_1673 = arith.index_cast %parallel_loop3A_1640 : i32 to index
        %parallel_loop3A_1674 = arith.constant 32 : index
        %parallel_loop3A_1675 = tpu.vector_load %arg6[%parallel_loop3A_1673, %parallel_loop3A_1674] {strides = array<i32>} : memref<128x128xf32, #tpu.memory_space<vmem>>, vector<16xf32>,
        tpu.vector_store %arg6[%parallel_loop3A_1673, %parallel_loop3A_1674], %parallel_loop3A_1672 {strides = array<i32>} : memref<128x128xf32, #tpu.memory_space<vmem>>, vector<16xf32>,
        %parallel_loop3A_1676 = arith.addi %add3A_34, %parallel_loop3A_1667 : vector<16xi32>
        %parallel_loop3A_1677 = tpu.vector_load_idx %arg4[%parallel_loop3A_1676, %and3A_37, %parallel_loop3A_1670] : memref<16x8x128xf32, #tpu.memory_space<vmem>>[vector<16xi32>, vector<16xi32>, vector<16xi32>], vector<16xf32>,
        %parallel_loop3A_1678 = arith.index_cast %parallel_loop3A_1640 : i32 to index
        %parallel_loop3A_1679 = arith.constant 48 : index
        %parallel_loop3A_1680 = tpu.vector_load %arg6[%parallel_loop3A_1678, %parallel_loop3A_1679] {strides = array<i32>} : memref<128x128xf32, #tpu.memory_space<vmem>>, vector<16xf32>,
        tpu.vector_store %arg6[%parallel_loop3A_1678, %parallel_loop3A_1679], %parallel_loop3A_1677 {strides = array<i32>} : memref<128x128xf32, #tpu.memory_space<vmem>>, vector<16xf32>,
        %parallel_loop3A_1681 = arith.constant 2 : i32
        %parallel_loop3A_1682 = arith.shli %parallel_loop3A_1640, %parallel_loop3A_1681 : i32
        %parallel_loop3A_1683 = arith.constant 2 : i32
        %parallel_loop3A_1684 = arith.addi %parallel_loop3A_1682, %parallel_loop3A_1683 : i32
        %parallel_loop3A_1685 = arith.constant 7 : i32
        %parallel_loop3A_1686 = arith.shrui %parallel_loop3A_1684, %parallel_loop3A_1685 : i32
        %parallel_loop3A_1687 = vector.broadcast %parallel_loop3A_1686 : i32 to vector<16xi32>
        %parallel_loop3A_1688 = arith.constant 127 : i32
        %parallel_loop3A_1689 = arith.andi %parallel_loop3A_1684, %parallel_loop3A_1688 : i32
        %parallel_loop3A_1690 = vector.broadcast %parallel_loop3A_1689 : i32 to vector<16xi32>
        %parallel_loop3A_1691 = arith.addi %shift_left3A_31, %parallel_loop3A_1687 : vector<16xi32>
        %parallel_loop3A_1692 = tpu.vector_load_idx %arg4[%parallel_loop3A_1691, %and3A_37, %parallel_loop3A_1690] : memref<16x8x128xf32, #tpu.memory_space<vmem>>[vector<16xi32>, vector<16xi32>, vector<16xi32>], vector<16xf32>,
        %parallel_loop3A_1693 = arith.index_cast %parallel_loop3A_1640 : i32 to index
        %parallel_loop3A_1694 = arith.constant 64 : index
        %parallel_loop3A_1695 = tpu.vector_load %arg6[%parallel_loop3A_1693, %parallel_loop3A_1694] {strides = array<i32>} : memref<128x128xf32, #tpu.memory_space<vmem>>, vector<16xf32>,
        tpu.vector_store %arg6[%parallel_loop3A_1693, %parallel_loop3A_1694], %parallel_loop3A_1692 {strides = array<i32>} : memref<128x128xf32, #tpu.memory_space<vmem>>, vector<16xf32>,
        %parallel_loop3A_1696 = arith.addi %add3A_34, %parallel_loop3A_1687 : vector<16xi32>
        %parallel_loop3A_1697 = tpu.vector_load_idx %arg4[%parallel_loop3A_1696, %and3A_37, %parallel_loop3A_1690] : memref<16x8x128xf32, #tpu.memory_space<vmem>>[vector<16xi32>, vector<16xi32>, vector<16xi32>], vector<16xf32>,
        %parallel_loop3A_1698 = arith.index_cast %parallel_loop3A_1640 : i32 to index
        %parallel_loop3A_1699 = arith.constant 80 : index
        %parallel_loop3A_1700 = tpu.vector_load %arg6[%parallel_loop3A_1698, %parallel_loop3A_1699] {strides = array<i32>} : memref<128x128xf32, #tpu.memory_space<vmem>>, vector<16xf32>,
        tpu.vector_store %arg6[%parallel_loop3A_1698, %parallel_loop3A_1699], %parallel_loop3A_1697 {strides = array<i32>} : memref<128x128xf32, #tpu.memory_space<vmem>>, vector<16xf32>,
        %parallel_loop3A_1701 = arith.constant 2 : i32
        %parallel_loop3A_1702 = arith.shli %parallel_loop3A_1640, %parallel_loop3A_1701 : i32
        %parallel_loop3A_1703 = arith.constant 3 : i32
        %parallel_loop3A_1704 = arith.addi %parallel_loop3A_1702, %parallel_loop3A_1703 : i32
        %parallel_loop3A_1705 = arith.constant 7 : i32
        %parallel_loop3A_1706 = arith.shrui %parallel_loop3A_1704, %parallel_loop3A_1705 : i32
        %parallel_loop3A_1707 = vector.broadcast %parallel_loop3A_1706 : i32 to vector<16xi32>
        %parallel_loop3A_1708 = arith.constant 127 : i32
        %parallel_loop3A_1709 = arith.andi %parallel_loop3A_1704, %parallel_loop3A_1708 : i32
        %parallel_loop3A_1710 = vector.broadcast %parallel_loop3A_1709 : i32 to vector<16xi32>
        %parallel_loop3A_1711 = arith.addi %shift_left3A_31, %parallel_loop3A_1707 : vector<16xi32>
        %parallel_loop3A_1712 = tpu.vector_load_idx %arg4[%parallel_loop3A_1711, %and3A_37, %parallel_loop3A_1710] : memref<16x8x128xf32, #tpu.memory_space<vmem>>[vector<16xi32>, vector<16xi32>, vector<16xi32>], vector<16xf32>,
        %parallel_loop3A_1713 = arith.index_cast %parallel_loop3A_1640 : i32 to index
        %parallel_loop3A_1714 = arith.constant 96 : index
        %parallel_loop3A_1715 = tpu.vector_load %arg6[%parallel_loop3A_1713, %parallel_loop3A_1714] {strides = array<i32>} : memref<128x128xf32, #tpu.memory_space<vmem>>, vector<16xf32>,
        tpu.vector_store %arg6[%parallel_loop3A_1713, %parallel_loop3A_1714], %parallel_loop3A_1712 {strides = array<i32>} : memref<128x128xf32, #tpu.memory_space<vmem>>, vector<16xf32>,
        %parallel_loop3A_1716 = arith.addi %add3A_34, %parallel_loop3A_1707 : vector<16xi32>
        %parallel_loop3A_1717 = tpu.vector_load_idx %arg4[%parallel_loop3A_1716, %and3A_37, %parallel_loop3A_1710] : memref<16x8x128xf32, #tpu.memory_space<vmem>>[vector<16xi32>, vector<16xi32>, vector<16xi32>], vector<16xf32>,
        %parallel_loop3A_1718 = arith.index_cast %parallel_loop3A_1640 : i32 to index
        %parallel_loop3A_1719 = arith.constant 112 : index
        %parallel_loop3A_1720 = tpu.vector_load %arg6[%parallel_loop3A_1718, %parallel_loop3A_1719] {strides = array<i32>} : memref<128x128xf32, #tpu.memory_space<vmem>>, vector<16xf32>,
        tpu.vector_store %arg6[%parallel_loop3A_1718, %parallel_loop3A_1719], %parallel_loop3A_1717 {strides = array<i32>} : memref<128x128xf32, #tpu.memory_space<vmem>>, vector<16xf32>,
      } {sc.loop_unroll_factor = 4 : i64, sc.parallel_access}
      %mul3A_1108 = arith.constant 128 : i32
      %mul3A_1109 = arith.muli %min3A_573, %mul3A_1108 : i32
      %dma_start3A_1110 = arith.constant 0 : i32
      %dma_start3A_1111 = tpu.memref_slice %arg3[%mul3A_1109, %dma_start3A_1110] : memref<250000x128xf32, #tpu.memory_space<hbm>> -> memref<128x128xf32, #tpu.memory_space<hbm>>
      %dma_start3A_1112 = arith.constant 0 : i32
      %dma_start3A_1113 = tpu.memref_slice %arg3[%mul3A_1109, %dma_start3A_1112] : memref<250000x128xf32, #tpu.memory_space<hbm>> -> memref<128x128xf32, #tpu.memory_space<hbm>>
      tpu.enqueue_dma source(%arg6 : memref<128x128xf32, #tpu.memory_space<vmem>>) target(%dma_start3A_1113 : memref<128x128xf32, #tpu.memory_space<hbm>>) target_semaphore(%arg11 : memref<!tpu.dma_semaphore, #tpu.memory_space<semaphore_mem>>)
      %dma_wait3A_1114 = arith.constant 0 : i32
      %dma_wait3A_1115 = arith.constant 0 : i32
      %dma_wait3A_1116 = arith.constant 0 : i32
      %dma_wait3A_1117 = tpu.memref_slice %arg5[%dma_wait3A_1114, %dma_wait3A_1115, %dma_wait3A_1116] : memref<16x8x128xf32, #tpu.memory_space<vmem>> -> memref<1x8x128xf32, #tpu.memory_space<vmem>>
      %dma_wait3A_1118 = tpu.memref_squeeze %dma_wait3A_1117 : memref<1x8x128xf32, #tpu.memory_space<vmem>> -> memref<8x128xf32, #tpu.memory_space<vmem>>
      %dma_wait3A_1119 = arith.constant 0 : i32
      %dma_wait3A_1120 = arith.constant 0 : i32
      %dma_wait3A_1121 = tpu.memref_slice %arg2[%dma_wait3A_1119, %dma_wait3A_1120] : memref<32x1000000xf32, #tpu.memory_space<hbm>> -> memref<8x128xf32, #tpu.memory_space<hbm>>
      %dma_wait3A_1122 = arith.constant 0 : i32
      %dma_wait3A_1123 = arith.constant 0 : i32
      %dma_wait3A_1124 = tpu.memref_slice %arg5[%dma_wait3A_1114, %dma_wait3A_1122, %dma_wait3A_1123] : memref<16x8x128xf32, #tpu.memory_space<vmem>> -> memref<1x8x128xf32, #tpu.memory_space<vmem>>
      %dma_wait3A_1125 = tpu.memref_squeeze %dma_wait3A_1124 : memref<1x8x128xf32, #tpu.memory_space<vmem>> -> memref<8x128xf32, #tpu.memory_space<vmem>>
      %dma_wait3A_1126 = arith.constant 0 : i32
      %dma_wait3A_1127 = arith.constant 0 : i32
      %dma_wait3A_1128 = tpu.memref_slice %arg2[%dma_wait3A_1126, %dma_wait3A_1127] : memref<32x1000000xf32, #tpu.memory_space<hbm>> -> memref<8x128xf32, #tpu.memory_space<hbm>>
      tpu.wait_dma2 semaphore(%arg10 : memref<!tpu.dma_semaphore, #tpu.memory_space<semaphore_mem>>) src(%dma_wait3A_1128 : memref<8x128xf32, #tpu.memory_space<hbm>>) dst(%dma_wait3A_1125 : memref<8x128xf32, #tpu.memory_space<vmem>>)
      %dma_wait3A_1129 = arith.constant 1 : i32
      %dma_wait3A_1130 = arith.constant 0 : i32
      %dma_wait3A_1131 = arith.constant 0 : i32
      %dma_wait3A_1132 = tpu.memref_slice %arg5[%dma_wait3A_1129, %dma_wait3A_1130, %dma_wait3A_1131] : memref<16x8x128xf32, #tpu.memory_space<vmem>> -> memref<1x8x128xf32, #tpu.memory_space<vmem>>
      %dma_wait3A_1133 = tpu.memref_squeeze %dma_wait3A_1132 : memref<1x8x128xf32, #tpu.memory_space<vmem>> -> memref<8x128xf32, #tpu.memory_space<vmem>>
      %dma_wait3A_1134 = arith.constant 0 : i32
      %dma_wait3A_1135 = arith.constant 0 : i32
      %dma_wait3A_1136 = tpu.memref_slice %arg2[%dma_wait3A_1134, %dma_wait3A_1135] : memref<32x1000000xf32, #tpu.memory_space<hbm>> -> memref<8x128xf32, #tpu.memory_space<hbm>>
      %dma_wait3A_1137 = arith.constant 0 : i32
      %dma_wait3A_1138 = arith.constant 0 : i32
      %dma_wait3A_1139 = tpu.memref_slice %arg5[%dma_wait3A_1129, %dma_wait3A_1137, %dma_wait3A_1138] : memref<16x8x128xf32, #tpu.memory_space<vmem>> -> memref<1x8x128xf32, #tpu.memory_space<vmem>>
      %dma_wait3A_1140 = tpu.memref_squeeze %dma_wait3A_1139 : memref<1x8x128xf32, #tpu.memory_space<vmem>> -> memref<8x128xf32, #tpu.memory_space<vmem>>
      %dma_wait3A_1141 = arith.constant 0 : i32
      %dma_wait3A_1142 = arith.constant 0 : i32
      %dma_wait3A_1143 = tpu.memref_slice %arg2[%dma_wait3A_1141, %dma_wait3A_1142] : memref<32x1000000xf32, #tpu.memory_space<hbm>> -> memref<8x128xf32, #tpu.memory_space<hbm>>
      tpu.wait_dma2 semaphore(%arg10 : memref<!tpu.dma_semaphore, #tpu.memory_space<semaphore_mem>>) src(%dma_wait3A_1143 : memref<8x128xf32, #tpu.memory_space<hbm>>) dst(%dma_wait3A_1140 : memref<8x128xf32, #tpu.memory_space<vmem>>)
      %dma_wait3A_1144 = arith.constant 2 : i32
      %dma_wait3A_1145 = arith.constant 0 : i32
      %dma_wait3A_1146 = arith.constant 0 : i32
      %dma_wait3A_1147 = tpu.memref_slice %arg5[%dma_wait3A_1144, %dma_wait3A_1145, %dma_wait3A_1146] : memref<16x8x128xf32, #tpu.memory_space<vmem>> -> memref<1x8x128xf32, #tpu.memory_space<vmem>>
      %dma_wait3A_1148 = tpu.memref_squeeze %dma_wait3A_1147 : memref<1x8x128xf32, #tpu.memory_space<vmem>> -> memref<8x128xf32, #tpu.memory_space<vmem>>
      %dma_wait3A_1149 = arith.constant 0 : i32
      %dma_wait3A_1150 = arith.constant 0 : i32
      %dma_wait3A_1151 = tpu.memref_slice %arg2[%dma_wait3A_1149, %dma_wait3A_1150] : memref<32x1000000xf32, #tpu.memory_space<hbm>> -> memref<8x128xf32, #tpu.memory_space<hbm>>
      %dma_wait3A_1152 = arith.constant 0 : i32
      %dma_wait3A_1153 = arith.constant 0 : i32
      %dma_wait3A_1154 = tpu.memref_slice %arg5[%dma_wait3A_1144, %dma_wait3A_1152, %dma_wait3A_1153] : memref<16x8x128xf32, #tpu.memory_space<vmem>> -> memref<1x8x128xf32, #tpu.memory_space<vmem>>
      %dma_wait3A_1155 = tpu.memref_squeeze %dma_wait3A_1154 : memref<1x8x128xf32, #tpu.memory_space<vmem>> -> memref<8x128xf32, #tpu.memory_space<vmem>>
      %dma_wait3A_1156 = arith.constant 0 : i32
      %dma_wait3A_1157 = arith.constant 0 : i32
      %dma_wait3A_1158 = tpu.memref_slice %arg2[%dma_wait3A_1156, %dma_wait3A_1157] : memref<32x1000000xf32, #tpu.memory_space<hbm>> -> memref<8x128xf32, #tpu.memory_space<hbm>>
      tpu.wait_dma2 semaphore(%arg10 : memref<!tpu.dma_semaphore, #tpu.memory_space<semaphore_mem>>) src(%dma_wait3A_1158 : memref<8x128xf32, #tpu.memory_space<hbm>>) dst(%dma_wait3A_1155 : memref<8x128xf32, #tpu.memory_space<vmem>>)
      %dma_wait3A_1159 = arith.constant 3 : i32
      %dma_wait3A_1160 = arith.constant 0 : i32
      %dma_wait3A_1161 = arith.constant 0 : i32
      %dma_wait3A_1162 = tpu.memref_slice %arg5[%dma_wait3A_1159, %dma_wait3A_1160, %dma_wait3A_1161] : memref<16x8x128xf32, #tpu.memory_space<vmem>> -> memref<1x8x128xf32, #tpu.memory_space<vmem>>
      %dma_wait3A_1163 = tpu.memref_squeeze %dma_wait3A_1162 : memref<1x8x128xf32, #tpu.memory_space<vmem>> -> memref<8x128xf32, #tpu.memory_space<vmem>>
      %dma_wait3A_1164 = arith.constant 0 : i32
      %dma_wait3A_1165 = arith.constant 0 : i32
      %dma_wait3A_1166 = tpu.memref_slice %arg2[%dma_wait3A_1164, %dma_wait3A_1165] : memref<32x1000000xf32, #tpu.memory_space<hbm>> -> memref<8x128xf32, #tpu.memory_space<hbm>>
      %dma_wait3A_1167 = arith.constant 0 : i32
      %dma_wait3A_1168 = arith.constant 0 : i32
      %dma_wait3A_1169 = tpu.memref_slice %arg5[%dma_wait3A_1159, %dma_wait3A_1167, %dma_wait3A_1168] : memref<16x8x128xf32, #tpu.memory_space<vmem>> -> memref<1x8x128xf32, #tpu.memory_space<vmem>>
      %dma_wait3A_1170 = tpu.memref_squeeze %dma_wait3A_1169 : memref<1x8x128xf32, #tpu.memory_space<vmem>> -> memref<8x128xf32, #tpu.memory_space<vmem>>
      %dma_wait3A_1171 = arith.constant 0 : i32
      %dma_wait3A_1172 = arith.constant 0 : i32
      %dma_wait3A_1173 = tpu.memref_slice %arg2[%dma_wait3A_1171, %dma_wait3A_1172] : memref<32x1000000xf32, #tpu.memory_space<hbm>> -> memref<8x128xf32, #tpu.memory_space<hbm>>
      tpu.wait_dma2 semaphore(%arg10 : memref<!tpu.dma_semaphore, #tpu.memory_space<semaphore_mem>>) src(%dma_wait3A_1173 : memref<8x128xf32, #tpu.memory_space<hbm>>) dst(%dma_wait3A_1170 : memref<8x128xf32, #tpu.memory_space<vmem>>)
      %dma_wait3A_1174 = arith.constant 4 : i32
      %dma_wait3A_1175 = arith.constant 0 : i32
      %dma_wait3A_1176 = arith.constant 0 : i32
      %dma_wait3A_1177 = tpu.memref_slice %arg5[%dma_wait3A_1174, %dma_wait3A_1175, %dma_wait3A_1176] : memref<16x8x128xf32, #tpu.memory_space<vmem>> -> memref<1x8x128xf32, #tpu.memory_space<vmem>>
      %dma_wait3A_1178 = tpu.memref_squeeze %dma_wait3A_1177 : memref<1x8x128xf32, #tpu.memory_space<vmem>> -> memref<8x128xf32, #tpu.memory_space<vmem>>
      %dma_wait3A_1179 = arith.constant 0 : i32
      %dma_wait3A_1180 = arith.constant 0 : i32
      %dma_wait3A_1181 = tpu.memref_slice %arg2[%dma_wait3A_1179, %dma_wait3A_1180] : memref<32x1000000xf32, #tpu.memory_space<hbm>> -> memref<8x128xf32, #tpu.memory_space<hbm>>
      %dma_wait3A_1182 = arith.constant 0 : i32
      %dma_wait3A_1183 = arith.constant 0 : i32
      %dma_wait3A_1184 = tpu.memref_slice %arg5[%dma_wait3A_1174, %dma_wait3A_1182, %dma_wait3A_1183] : memref<16x8x128xf32, #tpu.memory_space<vmem>> -> memref<1x8x128xf32, #tpu.memory_space<vmem>>
      %dma_wait3A_1185 = tpu.memref_squeeze %dma_wait3A_1184 : memref<1x8x128xf32, #tpu.memory_space<vmem>> -> memref<8x128xf32, #tpu.memory_space<vmem>>
      %dma_wait3A_1186 = arith.constant 0 : i32
      %dma_wait3A_1187 = arith.constant 0 : i32
      %dma_wait3A_1188 = tpu.memref_slice %arg2[%dma_wait3A_1186, %dma_wait3A_1187] : memref<32x1000000xf32, #tpu.memory_space<hbm>> -> memref<8x128xf32, #tpu.memory_space<hbm>>
      tpu.wait_dma2 semaphore(%arg10 : memref<!tpu.dma_semaphore, #tpu.memory_space<semaphore_mem>>) src(%dma_wait3A_1188 : memref<8x128xf32, #tpu.memory_space<hbm>>) dst(%dma_wait3A_1185 : memref<8x128xf32, #tpu.memory_space<vmem>>)
      %dma_wait3A_1189 = arith.constant 5 : i32
      %dma_wait3A_1190 = arith.constant 0 : i32
      %dma_wait3A_1191 = arith.constant 0 : i32
      %dma_wait3A_1192 = tpu.memref_slice %arg5[%dma_wait3A_1189, %dma_wait3A_1190, %dma_wait3A_1191] : memref<16x8x128xf32, #tpu.memory_space<vmem>> -> memref<1x8x128xf32, #tpu.memory_space<vmem>>
      %dma_wait3A_1193 = tpu.memref_squeeze %dma_wait3A_1192 : memref<1x8x128xf32, #tpu.memory_space<vmem>> -> memref<8x128xf32, #tpu.memory_space<vmem>>
      %dma_wait3A_1194 = arith.constant 0 : i32
      %dma_wait3A_1195 = arith.constant 0 : i32
      %dma_wait3A_1196 = tpu.memref_slice %arg2[%dma_wait3A_1194, %dma_wait3A_1195] : memref<32x1000000xf32, #tpu.memory_space<hbm>> -> memref<8x128xf32, #tpu.memory_space<hbm>>
      %dma_wait3A_1197 = arith.constant 0 : i32
      %dma_wait3A_1198 = arith.constant 0 : i32
      %dma_wait3A_1199 = tpu.memref_slice %arg5[%dma_wait3A_1189, %dma_wait3A_1197, %dma_wait3A_1198] : memref<16x8x128xf32, #tpu.memory_space<vmem>> -> memref<1x8x128xf32, #tpu.memory_space<vmem>>
      %dma_wait3A_1200 = tpu.memref_squeeze %dma_wait3A_1199 : memref<1x8x128xf32, #tpu.memory_space<vmem>> -> memref<8x128xf32, #tpu.memory_space<vmem>>
      %dma_wait3A_1201 = arith.constant 0 : i32
      %dma_wait3A_1202 = arith.constant 0 : i32
      %dma_wait3A_1203 = tpu.memref_slice %arg2[%dma_wait3A_1201, %dma_wait3A_1202] : memref<32x1000000xf32, #tpu.memory_space<hbm>> -> memref<8x128xf32, #tpu.memory_space<hbm>>
      tpu.wait_dma2 semaphore(%arg10 : memref<!tpu.dma_semaphore, #tpu.memory_space<semaphore_mem>>) src(%dma_wait3A_1203 : memref<8x128xf32, #tpu.memory_space<hbm>>) dst(%dma_wait3A_1200 : memref<8x128xf32, #tpu.memory_space<vmem>>)
      %dma_wait3A_1204 = arith.constant 6 : i32
      %dma_wait3A_1205 = arith.constant 0 : i32
      %dma_wait3A_1206 = arith.constant 0 : i32
      %dma_wait3A_1207 = tpu.memref_slice %arg5[%dma_wait3A_1204, %dma_wait3A_1205, %dma_wait3A_1206] : memref<16x8x128xf32, #tpu.memory_space<vmem>> -> memref<1x8x128xf32, #tpu.memory_space<vmem>>
      %dma_wait3A_1208 = tpu.memref_squeeze %dma_wait3A_1207 : memref<1x8x128xf32, #tpu.memory_space<vmem>> -> memref<8x128xf32, #tpu.memory_space<vmem>>
      %dma_wait3A_1209 = arith.constant 0 : i32
      %dma_wait3A_1210 = arith.constant 0 : i32
      %dma_wait3A_1211 = tpu.memref_slice %arg2[%dma_wait3A_1209, %dma_wait3A_1210] : memref<32x1000000xf32, #tpu.memory_space<hbm>> -> memref<8x128xf32, #tpu.memory_space<hbm>>
      %dma_wait3A_1212 = arith.constant 0 : i32
      %dma_wait3A_1213 = arith.constant 0 : i32
      %dma_wait3A_1214 = tpu.memref_slice %arg5[%dma_wait3A_1204, %dma_wait3A_1212, %dma_wait3A_1213] : memref<16x8x128xf32, #tpu.memory_space<vmem>> -> memref<1x8x128xf32, #tpu.memory_space<vmem>>
      %dma_wait3A_1215 = tpu.memref_squeeze %dma_wait3A_1214 : memref<1x8x128xf32, #tpu.memory_space<vmem>> -> memref<8x128xf32, #tpu.memory_space<vmem>>
      %dma_wait3A_1216 = arith.constant 0 : i32
      %dma_wait3A_1217 = arith.constant 0 : i32
      %dma_wait3A_1218 = tpu.memref_slice %arg2[%dma_wait3A_1216, %dma_wait3A_1217] : memref<32x1000000xf32, #tpu.memory_space<hbm>> -> memref<8x128xf32, #tpu.memory_space<hbm>>
      tpu.wait_dma2 semaphore(%arg10 : memref<!tpu.dma_semaphore, #tpu.memory_space<semaphore_mem>>) src(%dma_wait3A_1218 : memref<8x128xf32, #tpu.memory_space<hbm>>) dst(%dma_wait3A_1215 : memref<8x128xf32, #tpu.memory_space<vmem>>)
      %dma_wait3A_1219 = arith.constant 7 : i32
      %dma_wait3A_1220 = arith.constant 0 : i32
      %dma_wait3A_1221 = arith.constant 0 : i32
      %dma_wait3A_1222 = tpu.memref_slice %arg5[%dma_wait3A_1219, %dma_wait3A_1220, %dma_wait3A_1221] : memref<16x8x128xf32, #tpu.memory_space<vmem>> -> memref<1x8x128xf32, #tpu.memory_space<vmem>>
      %dma_wait3A_1223 = tpu.memref_squeeze %dma_wait3A_1222 : memref<1x8x128xf32, #tpu.memory_space<vmem>> -> memref<8x128xf32, #tpu.memory_space<vmem>>
      %dma_wait3A_1224 = arith.constant 0 : i32
      %dma_wait3A_1225 = arith.constant 0 : i32
      %dma_wait3A_1226 = tpu.memref_slice %arg2[%dma_wait3A_1224, %dma_wait3A_1225] : memref<32x1000000xf32, #tpu.memory_space<hbm>> -> memref<8x128xf32, #tpu.memory_space<hbm>>
      %dma_wait3A_1227 = arith.constant 0 : i32
      %dma_wait3A_1228 = arith.constant 0 : i32
      %dma_wait3A_1229 = tpu.memref_slice %arg5[%dma_wait3A_1219, %dma_wait3A_1227, %dma_wait3A_1228] : memref<16x8x128xf32, #tpu.memory_space<vmem>> -> memref<1x8x128xf32, #tpu.memory_space<vmem>>
      %dma_wait3A_1230 = tpu.memref_squeeze %dma_wait3A_1229 : memref<1x8x128xf32, #tpu.memory_space<vmem>> -> memref<8x128xf32, #tpu.memory_space<vmem>>
      %dma_wait3A_1231 = arith.constant 0 : i32
      %dma_wait3A_1232 = arith.constant 0 : i32
      %dma_wait3A_1233 = tpu.memref_slice %arg2[%dma_wait3A_1231, %dma_wait3A_1232] : memref<32x1000000xf32, #tpu.memory_space<hbm>> -> memref<8x128xf32, #tpu.memory_space<hbm>>
      tpu.wait_dma2 semaphore(%arg10 : memref<!tpu.dma_semaphore, #tpu.memory_space<semaphore_mem>>) src(%dma_wait3A_1233 : memref<8x128xf32, #tpu.memory_space<hbm>>) dst(%dma_wait3A_1230 : memref<8x128xf32, #tpu.memory_space<vmem>>)
      %dma_wait3A_1234 = arith.constant 8 : i32
      %dma_wait3A_1235 = arith.constant 0 : i32
      %dma_wait3A_1236 = arith.constant 0 : i32
      %dma_wait3A_1237 = tpu.memref_slice %arg5[%dma_wait3A_1234, %dma_wait3A_1235, %dma_wait3A_1236] : memref<16x8x128xf32, #tpu.memory_space<vmem>> -> memref<1x8x128xf32, #tpu.memory_space<vmem>>
      %dma_wait3A_1238 = tpu.memref_squeeze %dma_wait3A_1237 : memref<1x8x128xf32, #tpu.memory_space<vmem>> -> memref<8x128xf32, #tpu.memory_space<vmem>>
      %dma_wait3A_1239 = arith.constant 0 : i32
      %dma_wait3A_1240 = arith.constant 0 : i32
      %dma_wait3A_1241 = tpu.memref_slice %arg2[%dma_wait3A_1239, %dma_wait3A_1240] : memref<32x1000000xf32, #tpu.memory_space<hbm>> -> memref<8x128xf32, #tpu.memory_space<hbm>>
      %dma_wait3A_1242 = arith.constant 0 : i32
      %dma_wait3A_1243 = arith.constant 0 : i32
      %dma_wait3A_1244 = tpu.memref_slice %arg5[%dma_wait3A_1234, %dma_wait3A_1242, %dma_wait3A_1243] : memref<16x8x128xf32, #tpu.memory_space<vmem>> -> memref<1x8x128xf32, #tpu.memory_space<vmem>>
      %dma_wait3A_1245 = tpu.memref_squeeze %dma_wait3A_1244 : memref<1x8x128xf32, #tpu.memory_space<vmem>> -> memref<8x128xf32, #tpu.memory_space<vmem>>
      %dma_wait3A_1246 = arith.constant 0 : i32
      %dma_wait3A_1247 = arith.constant 0 : i32
      %dma_wait3A_1248 = tpu.memref_slice %arg2[%dma_wait3A_1246, %dma_wait3A_1247] : memref<32x1000000xf32, #tpu.memory_space<hbm>> -> memref<8x128xf32, #tpu.memory_space<hbm>>
      tpu.wait_dma2 semaphore(%arg10 : memref<!tpu.dma_semaphore, #tpu.memory_space<semaphore_mem>>) src(%dma_wait3A_1248 : memref<8x128xf32, #tpu.memory_space<hbm>>) dst(%dma_wait3A_1245 : memref<8x128xf32, #tpu.memory_space<vmem>>)
      %dma_wait3A_1249 = arith.constant 9 : i32
      %dma_wait3A_1250 = arith.constant 0 : i32
      %dma_wait3A_1251 = arith.constant 0 : i32
      %dma_wait3A_1252 = tpu.memref_slice %arg5[%dma_wait3A_1249, %dma_wait3A_1250, %dma_wait3A_1251] : memref<16x8x128xf32, #tpu.memory_space<vmem>> -> memref<1x8x128xf32, #tpu.memory_space<vmem>>
      %dma_wait3A_1253 = tpu.memref_squeeze %dma_wait3A_1252 : memref<1x8x128xf32, #tpu.memory_space<vmem>> -> memref<8x128xf32, #tpu.memory_space<vmem>>
      %dma_wait3A_1254 = arith.constant 0 : i32
      %dma_wait3A_1255 = arith.constant 0 : i32
      %dma_wait3A_1256 = tpu.memref_slice %arg2[%dma_wait3A_1254, %dma_wait3A_1255] : memref<32x1000000xf32, #tpu.memory_space<hbm>> -> memref<8x128xf32, #tpu.memory_space<hbm>>
      %dma_wait3A_1257 = arith.constant 0 : i32
      %dma_wait3A_1258 = arith.constant 0 : i32
      %dma_wait3A_1259 = tpu.memref_slice %arg5[%dma_wait3A_1249, %dma_wait3A_1257, %dma_wait3A_1258] : memref<16x8x128xf32, #tpu.memory_space<vmem>> -> memref<1x8x128xf32, #tpu.memory_space<vmem>>
      %dma_wait3A_1260 = tpu.memref_squeeze %dma_wait3A_1259 : memref<1x8x128xf32, #tpu.memory_space<vmem>> -> memref<8x128xf32, #tpu.memory_space<vmem>>
      %dma_wait3A_1261 = arith.constant 0 : i32
      %dma_wait3A_1262 = arith.constant 0 : i32
      %dma_wait3A_1263 = tpu.memref_slice %arg2[%dma_wait3A_1261, %dma_wait3A_1262] : memref<32x1000000xf32, #tpu.memory_space<hbm>> -> memref<8x128xf32, #tpu.memory_space<hbm>>
      tpu.wait_dma2 semaphore(%arg10 : memref<!tpu.dma_semaphore, #tpu.memory_space<semaphore_mem>>) src(%dma_wait3A_1263 : memref<8x128xf32, #tpu.memory_space<hbm>>) dst(%dma_wait3A_1260 : memref<8x128xf32, #tpu.memory_space<vmem>>)
      %dma_wait3A_1264 = arith.constant 10 : i32
      %dma_wait3A_1265 = arith.constant 0 : i32
      %dma_wait3A_1266 = arith.constant 0 : i32
      %dma_wait3A_1267 = tpu.memref_slice %arg5[%dma_wait3A_1264, %dma_wait3A_1265, %dma_wait3A_1266] : memref<16x8x128xf32, #tpu.memory_space<vmem>> -> memref<1x8x128xf32, #tpu.memory_space<vmem>>
      %dma_wait3A_1268 = tpu.memref_squeeze %dma_wait3A_1267 : memref<1x8x128xf32, #tpu.memory_space<vmem>> -> memref<8x128xf32, #tpu.memory_space<vmem>>
      %dma_wait3A_1269 = arith.constant 0 : i32
      %dma_wait3A_1270 = arith.constant 0 : i32
      %dma_wait3A_1271 = tpu.memref_slice %arg2[%dma_wait3A_1269, %dma_wait3A_1270] : memref<32x1000000xf32, #tpu.memory_space<hbm>> -> memref<8x128xf32, #tpu.memory_space<hbm>>
      %dma_wait3A_1272 = arith.constant 0 : i32
      %dma_wait3A_1273 = arith.constant 0 : i32
      %dma_wait3A_1274 = tpu.memref_slice %arg5[%dma_wait3A_1264, %dma_wait3A_1272, %dma_wait3A_1273] : memref<16x8x128xf32, #tpu.memory_space<vmem>> -> memref<1x8x128xf32, #tpu.memory_space<vmem>>
      %dma_wait3A_1275 = tpu.memref_squeeze %dma_wait3A_1274 : memref<1x8x128xf32, #tpu.memory_space<vmem>> -> memref<8x128xf32, #tpu.memory_space<vmem>>
      %dma_wait3A_1276 = arith.constant 0 : i32
      %dma_wait3A_1277 = arith.constant 0 : i32
      %dma_wait3A_1278 = tpu.memref_slice %arg2[%dma_wait3A_1276, %dma_wait3A_1277] : memref<32x1000000xf32, #tpu.memory_space<hbm>> -> memref<8x128xf32, #tpu.memory_space<hbm>>
      tpu.wait_dma2 semaphore(%arg10 : memref<!tpu.dma_semaphore, #tpu.memory_space<semaphore_mem>>) src(%dma_wait3A_1278 : memref<8x128xf32, #tpu.memory_space<hbm>>) dst(%dma_wait3A_1275 : memref<8x128xf32, #tpu.memory_space<vmem>>)
      %dma_wait3A_1279 = arith.constant 11 : i32
      %dma_wait3A_1280 = arith.constant 0 : i32
      %dma_wait3A_1281 = arith.constant 0 : i32
      %dma_wait3A_1282 = tpu.memref_slice %arg5[%dma_wait3A_1279, %dma_wait3A_1280, %dma_wait3A_1281] : memref<16x8x128xf32, #tpu.memory_space<vmem>> -> memref<1x8x128xf32, #tpu.memory_space<vmem>>
      %dma_wait3A_1283 = tpu.memref_squeeze %dma_wait3A_1282 : memref<1x8x128xf32, #tpu.memory_space<vmem>> -> memref<8x128xf32, #tpu.memory_space<vmem>>
      %dma_wait3A_1284 = arith.constant 0 : i32
      %dma_wait3A_1285 = arith.constant 0 : i32
      %dma_wait3A_1286 = tpu.memref_slice %arg2[%dma_wait3A_1284, %dma_wait3A_1285] : memref<32x1000000xf32, #tpu.memory_space<hbm>> -> memref<8x128xf32, #tpu.memory_space<hbm>>
      %dma_wait3A_1287 = arith.constant 0 : i32
      %dma_wait3A_1288 = arith.constant 0 : i32
      %dma_wait3A_1289 = tpu.memref_slice %arg5[%dma_wait3A_1279, %dma_wait3A_1287, %dma_wait3A_1288] : memref<16x8x128xf32, #tpu.memory_space<vmem>> -> memref<1x8x128xf32, #tpu.memory_space<vmem>>
      %dma_wait3A_1290 = tpu.memref_squeeze %dma_wait3A_1289 : memref<1x8x128xf32, #tpu.memory_space<vmem>> -> memref<8x128xf32, #tpu.memory_space<vmem>>
      %dma_wait3A_1291 = arith.constant 0 : i32
      %dma_wait3A_1292 = arith.constant 0 : i32
      %dma_wait3A_1293 = tpu.memref_slice %arg2[%dma_wait3A_1291, %dma_wait3A_1292] : memref<32x1000000xf32, #tpu.memory_space<hbm>> -> memref<8x128xf32, #tpu.memory_space<hbm>>
      tpu.wait_dma2 semaphore(%arg10 : memref<!tpu.dma_semaphore, #tpu.memory_space<semaphore_mem>>) src(%dma_wait3A_1293 : memref<8x128xf32, #tpu.memory_space<hbm>>) dst(%dma_wait3A_1290 : memref<8x128xf32, #tpu.memory_space<vmem>>)
      %dma_wait3A_1294 = arith.constant 12 : i32
      %dma_wait3A_1295 = arith.constant 0 : i32
      %dma_wait3A_1296 = arith.constant 0 : i32
      %dma_wait3A_1297 = tpu.memref_slice %arg5[%dma_wait3A_1294, %dma_wait3A_1295, %dma_wait3A_1296] : memref<16x8x128xf32, #tpu.memory_space<vmem>> -> memref<1x8x128xf32, #tpu.memory_space<vmem>>
      %dma_wait3A_1298 = tpu.memref_squeeze %dma_wait3A_1297 : memref<1x8x128xf32, #tpu.memory_space<vmem>> -> memref<8x128xf32, #tpu.memory_space<vmem>>
      %dma_wait3A_1299 = arith.constant 0 : i32
      %dma_wait3A_1300 = arith.constant 0 : i32
      %dma_wait3A_1301 = tpu.memref_slice %arg2[%dma_wait3A_1299, %dma_wait3A_1300] : memref<32x1000000xf32, #tpu.memory_space<hbm>> -> memref<8x128xf32, #tpu.memory_space<hbm>>
      %dma_wait3A_1302 = arith.constant 0 : i32
      %dma_wait3A_1303 = arith.constant 0 : i32
      %dma_wait3A_1304 = tpu.memref_slice %arg5[%dma_wait3A_1294, %dma_wait3A_1302, %dma_wait3A_1303] : memref<16x8x128xf32, #tpu.memory_space<vmem>> -> memref<1x8x128xf32, #tpu.memory_space<vmem>>
      %dma_wait3A_1305 = tpu.memref_squeeze %dma_wait3A_1304 : memref<1x8x128xf32, #tpu.memory_space<vmem>> -> memref<8x128xf32, #tpu.memory_space<vmem>>
      %dma_wait3A_1306 = arith.constant 0 : i32
      %dma_wait3A_1307 = arith.constant 0 : i32
      %dma_wait3A_1308 = tpu.memref_slice %arg2[%dma_wait3A_1306, %dma_wait3A_1307] : memref<32x1000000xf32, #tpu.memory_space<hbm>> -> memref<8x128xf32, #tpu.memory_space<hbm>>
      tpu.wait_dma2 semaphore(%arg10 : memref<!tpu.dma_semaphore, #tpu.memory_space<semaphore_mem>>) src(%dma_wait3A_1308 : memref<8x128xf32, #tpu.memory_space<hbm>>) dst(%dma_wait3A_1305 : memref<8x128xf32, #tpu.memory_space<vmem>>)
      %dma_wait3A_1309 = arith.constant 13 : i32
      %dma_wait3A_1310 = arith.constant 0 : i32
      %dma_wait3A_1311 = arith.constant 0 : i32
      %dma_wait3A_1312 = tpu.memref_slice %arg5[%dma_wait3A_1309, %dma_wait3A_1310, %dma_wait3A_1311] : memref<16x8x128xf32, #tpu.memory_space<vmem>> -> memref<1x8x128xf32, #tpu.memory_space<vmem>>
      %dma_wait3A_1313 = tpu.memref_squeeze %dma_wait3A_1312 : memref<1x8x128xf32, #tpu.memory_space<vmem>> -> memref<8x128xf32, #tpu.memory_space<vmem>>
      %dma_wait3A_1314 = arith.constant 0 : i32
      %dma_wait3A_1315 = arith.constant 0 : i32
      %dma_wait3A_1316 = tpu.memref_slice %arg2[%dma_wait3A_1314, %dma_wait3A_1315] : memref<32x1000000xf32, #tpu.memory_space<hbm>> -> memref<8x128xf32, #tpu.memory_space<hbm>>
      %dma_wait3A_1317 = arith.constant 0 : i32
      %dma_wait3A_1318 = arith.constant 0 : i32
      %dma_wait3A_1319 = tpu.memref_slice %arg5[%dma_wait3A_1309, %dma_wait3A_1317, %dma_wait3A_1318] : memref<16x8x128xf32, #tpu.memory_space<vmem>> -> memref<1x8x128xf32, #tpu.memory_space<vmem>>
      %dma_wait3A_1320 = tpu.memref_squeeze %dma_wait3A_1319 : memref<1x8x128xf32, #tpu.memory_space<vmem>> -> memref<8x128xf32, #tpu.memory_space<vmem>>
      %dma_wait3A_1321 = arith.constant 0 : i32
      %dma_wait3A_1322 = arith.constant 0 : i32
      %dma_wait3A_1323 = tpu.memref_slice %arg2[%dma_wait3A_1321, %dma_wait3A_1322] : memref<32x1000000xf32, #tpu.memory_space<hbm>> -> memref<8x128xf32, #tpu.memory_space<hbm>>
      tpu.wait_dma2 semaphore(%arg10 : memref<!tpu.dma_semaphore, #tpu.memory_space<semaphore_mem>>) src(%dma_wait3A_1323 : memref<8x128xf32, #tpu.memory_space<hbm>>) dst(%dma_wait3A_1320 : memref<8x128xf32, #tpu.memory_space<vmem>>)
      %dma_wait3A_1324 = arith.constant 14 : i32
      %dma_wait3A_1325 = arith.constant 0 : i32
      %dma_wait3A_1326 = arith.constant 0 : i32
      %dma_wait3A_1327 = tpu.memref_slice %arg5[%dma_wait3A_1324, %dma_wait3A_1325, %dma_wait3A_1326] : memref<16x8x128xf32, #tpu.memory_space<vmem>> -> memref<1x8x128xf32, #tpu.memory_space<vmem>>
      %dma_wait3A_1328 = tpu.memref_squeeze %dma_wait3A_1327 : memref<1x8x128xf32, #tpu.memory_space<vmem>> -> memref<8x128xf32, #tpu.memory_space<vmem>>
      %dma_wait3A_1329 = arith.constant 0 : i32
      %dma_wait3A_1330 = arith.constant 0 : i32
      %dma_wait3A_1331 = tpu.memref_slice %arg2[%dma_wait3A_1329, %dma_wait3A_1330] : memref<32x1000000xf32, #tpu.memory_space<hbm>> -> memref<8x128xf32, #tpu.memory_space<hbm>>
      %dma_wait3A_1332 = arith.constant 0 : i32
      %dma_wait3A_1333 = arith.constant 0 : i32
      %dma_wait3A_1334 = tpu.memref_slice %arg5[%dma_wait3A_1324, %dma_wait3A_1332, %dma_wait3A_1333] : memref<16x8x128xf32, #tpu.memory_space<vmem>> -> memref<1x8x128xf32, #tpu.memory_space<vmem>>
      %dma_wait3A_1335 = tpu.memref_squeeze %dma_wait3A_1334 : memref<1x8x128xf32, #tpu.memory_space<vmem>> -> memref<8x128xf32, #tpu.memory_space<vmem>>
      %dma_wait3A_1336 = arith.constant 0 : i32
      %dma_wait3A_1337 = arith.constant 0 : i32
      %dma_wait3A_1338 = tpu.memref_slice %arg2[%dma_wait3A_1336, %dma_wait3A_1337] : memref<32x1000000xf32, #tpu.memory_space<hbm>> -> memref<8x128xf32, #tpu.memory_space<hbm>>
      tpu.wait_dma2 semaphore(%arg10 : memref<!tpu.dma_semaphore, #tpu.memory_space<semaphore_mem>>) src(%dma_wait3A_1338 : memref<8x128xf32, #tpu.memory_space<hbm>>) dst(%dma_wait3A_1335 : memref<8x128xf32, #tpu.memory_space<vmem>>)
      %dma_wait3A_1339 = arith.constant 15 : i32
      %dma_wait3A_1340 = arith.constant 0 : i32
      %dma_wait3A_1341 = arith.constant 0 : i32
      %dma_wait3A_1342 = tpu.memref_slice %arg5[%dma_wait3A_1339, %dma_wait3A_1340, %dma_wait3A_1341] : memref<16x8x128xf32, #tpu.memory_space<vmem>> -> memref<1x8x128xf32, #tpu.memory_space<vmem>>
      %dma_wait3A_1343 = tpu.memref_squeeze %dma_wait3A_1342 : memref<1x8x128xf32, #tpu.memory_space<vmem>> -> memref<8x128xf32, #tpu.memory_space<vmem>>
      %dma_wait3A_1344 = arith.constant 0 : i32
      %dma_wait3A_1345 = arith.constant 0 : i32
      %dma_wait3A_1346 = tpu.memref_slice %arg2[%dma_wait3A_1344, %dma_wait3A_1345] : memref<32x1000000xf32, #tpu.memory_space<hbm>> -> memref<8x128xf32, #tpu.memory_space<hbm>>
      %dma_wait3A_1347 = arith.constant 0 : i32
      %dma_wait3A_1348 = arith.constant 0 : i32
      %dma_wait3A_1349 = tpu.memref_slice %arg5[%dma_wait3A_1339, %dma_wait3A_1347, %dma_wait3A_1348] : memref<16x8x128xf32, #tpu.memory_space<vmem>> -> memref<1x8x128xf32, #tpu.memory_space<vmem>>
      %dma_wait3A_1350 = tpu.memref_squeeze %dma_wait3A_1349 : memref<1x8x128xf32, #tpu.memory_space<vmem>> -> memref<8x128xf32, #tpu.memory_space<vmem>>
      %dma_wait3A_1351 = arith.constant 0 : i32
      %dma_wait3A_1352 = arith.constant 0 : i32
      %dma_wait3A_1353 = tpu.memref_slice %arg2[%dma_wait3A_1351, %dma_wait3A_1352] : memref<32x1000000xf32, #tpu.memory_space<hbm>> -> memref<8x128xf32, #tpu.memory_space<hbm>>
      tpu.wait_dma2 semaphore(%arg10 : memref<!tpu.dma_semaphore, #tpu.memory_space<semaphore_mem>>) src(%dma_wait3A_1353 : memref<8x128xf32, #tpu.memory_space<hbm>>) dst(%dma_wait3A_1350 : memref<8x128xf32, #tpu.memory_space<vmem>>)
      %mul3A_1354 = arith.constant 512 : i32
      %mul3A_1355 = arith.muli %min3A_589, %mul3A_1354 : i32
      %add3A_1356 = arith.constant 0 : i32
      %add3A_1357 = arith.addi %mul3A_1355, %add3A_1356 : i32
      %dma_start3A_1358 = arith.constant 0 : i32
      %dma_start3A_1359 = arith.constant 0 : i32
      %dma_start3A_1360 = arith.constant 0 : i32
      %dma_start3A_1361 = tpu.memref_slice %arg4[%dma_start3A_1358, %dma_start3A_1359, %dma_start3A_1360] : memref<16x8x128xf32, #tpu.memory_space<vmem>> -> memref<1x8x128xf32, #tpu.memory_space<vmem>>
      %dma_start3A_1362 = tpu.memref_squeeze %dma_start3A_1361 : memref<1x8x128xf32, #tpu.memory_space<vmem>> -> memref<8x128xf32, #tpu.memory_space<vmem>>
      %dma_start3A_1363 = arith.constant 0 : i32
      %dma_start3A_1364 = tpu.memref_slice %arg2[%dma_start3A_1363, %add3A_1357] : memref<32x1000000xf32, #tpu.memory_space<hbm>> -> memref<8x128xf32, #tpu.memory_space<hbm>>
      %dma_start3A_1365 = arith.constant 0 : i32
      %dma_start3A_1366 = arith.constant 0 : i32
      %dma_start3A_1367 = tpu.memref_slice %arg4[%dma_start3A_1358, %dma_start3A_1365, %dma_start3A_1366] : memref<16x8x128xf32, #tpu.memory_space<vmem>> -> memref<1x8x128xf32, #tpu.memory_space<vmem>>
      %dma_start3A_1368 = tpu.memref_squeeze %dma_start3A_1367 : memref<1x8x128xf32, #tpu.memory_space<vmem>> -> memref<8x128xf32, #tpu.memory_space<vmem>>
      %dma_start3A_1369 = arith.constant 0 : i32
      %dma_start3A_1370 = tpu.memref_slice %arg2[%dma_start3A_1369, %add3A_1357] : memref<32x1000000xf32, #tpu.memory_space<hbm>> -> memref<8x128xf32, #tpu.memory_space<hbm>>
      tpu.enqueue_dma source(%dma_start3A_1370 : memref<8x128xf32, #tpu.memory_space<hbm>>) target(%dma_start3A_1368 : memref<8x128xf32, #tpu.memory_space<vmem>>) target_semaphore(%arg9 : memref<!tpu.dma_semaphore, #tpu.memory_space<semaphore_mem>>)
      %mul3A_1371 = arith.constant 512 : i32
      %mul3A_1372 = arith.muli %min3A_589, %mul3A_1371 : i32
      %add3A_1373 = arith.constant 128 : i32
      %add3A_1374 = arith.addi %mul3A_1372, %add3A_1373 : i32
      %dma_start3A_1375 = arith.constant 1 : i32
      %dma_start3A_1376 = arith.constant 0 : i32
      %dma_start3A_1377 = arith.constant 0 : i32
      %dma_start3A_1378 = tpu.memref_slice %arg4[%dma_start3A_1375, %dma_start3A_1376, %dma_start3A_1377] : memref<16x8x128xf32, #tpu.memory_space<vmem>> -> memref<1x8x128xf32, #tpu.memory_space<vmem>>
      %dma_start3A_1379 = tpu.memref_squeeze %dma_start3A_1378 : memref<1x8x128xf32, #tpu.memory_space<vmem>> -> memref<8x128xf32, #tpu.memory_space<vmem>>
      %dma_start3A_1380 = arith.constant 0 : i32
      %dma_start3A_1381 = tpu.memref_slice %arg2[%dma_start3A_1380, %add3A_1374] : memref<32x1000000xf32, #tpu.memory_space<hbm>> -> memref<8x128xf32, #tpu.memory_space<hbm>>
      %dma_start3A_1382 = arith.constant 0 : i32
      %dma_start3A_1383 = arith.constant 0 : i32
      %dma_start3A_1384 = tpu.memref_slice %arg4[%dma_start3A_1375, %dma_start3A_1382, %dma_start3A_1383] : memref<16x8x128xf32, #tpu.memory_space<vmem>> -> memref<1x8x128xf32, #tpu.memory_space<vmem>>
      %dma_start3A_1385 = tpu.memref_squeeze %dma_start3A_1384 : memref<1x8x128xf32, #tpu.memory_space<vmem>> -> memref<8x128xf32, #tpu.memory_space<vmem>>
      %dma_start3A_1386 = arith.constant 0 : i32
      %dma_start3A_1387 = tpu.memref_slice %arg2[%dma_start3A_1386, %add3A_1374] : memref<32x1000000xf32, #tpu.memory_space<hbm>> -> memref<8x128xf32, #tpu.memory_space<hbm>>
      tpu.enqueue_dma source(%dma_start3A_1387 : memref<8x128xf32, #tpu.memory_space<hbm>>) target(%dma_start3A_1385 : memref<8x128xf32, #tpu.memory_space<vmem>>) target_semaphore(%arg9 : memref<!tpu.dma_semaphore, #tpu.memory_space<semaphore_mem>>)
      %mul3A_1388 = arith.constant 512 : i32
      %mul3A_1389 = arith.muli %min3A_589, %mul3A_1388 : i32
      %add3A_1390 = arith.constant 256 : i32
      %add3A_1391 = arith.addi %mul3A_1389, %add3A_1390 : i32
      %dma_start3A_1392 = arith.constant 2 : i32
      %dma_start3A_1393 = arith.constant 0 : i32
      %dma_start3A_1394 = arith.constant 0 : i32
      %dma_start3A_1395 = tpu.memref_slice %arg4[%dma_start3A_1392, %dma_start3A_1393, %dma_start3A_1394] : memref<16x8x128xf32, #tpu.memory_space<vmem>> -> memref<1x8x128xf32, #tpu.memory_space<vmem>>
      %dma_start3A_1396 = tpu.memref_squeeze %dma_start3A_1395 : memref<1x8x128xf32, #tpu.memory_space<vmem>> -> memref<8x128xf32, #tpu.memory_space<vmem>>
      %dma_start3A_1397 = arith.constant 0 : i32
      %dma_start3A_1398 = tpu.memref_slice %arg2[%dma_start3A_1397, %add3A_1391] : memref<32x1000000xf32, #tpu.memory_space<hbm>> -> memref<8x128xf32, #tpu.memory_space<hbm>>
      %dma_start3A_1399 = arith.constant 0 : i32
      %dma_start3A_1400 = arith.constant 0 : i32
      %dma_start3A_1401 = tpu.memref_slice %arg4[%dma_start3A_1392, %dma_start3A_1399, %dma_start3A_1400] : memref<16x8x128xf32, #tpu.memory_space<vmem>> -> memref<1x8x128xf32, #tpu.memory_space<vmem>>
      %dma_start3A_1402 = tpu.memref_squeeze %dma_start3A_1401 : memref<1x8x128xf32, #tpu.memory_space<vmem>> -> memref<8x128xf32, #tpu.memory_space<vmem>>
      %dma_start3A_1403 = arith.constant 0 : i32
      %dma_start3A_1404 = tpu.memref_slice %arg2[%dma_start3A_1403, %add3A_1391] : memref<32x1000000xf32, #tpu.memory_space<hbm>> -> memref<8x128xf32, #tpu.memory_space<hbm>>
      tpu.enqueue_dma source(%dma_start3A_1404 : memref<8x128xf32, #tpu.memory_space<hbm>>) target(%dma_start3A_1402 : memref<8x128xf32, #tpu.memory_space<vmem>>) target_semaphore(%arg9 : memref<!tpu.dma_semaphore, #tpu.memory_space<semaphore_mem>>)
      %mul3A_1405 = arith.constant 512 : i32
      %mul3A_1406 = arith.muli %min3A_589, %mul3A_1405 : i32
      %add3A_1407 = arith.constant 384 : i32
      %add3A_1408 = arith.addi %mul3A_1406, %add3A_1407 : i32
      %dma_start3A_1409 = arith.constant 3 : i32
      %dma_start3A_1410 = arith.constant 0 : i32
      %dma_start3A_1411 = arith.constant 0 : i32
      %dma_start3A_1412 = tpu.memref_slice %arg4[%dma_start3A_1409, %dma_start3A_1410, %dma_start3A_1411] : memref<16x8x128xf32, #tpu.memory_space<vmem>> -> memref<1x8x128xf32, #tpu.memory_space<vmem>>
      %dma_start3A_1413 = tpu.memref_squeeze %dma_start3A_1412 : memref<1x8x128xf32, #tpu.memory_space<vmem>> -> memref<8x128xf32, #tpu.memory_space<vmem>>
      %dma_start3A_1414 = arith.constant 0 : i32
      %dma_start3A_1415 = tpu.memref_slice %arg2[%dma_start3A_1414, %add3A_1408] : memref<32x1000000xf32, #tpu.memory_space<hbm>> -> memref<8x128xf32, #tpu.memory_space<hbm>>
      %dma_start3A_1416 = arith.constant 0 : i32
      %dma_start3A_1417 = arith.constant 0 : i32
      %dma_start3A_1418 = tpu.memref_slice %arg4[%dma_start3A_1409, %dma_start3A_1416, %dma_start3A_1417] : memref<16x8x128xf32, #tpu.memory_space<vmem>> -> memref<1x8x128xf32, #tpu.memory_space<vmem>>
      %dma_start3A_1419 = tpu.memref_squeeze %dma_start3A_1418 : memref<1x8x128xf32, #tpu.memory_space<vmem>> -> memref<8x128xf32, #tpu.memory_space<vmem>>
      %dma_start3A_1420 = arith.constant 0 : i32
      %dma_start3A_1421 = tpu.memref_slice %arg2[%dma_start3A_1420, %add3A_1408] : memref<32x1000000xf32, #tpu.memory_space<hbm>> -> memref<8x128xf32, #tpu.memory_space<hbm>>
      tpu.enqueue_dma source(%dma_start3A_1421 : memref<8x128xf32, #tpu.memory_space<hbm>>) target(%dma_start3A_1419 : memref<8x128xf32, #tpu.memory_space<vmem>>) target_semaphore(%arg9 : memref<!tpu.dma_semaphore, #tpu.memory_space<semaphore_mem>>)
      %mul3A_1422 = arith.constant 512 : i32
      %mul3A_1423 = arith.muli %min3A_589, %mul3A_1422 : i32
      %add3A_1424 = arith.constant 0 : i32
      %add3A_1425 = arith.addi %mul3A_1423, %add3A_1424 : i32
      %dma_start3A_1426 = arith.constant 4 : i32
      %dma_start3A_1427 = arith.constant 0 : i32
      %dma_start3A_1428 = arith.constant 0 : i32
      %dma_start3A_1429 = tpu.memref_slice %arg4[%dma_start3A_1426, %dma_start3A_1427, %dma_start3A_1428] : memref<16x8x128xf32, #tpu.memory_space<vmem>> -> memref<1x8x128xf32, #tpu.memory_space<vmem>>
      %dma_start3A_1430 = tpu.memref_squeeze %dma_start3A_1429 : memref<1x8x128xf32, #tpu.memory_space<vmem>> -> memref<8x128xf32, #tpu.memory_space<vmem>>
      %dma_start3A_1431 = arith.constant 8 : i32
      %dma_start3A_1432 = tpu.memref_slice %arg2[%dma_start3A_1431, %add3A_1425] : memref<32x1000000xf32, #tpu.memory_space<hbm>> -> memref<8x128xf32, #tpu.memory_space<hbm>>
      %dma_start3A_1433 = arith.constant 0 : i32
      %dma_start3A_1434 = arith.constant 0 : i32
      %dma_start3A_1435 = tpu.memref_slice %arg4[%dma_start3A_1426, %dma_start3A_1433, %dma_start3A_1434] : memref<16x8x128xf32, #tpu.memory_space<vmem>> -> memref<1x8x128xf32, #tpu.memory_space<vmem>>
      %dma_start3A_1436 = tpu.memref_squeeze %dma_start3A_1435 : memref<1x8x128xf32, #tpu.memory_space<vmem>> -> memref<8x128xf32, #tpu.memory_space<vmem>>
      %dma_start3A_1437 = arith.constant 8 : i32
      %dma_start3A_1438 = tpu.memref_slice %arg2[%dma_start3A_1437, %add3A_1425] : memref<32x1000000xf32, #tpu.memory_space<hbm>> -> memref<8x128xf32, #tpu.memory_space<hbm>>
      tpu.enqueue_dma source(%dma_start3A_1438 : memref<8x128xf32, #tpu.memory_space<hbm>>) target(%dma_start3A_1436 : memref<8x128xf32, #tpu.memory_space<vmem>>) target_semaphore(%arg9 : memref<!tpu.dma_semaphore, #tpu.memory_space<semaphore_mem>>)
      %mul3A_1439 = arith.constant 512 : i32
      %mul3A_1440 = arith.muli %min3A_589, %mul3A_1439 : i32
      %add3A_1441 = arith.constant 128 : i32
      %add3A_1442 = arith.addi %mul3A_1440, %add3A_1441 : i32
      %dma_start3A_1443 = arith.constant 5 : i32
      %dma_start3A_1444 = arith.constant 0 : i32
      %dma_start3A_1445 = arith.constant 0 : i32
      %dma_start3A_1446 = tpu.memref_slice %arg4[%dma_start3A_1443, %dma_start3A_1444, %dma_start3A_1445] : memref<16x8x128xf32, #tpu.memory_space<vmem>> -> memref<1x8x128xf32, #tpu.memory_space<vmem>>
      %dma_start3A_1447 = tpu.memref_squeeze %dma_start3A_1446 : memref<1x8x128xf32, #tpu.memory_space<vmem>> -> memref<8x128xf32, #tpu.memory_space<vmem>>
      %dma_start3A_1448 = arith.constant 8 : i32
      %dma_start3A_1449 = tpu.memref_slice %arg2[%dma_start3A_1448, %add3A_1442] : memref<32x1000000xf32, #tpu.memory_space<hbm>> -> memref<8x128xf32, #tpu.memory_space<hbm>>
      %dma_start3A_1450 = arith.constant 0 : i32
      %dma_start3A_1451 = arith.constant 0 : i32
      %dma_start3A_1452 = tpu.memref_slice %arg4[%dma_start3A_1443, %dma_start3A_1450, %dma_start3A_1451] : memref<16x8x128xf32, #tpu.memory_space<vmem>> -> memref<1x8x128xf32, #tpu.memory_space<vmem>>
      %dma_start3A_1453 = tpu.memref_squeeze %dma_start3A_1452 : memref<1x8x128xf32, #tpu.memory_space<vmem>> -> memref<8x128xf32, #tpu.memory_space<vmem>>
      %dma_start3A_1454 = arith.constant 8 : i32
      %dma_start3A_1455 = tpu.memref_slice %arg2[%dma_start3A_1454, %add3A_1442] : memref<32x1000000xf32, #tpu.memory_space<hbm>> -> memref<8x128xf32, #tpu.memory_space<hbm>>
      tpu.enqueue_dma source(%dma_start3A_1455 : memref<8x128xf32, #tpu.memory_space<hbm>>) target(%dma_start3A_1453 : memref<8x128xf32, #tpu.memory_space<vmem>>) target_semaphore(%arg9 : memref<!tpu.dma_semaphore, #tpu.memory_space<semaphore_mem>>)
      %mul3A_1456 = arith.constant 512 : i32
      %mul3A_1457 = arith.muli %min3A_589, %mul3A_1456 : i32
      %add3A_1458 = arith.constant 256 : i32
      %add3A_1459 = arith.addi %mul3A_1457, %add3A_1458 : i32
      %dma_start3A_1460 = arith.constant 6 : i32
      %dma_start3A_1461 = arith.constant 0 : i32
      %dma_start3A_1462 = arith.constant 0 : i32
      %dma_start3A_1463 = tpu.memref_slice %arg4[%dma_start3A_1460, %dma_start3A_1461, %dma_start3A_1462] : memref<16x8x128xf32, #tpu.memory_space<vmem>> -> memref<1x8x128xf32, #tpu.memory_space<vmem>>
      %dma_start3A_1464 = tpu.memref_squeeze %dma_start3A_1463 : memref<1x8x128xf32, #tpu.memory_space<vmem>> -> memref<8x128xf32, #tpu.memory_space<vmem>>
      %dma_start3A_1465 = arith.constant 8 : i32
      %dma_start3A_1466 = tpu.memref_slice %arg2[%dma_start3A_1465, %add3A_1459] : memref<32x1000000xf32, #tpu.memory_space<hbm>> -> memref<8x128xf32, #tpu.memory_space<hbm>>
      %dma_start3A_1467 = arith.constant 0 : i32
      %dma_start3A_1468 = arith.constant 0 : i32
      %dma_start3A_1469 = tpu.memref_slice %arg4[%dma_start3A_1460, %dma_start3A_1467, %dma_start3A_1468] : memref<16x8x128xf32, #tpu.memory_space<vmem>> -> memref<1x8x128xf32, #tpu.memory_space<vmem>>
      %dma_start3A_1470 = tpu.memref_squeeze %dma_start3A_1469 : memref<1x8x128xf32, #tpu.memory_space<vmem>> -> memref<8x128xf32, #tpu.memory_space<vmem>>
      %dma_start3A_1471 = arith.constant 8 : i32
      %dma_start3A_1472 = tpu.memref_slice %arg2[%dma_start3A_1471, %add3A_1459] : memref<32x1000000xf32, #tpu.memory_space<hbm>> -> memref<8x128xf32, #tpu.memory_space<hbm>>
      tpu.enqueue_dma source(%dma_start3A_1472 : memref<8x128xf32, #tpu.memory_space<hbm>>) target(%dma_start3A_1470 : memref<8x128xf32, #tpu.memory_space<vmem>>) target_semaphore(%arg9 : memref<!tpu.dma_semaphore, #tpu.memory_space<semaphore_mem>>)
      %mul3A_1473 = arith.constant 512 : i32
      %mul3A_1474 = arith.muli %min3A_589, %mul3A_1473 : i32
      %add3A_1475 = arith.constant 384 : i32
      %add3A_1476 = arith.addi %mul3A_1474, %add3A_1475 : i32
      %dma_start3A_1477 = arith.constant 7 : i32
      %dma_start3A_1478 = arith.constant 0 : i32
      %dma_start3A_1479 = arith.constant 0 : i32
      %dma_start3A_1480 = tpu.memref_slice %arg4[%dma_start3A_1477, %dma_start3A_1478, %dma_start3A_1479] : memref<16x8x128xf32, #tpu.memory_space<vmem>> -> memref<1x8x128xf32, #tpu.memory_space<vmem>>
      %dma_start3A_1481 = tpu.memref_squeeze %dma_start3A_1480 : memref<1x8x128xf32, #tpu.memory_space<vmem>> -> memref<8x128xf32, #tpu.memory_space<vmem>>
      %dma_start3A_1482 = arith.constant 8 : i32
      %dma_start3A_1483 = tpu.memref_slice %arg2[%dma_start3A_1482, %add3A_1476] : memref<32x1000000xf32, #tpu.memory_space<hbm>> -> memref<8x128xf32, #tpu.memory_space<hbm>>
      %dma_start3A_1484 = arith.constant 0 : i32
      %dma_start3A_1485 = arith.constant 0 : i32
      %dma_start3A_1486 = tpu.memref_slice %arg4[%dma_start3A_1477, %dma_start3A_1484, %dma_start3A_1485] : memref<16x8x128xf32, #tpu.memory_space<vmem>> -> memref<1x8x128xf32, #tpu.memory_space<vmem>>
      %dma_start3A_1487 = tpu.memref_squeeze %dma_start3A_1486 : memref<1x8x128xf32, #tpu.memory_space<vmem>> -> memref<8x128xf32, #tpu.memory_space<vmem>>
      %dma_start3A_1488 = arith.constant 8 : i32
      %dma_start3A_1489 = tpu.memref_slice %arg2[%dma_start3A_1488, %add3A_1476] : memref<32x1000000xf32, #tpu.memory_space<hbm>> -> memref<8x128xf32, #tpu.memory_space<hbm>>
      tpu.enqueue_dma source(%dma_start3A_1489 : memref<8x128xf32, #tpu.memory_space<hbm>>) target(%dma_start3A_1487 : memref<8x128xf32, #tpu.memory_space<vmem>>) target_semaphore(%arg9 : memref<!tpu.dma_semaphore, #tpu.memory_space<semaphore_mem>>)
      %mul3A_1490 = arith.constant 512 : i32
      %mul3A_1491 = arith.muli %min3A_589, %mul3A_1490 : i32
      %add3A_1492 = arith.constant 0 : i32
      %add3A_1493 = arith.addi %mul3A_1491, %add3A_1492 : i32
      %dma_start3A_1494 = arith.constant 8 : i32
      %dma_start3A_1495 = arith.constant 0 : i32
      %dma_start3A_1496 = arith.constant 0 : i32
      %dma_start3A_1497 = tpu.memref_slice %arg4[%dma_start3A_1494, %dma_start3A_1495, %dma_start3A_1496] : memref<16x8x128xf32, #tpu.memory_space<vmem>> -> memref<1x8x128xf32, #tpu.memory_space<vmem>>
      %dma_start3A_1498 = tpu.memref_squeeze %dma_start3A_1497 : memref<1x8x128xf32, #tpu.memory_space<vmem>> -> memref<8x128xf32, #tpu.memory_space<vmem>>
      %dma_start3A_1499 = arith.constant 16 : i32
      %dma_start3A_1500 = tpu.memref_slice %arg2[%dma_start3A_1499, %add3A_1493] : memref<32x1000000xf32, #tpu.memory_space<hbm>> -> memref<8x128xf32, #tpu.memory_space<hbm>>
      %dma_start3A_1501 = arith.constant 0 : i32
      %dma_start3A_1502 = arith.constant 0 : i32
      %dma_start3A_1503 = tpu.memref_slice %arg4[%dma_start3A_1494, %dma_start3A_1501, %dma_start3A_1502] : memref<16x8x128xf32, #tpu.memory_space<vmem>> -> memref<1x8x128xf32, #tpu.memory_space<vmem>>
      %dma_start3A_1504 = tpu.memref_squeeze %dma_start3A_1503 : memref<1x8x128xf32, #tpu.memory_space<vmem>> -> memref<8x128xf32, #tpu.memory_space<vmem>>
      %dma_start3A_1505 = arith.constant 16 : i32
      %dma_start3A_1506 = tpu.memref_slice %arg2[%dma_start3A_1505, %add3A_1493] : memref<32x1000000xf32, #tpu.memory_space<hbm>> -> memref<8x128xf32, #tpu.memory_space<hbm>>
      tpu.enqueue_dma source(%dma_start3A_1506 : memref<8x128xf32, #tpu.memory_space<hbm>>) target(%dma_start3A_1504 : memref<8x128xf32, #tpu.memory_space<vmem>>) target_semaphore(%arg9 : memref<!tpu.dma_semaphore, #tpu.memory_space<semaphore_mem>>)
      %mul3A_1507 = arith.constant 512 : i32
      %mul3A_1508 = arith.muli %min3A_589, %mul3A_1507 : i32
      %add3A_1509 = arith.constant 128 : i32
      %add3A_1510 = arith.addi %mul3A_1508, %add3A_1509 : i32
      %dma_start3A_1511 = arith.constant 9 : i32
      %dma_start3A_1512 = arith.constant 0 : i32
      %dma_start3A_1513 = arith.constant 0 : i32
      %dma_start3A_1514 = tpu.memref_slice %arg4[%dma_start3A_1511, %dma_start3A_1512, %dma_start3A_1513] : memref<16x8x128xf32, #tpu.memory_space<vmem>> -> memref<1x8x128xf32, #tpu.memory_space<vmem>>
      %dma_start3A_1515 = tpu.memref_squeeze %dma_start3A_1514 : memref<1x8x128xf32, #tpu.memory_space<vmem>> -> memref<8x128xf32, #tpu.memory_space<vmem>>
      %dma_start3A_1516 = arith.constant 16 : i32
      %dma_start3A_1517 = tpu.memref_slice %arg2[%dma_start3A_1516, %add3A_1510] : memref<32x1000000xf32, #tpu.memory_space<hbm>> -> memref<8x128xf32, #tpu.memory_space<hbm>>
      %dma_start3A_1518 = arith.constant 0 : i32
      %dma_start3A_1519 = arith.constant 0 : i32
      %dma_start3A_1520 = tpu.memref_slice %arg4[%dma_start3A_1511, %dma_start3A_1518, %dma_start3A_1519] : memref<16x8x128xf32, #tpu.memory_space<vmem>> -> memref<1x8x128xf32, #tpu.memory_space<vmem>>
      %dma_start3A_1521 = tpu.memref_squeeze %dma_start3A_1520 : memref<1x8x128xf32, #tpu.memory_space<vmem>> -> memref<8x128xf32, #tpu.memory_space<vmem>>
      %dma_start3A_1522 = arith.constant 16 : i32
      %dma_start3A_1523 = tpu.memref_slice %arg2[%dma_start3A_1522, %add3A_1510] : memref<32x1000000xf32, #tpu.memory_space<hbm>> -> memref<8x128xf32, #tpu.memory_space<hbm>>
      tpu.enqueue_dma source(%dma_start3A_1523 : memref<8x128xf32, #tpu.memory_space<hbm>>) target(%dma_start3A_1521 : memref<8x128xf32, #tpu.memory_space<vmem>>) target_semaphore(%arg9 : memref<!tpu.dma_semaphore, #tpu.memory_space<semaphore_mem>>)
      %mul3A_1524 = arith.constant 512 : i32
      %mul3A_1525 = arith.muli %min3A_589, %mul3A_1524 : i32
      %add3A_1526 = arith.constant 256 : i32
      %add3A_1527 = arith.addi %mul3A_1525, %add3A_1526 : i32
      %dma_start3A_1528 = arith.constant 10 : i32
      %dma_start3A_1529 = arith.constant 0 : i32
      %dma_start3A_1530 = arith.constant 0 : i32
      %dma_start3A_1531 = tpu.memref_slice %arg4[%dma_start3A_1528, %dma_start3A_1529, %dma_start3A_1530] : memref<16x8x128xf32, #tpu.memory_space<vmem>> -> memref<1x8x128xf32, #tpu.memory_space<vmem>>
      %dma_start3A_1532 = tpu.memref_squeeze %dma_start3A_1531 : memref<1x8x128xf32, #tpu.memory_space<vmem>> -> memref<8x128xf32, #tpu.memory_space<vmem>>
      %dma_start3A_1533 = arith.constant 16 : i32
      %dma_start3A_1534 = tpu.memref_slice %arg2[%dma_start3A_1533, %add3A_1527] : memref<32x1000000xf32, #tpu.memory_space<hbm>> -> memref<8x128xf32, #tpu.memory_space<hbm>>
      %dma_start3A_1535 = arith.constant 0 : i32
      %dma_start3A_1536 = arith.constant 0 : i32
      %dma_start3A_1537 = tpu.memref_slice %arg4[%dma_start3A_1528, %dma_start3A_1535, %dma_start3A_1536] : memref<16x8x128xf32, #tpu.memory_space<vmem>> -> memref<1x8x128xf32, #tpu.memory_space<vmem>>
      %dma_start3A_1538 = tpu.memref_squeeze %dma_start3A_1537 : memref<1x8x128xf32, #tpu.memory_space<vmem>> -> memref<8x128xf32, #tpu.memory_space<vmem>>
      %dma_start3A_1539 = arith.constant 16 : i32
      %dma_start3A_1540 = tpu.memref_slice %arg2[%dma_start3A_1539, %add3A_1527] : memref<32x1000000xf32, #tpu.memory_space<hbm>> -> memref<8x128xf32, #tpu.memory_space<hbm>>
      tpu.enqueue_dma source(%dma_start3A_1540 : memref<8x128xf32, #tpu.memory_space<hbm>>) target(%dma_start3A_1538 : memref<8x128xf32, #tpu.memory_space<vmem>>) target_semaphore(%arg9 : memref<!tpu.dma_semaphore, #tpu.memory_space<semaphore_mem>>)
      %mul3A_1541 = arith.constant 512 : i32
      %mul3A_1542 = arith.muli %min3A_589, %mul3A_1541 : i32
      %add3A_1543 = arith.constant 384 : i32
      %add3A_1544 = arith.addi %mul3A_1542, %add3A_1543 : i32
      %dma_start3A_1545 = arith.constant 11 : i32
      %dma_start3A_1546 = arith.constant 0 : i32
      %dma_start3A_1547 = arith.constant 0 : i32
      %dma_start3A_1548 = tpu.memref_slice %arg4[%dma_start3A_1545, %dma_start3A_1546, %dma_start3A_1547] : memref<16x8x128xf32, #tpu.memory_space<vmem>> -> memref<1x8x128xf32, #tpu.memory_space<vmem>>
      %dma_start3A_1549 = tpu.memref_squeeze %dma_start3A_1548 : memref<1x8x128xf32, #tpu.memory_space<vmem>> -> memref<8x128xf32, #tpu.memory_space<vmem>>
      %dma_start3A_1550 = arith.constant 16 : i32
      %dma_start3A_1551 = tpu.memref_slice %arg2[%dma_start3A_1550, %add3A_1544] : memref<32x1000000xf32, #tpu.memory_space<hbm>> -> memref<8x128xf32, #tpu.memory_space<hbm>>
      %dma_start3A_1552 = arith.constant 0 : i32
      %dma_start3A_1553 = arith.constant 0 : i32
      %dma_start3A_1554 = tpu.memref_slice %arg4[%dma_start3A_1545, %dma_start3A_1552, %dma_start3A_1553] : memref<16x8x128xf32, #tpu.memory_space<vmem>> -> memref<1x8x128xf32, #tpu.memory_space<vmem>>
      %dma_start3A_1555 = tpu.memref_squeeze %dma_start3A_1554 : memref<1x8x128xf32, #tpu.memory_space<vmem>> -> memref<8x128xf32, #tpu.memory_space<vmem>>
      %dma_start3A_1556 = arith.constant 16 : i32
      %dma_start3A_1557 = tpu.memref_slice %arg2[%dma_start3A_1556, %add3A_1544] : memref<32x1000000xf32, #tpu.memory_space<hbm>> -> memref<8x128xf32, #tpu.memory_space<hbm>>
      tpu.enqueue_dma source(%dma_start3A_1557 : memref<8x128xf32, #tpu.memory_space<hbm>>) target(%dma_start3A_1555 : memref<8x128xf32, #tpu.memory_space<vmem>>) target_semaphore(%arg9 : memref<!tpu.dma_semaphore, #tpu.memory_space<semaphore_mem>>)
      %mul3A_1558 = arith.constant 512 : i32
      %mul3A_1559 = arith.muli %min3A_589, %mul3A_1558 : i32
      %add3A_1560 = arith.constant 0 : i32
      %add3A_1561 = arith.addi %mul3A_1559, %add3A_1560 : i32
      %dma_start3A_1562 = arith.constant 12 : i32
      %dma_start3A_1563 = arith.constant 0 : i32
      %dma_start3A_1564 = arith.constant 0 : i32
      %dma_start3A_1565 = tpu.memref_slice %arg4[%dma_start3A_1562, %dma_start3A_1563, %dma_start3A_1564] : memref<16x8x128xf32, #tpu.memory_space<vmem>> -> memref<1x8x128xf32, #tpu.memory_space<vmem>>
      %dma_start3A_1566 = tpu.memref_squeeze %dma_start3A_1565 : memref<1x8x128xf32, #tpu.memory_space<vmem>> -> memref<8x128xf32, #tpu.memory_space<vmem>>
      %dma_start3A_1567 = arith.constant 24 : i32
      %dma_start3A_1568 = tpu.memref_slice %arg2[%dma_start3A_1567, %add3A_1561] : memref<32x1000000xf32, #tpu.memory_space<hbm>> -> memref<8x128xf32, #tpu.memory_space<hbm>>
      %dma_start3A_1569 = arith.constant 0 : i32
      %dma_start3A_1570 = arith.constant 0 : i32
      %dma_start3A_1571 = tpu.memref_slice %arg4[%dma_start3A_1562, %dma_start3A_1569, %dma_start3A_1570] : memref<16x8x128xf32, #tpu.memory_space<vmem>> -> memref<1x8x128xf32, #tpu.memory_space<vmem>>
      %dma_start3A_1572 = tpu.memref_squeeze %dma_start3A_1571 : memref<1x8x128xf32, #tpu.memory_space<vmem>> -> memref<8x128xf32, #tpu.memory_space<vmem>>
      %dma_start3A_1573 = arith.constant 24 : i32
      %dma_start3A_1574 = tpu.memref_slice %arg2[%dma_start3A_1573, %add3A_1561] : memref<32x1000000xf32, #tpu.memory_space<hbm>> -> memref<8x128xf32, #tpu.memory_space<hbm>>
      tpu.enqueue_dma source(%dma_start3A_1574 : memref<8x128xf32, #tpu.memory_space<hbm>>) target(%dma_start3A_1572 : memref<8x128xf32, #tpu.memory_space<vmem>>) target_semaphore(%arg9 : memref<!tpu.dma_semaphore, #tpu.memory_space<semaphore_mem>>)
      %mul3A_1575 = arith.constant 512 : i32
      %mul3A_1576 = arith.muli %min3A_589, %mul3A_1575 : i32
      %add3A_1577 = arith.constant 128 : i32
      %add3A_1578 = arith.addi %mul3A_1576, %add3A_1577 : i32
      %dma_start3A_1579 = arith.constant 13 : i32
      %dma_start3A_1580 = arith.constant 0 : i32
      %dma_start3A_1581 = arith.constant 0 : i32
      %dma_start3A_1582 = tpu.memref_slice %arg4[%dma_start3A_1579, %dma_start3A_1580, %dma_start3A_1581] : memref<16x8x128xf32, #tpu.memory_space<vmem>> -> memref<1x8x128xf32, #tpu.memory_space<vmem>>
      %dma_start3A_1583 = tpu.memref_squeeze %dma_start3A_1582 : memref<1x8x128xf32, #tpu.memory_space<vmem>> -> memref<8x128xf32, #tpu.memory_space<vmem>>
      %dma_start3A_1584 = arith.constant 24 : i32
      %dma_start3A_1585 = tpu.memref_slice %arg2[%dma_start3A_1584, %add3A_1578] : memref<32x1000000xf32, #tpu.memory_space<hbm>> -> memref<8x128xf32, #tpu.memory_space<hbm>>
      %dma_start3A_1586 = arith.constant 0 : i32
      %dma_start3A_1587 = arith.constant 0 : i32
      %dma_start3A_1588 = tpu.memref_slice %arg4[%dma_start3A_1579, %dma_start3A_1586, %dma_start3A_1587] : memref<16x8x128xf32, #tpu.memory_space<vmem>> -> memref<1x8x128xf32, #tpu.memory_space<vmem>>
      %dma_start3A_1589 = tpu.memref_squeeze %dma_start3A_1588 : memref<1x8x128xf32, #tpu.memory_space<vmem>> -> memref<8x128xf32, #tpu.memory_space<vmem>>
      %dma_start3A_1590 = arith.constant 24 : i32
      %dma_start3A_1591 = tpu.memref_slice %arg2[%dma_start3A_1590, %add3A_1578] : memref<32x1000000xf32, #tpu.memory_space<hbm>> -> memref<8x128xf32, #tpu.memory_space<hbm>>
      tpu.enqueue_dma source(%dma_start3A_1591 : memref<8x128xf32, #tpu.memory_space<hbm>>) target(%dma_start3A_1589 : memref<8x128xf32, #tpu.memory_space<vmem>>) target_semaphore(%arg9 : memref<!tpu.dma_semaphore, #tpu.memory_space<semaphore_mem>>)
      %mul3A_1592 = arith.constant 512 : i32
      %mul3A_1593 = arith.muli %min3A_589, %mul3A_1592 : i32
      %add3A_1594 = arith.constant 256 : i32
      %add3A_1595 = arith.addi %mul3A_1593, %add3A_1594 : i32
      %dma_start3A_1596 = arith.constant 14 : i32
      %dma_start3A_1597 = arith.constant 0 : i32
      %dma_start3A_1598 = arith.constant 0 : i32
      %dma_start3A_1599 = tpu.memref_slice %arg4[%dma_start3A_1596, %dma_start3A_1597, %dma_start3A_1598] : memref<16x8x128xf32, #tpu.memory_space<vmem>> -> memref<1x8x128xf32, #tpu.memory_space<vmem>>
      %dma_start3A_1600 = tpu.memref_squeeze %dma_start3A_1599 : memref<1x8x128xf32, #tpu.memory_space<vmem>> -> memref<8x128xf32, #tpu.memory_space<vmem>>
      %dma_start3A_1601 = arith.constant 24 : i32
      %dma_start3A_1602 = tpu.memref_slice %arg2[%dma_start3A_1601, %add3A_1595] : memref<32x1000000xf32, #tpu.memory_space<hbm>> -> memref<8x128xf32, #tpu.memory_space<hbm>>
      %dma_start3A_1603 = arith.constant 0 : i32
      %dma_start3A_1604 = arith.constant 0 : i32
      %dma_start3A_1605 = tpu.memref_slice %arg4[%dma_start3A_1596, %dma_start3A_1603, %dma_start3A_1604] : memref<16x8x128xf32, #tpu.memory_space<vmem>> -> memref<1x8x128xf32, #tpu.memory_space<vmem>>
      %dma_start3A_1606 = tpu.memref_squeeze %dma_start3A_1605 : memref<1x8x128xf32, #tpu.memory_space<vmem>> -> memref<8x128xf32, #tpu.memory_space<vmem>>
      %dma_start3A_1607 = arith.constant 24 : i32
      %dma_start3A_1608 = tpu.memref_slice %arg2[%dma_start3A_1607, %add3A_1595] : memref<32x1000000xf32, #tpu.memory_space<hbm>> -> memref<8x128xf32, #tpu.memory_space<hbm>>
      tpu.enqueue_dma source(%dma_start3A_1608 : memref<8x128xf32, #tpu.memory_space<hbm>>) target(%dma_start3A_1606 : memref<8x128xf32, #tpu.memory_space<vmem>>) target_semaphore(%arg9 : memref<!tpu.dma_semaphore, #tpu.memory_space<semaphore_mem>>)
      %mul3A_1609 = arith.constant 512 : i32
      %mul3A_1610 = arith.muli %min3A_589, %mul3A_1609 : i32
      %add3A_1611 = arith.constant 384 : i32
      %add3A_1612 = arith.addi %mul3A_1610, %add3A_1611 : i32
      %dma_start3A_1613 = arith.constant 15 : i32
      %dma_start3A_1614 = arith.constant 0 : i32
      %dma_start3A_1615 = arith.constant 0 : i32
      %dma_start3A_1616 = tpu.memref_slice %arg4[%dma_start3A_1613, %dma_start3A_1614, %dma_start3A_1615] : memref<16x8x128xf32, #tpu.memory_space<vmem>> -> memref<1x8x128xf32, #tpu.memory_space<vmem>>
      %dma_start3A_1617 = tpu.memref_squeeze %dma_start3A_1616 : memref<1x8x128xf32, #tpu.memory_space<vmem>> -> memref<8x128xf32, #tpu.memory_space<vmem>>
      %dma_start3A_1618 = arith.constant 24 : i32
      %dma_start3A_1619 = tpu.memref_slice %arg2[%dma_start3A_1618, %add3A_1612] : memref<32x1000000xf32, #tpu.memory_space<hbm>> -> memref<8x128xf32, #tpu.memory_space<hbm>>
      %dma_start3A_1620 = arith.constant 0 : i32
      %dma_start3A_1621 = arith.constant 0 : i32
      %dma_start3A_1622 = tpu.memref_slice %arg4[%dma_start3A_1613, %dma_start3A_1620, %dma_start3A_1621] : memref<16x8x128xf32, #tpu.memory_space<vmem>> -> memref<1x8x128xf32, #tpu.memory_space<vmem>>
      %dma_start3A_1623 = tpu.memref_squeeze %dma_start3A_1622 : memref<1x8x128xf32, #tpu.memory_space<vmem>> -> memref<8x128xf32, #tpu.memory_space<vmem>>
      %dma_start3A_1624 = arith.constant 24 : i32
      %dma_start3A_1625 = tpu.memref_slice %arg2[%dma_start3A_1624, %add3A_1612] : memref<32x1000000xf32, #tpu.memory_space<hbm>> -> memref<8x128xf32, #tpu.memory_space<hbm>>
      tpu.enqueue_dma source(%dma_start3A_1625 : memref<8x128xf32, #tpu.memory_space<hbm>>) target(%dma_start3A_1623 : memref<8x128xf32, #tpu.memory_space<vmem>>) target_semaphore(%arg9 : memref<!tpu.dma_semaphore, #tpu.memory_space<semaphore_mem>>)
      %ge3A_1626 = arith.constant 1 : i32
      %ge3A_1627 = arith.cmpi sge, %scan3A_567, %ge3A_1626 : i32
      %convert_element_type3A_1628 = arith.extui %ge3A_1627 : i1 to i32
      %cond3A_1629 = arith.constant 0 : i32
      %cond3A_1630 = arith.cmpi ne, %convert_element_type3A_1628, %cond3A_1629 : i32
      scf.if %cond3A_1630 {
        %dma_wait3A_1640 = arith.constant 0 : i32
        %dma_wait3A_1641 = arith.constant 0 : i32
        %dma_wait3A_1642 = tpu.memref_slice %arg3[%dma_wait3A_1640, %dma_wait3A_1641] : memref<250000x128xf32, #tpu.memory_space<hbm>> -> memref<128x128xf32, #tpu.memory_space<hbm>>
        %dma_wait3A_1643 = arith.constant 0 : i32
        %dma_wait3A_1644 = arith.constant 0 : i32
        %dma_wait3A_1645 = tpu.memref_slice %arg3[%dma_wait3A_1643, %dma_wait3A_1644] : memref<250000x128xf32, #tpu.memory_space<hbm>> -> memref<128x128xf32, #tpu.memory_space<hbm>>
        tpu.wait_dma2 semaphore(%arg12 : memref<!tpu.dma_semaphore, #tpu.memory_space<semaphore_mem>>) src(%dma_wait3A_1645 : memref<128x128xf32, #tpu.memory_space<hbm>>) dst(%arg7 : memref<128x128xf32, #tpu.memory_space<vmem>>)
      } else {
      }
      %parallel_loop3A_1631 = arith.constant 0 : i32
      %parallel_loop3A_1632 = arith.constant 128 : i32
      %parallel_loop3A_1633 = arith.constant 1 : i32
      scf.for %parallel_loop3A_1640 = %parallel_loop3A_1631 to %parallel_loop3A_1632 step %parallel_loop3A_1633  : i32 {
        %parallel_loop3A_1641 = arith.constant 2 : i32
        %parallel_loop3A_1642 = arith.shli %parallel_loop3A_1640, %parallel_loop3A_1641 : i32
        %parallel_loop3A_1643 = arith.constant 0 : i32
        %parallel_loop3A_1644 = arith.addi %parallel_loop3A_1642, %parallel_loop3A_1643 : i32
        %parallel_loop3A_1645 = arith.constant 7 : i32
        %parallel_loop3A_1646 = arith.shrui %parallel_loop3A_1644, %parallel_loop3A_1645 : i32
        %parallel_loop3A_1647 = vector.broadcast %parallel_loop3A_1646 : i32 to vector<16xi32>
        %parallel_loop3A_1648 = arith.constant 127 : i32
        %parallel_loop3A_1649 = arith.andi %parallel_loop3A_1644, %parallel_loop3A_1648 : i32
        %parallel_loop3A_1650 = vector.broadcast %parallel_loop3A_1649 : i32 to vector<16xi32>
        %parallel_loop3A_1651 = arith.addi %shift_left3A_31, %parallel_loop3A_1647 : vector<16xi32>
        %parallel_loop3A_1652 = tpu.vector_load_idx %arg5[%parallel_loop3A_1651, %and3A_37, %parallel_loop3A_1650] : memref<16x8x128xf32, #tpu.memory_space<vmem>>[vector<16xi32>, vector<16xi32>, vector<16xi32>], vector<16xf32>,
        %parallel_loop3A_1653 = arith.index_cast %parallel_loop3A_1640 : i32 to index
        %parallel_loop3A_1654 = arith.constant 0 : index
        %parallel_loop3A_1655 = tpu.vector_load %arg7[%parallel_loop3A_1653, %parallel_loop3A_1654] {strides = array<i32>} : memref<128x128xf32, #tpu.memory_space<vmem>>, vector<16xf32>,
        tpu.vector_store %arg7[%parallel_loop3A_1653, %parallel_loop3A_1654], %parallel_loop3A_1652 {strides = array<i32>} : memref<128x128xf32, #tpu.memory_space<vmem>>, vector<16xf32>,
        %parallel_loop3A_1656 = arith.addi %add3A_34, %parallel_loop3A_1647 : vector<16xi32>
        %parallel_loop3A_1657 = tpu.vector_load_idx %arg5[%parallel_loop3A_1656, %and3A_37, %parallel_loop3A_1650] : memref<16x8x128xf32, #tpu.memory_space<vmem>>[vector<16xi32>, vector<16xi32>, vector<16xi32>], vector<16xf32>,
        %parallel_loop3A_1658 = arith.index_cast %parallel_loop3A_1640 : i32 to index
        %parallel_loop3A_1659 = arith.constant 16 : index
        %parallel_loop3A_1660 = tpu.vector_load %arg7[%parallel_loop3A_1658, %parallel_loop3A_1659] {strides = array<i32>} : memref<128x128xf32, #tpu.memory_space<vmem>>, vector<16xf32>,
        tpu.vector_store %arg7[%parallel_loop3A_1658, %parallel_loop3A_1659], %parallel_loop3A_1657 {strides = array<i32>} : memref<128x128xf32, #tpu.memory_space<vmem>>, vector<16xf32>,
        %parallel_loop3A_1661 = arith.constant 2 : i32
        %parallel_loop3A_1662 = arith.shli %parallel_loop3A_1640, %parallel_loop3A_1661 : i32
        %parallel_loop3A_1663 = arith.constant 1 : i32
        %parallel_loop3A_1664 = arith.addi %parallel_loop3A_1662, %parallel_loop3A_1663 : i32
        %parallel_loop3A_1665 = arith.constant 7 : i32
        %parallel_loop3A_1666 = arith.shrui %parallel_loop3A_1664, %parallel_loop3A_1665 : i32
        %parallel_loop3A_1667 = vector.broadcast %parallel_loop3A_1666 : i32 to vector<16xi32>
        %parallel_loop3A_1668 = arith.constant 127 : i32
        %parallel_loop3A_1669 = arith.andi %parallel_loop3A_1664, %parallel_loop3A_1668 : i32
        %parallel_loop3A_1670 = vector.broadcast %parallel_loop3A_1669 : i32 to vector<16xi32>
        %parallel_loop3A_1671 = arith.addi %shift_left3A_31, %parallel_loop3A_1667 : vector<16xi32>
        %parallel_loop3A_1672 = tpu.vector_load_idx %arg5[%parallel_loop3A_1671, %and3A_37, %parallel_loop3A_1670] : memref<16x8x128xf32, #tpu.memory_space<vmem>>[vector<16xi32>, vector<16xi32>, vector<16xi32>], vector<16xf32>,
        %parallel_loop3A_1673 = arith.index_cast %parallel_loop3A_1640 : i32 to index
        %parallel_loop3A_1674 = arith.constant 32 : index
        %parallel_loop3A_1675 = tpu.vector_load %arg7[%parallel_loop3A_1673, %parallel_loop3A_1674] {strides = array<i32>} : memref<128x128xf32, #tpu.memory_space<vmem>>, vector<16xf32>,
        tpu.vector_store %arg7[%parallel_loop3A_1673, %parallel_loop3A_1674], %parallel_loop3A_1672 {strides = array<i32>} : memref<128x128xf32, #tpu.memory_space<vmem>>, vector<16xf32>,
        %parallel_loop3A_1676 = arith.addi %add3A_34, %parallel_loop3A_1667 : vector<16xi32>
        %parallel_loop3A_1677 = tpu.vector_load_idx %arg5[%parallel_loop3A_1676, %and3A_37, %parallel_loop3A_1670] : memref<16x8x128xf32, #tpu.memory_space<vmem>>[vector<16xi32>, vector<16xi32>, vector<16xi32>], vector<16xf32>,
        %parallel_loop3A_1678 = arith.index_cast %parallel_loop3A_1640 : i32 to index
        %parallel_loop3A_1679 = arith.constant 48 : index
        %parallel_loop3A_1680 = tpu.vector_load %arg7[%parallel_loop3A_1678, %parallel_loop3A_1679] {strides = array<i32>} : memref<128x128xf32, #tpu.memory_space<vmem>>, vector<16xf32>,
        tpu.vector_store %arg7[%parallel_loop3A_1678, %parallel_loop3A_1679], %parallel_loop3A_1677 {strides = array<i32>} : memref<128x128xf32, #tpu.memory_space<vmem>>, vector<16xf32>,
        %parallel_loop3A_1681 = arith.constant 2 : i32
        %parallel_loop3A_1682 = arith.shli %parallel_loop3A_1640, %parallel_loop3A_1681 : i32
        %parallel_loop3A_1683 = arith.constant 2 : i32
        %parallel_loop3A_1684 = arith.addi %parallel_loop3A_1682, %parallel_loop3A_1683 : i32
        %parallel_loop3A_1685 = arith.constant 7 : i32
        %parallel_loop3A_1686 = arith.shrui %parallel_loop3A_1684, %parallel_loop3A_1685 : i32
        %parallel_loop3A_1687 = vector.broadcast %parallel_loop3A_1686 : i32 to vector<16xi32>
        %parallel_loop3A_1688 = arith.constant 127 : i32
        %parallel_loop3A_1689 = arith.andi %parallel_loop3A_1684, %parallel_loop3A_1688 : i32
        %parallel_loop3A_1690 = vector.broadcast %parallel_loop3A_1689 : i32 to vector<16xi32>
        %parallel_loop3A_1691 = arith.addi %shift_left3A_31, %parallel_loop3A_1687 : vector<16xi32>
        %parallel_loop3A_1692 = tpu.vector_load_idx %arg5[%parallel_loop3A_1691, %and3A_37, %parallel_loop3A_1690] : memref<16x8x128xf32, #tpu.memory_space<vmem>>[vector<16xi32>, vector<16xi32>, vector<16xi32>], vector<16xf32>,
        %parallel_loop3A_1693 = arith.index_cast %parallel_loop3A_1640 : i32 to index
        %parallel_loop3A_1694 = arith.constant 64 : index
        %parallel_loop3A_1695 = tpu.vector_load %arg7[%parallel_loop3A_1693, %parallel_loop3A_1694] {strides = array<i32>} : memref<128x128xf32, #tpu.memory_space<vmem>>, vector<16xf32>,
        tpu.vector_store %arg7[%parallel_loop3A_1693, %parallel_loop3A_1694], %parallel_loop3A_1692 {strides = array<i32>} : memref<128x128xf32, #tpu.memory_space<vmem>>, vector<16xf32>,
        %parallel_loop3A_1696 = arith.addi %add3A_34, %parallel_loop3A_1687 : vector<16xi32>
        %parallel_loop3A_1697 = tpu.vector_load_idx %arg5[%parallel_loop3A_1696, %and3A_37, %parallel_loop3A_1690] : memref<16x8x128xf32, #tpu.memory_space<vmem>>[vector<16xi32>, vector<16xi32>, vector<16xi32>], vector<16xf32>,
        %parallel_loop3A_1698 = arith.index_cast %parallel_loop3A_1640 : i32 to index
        %parallel_loop3A_1699 = arith.constant 80 : index
        %parallel_loop3A_1700 = tpu.vector_load %arg7[%parallel_loop3A_1698, %parallel_loop3A_1699] {strides = array<i32>} : memref<128x128xf32, #tpu.memory_space<vmem>>, vector<16xf32>,
        tpu.vector_store %arg7[%parallel_loop3A_1698, %parallel_loop3A_1699], %parallel_loop3A_1697 {strides = array<i32>} : memref<128x128xf32, #tpu.memory_space<vmem>>, vector<16xf32>,
        %parallel_loop3A_1701 = arith.constant 2 : i32
        %parallel_loop3A_1702 = arith.shli %parallel_loop3A_1640, %parallel_loop3A_1701 : i32
        %parallel_loop3A_1703 = arith.constant 3 : i32
        %parallel_loop3A_1704 = arith.addi %parallel_loop3A_1702, %parallel_loop3A_1703 : i32
        %parallel_loop3A_1705 = arith.constant 7 : i32
        %parallel_loop3A_1706 = arith.shrui %parallel_loop3A_1704, %parallel_loop3A_1705 : i32
        %parallel_loop3A_1707 = vector.broadcast %parallel_loop3A_1706 : i32 to vector<16xi32>
        %parallel_loop3A_1708 = arith.constant 127 : i32
        %parallel_loop3A_1709 = arith.andi %parallel_loop3A_1704, %parallel_loop3A_1708 : i32
        %parallel_loop3A_1710 = vector.broadcast %parallel_loop3A_1709 : i32 to vector<16xi32>
        %parallel_loop3A_1711 = arith.addi %shift_left3A_31, %parallel_loop3A_1707 : vector<16xi32>
        %parallel_loop3A_1712 = tpu.vector_load_idx %arg5[%parallel_loop3A_1711, %and3A_37, %parallel_loop3A_1710] : memref<16x8x128xf32, #tpu.memory_space<vmem>>[vector<16xi32>, vector<16xi32>, vector<16xi32>], vector<16xf32>,
        %parallel_loop3A_1713 = arith.index_cast %parallel_loop3A_1640 : i32 to index
        %parallel_loop3A_1714 = arith.constant 96 : index
        %parallel_loop3A_1715 = tpu.vector_load %arg7[%parallel_loop3A_1713, %parallel_loop3A_1714] {strides = array<i32>} : memref<128x128xf32, #tpu.memory_space<vmem>>, vector<16xf32>,
        tpu.vector_store %arg7[%parallel_loop3A_1713, %parallel_loop3A_1714], %parallel_loop3A_1712 {strides = array<i32>} : memref<128x128xf32, #tpu.memory_space<vmem>>, vector<16xf32>,
        %parallel_loop3A_1716 = arith.addi %add3A_34, %parallel_loop3A_1707 : vector<16xi32>
        %parallel_loop3A_1717 = tpu.vector_load_idx %arg5[%parallel_loop3A_1716, %and3A_37, %parallel_loop3A_1710] : memref<16x8x128xf32, #tpu.memory_space<vmem>>[vector<16xi32>, vector<16xi32>, vector<16xi32>], vector<16xf32>,
        %parallel_loop3A_1718 = arith.index_cast %parallel_loop3A_1640 : i32 to index
        %parallel_loop3A_1719 = arith.constant 112 : index
        %parallel_loop3A_1720 = tpu.vector_load %arg7[%parallel_loop3A_1718, %parallel_loop3A_1719] {strides = array<i32>} : memref<128x128xf32, #tpu.memory_space<vmem>>, vector<16xf32>,
        tpu.vector_store %arg7[%parallel_loop3A_1718, %parallel_loop3A_1719], %parallel_loop3A_1717 {strides = array<i32>} : memref<128x128xf32, #tpu.memory_space<vmem>>, vector<16xf32>,
      } {sc.loop_unroll_factor = 4 : i64, sc.parallel_access}
      %mul3A_1634 = arith.constant 128 : i32
      %mul3A_1635 = arith.muli %min3A_581, %mul3A_1634 : i32
      %dma_start3A_1636 = arith.constant 0 : i32
      %dma_start3A_1637 = tpu.memref_slice %arg3[%mul3A_1635, %dma_start3A_1636] : memref<250000x128xf32, #tpu.memory_space<hbm>> -> memref<128x128xf32, #tpu.memory_space<hbm>>
      %dma_start3A_1638 = arith.constant 0 : i32
      %dma_start3A_1639 = tpu.memref_slice %arg3[%mul3A_1635, %dma_start3A_1638] : memref<250000x128xf32, #tpu.memory_space<hbm>> -> memref<128x128xf32, #tpu.memory_space<hbm>>
      tpu.enqueue_dma source(%arg7 : memref<128x128xf32, #tpu.memory_space<vmem>>) target(%dma_start3A_1639 : memref<128x128xf32, #tpu.memory_space<hbm>>) target_semaphore(%arg12 : memref<!tpu.dma_semaphore, #tpu.memory_space<semaphore_mem>>)
    }
    %scan3A_313 = arith.constant 31 : i32
    %dma_wait3A = arith.constant 0 : i32
    %dma_wait3A_314 = arith.constant 0 : i32
    %dma_wait3A_315 = arith.constant 0 : i32
    %dma_wait3A_316 = tpu.memref_slice %arg4[%dma_wait3A, %dma_wait3A_314, %dma_wait3A_315] : memref<16x8x128xf32, #tpu.memory_space<vmem>> -> memref<1x8x128xf32, #tpu.memory_space<vmem>>
    %dma_wait3A_317 = tpu.memref_squeeze %dma_wait3A_316 : memref<1x8x128xf32, #tpu.memory_space<vmem>> -> memref<8x128xf32, #tpu.memory_space<vmem>>
    %dma_wait3A_318 = arith.constant 0 : i32
    %dma_wait3A_319 = arith.constant 0 : i32
    %dma_wait3A_320 = tpu.memref_slice %arg2[%dma_wait3A_318, %dma_wait3A_319] : memref<32x1000000xf32, #tpu.memory_space<hbm>> -> memref<8x128xf32, #tpu.memory_space<hbm>>
    %dma_wait3A_321 = arith.constant 0 : i32
    %dma_wait3A_322 = arith.constant 0 : i32
    %dma_wait3A_323 = tpu.memref_slice %arg4[%dma_wait3A, %dma_wait3A_321, %dma_wait3A_322] : memref<16x8x128xf32, #tpu.memory_space<vmem>> -> memref<1x8x128xf32, #tpu.memory_space<vmem>>
    %dma_wait3A_324 = tpu.memref_squeeze %dma_wait3A_323 : memref<1x8x128xf32, #tpu.memory_space<vmem>> -> memref<8x128xf32, #tpu.memory_space<vmem>>
    %dma_wait3A_325 = arith.constant 0 : i32
    %dma_wait3A_326 = arith.constant 0 : i32
    %dma_wait3A_327 = tpu.memref_slice %arg2[%dma_wait3A_325, %dma_wait3A_326] : memref<32x1000000xf32, #tpu.memory_space<hbm>> -> memref<8x128xf32, #tpu.memory_space<hbm>>
    tpu.wait_dma2 semaphore(%arg9 : memref<!tpu.dma_semaphore, #tpu.memory_space<semaphore_mem>>) src(%dma_wait3A_327 : memref<8x128xf32, #tpu.memory_space<hbm>>) dst(%dma_wait3A_324 : memref<8x128xf32, #tpu.memory_space<vmem>>)
    %dma_wait3A_328 = arith.constant 1 : i32
    %dma_wait3A_329 = arith.constant 0 : i32
    %dma_wait3A_330 = arith.constant 0 : i32
    %dma_wait3A_331 = tpu.memref_slice %arg4[%dma_wait3A_328, %dma_wait3A_329, %dma_wait3A_330] : memref<16x8x128xf32, #tpu.memory_space<vmem>> -> memref<1x8x128xf32, #tpu.memory_space<vmem>>
    %dma_wait3A_332 = tpu.memref_squeeze %dma_wait3A_331 : memref<1x8x128xf32, #tpu.memory_space<vmem>> -> memref<8x128xf32, #tpu.memory_space<vmem>>
    %dma_wait3A_333 = arith.constant 0 : i32
    %dma_wait3A_334 = arith.constant 0 : i32
    %dma_wait3A_335 = tpu.memref_slice %arg2[%dma_wait3A_333, %dma_wait3A_334] : memref<32x1000000xf32, #tpu.memory_space<hbm>> -> memref<8x128xf32, #tpu.memory_space<hbm>>
    %dma_wait3A_336 = arith.constant 0 : i32
    %dma_wait3A_337 = arith.constant 0 : i32
    %dma_wait3A_338 = tpu.memref_slice %arg4[%dma_wait3A_328, %dma_wait3A_336, %dma_wait3A_337] : memref<16x8x128xf32, #tpu.memory_space<vmem>> -> memref<1x8x128xf32, #tpu.memory_space<vmem>>
    %dma_wait3A_339 = tpu.memref_squeeze %dma_wait3A_338 : memref<1x8x128xf32, #tpu.memory_space<vmem>> -> memref<8x128xf32, #tpu.memory_space<vmem>>
    %dma_wait3A_340 = arith.constant 0 : i32
    %dma_wait3A_341 = arith.constant 0 : i32
    %dma_wait3A_342 = tpu.memref_slice %arg2[%dma_wait3A_340, %dma_wait3A_341] : memref<32x1000000xf32, #tpu.memory_space<hbm>> -> memref<8x128xf32, #tpu.memory_space<hbm>>
    tpu.wait_dma2 semaphore(%arg9 : memref<!tpu.dma_semaphore, #tpu.memory_space<semaphore_mem>>) src(%dma_wait3A_342 : memref<8x128xf32, #tpu.memory_space<hbm>>) dst(%dma_wait3A_339 : memref<8x128xf32, #tpu.memory_space<vmem>>)
    %dma_wait3A_343 = arith.constant 2 : i32
    %dma_wait3A_344 = arith.constant 0 : i32
    %dma_wait3A_345 = arith.constant 0 : i32
    %dma_wait3A_346 = tpu.memref_slice %arg4[%dma_wait3A_343, %dma_wait3A_344, %dma_wait3A_345] : memref<16x8x128xf32, #tpu.memory_space<vmem>> -> memref<1x8x128xf32, #tpu.memory_space<vmem>>
    %dma_wait3A_347 = tpu.memref_squeeze %dma_wait3A_346 : memref<1x8x128xf32, #tpu.memory_space<vmem>> -> memref<8x128xf32, #tpu.memory_space<vmem>>
    %dma_wait3A_348 = arith.constant 0 : i32
    %dma_wait3A_349 = arith.constant 0 : i32
    %dma_wait3A_350 = tpu.memref_slice %arg2[%dma_wait3A_348, %dma_wait3A_349] : memref<32x1000000xf32, #tpu.memory_space<hbm>> -> memref<8x128xf32, #tpu.memory_space<hbm>>
    %dma_wait3A_351 = arith.constant 0 : i32
    %dma_wait3A_352 = arith.constant 0 : i32
    %dma_wait3A_353 = tpu.memref_slice %arg4[%dma_wait3A_343, %dma_wait3A_351, %dma_wait3A_352] : memref<16x8x128xf32, #tpu.memory_space<vmem>> -> memref<1x8x128xf32, #tpu.memory_space<vmem>>
    %dma_wait3A_354 = tpu.memref_squeeze %dma_wait3A_353 : memref<1x8x128xf32, #tpu.memory_space<vmem>> -> memref<8x128xf32, #tpu.memory_space<vmem>>
    %dma_wait3A_355 = arith.constant 0 : i32
    %dma_wait3A_356 = arith.constant 0 : i32
    %dma_wait3A_357 = tpu.memref_slice %arg2[%dma_wait3A_355, %dma_wait3A_356] : memref<32x1000000xf32, #tpu.memory_space<hbm>> -> memref<8x128xf32, #tpu.memory_space<hbm>>
    tpu.wait_dma2 semaphore(%arg9 : memref<!tpu.dma_semaphore, #tpu.memory_space<semaphore_mem>>) src(%dma_wait3A_357 : memref<8x128xf32, #tpu.memory_space<hbm>>) dst(%dma_wait3A_354 : memref<8x128xf32, #tpu.memory_space<vmem>>)
    %dma_wait3A_358 = arith.constant 3 : i32
    %dma_wait3A_359 = arith.constant 0 : i32
    %dma_wait3A_360 = arith.constant 0 : i32
    %dma_wait3A_361 = tpu.memref_slice %arg4[%dma_wait3A_358, %dma_wait3A_359, %dma_wait3A_360] : memref<16x8x128xf32, #tpu.memory_space<vmem>> -> memref<1x8x128xf32, #tpu.memory_space<vmem>>
    %dma_wait3A_362 = tpu.memref_squeeze %dma_wait3A_361 : memref<1x8x128xf32, #tpu.memory_space<vmem>> -> memref<8x128xf32, #tpu.memory_space<vmem>>
    %dma_wait3A_363 = arith.constant 0 : i32
    %dma_wait3A_364 = arith.constant 0 : i32
    %dma_wait3A_365 = tpu.memref_slice %arg2[%dma_wait3A_363, %dma_wait3A_364] : memref<32x1000000xf32, #tpu.memory_space<hbm>> -> memref<8x128xf32, #tpu.memory_space<hbm>>
    %dma_wait3A_366 = arith.constant 0 : i32
    %dma_wait3A_367 = arith.constant 0 : i32
    %dma_wait3A_368 = tpu.memref_slice %arg4[%dma_wait3A_358, %dma_wait3A_366, %dma_wait3A_367] : memref<16x8x128xf32, #tpu.memory_space<vmem>> -> memref<1x8x128xf32, #tpu.memory_space<vmem>>
    %dma_wait3A_369 = tpu.memref_squeeze %dma_wait3A_368 : memref<1x8x128xf32, #tpu.memory_space<vmem>> -> memref<8x128xf32, #tpu.memory_space<vmem>>
    %dma_wait3A_370 = arith.constant 0 : i32
    %dma_wait3A_371 = arith.constant 0 : i32
    %dma_wait3A_372 = tpu.memref_slice %arg2[%dma_wait3A_370, %dma_wait3A_371] : memref<32x1000000xf32, #tpu.memory_space<hbm>> -> memref<8x128xf32, #tpu.memory_space<hbm>>
    tpu.wait_dma2 semaphore(%arg9 : memref<!tpu.dma_semaphore, #tpu.memory_space<semaphore_mem>>) src(%dma_wait3A_372 : memref<8x128xf32, #tpu.memory_space<hbm>>) dst(%dma_wait3A_369 : memref<8x128xf32, #tpu.memory_space<vmem>>)
    %dma_wait3A_373 = arith.constant 4 : i32
    %dma_wait3A_374 = arith.constant 0 : i32
    %dma_wait3A_375 = arith.constant 0 : i32
    %dma_wait3A_376 = tpu.memref_slice %arg4[%dma_wait3A_373, %dma_wait3A_374, %dma_wait3A_375] : memref<16x8x128xf32, #tpu.memory_space<vmem>> -> memref<1x8x128xf32, #tpu.memory_space<vmem>>
    %dma_wait3A_377 = tpu.memref_squeeze %dma_wait3A_376 : memref<1x8x128xf32, #tpu.memory_space<vmem>> -> memref<8x128xf32, #tpu.memory_space<vmem>>
    %dma_wait3A_378 = arith.constant 0 : i32
    %dma_wait3A_379 = arith.constant 0 : i32
    %dma_wait3A_380 = tpu.memref_slice %arg2[%dma_wait3A_378, %dma_wait3A_379] : memref<32x1000000xf32, #tpu.memory_space<hbm>> -> memref<8x128xf32, #tpu.memory_space<hbm>>
    %dma_wait3A_381 = arith.constant 0 : i32
    %dma_wait3A_382 = arith.constant 0 : i32
    %dma_wait3A_383 = tpu.memref_slice %arg4[%dma_wait3A_373, %dma_wait3A_381, %dma_wait3A_382] : memref<16x8x128xf32, #tpu.memory_space<vmem>> -> memref<1x8x128xf32, #tpu.memory_space<vmem>>
    %dma_wait3A_384 = tpu.memref_squeeze %dma_wait3A_383 : memref<1x8x128xf32, #tpu.memory_space<vmem>> -> memref<8x128xf32, #tpu.memory_space<vmem>>
    %dma_wait3A_385 = arith.constant 0 : i32
    %dma_wait3A_386 = arith.constant 0 : i32
    %dma_wait3A_387 = tpu.memref_slice %arg2[%dma_wait3A_385, %dma_wait3A_386] : memref<32x1000000xf32, #tpu.memory_space<hbm>> -> memref<8x128xf32, #tpu.memory_space<hbm>>
    tpu.wait_dma2 semaphore(%arg9 : memref<!tpu.dma_semaphore, #tpu.memory_space<semaphore_mem>>) src(%dma_wait3A_387 : memref<8x128xf32, #tpu.memory_space<hbm>>) dst(%dma_wait3A_384 : memref<8x128xf32, #tpu.memory_space<vmem>>)
    %dma_wait3A_388 = arith.constant 5 : i32
    %dma_wait3A_389 = arith.constant 0 : i32
    %dma_wait3A_390 = arith.constant 0 : i32
    %dma_wait3A_391 = tpu.memref_slice %arg4[%dma_wait3A_388, %dma_wait3A_389, %dma_wait3A_390] : memref<16x8x128xf32, #tpu.memory_space<vmem>> -> memref<1x8x128xf32, #tpu.memory_space<vmem>>
    %dma_wait3A_392 = tpu.memref_squeeze %dma_wait3A_391 : memref<1x8x128xf32, #tpu.memory_space<vmem>> -> memref<8x128xf32, #tpu.memory_space<vmem>>
    %dma_wait3A_393 = arith.constant 0 : i32
    %dma_wait3A_394 = arith.constant 0 : i32
    %dma_wait3A_395 = tpu.memref_slice %arg2[%dma_wait3A_393, %dma_wait3A_394] : memref<32x1000000xf32, #tpu.memory_space<hbm>> -> memref<8x128xf32, #tpu.memory_space<hbm>>
    %dma_wait3A_396 = arith.constant 0 : i32
    %dma_wait3A_397 = arith.constant 0 : i32
    %dma_wait3A_398 = tpu.memref_slice %arg4[%dma_wait3A_388, %dma_wait3A_396, %dma_wait3A_397] : memref<16x8x128xf32, #tpu.memory_space<vmem>> -> memref<1x8x128xf32, #tpu.memory_space<vmem>>
    %dma_wait3A_399 = tpu.memref_squeeze %dma_wait3A_398 : memref<1x8x128xf32, #tpu.memory_space<vmem>> -> memref<8x128xf32, #tpu.memory_space<vmem>>
    %dma_wait3A_400 = arith.constant 0 : i32
    %dma_wait3A_401 = arith.constant 0 : i32
    %dma_wait3A_402 = tpu.memref_slice %arg2[%dma_wait3A_400, %dma_wait3A_401] : memref<32x1000000xf32, #tpu.memory_space<hbm>> -> memref<8x128xf32, #tpu.memory_space<hbm>>
    tpu.wait_dma2 semaphore(%arg9 : memref<!tpu.dma_semaphore, #tpu.memory_space<semaphore_mem>>) src(%dma_wait3A_402 : memref<8x128xf32, #tpu.memory_space<hbm>>) dst(%dma_wait3A_399 : memref<8x128xf32, #tpu.memory_space<vmem>>)
    %dma_wait3A_403 = arith.constant 6 : i32
    %dma_wait3A_404 = arith.constant 0 : i32
    %dma_wait3A_405 = arith.constant 0 : i32
    %dma_wait3A_406 = tpu.memref_slice %arg4[%dma_wait3A_403, %dma_wait3A_404, %dma_wait3A_405] : memref<16x8x128xf32, #tpu.memory_space<vmem>> -> memref<1x8x128xf32, #tpu.memory_space<vmem>>
    %dma_wait3A_407 = tpu.memref_squeeze %dma_wait3A_406 : memref<1x8x128xf32, #tpu.memory_space<vmem>> -> memref<8x128xf32, #tpu.memory_space<vmem>>
    %dma_wait3A_408 = arith.constant 0 : i32
    %dma_wait3A_409 = arith.constant 0 : i32
    %dma_wait3A_410 = tpu.memref_slice %arg2[%dma_wait3A_408, %dma_wait3A_409] : memref<32x1000000xf32, #tpu.memory_space<hbm>> -> memref<8x128xf32, #tpu.memory_space<hbm>>
    %dma_wait3A_411 = arith.constant 0 : i32
    %dma_wait3A_412 = arith.constant 0 : i32
    %dma_wait3A_413 = tpu.memref_slice %arg4[%dma_wait3A_403, %dma_wait3A_411, %dma_wait3A_412] : memref<16x8x128xf32, #tpu.memory_space<vmem>> -> memref<1x8x128xf32, #tpu.memory_space<vmem>>
    %dma_wait3A_414 = tpu.memref_squeeze %dma_wait3A_413 : memref<1x8x128xf32, #tpu.memory_space<vmem>> -> memref<8x128xf32, #tpu.memory_space<vmem>>
    %dma_wait3A_415 = arith.constant 0 : i32
    %dma_wait3A_416 = arith.constant 0 : i32
    %dma_wait3A_417 = tpu.memref_slice %arg2[%dma_wait3A_415, %dma_wait3A_416] : memref<32x1000000xf32, #tpu.memory_space<hbm>> -> memref<8x128xf32, #tpu.memory_space<hbm>>
    tpu.wait_dma2 semaphore(%arg9 : memref<!tpu.dma_semaphore, #tpu.memory_space<semaphore_mem>>) src(%dma_wait3A_417 : memref<8x128xf32, #tpu.memory_space<hbm>>) dst(%dma_wait3A_414 : memref<8x128xf32, #tpu.memory_space<vmem>>)
    %dma_wait3A_418 = arith.constant 7 : i32
    %dma_wait3A_419 = arith.constant 0 : i32
    %dma_wait3A_420 = arith.constant 0 : i32
    %dma_wait3A_421 = tpu.memref_slice %arg4[%dma_wait3A_418, %dma_wait3A_419, %dma_wait3A_420] : memref<16x8x128xf32, #tpu.memory_space<vmem>> -> memref<1x8x128xf32, #tpu.memory_space<vmem>>
    %dma_wait3A_422 = tpu.memref_squeeze %dma_wait3A_421 : memref<1x8x128xf32, #tpu.memory_space<vmem>> -> memref<8x128xf32, #tpu.memory_space<vmem>>
    %dma_wait3A_423 = arith.constant 0 : i32
    %dma_wait3A_424 = arith.constant 0 : i32
    %dma_wait3A_425 = tpu.memref_slice %arg2[%dma_wait3A_423, %dma_wait3A_424] : memref<32x1000000xf32, #tpu.memory_space<hbm>> -> memref<8x128xf32, #tpu.memory_space<hbm>>
    %dma_wait3A_426 = arith.constant 0 : i32
    %dma_wait3A_427 = arith.constant 0 : i32
    %dma_wait3A_428 = tpu.memref_slice %arg4[%dma_wait3A_418, %dma_wait3A_426, %dma_wait3A_427] : memref<16x8x128xf32, #tpu.memory_space<vmem>> -> memref<1x8x128xf32, #tpu.memory_space<vmem>>
    %dma_wait3A_429 = tpu.memref_squeeze %dma_wait3A_428 : memref<1x8x128xf32, #tpu.memory_space<vmem>> -> memref<8x128xf32, #tpu.memory_space<vmem>>
    %dma_wait3A_430 = arith.constant 0 : i32
    %dma_wait3A_431 = arith.constant 0 : i32
    %dma_wait3A_432 = tpu.memref_slice %arg2[%dma_wait3A_430, %dma_wait3A_431] : memref<32x1000000xf32, #tpu.memory_space<hbm>> -> memref<8x128xf32, #tpu.memory_space<hbm>>
    tpu.wait_dma2 semaphore(%arg9 : memref<!tpu.dma_semaphore, #tpu.memory_space<semaphore_mem>>) src(%dma_wait3A_432 : memref<8x128xf32, #tpu.memory_space<hbm>>) dst(%dma_wait3A_429 : memref<8x128xf32, #tpu.memory_space<vmem>>)
    %dma_wait3A_433 = arith.constant 8 : i32
    %dma_wait3A_434 = arith.constant 0 : i32
    %dma_wait3A_435 = arith.constant 0 : i32
    %dma_wait3A_436 = tpu.memref_slice %arg4[%dma_wait3A_433, %dma_wait3A_434, %dma_wait3A_435] : memref<16x8x128xf32, #tpu.memory_space<vmem>> -> memref<1x8x128xf32, #tpu.memory_space<vmem>>
    %dma_wait3A_437 = tpu.memref_squeeze %dma_wait3A_436 : memref<1x8x128xf32, #tpu.memory_space<vmem>> -> memref<8x128xf32, #tpu.memory_space<vmem>>
    %dma_wait3A_438 = arith.constant 0 : i32
    %dma_wait3A_439 = arith.constant 0 : i32
    %dma_wait3A_440 = tpu.memref_slice %arg2[%dma_wait3A_438, %dma_wait3A_439] : memref<32x1000000xf32, #tpu.memory_space<hbm>> -> memref<8x128xf32, #tpu.memory_space<hbm>>
    %dma_wait3A_441 = arith.constant 0 : i32
    %dma_wait3A_442 = arith.constant 0 : i32
    %dma_wait3A_443 = tpu.memref_slice %arg4[%dma_wait3A_433, %dma_wait3A_441, %dma_wait3A_442] : memref<16x8x128xf32, #tpu.memory_space<vmem>> -> memref<1x8x128xf32, #tpu.memory_space<vmem>>
    %dma_wait3A_444 = tpu.memref_squeeze %dma_wait3A_443 : memref<1x8x128xf32, #tpu.memory_space<vmem>> -> memref<8x128xf32, #tpu.memory_space<vmem>>
    %dma_wait3A_445 = arith.constant 0 : i32
    %dma_wait3A_446 = arith.constant 0 : i32
    %dma_wait3A_447 = tpu.memref_slice %arg2[%dma_wait3A_445, %dma_wait3A_446] : memref<32x1000000xf32, #tpu.memory_space<hbm>> -> memref<8x128xf32, #tpu.memory_space<hbm>>
    tpu.wait_dma2 semaphore(%arg9 : memref<!tpu.dma_semaphore, #tpu.memory_space<semaphore_mem>>) src(%dma_wait3A_447 : memref<8x128xf32, #tpu.memory_space<hbm>>) dst(%dma_wait3A_444 : memref<8x128xf32, #tpu.memory_space<vmem>>)
    %dma_wait3A_448 = arith.constant 9 : i32
    %dma_wait3A_449 = arith.constant 0 : i32
    %dma_wait3A_450 = arith.constant 0 : i32
    %dma_wait3A_451 = tpu.memref_slice %arg4[%dma_wait3A_448, %dma_wait3A_449, %dma_wait3A_450] : memref<16x8x128xf32, #tpu.memory_space<vmem>> -> memref<1x8x128xf32, #tpu.memory_space<vmem>>
    %dma_wait3A_452 = tpu.memref_squeeze %dma_wait3A_451 : memref<1x8x128xf32, #tpu.memory_space<vmem>> -> memref<8x128xf32, #tpu.memory_space<vmem>>
    %dma_wait3A_453 = arith.constant 0 : i32
    %dma_wait3A_454 = arith.constant 0 : i32
    %dma_wait3A_455 = tpu.memref_slice %arg2[%dma_wait3A_453, %dma_wait3A_454] : memref<32x1000000xf32, #tpu.memory_space<hbm>> -> memref<8x128xf32, #tpu.memory_space<hbm>>
    %dma_wait3A_456 = arith.constant 0 : i32
    %dma_wait3A_457 = arith.constant 0 : i32
    %dma_wait3A_458 = tpu.memref_slice %arg4[%dma_wait3A_448, %dma_wait3A_456, %dma_wait3A_457] : memref<16x8x128xf32, #tpu.memory_space<vmem>> -> memref<1x8x128xf32, #tpu.memory_space<vmem>>
    %dma_wait3A_459 = tpu.memref_squeeze %dma_wait3A_458 : memref<1x8x128xf32, #tpu.memory_space<vmem>> -> memref<8x128xf32, #tpu.memory_space<vmem>>
    %dma_wait3A_460 = arith.constant 0 : i32
    %dma_wait3A_461 = arith.constant 0 : i32
    %dma_wait3A_462 = tpu.memref_slice %arg2[%dma_wait3A_460, %dma_wait3A_461] : memref<32x1000000xf32, #tpu.memory_space<hbm>> -> memref<8x128xf32, #tpu.memory_space<hbm>>
    tpu.wait_dma2 semaphore(%arg9 : memref<!tpu.dma_semaphore, #tpu.memory_space<semaphore_mem>>) src(%dma_wait3A_462 : memref<8x128xf32, #tpu.memory_space<hbm>>) dst(%dma_wait3A_459 : memref<8x128xf32, #tpu.memory_space<vmem>>)
    %dma_wait3A_463 = arith.constant 10 : i32
    %dma_wait3A_464 = arith.constant 0 : i32
    %dma_wait3A_465 = arith.constant 0 : i32
    %dma_wait3A_466 = tpu.memref_slice %arg4[%dma_wait3A_463, %dma_wait3A_464, %dma_wait3A_465] : memref<16x8x128xf32, #tpu.memory_space<vmem>> -> memref<1x8x128xf32, #tpu.memory_space<vmem>>
    %dma_wait3A_467 = tpu.memref_squeeze %dma_wait3A_466 : memref<1x8x128xf32, #tpu.memory_space<vmem>> -> memref<8x128xf32, #tpu.memory_space<vmem>>
    %dma_wait3A_468 = arith.constant 0 : i32
    %dma_wait3A_469 = arith.constant 0 : i32
    %dma_wait3A_470 = tpu.memref_slice %arg2[%dma_wait3A_468, %dma_wait3A_469] : memref<32x1000000xf32, #tpu.memory_space<hbm>> -> memref<8x128xf32, #tpu.memory_space<hbm>>
    %dma_wait3A_471 = arith.constant 0 : i32
    %dma_wait3A_472 = arith.constant 0 : i32
    %dma_wait3A_473 = tpu.memref_slice %arg4[%dma_wait3A_463, %dma_wait3A_471, %dma_wait3A_472] : memref<16x8x128xf32, #tpu.memory_space<vmem>> -> memref<1x8x128xf32, #tpu.memory_space<vmem>>
    %dma_wait3A_474 = tpu.memref_squeeze %dma_wait3A_473 : memref<1x8x128xf32, #tpu.memory_space<vmem>> -> memref<8x128xf32, #tpu.memory_space<vmem>>
    %dma_wait3A_475 = arith.constant 0 : i32
    %dma_wait3A_476 = arith.constant 0 : i32
    %dma_wait3A_477 = tpu.memref_slice %arg2[%dma_wait3A_475, %dma_wait3A_476] : memref<32x1000000xf32, #tpu.memory_space<hbm>> -> memref<8x128xf32, #tpu.memory_space<hbm>>
    tpu.wait_dma2 semaphore(%arg9 : memref<!tpu.dma_semaphore, #tpu.memory_space<semaphore_mem>>) src(%dma_wait3A_477 : memref<8x128xf32, #tpu.memory_space<hbm>>) dst(%dma_wait3A_474 : memref<8x128xf32, #tpu.memory_space<vmem>>)
    %dma_wait3A_478 = arith.constant 11 : i32
    %dma_wait3A_479 = arith.constant 0 : i32
    %dma_wait3A_480 = arith.constant 0 : i32
    %dma_wait3A_481 = tpu.memref_slice %arg4[%dma_wait3A_478, %dma_wait3A_479, %dma_wait3A_480] : memref<16x8x128xf32, #tpu.memory_space<vmem>> -> memref<1x8x128xf32, #tpu.memory_space<vmem>>
    %dma_wait3A_482 = tpu.memref_squeeze %dma_wait3A_481 : memref<1x8x128xf32, #tpu.memory_space<vmem>> -> memref<8x128xf32, #tpu.memory_space<vmem>>
    %dma_wait3A_483 = arith.constant 0 : i32
    %dma_wait3A_484 = arith.constant 0 : i32
    %dma_wait3A_485 = tpu.memref_slice %arg2[%dma_wait3A_483, %dma_wait3A_484] : memref<32x1000000xf32, #tpu.memory_space<hbm>> -> memref<8x128xf32, #tpu.memory_space<hbm>>
    %dma_wait3A_486 = arith.constant 0 : i32
    %dma_wait3A_487 = arith.constant 0 : i32
    %dma_wait3A_488 = tpu.memref_slice %arg4[%dma_wait3A_478, %dma_wait3A_486, %dma_wait3A_487] : memref<16x8x128xf32, #tpu.memory_space<vmem>> -> memref<1x8x128xf32, #tpu.memory_space<vmem>>
    %dma_wait3A_489 = tpu.memref_squeeze %dma_wait3A_488 : memref<1x8x128xf32, #tpu.memory_space<vmem>> -> memref<8x128xf32, #tpu.memory_space<vmem>>
    %dma_wait3A_490 = arith.constant 0 : i32
    %dma_wait3A_491 = arith.constant 0 : i32
    %dma_wait3A_492 = tpu.memref_slice %arg2[%dma_wait3A_490, %dma_wait3A_491] : memref<32x1000000xf32, #tpu.memory_space<hbm>> -> memref<8x128xf32, #tpu.memory_space<hbm>>
    tpu.wait_dma2 semaphore(%arg9 : memref<!tpu.dma_semaphore, #tpu.memory_space<semaphore_mem>>) src(%dma_wait3A_492 : memref<8x128xf32, #tpu.memory_space<hbm>>) dst(%dma_wait3A_489 : memref<8x128xf32, #tpu.memory_space<vmem>>)
    %dma_wait3A_493 = arith.constant 12 : i32
    %dma_wait3A_494 = arith.constant 0 : i32
    %dma_wait3A_495 = arith.constant 0 : i32
    %dma_wait3A_496 = tpu.memref_slice %arg4[%dma_wait3A_493, %dma_wait3A_494, %dma_wait3A_495] : memref<16x8x128xf32, #tpu.memory_space<vmem>> -> memref<1x8x128xf32, #tpu.memory_space<vmem>>
    %dma_wait3A_497 = tpu.memref_squeeze %dma_wait3A_496 : memref<1x8x128xf32, #tpu.memory_space<vmem>> -> memref<8x128xf32, #tpu.memory_space<vmem>>
    %dma_wait3A_498 = arith.constant 0 : i32
    %dma_wait3A_499 = arith.constant 0 : i32
    %dma_wait3A_500 = tpu.memref_slice %arg2[%dma_wait3A_498, %dma_wait3A_499] : memref<32x1000000xf32, #tpu.memory_space<hbm>> -> memref<8x128xf32, #tpu.memory_space<hbm>>
    %dma_wait3A_501 = arith.constant 0 : i32
    %dma_wait3A_502 = arith.constant 0 : i32
    %dma_wait3A_503 = tpu.memref_slice %arg4[%dma_wait3A_493, %dma_wait3A_501, %dma_wait3A_502] : memref<16x8x128xf32, #tpu.memory_space<vmem>> -> memref<1x8x128xf32, #tpu.memory_space<vmem>>
    %dma_wait3A_504 = tpu.memref_squeeze %dma_wait3A_503 : memref<1x8x128xf32, #tpu.memory_space<vmem>> -> memref<8x128xf32, #tpu.memory_space<vmem>>
    %dma_wait3A_505 = arith.constant 0 : i32
    %dma_wait3A_506 = arith.constant 0 : i32
    %dma_wait3A_507 = tpu.memref_slice %arg2[%dma_wait3A_505, %dma_wait3A_506] : memref<32x1000000xf32, #tpu.memory_space<hbm>> -> memref<8x128xf32, #tpu.memory_space<hbm>>
    tpu.wait_dma2 semaphore(%arg9 : memref<!tpu.dma_semaphore, #tpu.memory_space<semaphore_mem>>) src(%dma_wait3A_507 : memref<8x128xf32, #tpu.memory_space<hbm>>) dst(%dma_wait3A_504 : memref<8x128xf32, #tpu.memory_space<vmem>>)
    %dma_wait3A_508 = arith.constant 13 : i32
    %dma_wait3A_509 = arith.constant 0 : i32
    %dma_wait3A_510 = arith.constant 0 : i32
    %dma_wait3A_511 = tpu.memref_slice %arg4[%dma_wait3A_508, %dma_wait3A_509, %dma_wait3A_510] : memref<16x8x128xf32, #tpu.memory_space<vmem>> -> memref<1x8x128xf32, #tpu.memory_space<vmem>>
    %dma_wait3A_512 = tpu.memref_squeeze %dma_wait3A_511 : memref<1x8x128xf32, #tpu.memory_space<vmem>> -> memref<8x128xf32, #tpu.memory_space<vmem>>
    %dma_wait3A_513 = arith.constant 0 : i32
    %dma_wait3A_514 = arith.constant 0 : i32
    %dma_wait3A_515 = tpu.memref_slice %arg2[%dma_wait3A_513, %dma_wait3A_514] : memref<32x1000000xf32, #tpu.memory_space<hbm>> -> memref<8x128xf32, #tpu.memory_space<hbm>>
    %dma_wait3A_516 = arith.constant 0 : i32
    %dma_wait3A_517 = arith.constant 0 : i32
    %dma_wait3A_518 = tpu.memref_slice %arg4[%dma_wait3A_508, %dma_wait3A_516, %dma_wait3A_517] : memref<16x8x128xf32, #tpu.memory_space<vmem>> -> memref<1x8x128xf32, #tpu.memory_space<vmem>>
    %dma_wait3A_519 = tpu.memref_squeeze %dma_wait3A_518 : memref<1x8x128xf32, #tpu.memory_space<vmem>> -> memref<8x128xf32, #tpu.memory_space<vmem>>
    %dma_wait3A_520 = arith.constant 0 : i32
    %dma_wait3A_521 = arith.constant 0 : i32
    %dma_wait3A_522 = tpu.memref_slice %arg2[%dma_wait3A_520, %dma_wait3A_521] : memref<32x1000000xf32, #tpu.memory_space<hbm>> -> memref<8x128xf32, #tpu.memory_space<hbm>>
    tpu.wait_dma2 semaphore(%arg9 : memref<!tpu.dma_semaphore, #tpu.memory_space<semaphore_mem>>) src(%dma_wait3A_522 : memref<8x128xf32, #tpu.memory_space<hbm>>) dst(%dma_wait3A_519 : memref<8x128xf32, #tpu.memory_space<vmem>>)
    %dma_wait3A_523 = arith.constant 14 : i32
    %dma_wait3A_524 = arith.constant 0 : i32
    %dma_wait3A_525 = arith.constant 0 : i32
    %dma_wait3A_526 = tpu.memref_slice %arg4[%dma_wait3A_523, %dma_wait3A_524, %dma_wait3A_525] : memref<16x8x128xf32, #tpu.memory_space<vmem>> -> memref<1x8x128xf32, #tpu.memory_space<vmem>>
    %dma_wait3A_527 = tpu.memref_squeeze %dma_wait3A_526 : memref<1x8x128xf32, #tpu.memory_space<vmem>> -> memref<8x128xf32, #tpu.memory_space<vmem>>
    %dma_wait3A_528 = arith.constant 0 : i32
    %dma_wait3A_529 = arith.constant 0 : i32
    %dma_wait3A_530 = tpu.memref_slice %arg2[%dma_wait3A_528, %dma_wait3A_529] : memref<32x1000000xf32, #tpu.memory_space<hbm>> -> memref<8x128xf32, #tpu.memory_space<hbm>>
    %dma_wait3A_531 = arith.constant 0 : i32
    %dma_wait3A_532 = arith.constant 0 : i32
    %dma_wait3A_533 = tpu.memref_slice %arg4[%dma_wait3A_523, %dma_wait3A_531, %dma_wait3A_532] : memref<16x8x128xf32, #tpu.memory_space<vmem>> -> memref<1x8x128xf32, #tpu.memory_space<vmem>>
    %dma_wait3A_534 = tpu.memref_squeeze %dma_wait3A_533 : memref<1x8x128xf32, #tpu.memory_space<vmem>> -> memref<8x128xf32, #tpu.memory_space<vmem>>
    %dma_wait3A_535 = arith.constant 0 : i32
    %dma_wait3A_536 = arith.constant 0 : i32
    %dma_wait3A_537 = tpu.memref_slice %arg2[%dma_wait3A_535, %dma_wait3A_536] : memref<32x1000000xf32, #tpu.memory_space<hbm>> -> memref<8x128xf32, #tpu.memory_space<hbm>>
    tpu.wait_dma2 semaphore(%arg9 : memref<!tpu.dma_semaphore, #tpu.memory_space<semaphore_mem>>) src(%dma_wait3A_537 : memref<8x128xf32, #tpu.memory_space<hbm>>) dst(%dma_wait3A_534 : memref<8x128xf32, #tpu.memory_space<vmem>>)
    %dma_wait3A_538 = arith.constant 15 : i32
    %dma_wait3A_539 = arith.constant 0 : i32
    %dma_wait3A_540 = arith.constant 0 : i32
    %dma_wait3A_541 = tpu.memref_slice %arg4[%dma_wait3A_538, %dma_wait3A_539, %dma_wait3A_540] : memref<16x8x128xf32, #tpu.memory_space<vmem>> -> memref<1x8x128xf32, #tpu.memory_space<vmem>>
    %dma_wait3A_542 = tpu.memref_squeeze %dma_wait3A_541 : memref<1x8x128xf32, #tpu.memory_space<vmem>> -> memref<8x128xf32, #tpu.memory_space<vmem>>
    %dma_wait3A_543 = arith.constant 0 : i32
    %dma_wait3A_544 = arith.constant 0 : i32
    %dma_wait3A_545 = tpu.memref_slice %arg2[%dma_wait3A_543, %dma_wait3A_544] : memref<32x1000000xf32, #tpu.memory_space<hbm>> -> memref<8x128xf32, #tpu.memory_space<hbm>>
    %dma_wait3A_546 = arith.constant 0 : i32
    %dma_wait3A_547 = arith.constant 0 : i32
    %dma_wait3A_548 = tpu.memref_slice %arg4[%dma_wait3A_538, %dma_wait3A_546, %dma_wait3A_547] : memref<16x8x128xf32, #tpu.memory_space<vmem>> -> memref<1x8x128xf32, #tpu.memory_space<vmem>>
    %dma_wait3A_549 = tpu.memref_squeeze %dma_wait3A_548 : memref<1x8x128xf32, #tpu.memory_space<vmem>> -> memref<8x128xf32, #tpu.memory_space<vmem>>
    %dma_wait3A_550 = arith.constant 0 : i32
    %dma_wait3A_551 = arith.constant 0 : i32
    %dma_wait3A_552 = tpu.memref_slice %arg2[%dma_wait3A_550, %dma_wait3A_551] : memref<32x1000000xf32, #tpu.memory_space<hbm>> -> memref<8x128xf32, #tpu.memory_space<hbm>>
    tpu.wait_dma2 semaphore(%arg9 : memref<!tpu.dma_semaphore, #tpu.memory_space<semaphore_mem>>) src(%dma_wait3A_552 : memref<8x128xf32, #tpu.memory_space<hbm>>) dst(%dma_wait3A_549 : memref<8x128xf32, #tpu.memory_space<vmem>>)
    %dma_wait3A_553 = arith.constant 0 : i32
    %dma_wait3A_554 = arith.constant 0 : i32
    %dma_wait3A_555 = tpu.memref_slice %arg3[%dma_wait3A_553, %dma_wait3A_554] : memref<250000x128xf32, #tpu.memory_space<hbm>> -> memref<128x128xf32, #tpu.memory_space<hbm>>
    %dma_wait3A_556 = arith.constant 0 : i32
    %dma_wait3A_557 = arith.constant 0 : i32
    %dma_wait3A_558 = tpu.memref_slice %arg3[%dma_wait3A_556, %dma_wait3A_557] : memref<250000x128xf32, #tpu.memory_space<hbm>> -> memref<128x128xf32, #tpu.memory_space<hbm>>
    tpu.wait_dma2 semaphore(%arg11 : memref<!tpu.dma_semaphore, #tpu.memory_space<semaphore_mem>>) src(%dma_wait3A_558 : memref<128x128xf32, #tpu.memory_space<hbm>>) dst(%arg6 : memref<128x128xf32, #tpu.memory_space<vmem>>)
    %dma_wait3A_559 = arith.constant 0 : i32
    %dma_wait3A_560 = arith.constant 0 : i32
    %dma_wait3A_561 = tpu.memref_slice %arg3[%dma_wait3A_559, %dma_wait3A_560] : memref<250000x128xf32, #tpu.memory_space<hbm>> -> memref<128x128xf32, #tpu.memory_space<hbm>>
    %dma_wait3A_562 = arith.constant 0 : i32
    %dma_wait3A_563 = arith.constant 0 : i32
    %dma_wait3A_564 = tpu.memref_slice %arg3[%dma_wait3A_562, %dma_wait3A_563] : memref<250000x128xf32, #tpu.memory_space<hbm>> -> memref<128x128xf32, #tpu.memory_space<hbm>>
    tpu.wait_dma2 semaphore(%arg12 : memref<!tpu.dma_semaphore, #tpu.memory_space<semaphore_mem>>) src(%dma_wait3A_564 : memref<128x128xf32, #tpu.memory_space<hbm>>) dst(%arg7 : memref<128x128xf32, #tpu.memory_space<vmem>>)
    %eq3A = arith.constant 1 : i32
    %eq3A_565 = arith.cmpi eq, %add3A, %eq3A : i32
    %convert_element_type3A = arith.extui %eq3A_565 : i1 to i32
    %cond3A = arith.constant 0 : i32
    %cond3A_566 = arith.cmpi ne, %convert_element_type3A, %cond3A : i32
    scf.if %cond3A_566 {
      %run_scoped3A = arith.constant 0 : i32
      "tpu.region"() ({
        %run_scoped3A_578 = tpu.sem_alloc : memref<!tpu.dma_semaphore, #tpu.memory_space<semaphore_mem>>
        %dma_start3A_579 = arith.constant 0 : i32
        %dma_start3A_580 = arith.constant 0 : i32
        %dma_start3A_581 = tpu.memref_slice %arg8[%run_scoped3A, %dma_start3A_579, %dma_start3A_580] : memref<4x8x64xf32, #tpu.memory_space<vmem>> -> memref<1x8x64xf32, #tpu.memory_space<vmem>>
        %dma_start3A_582 = tpu.memref_squeeze %dma_start3A_581 : memref<1x8x64xf32, #tpu.memory_space<vmem>> -> memref<8x64xf32, #tpu.memory_space<vmem>>
        %dma_start3A_583 = arith.constant 0 : i32
        %dma_start3A_584 = arith.constant 999936 : i32
        %dma_start3A_585 = tpu.memref_slice %arg2[%dma_start3A_583, %dma_start3A_584] : memref<32x1000000xf32, #tpu.memory_space<hbm>> -> memref<8x64xf32, #tpu.memory_space<hbm>>
        %dma_start3A_586 = arith.constant 0 : i32
        %dma_start3A_587 = arith.constant 0 : i32
        %dma_start3A_588 = tpu.memref_slice %arg8[%run_scoped3A, %dma_start3A_586, %dma_start3A_587] : memref<4x8x64xf32, #tpu.memory_space<vmem>> -> memref<1x8x64xf32, #tpu.memory_space<vmem>>
        %dma_start3A_589 = tpu.memref_squeeze %dma_start3A_588 : memref<1x8x64xf32, #tpu.memory_space<vmem>> -> memref<8x64xf32, #tpu.memory_space<vmem>>
        %dma_start3A_590 = arith.constant 0 : i32
        %dma_start3A_591 = arith.constant 999936 : i32
        %dma_start3A_592 = tpu.memref_slice %arg2[%dma_start3A_590, %dma_start3A_591] : memref<32x1000000xf32, #tpu.memory_space<hbm>> -> memref<8x64xf32, #tpu.memory_space<hbm>>
        tpu.enqueue_dma source(%dma_start3A_592 : memref<8x64xf32, #tpu.memory_space<hbm>>) target(%dma_start3A_589 : memref<8x64xf32, #tpu.memory_space<vmem>>) target_semaphore(%run_scoped3A_578 : memref<!tpu.dma_semaphore, #tpu.memory_space<semaphore_mem>>)
        %dma_wait3A_593 = arith.constant 0 : i32
        %dma_wait3A_594 = arith.constant 0 : i32
        %dma_wait3A_595 = tpu.memref_slice %arg8[%run_scoped3A, %dma_wait3A_593, %dma_wait3A_594] : memref<4x8x64xf32, #tpu.memory_space<vmem>> -> memref<1x8x64xf32, #tpu.memory_space<vmem>>
        %dma_wait3A_596 = tpu.memref_squeeze %dma_wait3A_595 : memref<1x8x64xf32, #tpu.memory_space<vmem>> -> memref<8x64xf32, #tpu.memory_space<vmem>>
        %dma_wait3A_597 = arith.constant 0 : i32
        %dma_wait3A_598 = arith.constant 999936 : i32
        %dma_wait3A_599 = tpu.memref_slice %arg2[%dma_wait3A_597, %dma_wait3A_598] : memref<32x1000000xf32, #tpu.memory_space<hbm>> -> memref<8x64xf32, #tpu.memory_space<hbm>>
        %dma_wait3A_600 = arith.constant 0 : i32
        %dma_wait3A_601 = arith.constant 0 : i32
        %dma_wait3A_602 = tpu.memref_slice %arg8[%run_scoped3A, %dma_wait3A_600, %dma_wait3A_601] : memref<4x8x64xf32, #tpu.memory_space<vmem>> -> memref<1x8x64xf32, #tpu.memory_space<vmem>>
        %dma_wait3A_603 = tpu.memref_squeeze %dma_wait3A_602 : memref<1x8x64xf32, #tpu.memory_space<vmem>> -> memref<8x64xf32, #tpu.memory_space<vmem>>
        %dma_wait3A_604 = arith.constant 0 : i32
        %dma_wait3A_605 = arith.constant 999936 : i32
        %dma_wait3A_606 = tpu.memref_slice %arg2[%dma_wait3A_604, %dma_wait3A_605] : memref<32x1000000xf32, #tpu.memory_space<hbm>> -> memref<8x64xf32, #tpu.memory_space<hbm>>
        tpu.wait_dma2 semaphore(%run_scoped3A_578 : memref<!tpu.dma_semaphore, #tpu.memory_space<semaphore_mem>>) src(%dma_wait3A_606 : memref<8x64xf32, #tpu.memory_space<hbm>>) dst(%dma_wait3A_603 : memref<8x64xf32, #tpu.memory_space<vmem>>)
        tpu.yield
      }) : () -> ()
      %run_scoped3A_567 = arith.constant 1 : i32
      "tpu.region"() ({
        %run_scoped3A_578 = tpu.sem_alloc : memref<!tpu.dma_semaphore, #tpu.memory_space<semaphore_mem>>
        %dma_start3A_579 = arith.constant 0 : i32
        %dma_start3A_580 = arith.constant 0 : i32
        %dma_start3A_581 = tpu.memref_slice %arg8[%run_scoped3A_567, %dma_start3A_579, %dma_start3A_580] : memref<4x8x64xf32, #tpu.memory_space<vmem>> -> memref<1x8x64xf32, #tpu.memory_space<vmem>>
        %dma_start3A_582 = tpu.memref_squeeze %dma_start3A_581 : memref<1x8x64xf32, #tpu.memory_space<vmem>> -> memref<8x64xf32, #tpu.memory_space<vmem>>
        %dma_start3A_583 = arith.constant 8 : i32
        %dma_start3A_584 = arith.constant 999936 : i32
        %dma_start3A_585 = tpu.memref_slice %arg2[%dma_start3A_583, %dma_start3A_584] : memref<32x1000000xf32, #tpu.memory_space<hbm>> -> memref<8x64xf32, #tpu.memory_space<hbm>>
        %dma_start3A_586 = arith.constant 0 : i32
        %dma_start3A_587 = arith.constant 0 : i32
        %dma_start3A_588 = tpu.memref_slice %arg8[%run_scoped3A_567, %dma_start3A_586, %dma_start3A_587] : memref<4x8x64xf32, #tpu.memory_space<vmem>> -> memref<1x8x64xf32, #tpu.memory_space<vmem>>
        %dma_start3A_589 = tpu.memref_squeeze %dma_start3A_588 : memref<1x8x64xf32, #tpu.memory_space<vmem>> -> memref<8x64xf32, #tpu.memory_space<vmem>>
        %dma_start3A_590 = arith.constant 8 : i32
        %dma_start3A_591 = arith.constant 999936 : i32
        %dma_start3A_592 = tpu.memref_slice %arg2[%dma_start3A_590, %dma_start3A_591] : memref<32x1000000xf32, #tpu.memory_space<hbm>> -> memref<8x64xf32, #tpu.memory_space<hbm>>
        tpu.enqueue_dma source(%dma_start3A_592 : memref<8x64xf32, #tpu.memory_space<hbm>>) target(%dma_start3A_589 : memref<8x64xf32, #tpu.memory_space<vmem>>) target_semaphore(%run_scoped3A_578 : memref<!tpu.dma_semaphore, #tpu.memory_space<semaphore_mem>>)
        %dma_wait3A_593 = arith.constant 0 : i32
        %dma_wait3A_594 = arith.constant 0 : i32
        %dma_wait3A_595 = tpu.memref_slice %arg8[%run_scoped3A_567, %dma_wait3A_593, %dma_wait3A_594] : memref<4x8x64xf32, #tpu.memory_space<vmem>> -> memref<1x8x64xf32, #tpu.memory_space<vmem>>
        %dma_wait3A_596 = tpu.memref_squeeze %dma_wait3A_595 : memref<1x8x64xf32, #tpu.memory_space<vmem>> -> memref<8x64xf32, #tpu.memory_space<vmem>>
        %dma_wait3A_597 = arith.constant 8 : i32
        %dma_wait3A_598 = arith.constant 999936 : i32
        %dma_wait3A_599 = tpu.memref_slice %arg2[%dma_wait3A_597, %dma_wait3A_598] : memref<32x1000000xf32, #tpu.memory_space<hbm>> -> memref<8x64xf32, #tpu.memory_space<hbm>>
        %dma_wait3A_600 = arith.constant 0 : i32
        %dma_wait3A_601 = arith.constant 0 : i32
        %dma_wait3A_602 = tpu.memref_slice %arg8[%run_scoped3A_567, %dma_wait3A_600, %dma_wait3A_601] : memref<4x8x64xf32, #tpu.memory_space<vmem>> -> memref<1x8x64xf32, #tpu.memory_space<vmem>>
        %dma_wait3A_603 = tpu.memref_squeeze %dma_wait3A_602 : memref<1x8x64xf32, #tpu.memory_space<vmem>> -> memref<8x64xf32, #tpu.memory_space<vmem>>
        %dma_wait3A_604 = arith.constant 8 : i32
        %dma_wait3A_605 = arith.constant 999936 : i32
        %dma_wait3A_606 = tpu.memref_slice %arg2[%dma_wait3A_604, %dma_wait3A_605] : memref<32x1000000xf32, #tpu.memory_space<hbm>> -> memref<8x64xf32, #tpu.memory_space<hbm>>
        tpu.wait_dma2 semaphore(%run_scoped3A_578 : memref<!tpu.dma_semaphore, #tpu.memory_space<semaphore_mem>>) src(%dma_wait3A_606 : memref<8x64xf32, #tpu.memory_space<hbm>>) dst(%dma_wait3A_603 : memref<8x64xf32, #tpu.memory_space<vmem>>)
        tpu.yield
      }) : () -> ()
      %run_scoped3A_568 = arith.constant 2 : i32
      "tpu.region"() ({
        %run_scoped3A_578 = tpu.sem_alloc : memref<!tpu.dma_semaphore, #tpu.memory_space<semaphore_mem>>
        %dma_start3A_579 = arith.constant 0 : i32
        %dma_start3A_580 = arith.constant 0 : i32
        %dma_start3A_581 = tpu.memref_slice %arg8[%run_scoped3A_568, %dma_start3A_579, %dma_start3A_580] : memref<4x8x64xf32, #tpu.memory_space<vmem>> -> memref<1x8x64xf32, #tpu.memory_space<vmem>>
        %dma_start3A_582 = tpu.memref_squeeze %dma_start3A_581 : memref<1x8x64xf32, #tpu.memory_space<vmem>> -> memref<8x64xf32, #tpu.memory_space<vmem>>
        %dma_start3A_583 = arith.constant 16 : i32
        %dma_start3A_584 = arith.constant 999936 : i32
        %dma_start3A_585 = tpu.memref_slice %arg2[%dma_start3A_583, %dma_start3A_584] : memref<32x1000000xf32, #tpu.memory_space<hbm>> -> memref<8x64xf32, #tpu.memory_space<hbm>>
        %dma_start3A_586 = arith.constant 0 : i32
        %dma_start3A_587 = arith.constant 0 : i32
        %dma_start3A_588 = tpu.memref_slice %arg8[%run_scoped3A_568, %dma_start3A_586, %dma_start3A_587] : memref<4x8x64xf32, #tpu.memory_space<vmem>> -> memref<1x8x64xf32, #tpu.memory_space<vmem>>
        %dma_start3A_589 = tpu.memref_squeeze %dma_start3A_588 : memref<1x8x64xf32, #tpu.memory_space<vmem>> -> memref<8x64xf32, #tpu.memory_space<vmem>>
        %dma_start3A_590 = arith.constant 16 : i32
        %dma_start3A_591 = arith.constant 999936 : i32
        %dma_start3A_592 = tpu.memref_slice %arg2[%dma_start3A_590, %dma_start3A_591] : memref<32x1000000xf32, #tpu.memory_space<hbm>> -> memref<8x64xf32, #tpu.memory_space<hbm>>
        tpu.enqueue_dma source(%dma_start3A_592 : memref<8x64xf32, #tpu.memory_space<hbm>>) target(%dma_start3A_589 : memref<8x64xf32, #tpu.memory_space<vmem>>) target_semaphore(%run_scoped3A_578 : memref<!tpu.dma_semaphore, #tpu.memory_space<semaphore_mem>>)
        %dma_wait3A_593 = arith.constant 0 : i32
        %dma_wait3A_594 = arith.constant 0 : i32
        %dma_wait3A_595 = tpu.memref_slice %arg8[%run_scoped3A_568, %dma_wait3A_593, %dma_wait3A_594] : memref<4x8x64xf32, #tpu.memory_space<vmem>> -> memref<1x8x64xf32, #tpu.memory_space<vmem>>
        %dma_wait3A_596 = tpu.memref_squeeze %dma_wait3A_595 : memref<1x8x64xf32, #tpu.memory_space<vmem>> -> memref<8x64xf32, #tpu.memory_space<vmem>>
        %dma_wait3A_597 = arith.constant 16 : i32
        %dma_wait3A_598 = arith.constant 999936 : i32
        %dma_wait3A_599 = tpu.memref_slice %arg2[%dma_wait3A_597, %dma_wait3A_598] : memref<32x1000000xf32, #tpu.memory_space<hbm>> -> memref<8x64xf32, #tpu.memory_space<hbm>>
        %dma_wait3A_600 = arith.constant 0 : i32
        %dma_wait3A_601 = arith.constant 0 : i32
        %dma_wait3A_602 = tpu.memref_slice %arg8[%run_scoped3A_568, %dma_wait3A_600, %dma_wait3A_601] : memref<4x8x64xf32, #tpu.memory_space<vmem>> -> memref<1x8x64xf32, #tpu.memory_space<vmem>>
        %dma_wait3A_603 = tpu.memref_squeeze %dma_wait3A_602 : memref<1x8x64xf32, #tpu.memory_space<vmem>> -> memref<8x64xf32, #tpu.memory_space<vmem>>
        %dma_wait3A_604 = arith.constant 16 : i32
        %dma_wait3A_605 = arith.constant 999936 : i32
        %dma_wait3A_606 = tpu.memref_slice %arg2[%dma_wait3A_604, %dma_wait3A_605] : memref<32x1000000xf32, #tpu.memory_space<hbm>> -> memref<8x64xf32, #tpu.memory_space<hbm>>
        tpu.wait_dma2 semaphore(%run_scoped3A_578 : memref<!tpu.dma_semaphore, #tpu.memory_space<semaphore_mem>>) src(%dma_wait3A_606 : memref<8x64xf32, #tpu.memory_space<hbm>>) dst(%dma_wait3A_603 : memref<8x64xf32, #tpu.memory_space<vmem>>)
        tpu.yield
      }) : () -> ()
      %run_scoped3A_569 = arith.constant 3 : i32
      "tpu.region"() ({
        %run_scoped3A_578 = tpu.sem_alloc : memref<!tpu.dma_semaphore, #tpu.memory_space<semaphore_mem>>
        %dma_start3A_579 = arith.constant 0 : i32
        %dma_start3A_580 = arith.constant 0 : i32
        %dma_start3A_581 = tpu.memref_slice %arg8[%run_scoped3A_569, %dma_start3A_579, %dma_start3A_580] : memref<4x8x64xf32, #tpu.memory_space<vmem>> -> memref<1x8x64xf32, #tpu.memory_space<vmem>>
        %dma_start3A_582 = tpu.memref_squeeze %dma_start3A_581 : memref<1x8x64xf32, #tpu.memory_space<vmem>> -> memref<8x64xf32, #tpu.memory_space<vmem>>
        %dma_start3A_583 = arith.constant 24 : i32
        %dma_start3A_584 = arith.constant 999936 : i32
        %dma_start3A_585 = tpu.memref_slice %arg2[%dma_start3A_583, %dma_start3A_584] : memref<32x1000000xf32, #tpu.memory_space<hbm>> -> memref<8x64xf32, #tpu.memory_space<hbm>>
        %dma_start3A_586 = arith.constant 0 : i32
        %dma_start3A_587 = arith.constant 0 : i32
        %dma_start3A_588 = tpu.memref_slice %arg8[%run_scoped3A_569, %dma_start3A_586, %dma_start3A_587] : memref<4x8x64xf32, #tpu.memory_space<vmem>> -> memref<1x8x64xf32, #tpu.memory_space<vmem>>
        %dma_start3A_589 = tpu.memref_squeeze %dma_start3A_588 : memref<1x8x64xf32, #tpu.memory_space<vmem>> -> memref<8x64xf32, #tpu.memory_space<vmem>>
        %dma_start3A_590 = arith.constant 24 : i32
        %dma_start3A_591 = arith.constant 999936 : i32
        %dma_start3A_592 = tpu.memref_slice %arg2[%dma_start3A_590, %dma_start3A_591] : memref<32x1000000xf32, #tpu.memory_space<hbm>> -> memref<8x64xf32, #tpu.memory_space<hbm>>
        tpu.enqueue_dma source(%dma_start3A_592 : memref<8x64xf32, #tpu.memory_space<hbm>>) target(%dma_start3A_589 : memref<8x64xf32, #tpu.memory_space<vmem>>) target_semaphore(%run_scoped3A_578 : memref<!tpu.dma_semaphore, #tpu.memory_space<semaphore_mem>>)
        %dma_wait3A_593 = arith.constant 0 : i32
        %dma_wait3A_594 = arith.constant 0 : i32
        %dma_wait3A_595 = tpu.memref_slice %arg8[%run_scoped3A_569, %dma_wait3A_593, %dma_wait3A_594] : memref<4x8x64xf32, #tpu.memory_space<vmem>> -> memref<1x8x64xf32, #tpu.memory_space<vmem>>
        %dma_wait3A_596 = tpu.memref_squeeze %dma_wait3A_595 : memref<1x8x64xf32, #tpu.memory_space<vmem>> -> memref<8x64xf32, #tpu.memory_space<vmem>>
        %dma_wait3A_597 = arith.constant 24 : i32
        %dma_wait3A_598 = arith.constant 999936 : i32
        %dma_wait3A_599 = tpu.memref_slice %arg2[%dma_wait3A_597, %dma_wait3A_598] : memref<32x1000000xf32, #tpu.memory_space<hbm>> -> memref<8x64xf32, #tpu.memory_space<hbm>>
        %dma_wait3A_600 = arith.constant 0 : i32
        %dma_wait3A_601 = arith.constant 0 : i32
        %dma_wait3A_602 = tpu.memref_slice %arg8[%run_scoped3A_569, %dma_wait3A_600, %dma_wait3A_601] : memref<4x8x64xf32, #tpu.memory_space<vmem>> -> memref<1x8x64xf32, #tpu.memory_space<vmem>>
        %dma_wait3A_603 = tpu.memref_squeeze %dma_wait3A_602 : memref<1x8x64xf32, #tpu.memory_space<vmem>> -> memref<8x64xf32, #tpu.memory_space<vmem>>
        %dma_wait3A_604 = arith.constant 24 : i32
        %dma_wait3A_605 = arith.constant 999936 : i32
        %dma_wait3A_606 = tpu.memref_slice %arg2[%dma_wait3A_604, %dma_wait3A_605] : memref<32x1000000xf32, #tpu.memory_space<hbm>> -> memref<8x64xf32, #tpu.memory_space<hbm>>
        tpu.wait_dma2 semaphore(%run_scoped3A_578 : memref<!tpu.dma_semaphore, #tpu.memory_space<semaphore_mem>>) src(%dma_wait3A_606 : memref<8x64xf32, #tpu.memory_space<hbm>>) dst(%dma_wait3A_603 : memref<8x64xf32, #tpu.memory_space<vmem>>)
        tpu.yield
      }) : () -> ()
      %shift_right_logical3A_570 = arith.constant 3 : i32
      %shift_right_logical3A_571 = vector.broadcast %shift_right_logical3A_570 : i32 to vector<16xi32>
      %shift_right_logical3A_572 = arith.shrui %iota3A, %shift_right_logical3A_571 : vector<16xi32>
      %add3A_573 = arith.constant 2 : i32
      %add3A_574 = vector.broadcast %add3A_573 : i32 to vector<16xi32>
      %add3A_575 = arith.addi %shift_right_logical3A_572, %add3A_574 : vector<16xi32>
      %parallel_loop3A = arith.constant 0 : i32
      %parallel_loop3A_576 = arith.constant 16 : i32
      %parallel_loop3A_577 = arith.constant 1 : i32
      scf.for %parallel_loop3A_578 = %parallel_loop3A to %parallel_loop3A_576 step %parallel_loop3A_577  : i32 {
        %parallel_loop3A_579 = arith.constant 2 : i32
        %parallel_loop3A_580 = arith.shli %parallel_loop3A_578, %parallel_loop3A_579 : i32
        %parallel_loop3A_581 = arith.constant 0 : i32
        %parallel_loop3A_582 = arith.addi %parallel_loop3A_580, %parallel_loop3A_581 : i32
        %parallel_loop3A_583 = vector.broadcast %parallel_loop3A_582 : i32 to vector<16xi32>
        %parallel_loop3A_584 = tpu.vector_load_idx %arg8[%shift_right_logical3A_572, %and3A_37, %parallel_loop3A_583] : memref<4x8x64xf32, #tpu.memory_space<vmem>>[vector<16xi32>, vector<16xi32>, vector<16xi32>], vector<16xf32>,
        %parallel_loop3A_585 = arith.index_cast %parallel_loop3A_578 : i32 to index
        %parallel_loop3A_586 = arith.constant 0 : index
        %parallel_loop3A_587 = tpu.vector_load %arg6[%parallel_loop3A_585, %parallel_loop3A_586] {strides = array<i32>} : memref<128x128xf32, #tpu.memory_space<vmem>>, vector<16xf32>,
        tpu.vector_store %arg6[%parallel_loop3A_585, %parallel_loop3A_586], %parallel_loop3A_584 {strides = array<i32>} : memref<128x128xf32, #tpu.memory_space<vmem>>, vector<16xf32>,
        %parallel_loop3A_588 = tpu.vector_load_idx %arg8[%add3A_575, %and3A_37, %parallel_loop3A_583] : memref<4x8x64xf32, #tpu.memory_space<vmem>>[vector<16xi32>, vector<16xi32>, vector<16xi32>], vector<16xf32>,
        %parallel_loop3A_589 = arith.index_cast %parallel_loop3A_578 : i32 to index
        %parallel_loop3A_590 = arith.constant 16 : index
        %parallel_loop3A_591 = tpu.vector_load %arg6[%parallel_loop3A_589, %parallel_loop3A_590] {strides = array<i32>} : memref<128x128xf32, #tpu.memory_space<vmem>>, vector<16xf32>,
        tpu.vector_store %arg6[%parallel_loop3A_589, %parallel_loop3A_590], %parallel_loop3A_588 {strides = array<i32>} : memref<128x128xf32, #tpu.memory_space<vmem>>, vector<16xf32>,
        %parallel_loop3A_592 = arith.constant 2 : i32
        %parallel_loop3A_593 = arith.shli %parallel_loop3A_578, %parallel_loop3A_592 : i32
        %parallel_loop3A_594 = arith.constant 1 : i32
        %parallel_loop3A_595 = arith.addi %parallel_loop3A_593, %parallel_loop3A_594 : i32
        %parallel_loop3A_596 = vector.broadcast %parallel_loop3A_595 : i32 to vector<16xi32>
        %parallel_loop3A_597 = tpu.vector_load_idx %arg8[%shift_right_logical3A_572, %and3A_37, %parallel_loop3A_596] : memref<4x8x64xf32, #tpu.memory_space<vmem>>[vector<16xi32>, vector<16xi32>, vector<16xi32>], vector<16xf32>,
        %parallel_loop3A_598 = arith.index_cast %parallel_loop3A_578 : i32 to index
        %parallel_loop3A_599 = arith.constant 32 : index
        %parallel_loop3A_600 = tpu.vector_load %arg6[%parallel_loop3A_598, %parallel_loop3A_599] {strides = array<i32>} : memref<128x128xf32, #tpu.memory_space<vmem>>, vector<16xf32>,
        tpu.vector_store %arg6[%parallel_loop3A_598, %parallel_loop3A_599], %parallel_loop3A_597 {strides = array<i32>} : memref<128x128xf32, #tpu.memory_space<vmem>>, vector<16xf32>,
        %parallel_loop3A_601 = tpu.vector_load_idx %arg8[%add3A_575, %and3A_37, %parallel_loop3A_596] : memref<4x8x64xf32, #tpu.memory_space<vmem>>[vector<16xi32>, vector<16xi32>, vector<16xi32>], vector<16xf32>,
        %parallel_loop3A_602 = arith.index_cast %parallel_loop3A_578 : i32 to index
        %parallel_loop3A_603 = arith.constant 48 : index
        %parallel_loop3A_604 = tpu.vector_load %arg6[%parallel_loop3A_602, %parallel_loop3A_603] {strides = array<i32>} : memref<128x128xf32, #tpu.memory_space<vmem>>, vector<16xf32>,
        tpu.vector_store %arg6[%parallel_loop3A_602, %parallel_loop3A_603], %parallel_loop3A_601 {strides = array<i32>} : memref<128x128xf32, #tpu.memory_space<vmem>>, vector<16xf32>,
        %parallel_loop3A_605 = arith.constant 2 : i32
        %parallel_loop3A_606 = arith.shli %parallel_loop3A_578, %parallel_loop3A_605 : i32
        %parallel_loop3A_607 = arith.constant 2 : i32
        %parallel_loop3A_608 = arith.addi %parallel_loop3A_606, %parallel_loop3A_607 : i32
        %parallel_loop3A_609 = vector.broadcast %parallel_loop3A_608 : i32 to vector<16xi32>
        %parallel_loop3A_610 = tpu.vector_load_idx %arg8[%shift_right_logical3A_572, %and3A_37, %parallel_loop3A_609] : memref<4x8x64xf32, #tpu.memory_space<vmem>>[vector<16xi32>, vector<16xi32>, vector<16xi32>], vector<16xf32>,
        %parallel_loop3A_611 = arith.index_cast %parallel_loop3A_578 : i32 to index
        %parallel_loop3A_612 = arith.constant 64 : index
        %parallel_loop3A_613 = tpu.vector_load %arg6[%parallel_loop3A_611, %parallel_loop3A_612] {strides = array<i32>} : memref<128x128xf32, #tpu.memory_space<vmem>>, vector<16xf32>,
        tpu.vector_store %arg6[%parallel_loop3A_611, %parallel_loop3A_612], %parallel_loop3A_610 {strides = array<i32>} : memref<128x128xf32, #tpu.memory_space<vmem>>, vector<16xf32>,
        %parallel_loop3A_614 = tpu.vector_load_idx %arg8[%add3A_575, %and3A_37, %parallel_loop3A_609] : memref<4x8x64xf32, #tpu.memory_space<vmem>>[vector<16xi32>, vector<16xi32>, vector<16xi32>], vector<16xf32>,
        %parallel_loop3A_615 = arith.index_cast %parallel_loop3A_578 : i32 to index
        %parallel_loop3A_616 = arith.constant 80 : index
        %parallel_loop3A_617 = tpu.vector_load %arg6[%parallel_loop3A_615, %parallel_loop3A_616] {strides = array<i32>} : memref<128x128xf32, #tpu.memory_space<vmem>>, vector<16xf32>,
        tpu.vector_store %arg6[%parallel_loop3A_615, %parallel_loop3A_616], %parallel_loop3A_614 {strides = array<i32>} : memref<128x128xf32, #tpu.memory_space<vmem>>, vector<16xf32>,
        %parallel_loop3A_618 = arith.constant 2 : i32
        %parallel_loop3A_619 = arith.shli %parallel_loop3A_578, %parallel_loop3A_618 : i32
        %parallel_loop3A_620 = arith.constant 3 : i32
        %parallel_loop3A_621 = arith.addi %parallel_loop3A_619, %parallel_loop3A_620 : i32
        %parallel_loop3A_622 = vector.broadcast %parallel_loop3A_621 : i32 to vector<16xi32>
        %parallel_loop3A_623 = tpu.vector_load_idx %arg8[%shift_right_logical3A_572, %and3A_37, %parallel_loop3A_622] : memref<4x8x64xf32, #tpu.memory_space<vmem>>[vector<16xi32>, vector<16xi32>, vector<16xi32>], vector<16xf32>,
        %parallel_loop3A_624 = arith.index_cast %parallel_loop3A_578 : i32 to index
        %parallel_loop3A_625 = arith.constant 96 : index
        %parallel_loop3A_626 = tpu.vector_load %arg6[%parallel_loop3A_624, %parallel_loop3A_625] {strides = array<i32>} : memref<128x128xf32, #tpu.memory_space<vmem>>, vector<16xf32>,
        tpu.vector_store %arg6[%parallel_loop3A_624, %parallel_loop3A_625], %parallel_loop3A_623 {strides = array<i32>} : memref<128x128xf32, #tpu.memory_space<vmem>>, vector<16xf32>,
        %parallel_loop3A_627 = tpu.vector_load_idx %arg8[%add3A_575, %and3A_37, %parallel_loop3A_622] : memref<4x8x64xf32, #tpu.memory_space<vmem>>[vector<16xi32>, vector<16xi32>, vector<16xi32>], vector<16xf32>,
        %parallel_loop3A_628 = arith.index_cast %parallel_loop3A_578 : i32 to index
        %parallel_loop3A_629 = arith.constant 112 : index
        %parallel_loop3A_630 = tpu.vector_load %arg6[%parallel_loop3A_628, %parallel_loop3A_629] {strides = array<i32>} : memref<128x128xf32, #tpu.memory_space<vmem>>, vector<16xf32>,
        tpu.vector_store %arg6[%parallel_loop3A_628, %parallel_loop3A_629], %parallel_loop3A_627 {strides = array<i32>} : memref<128x128xf32, #tpu.memory_space<vmem>>, vector<16xf32>,
      } {sc.loop_unroll_factor = 4 : i64, sc.parallel_access}
      "tpu.region"() ({
        %run_scoped3A_578 = tpu.sem_alloc : memref<!tpu.dma_semaphore, #tpu.memory_space<semaphore_mem>>
        %dma_start3A_579 = arith.constant 0 : i32
        %dma_start3A_580 = arith.constant 0 : i32
        %dma_start3A_581 = tpu.memref_slice %arg6[%dma_start3A_579, %dma_start3A_580] : memref<128x128xf32, #tpu.memory_space<vmem>> -> memref<16x128xf32, #tpu.memory_space<vmem>>
        %dma_start3A_582 = arith.constant 249984 : i32
        %dma_start3A_583 = arith.constant 0 : i32
        %dma_start3A_584 = tpu.memref_slice %arg3[%dma_start3A_582, %dma_start3A_583] : memref<250000x128xf32, #tpu.memory_space<hbm>> -> memref<16x128xf32, #tpu.memory_space<hbm>>
        %dma_start3A_585 = arith.constant 249984 : i32
        %dma_start3A_586 = arith.constant 0 : i32
        %dma_start3A_587 = tpu.memref_slice %arg3[%dma_start3A_585, %dma_start3A_586] : memref<250000x128xf32, #tpu.memory_space<hbm>> -> memref<16x128xf32, #tpu.memory_space<hbm>>
        %dma_start3A_588 = arith.constant 0 : i32
        %dma_start3A_589 = arith.constant 0 : i32
        %dma_start3A_590 = tpu.memref_slice %arg6[%dma_start3A_588, %dma_start3A_589] : memref<128x128xf32, #tpu.memory_space<vmem>> -> memref<16x128xf32, #tpu.memory_space<vmem>>
        tpu.enqueue_dma source(%dma_start3A_590 : memref<16x128xf32, #tpu.memory_space<vmem>>) target(%dma_start3A_587 : memref<16x128xf32, #tpu.memory_space<hbm>>) target_semaphore(%run_scoped3A_578 : memref<!tpu.dma_semaphore, #tpu.memory_space<semaphore_mem>>)
        %dma_wait3A_591 = arith.constant 0 : i32
        %dma_wait3A_592 = arith.constant 0 : i32
        %dma_wait3A_593 = tpu.memref_slice %arg6[%dma_wait3A_591, %dma_wait3A_592] : memref<128x128xf32, #tpu.memory_space<vmem>> -> memref<16x128xf32, #tpu.memory_space<vmem>>
        %dma_wait3A_594 = arith.constant 249984 : i32
        %dma_wait3A_595 = arith.constant 0 : i32
        %dma_wait3A_596 = tpu.memref_slice %arg3[%dma_wait3A_594, %dma_wait3A_595] : memref<250000x128xf32, #tpu.memory_space<hbm>> -> memref<16x128xf32, #tpu.memory_space<hbm>>
        %dma_wait3A_597 = arith.constant 249984 : i32
        %dma_wait3A_598 = arith.constant 0 : i32
        %dma_wait3A_599 = tpu.memref_slice %arg3[%dma_wait3A_597, %dma_wait3A_598] : memref<250000x128xf32, #tpu.memory_space<hbm>> -> memref<16x128xf32, #tpu.memory_space<hbm>>
        %dma_wait3A_600 = arith.constant 0 : i32
        %dma_wait3A_601 = arith.constant 0 : i32
        %dma_wait3A_602 = tpu.memref_slice %arg6[%dma_wait3A_600, %dma_wait3A_601] : memref<128x128xf32, #tpu.memory_space<vmem>> -> memref<16x128xf32, #tpu.memory_space<vmem>>
        tpu.wait_dma2 semaphore(%run_scoped3A_578 : memref<!tpu.dma_semaphore, #tpu.memory_space<semaphore_mem>>) src(%dma_wait3A_602 : memref<16x128xf32, #tpu.memory_space<vmem>>) dst(%dma_wait3A_599 : memref<16x128xf32, #tpu.memory_space<hbm>>)
        tpu.yield
      }) : () -> ()
    } else {
    }
    return
  }
}

#map = affine_map<(d0, d1) -> (0, 0)>
#map1 = affine_map<(d0, d1) -> (0, 0, 0)>
module attributes {stable_mosaic.version = 14 : i64} {
  func.func @_body(%arg0: i32, %arg1: i32, %arg2: memref<200x4096xi32, #tpu.memory_space<hbm>>, %arg3: memref<250000x128xf32, #tpu.memory_space<hbm>>, %arg4: memref<32x200xf32, #tpu.memory_space<hbm>>, %arg5: memref<200x32x4096xf32, #tpu.memory_space<hbm>>, %arg6: memref<200x128xi32, #tpu.memory_space<vmem>>, %arg7: memref<128xi32, #tpu.memory_space<vmem>>, %arg8: memref<128xi32, #tpu.memory_space<vmem>>, %arg9: memref<128x128xf32, #tpu.memory_space<vmem>>, %arg10: memref<128x128xf32, #tpu.memory_space<vmem>>, %arg11: memref<32x128xf32, #tpu.memory_space<vmem>>, %arg12: memref<32x128xf32, #tpu.memory_space<vmem>>, %arg13: memref<32x200xf32, #tpu.memory_space<vmem>>, %arg14: memref<!tpu.dma_semaphore, #tpu.memory_space<semaphore_mem>>, %arg15: memref<!tpu.dma_semaphore, #tpu.memory_space<semaphore_mem>>, %arg16: memref<!tpu.dma_semaphore, #tpu.memory_space<semaphore_mem>>, %arg17: memref<!tpu.dma_semaphore, #tpu.memory_space<semaphore_mem>>) attributes {dimension_semantics = [#tpu.dimension_semantics<core_parallel>, #tpu.dimension_semantics<subcore_parallel>], iteration_bounds = array<i64: 2, 16>, scalar_prefetch = 0 : i64, scratch_operands = 12 : i64, tpu.core_type = #tpu.core_type<sc_vector_subcore>, window_params = [{transform_indices = #map}, {transform_indices = #map}, {transform_indices = #map}, {transform_indices = #map1}]} {
    %mul3A = arith.constant 2 : i32
    %mul3A_0 = arith.muli %arg1, %mul3A : i32
    %add3A = arith.addi %mul3A_0, %arg0 : i32
    %mul3A_1 = arith.constant 128 : i32
    %mul3A_2 = arith.muli %add3A, %mul3A_1 : i32
    "tpu.region"() ({
      %run_scoped3A = tpu.sem_alloc : memref<!tpu.dma_semaphore, #tpu.memory_space<semaphore_mem>>
      tpu.enqueue_dma source(%arg4 : memref<32x200xf32, #tpu.memory_space<hbm>>) target(%arg13 : memref<32x200xf32, #tpu.memory_space<vmem>>) target_semaphore(%run_scoped3A : memref<!tpu.dma_semaphore, #tpu.memory_space<semaphore_mem>>)
      tpu.wait_dma2 semaphore(%run_scoped3A : memref<!tpu.dma_semaphore, #tpu.memory_space<semaphore_mem>>) src(%arg4 : memref<32x200xf32, #tpu.memory_space<hbm>>) dst(%arg13 : memref<32x200xf32, #tpu.memory_space<vmem>>)
      tpu.yield
    }) : () -> ()
    "tpu.region"() ({
      %run_scoped3A = tpu.sem_alloc : memref<!tpu.dma_semaphore, #tpu.memory_space<semaphore_mem>>
      %dma_start3A_119 = arith.constant 0 : i32
      %dma_start3A_120 = tpu.memref_slice %arg2[%dma_start3A_119, %mul3A_2] : memref<200x4096xi32, #tpu.memory_space<hbm>> -> memref<200x128xi32, #tpu.memory_space<hbm>>
      %dma_start3A_121 = arith.constant 0 : i32
      %dma_start3A_122 = tpu.memref_slice %arg2[%dma_start3A_121, %mul3A_2] : memref<200x4096xi32, #tpu.memory_space<hbm>> -> memref<200x128xi32, #tpu.memory_space<hbm>>
      tpu.enqueue_dma source(%dma_start3A_122 : memref<200x128xi32, #tpu.memory_space<hbm>>) target(%arg6 : memref<200x128xi32, #tpu.memory_space<vmem>>) target_semaphore(%run_scoped3A : memref<!tpu.dma_semaphore, #tpu.memory_space<semaphore_mem>>)
      %dma_wait3A_123 = arith.constant 0 : i32
      %dma_wait3A_124 = tpu.memref_slice %arg2[%dma_wait3A_123, %mul3A_2] : memref<200x4096xi32, #tpu.memory_space<hbm>> -> memref<200x128xi32, #tpu.memory_space<hbm>>
      %dma_wait3A_125 = arith.constant 0 : i32
      %dma_wait3A_126 = tpu.memref_slice %arg2[%dma_wait3A_125, %mul3A_2] : memref<200x4096xi32, #tpu.memory_space<hbm>> -> memref<200x128xi32, #tpu.memory_space<hbm>>
      tpu.wait_dma2 semaphore(%run_scoped3A : memref<!tpu.dma_semaphore, #tpu.memory_space<semaphore_mem>>) src(%dma_wait3A_126 : memref<200x128xi32, #tpu.memory_space<hbm>>) dst(%arg6 : memref<200x128xi32, #tpu.memory_space<vmem>>)
      tpu.yield
    }) : () -> ()
    %iota3A = tpu.iota {dimensions = array<i32: 0>} : vector<16xi32>
    %add3A_3 = arith.constant 0 : i32
    %add3A_4 = vector.broadcast %add3A_3 : i32 to vector<16xi32>
    %add3A_5 = arith.addi %iota3A, %add3A_4 : vector<16xi32>
    %add3A_6 = arith.constant 16 : i32
    %add3A_7 = vector.broadcast %add3A_6 : i32 to vector<16xi32>
    %add3A_8 = arith.addi %iota3A, %add3A_7 : vector<16xi32>
    %add3A_9 = arith.constant 32 : i32
    %add3A_10 = vector.broadcast %add3A_9 : i32 to vector<16xi32>
    %add3A_11 = arith.addi %iota3A, %add3A_10 : vector<16xi32>
    %add3A_12 = arith.constant 48 : i32
    %add3A_13 = vector.broadcast %add3A_12 : i32 to vector<16xi32>
    %add3A_14 = arith.addi %iota3A, %add3A_13 : vector<16xi32>
    %add3A_15 = arith.constant 64 : i32
    %add3A_16 = vector.broadcast %add3A_15 : i32 to vector<16xi32>
    %add3A_17 = arith.addi %iota3A, %add3A_16 : vector<16xi32>
    %add3A_18 = arith.constant 80 : i32
    %add3A_19 = vector.broadcast %add3A_18 : i32 to vector<16xi32>
    %add3A_20 = arith.addi %iota3A, %add3A_19 : vector<16xi32>
    %add3A_21 = arith.constant 96 : i32
    %add3A_22 = vector.broadcast %add3A_21 : i32 to vector<16xi32>
    %add3A_23 = arith.addi %iota3A, %add3A_22 : vector<16xi32>
    %add3A_24 = arith.constant 112 : i32
    %add3A_25 = vector.broadcast %add3A_24 : i32 to vector<16xi32>
    %add3A_26 = arith.addi %iota3A, %add3A_25 : vector<16xi32>
    %get3A = arith.constant 0 : i32
    %get3A_27 = arith.index_cast %get3A : i32 to index
    %get3A_28 = arith.constant 0 : index
    %get3A_29 = tpu.vector_load %arg6[%get3A_27, %get3A_28] {strides = array<i32>} : memref<200x128xi32, #tpu.memory_space<vmem>>, vector<16xi32>,
    %shift_right_logical3A = arith.constant 2 : i32
    %shift_right_logical3A_30 = vector.broadcast %shift_right_logical3A : i32 to vector<16xi32>
    %shift_right_logical3A_31 = arith.shrui %get3A_29, %shift_right_logical3A_30 : vector<16xi32>
    %swap3A = arith.constant 0 : index
    %swap3A_32 = tpu.vector_load %arg7[%swap3A] {strides = array<i32>} : memref<128xi32, #tpu.memory_space<vmem>>, vector<16xi32>,
    tpu.vector_store %arg7[%swap3A], %shift_right_logical3A_31 {strides = array<i32>} : memref<128xi32, #tpu.memory_space<vmem>>, vector<16xi32>,
    %get3A_33 = arith.constant 0 : i32
    %get3A_34 = arith.index_cast %get3A_33 : i32 to index
    %get3A_35 = arith.constant 16 : index
    %get3A_36 = tpu.vector_load %arg6[%get3A_34, %get3A_35] {strides = array<i32>} : memref<200x128xi32, #tpu.memory_space<vmem>>, vector<16xi32>,
    %shift_right_logical3A_37 = arith.constant 2 : i32
    %shift_right_logical3A_38 = vector.broadcast %shift_right_logical3A_37 : i32 to vector<16xi32>
    %shift_right_logical3A_39 = arith.shrui %get3A_36, %shift_right_logical3A_38 : vector<16xi32>
    %swap3A_40 = arith.constant 16 : index
    %swap3A_41 = tpu.vector_load %arg7[%swap3A_40] {strides = array<i32>} : memref<128xi32, #tpu.memory_space<vmem>>, vector<16xi32>,
    tpu.vector_store %arg7[%swap3A_40], %shift_right_logical3A_39 {strides = array<i32>} : memref<128xi32, #tpu.memory_space<vmem>>, vector<16xi32>,
    %get3A_42 = arith.constant 0 : i32
    %get3A_43 = arith.index_cast %get3A_42 : i32 to index
    %get3A_44 = arith.constant 32 : index
    %get3A_45 = tpu.vector_load %arg6[%get3A_43, %get3A_44] {strides = array<i32>} : memref<200x128xi32, #tpu.memory_space<vmem>>, vector<16xi32>,
    %shift_right_logical3A_46 = arith.constant 2 : i32
    %shift_right_logical3A_47 = vector.broadcast %shift_right_logical3A_46 : i32 to vector<16xi32>
    %shift_right_logical3A_48 = arith.shrui %get3A_45, %shift_right_logical3A_47 : vector<16xi32>
    %swap3A_49 = arith.constant 32 : index
    %swap3A_50 = tpu.vector_load %arg7[%swap3A_49] {strides = array<i32>} : memref<128xi32, #tpu.memory_space<vmem>>, vector<16xi32>,
    tpu.vector_store %arg7[%swap3A_49], %shift_right_logical3A_48 {strides = array<i32>} : memref<128xi32, #tpu.memory_space<vmem>>, vector<16xi32>,
    %get3A_51 = arith.constant 0 : i32
    %get3A_52 = arith.index_cast %get3A_51 : i32 to index
    %get3A_53 = arith.constant 48 : index
    %get3A_54 = tpu.vector_load %arg6[%get3A_52, %get3A_53] {strides = array<i32>} : memref<200x128xi32, #tpu.memory_space<vmem>>, vector<16xi32>,
    %shift_right_logical3A_55 = arith.constant 2 : i32
    %shift_right_logical3A_56 = vector.broadcast %shift_right_logical3A_55 : i32 to vector<16xi32>
    %shift_right_logical3A_57 = arith.shrui %get3A_54, %shift_right_logical3A_56 : vector<16xi32>
    %swap3A_58 = arith.constant 48 : index
    %swap3A_59 = tpu.vector_load %arg7[%swap3A_58] {strides = array<i32>} : memref<128xi32, #tpu.memory_space<vmem>>, vector<16xi32>,
    tpu.vector_store %arg7[%swap3A_58], %shift_right_logical3A_57 {strides = array<i32>} : memref<128xi32, #tpu.memory_space<vmem>>, vector<16xi32>,
    %get3A_60 = arith.constant 0 : i32
    %get3A_61 = arith.index_cast %get3A_60 : i32 to index
    %get3A_62 = arith.constant 64 : index
    %get3A_63 = tpu.vector_load %arg6[%get3A_61, %get3A_62] {strides = array<i32>} : memref<200x128xi32, #tpu.memory_space<vmem>>, vector<16xi32>,
    %shift_right_logical3A_64 = arith.constant 2 : i32
    %shift_right_logical3A_65 = vector.broadcast %shift_right_logical3A_64 : i32 to vector<16xi32>
    %shift_right_logical3A_66 = arith.shrui %get3A_63, %shift_right_logical3A_65 : vector<16xi32>
    %swap3A_67 = arith.constant 64 : index
    %swap3A_68 = tpu.vector_load %arg7[%swap3A_67] {strides = array<i32>} : memref<128xi32, #tpu.memory_space<vmem>>, vector<16xi32>,
    tpu.vector_store %arg7[%swap3A_67], %shift_right_logical3A_66 {strides = array<i32>} : memref<128xi32, #tpu.memory_space<vmem>>, vector<16xi32>,
    %get3A_69 = arith.constant 0 : i32
    %get3A_70 = arith.index_cast %get3A_69 : i32 to index
    %get3A_71 = arith.constant 80 : index
    %get3A_72 = tpu.vector_load %arg6[%get3A_70, %get3A_71] {strides = array<i32>} : memref<200x128xi32, #tpu.memory_space<vmem>>, vector<16xi32>,
    %shift_right_logical3A_73 = arith.constant 2 : i32
    %shift_right_logical3A_74 = vector.broadcast %shift_right_logical3A_73 : i32 to vector<16xi32>
    %shift_right_logical3A_75 = arith.shrui %get3A_72, %shift_right_logical3A_74 : vector<16xi32>
    %swap3A_76 = arith.constant 80 : index
    %swap3A_77 = tpu.vector_load %arg7[%swap3A_76] {strides = array<i32>} : memref<128xi32, #tpu.memory_space<vmem>>, vector<16xi32>,
    tpu.vector_store %arg7[%swap3A_76], %shift_right_logical3A_75 {strides = array<i32>} : memref<128xi32, #tpu.memory_space<vmem>>, vector<16xi32>,
    %get3A_78 = arith.constant 0 : i32
    %get3A_79 = arith.index_cast %get3A_78 : i32 to index
    %get3A_80 = arith.constant 96 : index
    %get3A_81 = tpu.vector_load %arg6[%get3A_79, %get3A_80] {strides = array<i32>} : memref<200x128xi32, #tpu.memory_space<vmem>>, vector<16xi32>,
    %shift_right_logical3A_82 = arith.constant 2 : i32
    %shift_right_logical3A_83 = vector.broadcast %shift_right_logical3A_82 : i32 to vector<16xi32>
    %shift_right_logical3A_84 = arith.shrui %get3A_81, %shift_right_logical3A_83 : vector<16xi32>
    %swap3A_85 = arith.constant 96 : index
    %swap3A_86 = tpu.vector_load %arg7[%swap3A_85] {strides = array<i32>} : memref<128xi32, #tpu.memory_space<vmem>>, vector<16xi32>,
    tpu.vector_store %arg7[%swap3A_85], %shift_right_logical3A_84 {strides = array<i32>} : memref<128xi32, #tpu.memory_space<vmem>>, vector<16xi32>,
    %get3A_87 = arith.constant 0 : i32
    %get3A_88 = arith.index_cast %get3A_87 : i32 to index
    %get3A_89 = arith.constant 112 : index
    %get3A_90 = tpu.vector_load %arg6[%get3A_88, %get3A_89] {strides = array<i32>} : memref<200x128xi32, #tpu.memory_space<vmem>>, vector<16xi32>,
    %shift_right_logical3A_91 = arith.constant 2 : i32
    %shift_right_logical3A_92 = vector.broadcast %shift_right_logical3A_91 : i32 to vector<16xi32>
    %shift_right_logical3A_93 = arith.shrui %get3A_90, %shift_right_logical3A_92 : vector<16xi32>
    %swap3A_94 = arith.constant 112 : index
    %swap3A_95 = tpu.vector_load %arg7[%swap3A_94] {strides = array<i32>} : memref<128xi32, #tpu.memory_space<vmem>>, vector<16xi32>,
    tpu.vector_store %arg7[%swap3A_94], %shift_right_logical3A_93 {strides = array<i32>} : memref<128xi32, #tpu.memory_space<vmem>>, vector<16xi32>,
    %dma_start3A = arith.constant 0 : i32
    %dma_start3A_96 = arith.constant 0 : i32
    %dma_start3A_97 = tpu.memref_slice %arg3[%dma_start3A, %dma_start3A_96] : memref<250000x128xf32, #tpu.memory_space<hbm>> -> memref<250000x128xf32, #tpu.memory_space<hbm>>
    tpu.enqueue_indirect_dma source(%dma_start3A_97 : memref<250000x128xf32, #tpu.memory_space<hbm>>) target(%arg9 : memref<128x128xf32, #tpu.memory_space<vmem>>) offsets(%arg7 : memref<128xi32, #tpu.memory_space<vmem>>) semaphore(%arg14 : memref<!tpu.dma_semaphore, #tpu.memory_space<semaphore_mem>>)
    %scan3A = arith.constant 0 : i32
    %scan3A_98 = arith.constant 0 : i32
    %scan3A_99 = arith.constant 100 : i32
    %scan3A_100 = arith.addi %scan3A_98, %scan3A_99 : i32
    %scan3A_101 = arith.constant 1 : i32
    scf.for %scan3A_119 = %scan3A_98 to %scan3A_100 step %scan3A_101  : i32 {
      %mul3A_120 = arith.constant 2 : i32
      %mul3A_121 = arith.muli %mul3A_120, %scan3A_119 : i32
      %add3A_122 = arith.constant 1 : i32
      %add3A_123 = arith.addi %mul3A_121, %add3A_122 : i32
      %add3A_124 = arith.constant 2 : i32
      %add3A_125 = arith.addi %mul3A_121, %add3A_124 : i32
      %min3A = arith.constant 199 : i32
      %min3A_126 = arith.minsi %add3A_125, %min3A : i32
      %get3A_127 = arith.index_cast %add3A_123 : i32 to index
      %get3A_128 = arith.constant 0 : index
      %get3A_129 = tpu.vector_load %arg6[%get3A_127, %get3A_128] {strides = array<i32>} : memref<200x128xi32, #tpu.memory_space<vmem>>, vector<16xi32>,
      %shift_right_logical3A_130 = arith.constant 2 : i32
      %shift_right_logical3A_131 = vector.broadcast %shift_right_logical3A_130 : i32 to vector<16xi32>
      %shift_right_logical3A_132 = arith.shrui %get3A_129, %shift_right_logical3A_131 : vector<16xi32>
      %swap3A_133 = arith.constant 0 : index
      %swap3A_134 = tpu.vector_load %arg8[%swap3A_133] {strides = array<i32>} : memref<128xi32, #tpu.memory_space<vmem>>, vector<16xi32>,
      tpu.vector_store %arg8[%swap3A_133], %shift_right_logical3A_132 {strides = array<i32>} : memref<128xi32, #tpu.memory_space<vmem>>, vector<16xi32>,
      %get3A_135 = arith.index_cast %add3A_123 : i32 to index
      %get3A_136 = arith.constant 16 : index
      %get3A_137 = tpu.vector_load %arg6[%get3A_135, %get3A_136] {strides = array<i32>} : memref<200x128xi32, #tpu.memory_space<vmem>>, vector<16xi32>,
      %shift_right_logical3A_138 = arith.constant 2 : i32
      %shift_right_logical3A_139 = vector.broadcast %shift_right_logical3A_138 : i32 to vector<16xi32>
      %shift_right_logical3A_140 = arith.shrui %get3A_137, %shift_right_logical3A_139 : vector<16xi32>
      %swap3A_141 = arith.constant 16 : index
      %swap3A_142 = tpu.vector_load %arg8[%swap3A_141] {strides = array<i32>} : memref<128xi32, #tpu.memory_space<vmem>>, vector<16xi32>,
      tpu.vector_store %arg8[%swap3A_141], %shift_right_logical3A_140 {strides = array<i32>} : memref<128xi32, #tpu.memory_space<vmem>>, vector<16xi32>,
      %get3A_143 = arith.index_cast %add3A_123 : i32 to index
      %get3A_144 = arith.constant 32 : index
      %get3A_145 = tpu.vector_load %arg6[%get3A_143, %get3A_144] {strides = array<i32>} : memref<200x128xi32, #tpu.memory_space<vmem>>, vector<16xi32>,
      %shift_right_logical3A_146 = arith.constant 2 : i32
      %shift_right_logical3A_147 = vector.broadcast %shift_right_logical3A_146 : i32 to vector<16xi32>
      %shift_right_logical3A_148 = arith.shrui %get3A_145, %shift_right_logical3A_147 : vector<16xi32>
      %swap3A_149 = arith.constant 32 : index
      %swap3A_150 = tpu.vector_load %arg8[%swap3A_149] {strides = array<i32>} : memref<128xi32, #tpu.memory_space<vmem>>, vector<16xi32>,
      tpu.vector_store %arg8[%swap3A_149], %shift_right_logical3A_148 {strides = array<i32>} : memref<128xi32, #tpu.memory_space<vmem>>, vector<16xi32>,
      %get3A_151 = arith.index_cast %add3A_123 : i32 to index
      %get3A_152 = arith.constant 48 : index
      %get3A_153 = tpu.vector_load %arg6[%get3A_151, %get3A_152] {strides = array<i32>} : memref<200x128xi32, #tpu.memory_space<vmem>>, vector<16xi32>,
      %shift_right_logical3A_154 = arith.constant 2 : i32
      %shift_right_logical3A_155 = vector.broadcast %shift_right_logical3A_154 : i32 to vector<16xi32>
      %shift_right_logical3A_156 = arith.shrui %get3A_153, %shift_right_logical3A_155 : vector<16xi32>
      %swap3A_157 = arith.constant 48 : index
      %swap3A_158 = tpu.vector_load %arg8[%swap3A_157] {strides = array<i32>} : memref<128xi32, #tpu.memory_space<vmem>>, vector<16xi32>,
      tpu.vector_store %arg8[%swap3A_157], %shift_right_logical3A_156 {strides = array<i32>} : memref<128xi32, #tpu.memory_space<vmem>>, vector<16xi32>,
      %get3A_159 = arith.index_cast %add3A_123 : i32 to index
      %get3A_160 = arith.constant 64 : index
      %get3A_161 = tpu.vector_load %arg6[%get3A_159, %get3A_160] {strides = array<i32>} : memref<200x128xi32, #tpu.memory_space<vmem>>, vector<16xi32>,
      %shift_right_logical3A_162 = arith.constant 2 : i32
      %shift_right_logical3A_163 = vector.broadcast %shift_right_logical3A_162 : i32 to vector<16xi32>
      %shift_right_logical3A_164 = arith.shrui %get3A_161, %shift_right_logical3A_163 : vector<16xi32>
      %swap3A_165 = arith.constant 64 : index
      %swap3A_166 = tpu.vector_load %arg8[%swap3A_165] {strides = array<i32>} : memref<128xi32, #tpu.memory_space<vmem>>, vector<16xi32>,
      tpu.vector_store %arg8[%swap3A_165], %shift_right_logical3A_164 {strides = array<i32>} : memref<128xi32, #tpu.memory_space<vmem>>, vector<16xi32>,
      %get3A_167 = arith.index_cast %add3A_123 : i32 to index
      %get3A_168 = arith.constant 80 : index
      %get3A_169 = tpu.vector_load %arg6[%get3A_167, %get3A_168] {strides = array<i32>} : memref<200x128xi32, #tpu.memory_space<vmem>>, vector<16xi32>,
      %shift_right_logical3A_170 = arith.constant 2 : i32
      %shift_right_logical3A_171 = vector.broadcast %shift_right_logical3A_170 : i32 to vector<16xi32>
      %shift_right_logical3A_172 = arith.shrui %get3A_169, %shift_right_logical3A_171 : vector<16xi32>
      %swap3A_173 = arith.constant 80 : index
      %swap3A_174 = tpu.vector_load %arg8[%swap3A_173] {strides = array<i32>} : memref<128xi32, #tpu.memory_space<vmem>>, vector<16xi32>,
      tpu.vector_store %arg8[%swap3A_173], %shift_right_logical3A_172 {strides = array<i32>} : memref<128xi32, #tpu.memory_space<vmem>>, vector<16xi32>,
      %get3A_175 = arith.index_cast %add3A_123 : i32 to index
      %get3A_176 = arith.constant 96 : index
      %get3A_177 = tpu.vector_load %arg6[%get3A_175, %get3A_176] {strides = array<i32>} : memref<200x128xi32, #tpu.memory_space<vmem>>, vector<16xi32>,
      %shift_right_logical3A_178 = arith.constant 2 : i32
      %shift_right_logical3A_179 = vector.broadcast %shift_right_logical3A_178 : i32 to vector<16xi32>
      %shift_right_logical3A_180 = arith.shrui %get3A_177, %shift_right_logical3A_179 : vector<16xi32>
      %swap3A_181 = arith.constant 96 : index
      %swap3A_182 = tpu.vector_load %arg8[%swap3A_181] {strides = array<i32>} : memref<128xi32, #tpu.memory_space<vmem>>, vector<16xi32>,
      tpu.vector_store %arg8[%swap3A_181], %shift_right_logical3A_180 {strides = array<i32>} : memref<128xi32, #tpu.memory_space<vmem>>, vector<16xi32>,
      %get3A_183 = arith.index_cast %add3A_123 : i32 to index
      %get3A_184 = arith.constant 112 : index
      %get3A_185 = tpu.vector_load %arg6[%get3A_183, %get3A_184] {strides = array<i32>} : memref<200x128xi32, #tpu.memory_space<vmem>>, vector<16xi32>,
      %shift_right_logical3A_186 = arith.constant 2 : i32
      %shift_right_logical3A_187 = vector.broadcast %shift_right_logical3A_186 : i32 to vector<16xi32>
      %shift_right_logical3A_188 = arith.shrui %get3A_185, %shift_right_logical3A_187 : vector<16xi32>
      %swap3A_189 = arith.constant 112 : index
      %swap3A_190 = tpu.vector_load %arg8[%swap3A_189] {strides = array<i32>} : memref<128xi32, #tpu.memory_space<vmem>>, vector<16xi32>,
      tpu.vector_store %arg8[%swap3A_189], %shift_right_logical3A_188 {strides = array<i32>} : memref<128xi32, #tpu.memory_space<vmem>>, vector<16xi32>,
      %dma_start3A_191 = arith.constant 0 : i32
      %dma_start3A_192 = arith.constant 0 : i32
      %dma_start3A_193 = tpu.memref_slice %arg3[%dma_start3A_191, %dma_start3A_192] : memref<250000x128xf32, #tpu.memory_space<hbm>> -> memref<250000x128xf32, #tpu.memory_space<hbm>>
      tpu.enqueue_indirect_dma source(%dma_start3A_193 : memref<250000x128xf32, #tpu.memory_space<hbm>>) target(%arg10 : memref<128x128xf32, #tpu.memory_space<vmem>>) offsets(%arg8 : memref<128xi32, #tpu.memory_space<vmem>>) semaphore(%arg15 : memref<!tpu.dma_semaphore, #tpu.memory_space<semaphore_mem>>)
      %dma_wait3A_194 = arith.constant 0 : i32
      %dma_wait3A_195 = arith.constant 0 : i32
      %dma_wait3A_196 = tpu.memref_slice %arg3[%dma_wait3A_194, %dma_wait3A_195] : memref<250000x128xf32, #tpu.memory_space<hbm>> -> memref<250000x128xf32, #tpu.memory_space<hbm>>
      tpu.wait_indirect_dma semaphore(%arg14 : memref<!tpu.dma_semaphore, #tpu.memory_space<semaphore_mem>>) src(%dma_wait3A_196 : memref<250000x128xf32, #tpu.memory_space<hbm>>) dst(%arg9 : memref<128x128xf32, #tpu.memory_space<vmem>>)
      %ge3A = arith.constant 2 : i32
      %ge3A_197 = arith.cmpi sge, %mul3A_121, %ge3A : i32
      %convert_element_type3A = arith.extui %ge3A_197 : i1 to i32
      %cond3A = arith.constant 0 : i32
      %cond3A_198 = arith.cmpi ne, %convert_element_type3A, %cond3A : i32
      scf.if %cond3A_198 {
        %dma_wait3A_434 = arith.constant 0 : i32
        %dma_wait3A_435 = arith.constant 0 : i32
        %dma_wait3A_436 = tpu.memref_slice %arg5[%dma_wait3A_434, %dma_wait3A_435, %mul3A_2] : memref<200x32x4096xf32, #tpu.memory_space<hbm>> -> memref<1x32x128xf32, #tpu.memory_space<hbm>>
        %dma_wait3A_437 = tpu.memref_squeeze %dma_wait3A_436 : memref<1x32x128xf32, #tpu.memory_space<hbm>> -> memref<32x128xf32, #tpu.memory_space<hbm>>
        %dma_wait3A_438 = arith.constant 0 : i32
        %dma_wait3A_439 = tpu.memref_slice %arg5[%dma_wait3A_434, %dma_wait3A_438, %mul3A_2] : memref<200x32x4096xf32, #tpu.memory_space<hbm>> -> memref<1x32x128xf32, #tpu.memory_space<hbm>>
        %dma_wait3A_440 = tpu.memref_squeeze %dma_wait3A_439 : memref<1x32x128xf32, #tpu.memory_space<hbm>> -> memref<32x128xf32, #tpu.memory_space<hbm>>
        tpu.wait_dma2 semaphore(%arg16 : memref<!tpu.dma_semaphore, #tpu.memory_space<semaphore_mem>>) src(%dma_wait3A_440 : memref<32x128xf32, #tpu.memory_space<hbm>>) dst(%arg11 : memref<32x128xf32, #tpu.memory_space<vmem>>)
      } else {
      }
      %broadcast_in_dim3A = vector.broadcast %mul3A_121 : i32 to vector<16xi32>
      %get3A_199 = arith.index_cast %mul3A_121 : i32 to index
      %get3A_200 = arith.constant 0 : index
      %get3A_201 = tpu.vector_load %arg6[%get3A_199, %get3A_200] {strides = array<i32>} : memref<200x128xi32, #tpu.memory_space<vmem>>, vector<16xi32>,
      %and3A = arith.constant 3 : i32
      %and3A_202 = vector.broadcast %and3A : i32 to vector<16xi32>
      %and3A_203 = arith.andi %get3A_201, %and3A_202 : vector<16xi32>
      %shift_left3A = arith.constant 5 : i32
      %shift_left3A_204 = vector.broadcast %shift_left3A : i32 to vector<16xi32>
      %shift_left3A_205 = arith.shli %and3A_203, %shift_left3A_204 : vector<16xi32>
      %get3A_206 = arith.index_cast %mul3A_121 : i32 to index
      %get3A_207 = arith.constant 16 : index
      %get3A_208 = tpu.vector_load %arg6[%get3A_206, %get3A_207] {strides = array<i32>} : memref<200x128xi32, #tpu.memory_space<vmem>>, vector<16xi32>,
      %and3A_209 = arith.constant 3 : i32
      %and3A_210 = vector.broadcast %and3A_209 : i32 to vector<16xi32>
      %and3A_211 = arith.andi %get3A_208, %and3A_210 : vector<16xi32>
      %shift_left3A_212 = arith.constant 5 : i32
      %shift_left3A_213 = vector.broadcast %shift_left3A_212 : i32 to vector<16xi32>
      %shift_left3A_214 = arith.shli %and3A_211, %shift_left3A_213 : vector<16xi32>
      %get3A_215 = arith.index_cast %mul3A_121 : i32 to index
      %get3A_216 = arith.constant 32 : index
      %get3A_217 = tpu.vector_load %arg6[%get3A_215, %get3A_216] {strides = array<i32>} : memref<200x128xi32, #tpu.memory_space<vmem>>, vector<16xi32>,
      %and3A_218 = arith.constant 3 : i32
      %and3A_219 = vector.broadcast %and3A_218 : i32 to vector<16xi32>
      %and3A_220 = arith.andi %get3A_217, %and3A_219 : vector<16xi32>
      %shift_left3A_221 = arith.constant 5 : i32
      %shift_left3A_222 = vector.broadcast %shift_left3A_221 : i32 to vector<16xi32>
      %shift_left3A_223 = arith.shli %and3A_220, %shift_left3A_222 : vector<16xi32>
      %get3A_224 = arith.index_cast %mul3A_121 : i32 to index
      %get3A_225 = arith.constant 48 : index
      %get3A_226 = tpu.vector_load %arg6[%get3A_224, %get3A_225] {strides = array<i32>} : memref<200x128xi32, #tpu.memory_space<vmem>>, vector<16xi32>,
      %and3A_227 = arith.constant 3 : i32
      %and3A_228 = vector.broadcast %and3A_227 : i32 to vector<16xi32>
      %and3A_229 = arith.andi %get3A_226, %and3A_228 : vector<16xi32>
      %shift_left3A_230 = arith.constant 5 : i32
      %shift_left3A_231 = vector.broadcast %shift_left3A_230 : i32 to vector<16xi32>
      %shift_left3A_232 = arith.shli %and3A_229, %shift_left3A_231 : vector<16xi32>
      %get3A_233 = arith.index_cast %mul3A_121 : i32 to index
      %get3A_234 = arith.constant 64 : index
      %get3A_235 = tpu.vector_load %arg6[%get3A_233, %get3A_234] {strides = array<i32>} : memref<200x128xi32, #tpu.memory_space<vmem>>, vector<16xi32>,
      %and3A_236 = arith.constant 3 : i32
      %and3A_237 = vector.broadcast %and3A_236 : i32 to vector<16xi32>
      %and3A_238 = arith.andi %get3A_235, %and3A_237 : vector<16xi32>
      %shift_left3A_239 = arith.constant 5 : i32
      %shift_left3A_240 = vector.broadcast %shift_left3A_239 : i32 to vector<16xi32>
      %shift_left3A_241 = arith.shli %and3A_238, %shift_left3A_240 : vector<16xi32>
      %get3A_242 = arith.index_cast %mul3A_121 : i32 to index
      %get3A_243 = arith.constant 80 : index
      %get3A_244 = tpu.vector_load %arg6[%get3A_242, %get3A_243] {strides = array<i32>} : memref<200x128xi32, #tpu.memory_space<vmem>>, vector<16xi32>,
      %and3A_245 = arith.constant 3 : i32
      %and3A_246 = vector.broadcast %and3A_245 : i32 to vector<16xi32>
      %and3A_247 = arith.andi %get3A_244, %and3A_246 : vector<16xi32>
      %shift_left3A_248 = arith.constant 5 : i32
      %shift_left3A_249 = vector.broadcast %shift_left3A_248 : i32 to vector<16xi32>
      %shift_left3A_250 = arith.shli %and3A_247, %shift_left3A_249 : vector<16xi32>
      %get3A_251 = arith.index_cast %mul3A_121 : i32 to index
      %get3A_252 = arith.constant 96 : index
      %get3A_253 = tpu.vector_load %arg6[%get3A_251, %get3A_252] {strides = array<i32>} : memref<200x128xi32, #tpu.memory_space<vmem>>, vector<16xi32>,
      %and3A_254 = arith.constant 3 : i32
      %and3A_255 = vector.broadcast %and3A_254 : i32 to vector<16xi32>
      %and3A_256 = arith.andi %get3A_253, %and3A_255 : vector<16xi32>
      %shift_left3A_257 = arith.constant 5 : i32
      %shift_left3A_258 = vector.broadcast %shift_left3A_257 : i32 to vector<16xi32>
      %shift_left3A_259 = arith.shli %and3A_256, %shift_left3A_258 : vector<16xi32>
      %get3A_260 = arith.index_cast %mul3A_121 : i32 to index
      %get3A_261 = arith.constant 112 : index
      %get3A_262 = tpu.vector_load %arg6[%get3A_260, %get3A_261] {strides = array<i32>} : memref<200x128xi32, #tpu.memory_space<vmem>>, vector<16xi32>,
      %and3A_263 = arith.constant 3 : i32
      %and3A_264 = vector.broadcast %and3A_263 : i32 to vector<16xi32>
      %and3A_265 = arith.andi %get3A_262, %and3A_264 : vector<16xi32>
      %shift_left3A_266 = arith.constant 5 : i32
      %shift_left3A_267 = vector.broadcast %shift_left3A_266 : i32 to vector<16xi32>
      %shift_left3A_268 = arith.shli %and3A_265, %shift_left3A_267 : vector<16xi32>
      %parallel_loop3A = arith.constant 0 : i32
      %parallel_loop3A_269 = arith.constant 32 : i32
      %parallel_loop3A_270 = arith.constant 1 : i32
      scf.for %parallel_loop3A_434 = %parallel_loop3A to %parallel_loop3A_269 step %parallel_loop3A_270  : i32 {
        %parallel_loop3A_435 = vector.broadcast %parallel_loop3A_434 : i32 to vector<16xi32>
        %parallel_loop3A_436 = tpu.vector_load_idx %arg13[%parallel_loop3A_435, %broadcast_in_dim3A] : memref<32x200xf32, #tpu.memory_space<vmem>>[vector<16xi32>, vector<16xi32>], vector<16xf32>,
        %parallel_loop3A_437 = arith.addi %shift_left3A_205, %parallel_loop3A_435 : vector<16xi32>
        %parallel_loop3A_438 = tpu.vector_load_idx %arg9[%add3A_5, %parallel_loop3A_437] : memref<128x128xf32, #tpu.memory_space<vmem>>[vector<16xi32>, vector<16xi32>], vector<16xf32>,
        %parallel_loop3A_439 = arith.addf %parallel_loop3A_438, %parallel_loop3A_436 : vector<16xf32>
        %parallel_loop3A_440 = arith.index_cast %parallel_loop3A_434 : i32 to index
        %parallel_loop3A_441 = arith.constant 0 : index
        %parallel_loop3A_442 = tpu.vector_load %arg11[%parallel_loop3A_440, %parallel_loop3A_441] {strides = array<i32>} : memref<32x128xf32, #tpu.memory_space<vmem>>, vector<16xf32>,
        tpu.vector_store %arg11[%parallel_loop3A_440, %parallel_loop3A_441], %parallel_loop3A_439 {strides = array<i32>} : memref<32x128xf32, #tpu.memory_space<vmem>>, vector<16xf32>,
        %parallel_loop3A_443 = arith.addi %shift_left3A_214, %parallel_loop3A_435 : vector<16xi32>
        %parallel_loop3A_444 = tpu.vector_load_idx %arg9[%add3A_8, %parallel_loop3A_443] : memref<128x128xf32, #tpu.memory_space<vmem>>[vector<16xi32>, vector<16xi32>], vector<16xf32>,
        %parallel_loop3A_445 = arith.addf %parallel_loop3A_444, %parallel_loop3A_436 : vector<16xf32>
        %parallel_loop3A_446 = arith.index_cast %parallel_loop3A_434 : i32 to index
        %parallel_loop3A_447 = arith.constant 16 : index
        %parallel_loop3A_448 = tpu.vector_load %arg11[%parallel_loop3A_446, %parallel_loop3A_447] {strides = array<i32>} : memref<32x128xf32, #tpu.memory_space<vmem>>, vector<16xf32>,
        tpu.vector_store %arg11[%parallel_loop3A_446, %parallel_loop3A_447], %parallel_loop3A_445 {strides = array<i32>} : memref<32x128xf32, #tpu.memory_space<vmem>>, vector<16xf32>,
        %parallel_loop3A_449 = arith.addi %shift_left3A_223, %parallel_loop3A_435 : vector<16xi32>
        %parallel_loop3A_450 = tpu.vector_load_idx %arg9[%add3A_11, %parallel_loop3A_449] : memref<128x128xf32, #tpu.memory_space<vmem>>[vector<16xi32>, vector<16xi32>], vector<16xf32>,
        %parallel_loop3A_451 = arith.addf %parallel_loop3A_450, %parallel_loop3A_436 : vector<16xf32>
        %parallel_loop3A_452 = arith.index_cast %parallel_loop3A_434 : i32 to index
        %parallel_loop3A_453 = arith.constant 32 : index
        %parallel_loop3A_454 = tpu.vector_load %arg11[%parallel_loop3A_452, %parallel_loop3A_453] {strides = array<i32>} : memref<32x128xf32, #tpu.memory_space<vmem>>, vector<16xf32>,
        tpu.vector_store %arg11[%parallel_loop3A_452, %parallel_loop3A_453], %parallel_loop3A_451 {strides = array<i32>} : memref<32x128xf32, #tpu.memory_space<vmem>>, vector<16xf32>,
        %parallel_loop3A_455 = arith.addi %shift_left3A_232, %parallel_loop3A_435 : vector<16xi32>
        %parallel_loop3A_456 = tpu.vector_load_idx %arg9[%add3A_14, %parallel_loop3A_455] : memref<128x128xf32, #tpu.memory_space<vmem>>[vector<16xi32>, vector<16xi32>], vector<16xf32>,
        %parallel_loop3A_457 = arith.addf %parallel_loop3A_456, %parallel_loop3A_436 : vector<16xf32>
        %parallel_loop3A_458 = arith.index_cast %parallel_loop3A_434 : i32 to index
        %parallel_loop3A_459 = arith.constant 48 : index
        %parallel_loop3A_460 = tpu.vector_load %arg11[%parallel_loop3A_458, %parallel_loop3A_459] {strides = array<i32>} : memref<32x128xf32, #tpu.memory_space<vmem>>, vector<16xf32>,
        tpu.vector_store %arg11[%parallel_loop3A_458, %parallel_loop3A_459], %parallel_loop3A_457 {strides = array<i32>} : memref<32x128xf32, #tpu.memory_space<vmem>>, vector<16xf32>,
        %parallel_loop3A_461 = arith.addi %shift_left3A_241, %parallel_loop3A_435 : vector<16xi32>
        %parallel_loop3A_462 = tpu.vector_load_idx %arg9[%add3A_17, %parallel_loop3A_461] : memref<128x128xf32, #tpu.memory_space<vmem>>[vector<16xi32>, vector<16xi32>], vector<16xf32>,
        %parallel_loop3A_463 = arith.addf %parallel_loop3A_462, %parallel_loop3A_436 : vector<16xf32>
        %parallel_loop3A_464 = arith.index_cast %parallel_loop3A_434 : i32 to index
        %parallel_loop3A_465 = arith.constant 64 : index
        %parallel_loop3A_466 = tpu.vector_load %arg11[%parallel_loop3A_464, %parallel_loop3A_465] {strides = array<i32>} : memref<32x128xf32, #tpu.memory_space<vmem>>, vector<16xf32>,
        tpu.vector_store %arg11[%parallel_loop3A_464, %parallel_loop3A_465], %parallel_loop3A_463 {strides = array<i32>} : memref<32x128xf32, #tpu.memory_space<vmem>>, vector<16xf32>,
        %parallel_loop3A_467 = arith.addi %shift_left3A_250, %parallel_loop3A_435 : vector<16xi32>
        %parallel_loop3A_468 = tpu.vector_load_idx %arg9[%add3A_20, %parallel_loop3A_467] : memref<128x128xf32, #tpu.memory_space<vmem>>[vector<16xi32>, vector<16xi32>], vector<16xf32>,
        %parallel_loop3A_469 = arith.addf %parallel_loop3A_468, %parallel_loop3A_436 : vector<16xf32>
        %parallel_loop3A_470 = arith.index_cast %parallel_loop3A_434 : i32 to index
        %parallel_loop3A_471 = arith.constant 80 : index
        %parallel_loop3A_472 = tpu.vector_load %arg11[%parallel_loop3A_470, %parallel_loop3A_471] {strides = array<i32>} : memref<32x128xf32, #tpu.memory_space<vmem>>, vector<16xf32>,
        tpu.vector_store %arg11[%parallel_loop3A_470, %parallel_loop3A_471], %parallel_loop3A_469 {strides = array<i32>} : memref<32x128xf32, #tpu.memory_space<vmem>>, vector<16xf32>,
        %parallel_loop3A_473 = arith.addi %shift_left3A_259, %parallel_loop3A_435 : vector<16xi32>
        %parallel_loop3A_474 = tpu.vector_load_idx %arg9[%add3A_23, %parallel_loop3A_473] : memref<128x128xf32, #tpu.memory_space<vmem>>[vector<16xi32>, vector<16xi32>], vector<16xf32>,
        %parallel_loop3A_475 = arith.addf %parallel_loop3A_474, %parallel_loop3A_436 : vector<16xf32>
        %parallel_loop3A_476 = arith.index_cast %parallel_loop3A_434 : i32 to index
        %parallel_loop3A_477 = arith.constant 96 : index
        %parallel_loop3A_478 = tpu.vector_load %arg11[%parallel_loop3A_476, %parallel_loop3A_477] {strides = array<i32>} : memref<32x128xf32, #tpu.memory_space<vmem>>, vector<16xf32>,
        tpu.vector_store %arg11[%parallel_loop3A_476, %parallel_loop3A_477], %parallel_loop3A_475 {strides = array<i32>} : memref<32x128xf32, #tpu.memory_space<vmem>>, vector<16xf32>,
        %parallel_loop3A_479 = arith.addi %shift_left3A_268, %parallel_loop3A_435 : vector<16xi32>
        %parallel_loop3A_480 = tpu.vector_load_idx %arg9[%add3A_26, %parallel_loop3A_479] : memref<128x128xf32, #tpu.memory_space<vmem>>[vector<16xi32>, vector<16xi32>], vector<16xf32>,
        %parallel_loop3A_481 = arith.addf %parallel_loop3A_480, %parallel_loop3A_436 : vector<16xf32>
        %parallel_loop3A_482 = arith.index_cast %parallel_loop3A_434 : i32 to index
        %parallel_loop3A_483 = arith.constant 112 : index
        %parallel_loop3A_484 = tpu.vector_load %arg11[%parallel_loop3A_482, %parallel_loop3A_483] {strides = array<i32>} : memref<32x128xf32, #tpu.memory_space<vmem>>, vector<16xf32>,
        tpu.vector_store %arg11[%parallel_loop3A_482, %parallel_loop3A_483], %parallel_loop3A_481 {strides = array<i32>} : memref<32x128xf32, #tpu.memory_space<vmem>>, vector<16xf32>,
      } {sc.loop_unroll_factor = 4 : i64, sc.parallel_access}
      %dma_start3A_271 = arith.constant 0 : i32
      %dma_start3A_272 = tpu.memref_slice %arg5[%mul3A_121, %dma_start3A_271, %mul3A_2] : memref<200x32x4096xf32, #tpu.memory_space<hbm>> -> memref<1x32x128xf32, #tpu.memory_space<hbm>>
      %dma_start3A_273 = tpu.memref_squeeze %dma_start3A_272 : memref<1x32x128xf32, #tpu.memory_space<hbm>> -> memref<32x128xf32, #tpu.memory_space<hbm>>
      %dma_start3A_274 = arith.constant 0 : i32
      %dma_start3A_275 = tpu.memref_slice %arg5[%mul3A_121, %dma_start3A_274, %mul3A_2] : memref<200x32x4096xf32, #tpu.memory_space<hbm>> -> memref<1x32x128xf32, #tpu.memory_space<hbm>>
      %dma_start3A_276 = tpu.memref_squeeze %dma_start3A_275 : memref<1x32x128xf32, #tpu.memory_space<hbm>> -> memref<32x128xf32, #tpu.memory_space<hbm>>
      tpu.enqueue_dma source(%arg11 : memref<32x128xf32, #tpu.memory_space<vmem>>) target(%dma_start3A_276 : memref<32x128xf32, #tpu.memory_space<hbm>>) target_semaphore(%arg16 : memref<!tpu.dma_semaphore, #tpu.memory_space<semaphore_mem>>)
      %get3A_277 = arith.index_cast %min3A_126 : i32 to index
      %get3A_278 = arith.constant 0 : index
      %get3A_279 = tpu.vector_load %arg6[%get3A_277, %get3A_278] {strides = array<i32>} : memref<200x128xi32, #tpu.memory_space<vmem>>, vector<16xi32>,
      %shift_right_logical3A_280 = arith.constant 2 : i32
      %shift_right_logical3A_281 = vector.broadcast %shift_right_logical3A_280 : i32 to vector<16xi32>
      %shift_right_logical3A_282 = arith.shrui %get3A_279, %shift_right_logical3A_281 : vector<16xi32>
      %swap3A_283 = arith.constant 0 : index
      %swap3A_284 = tpu.vector_load %arg7[%swap3A_283] {strides = array<i32>} : memref<128xi32, #tpu.memory_space<vmem>>, vector<16xi32>,
      tpu.vector_store %arg7[%swap3A_283], %shift_right_logical3A_282 {strides = array<i32>} : memref<128xi32, #tpu.memory_space<vmem>>, vector<16xi32>,
      %get3A_285 = arith.index_cast %min3A_126 : i32 to index
      %get3A_286 = arith.constant 16 : index
      %get3A_287 = tpu.vector_load %arg6[%get3A_285, %get3A_286] {strides = array<i32>} : memref<200x128xi32, #tpu.memory_space<vmem>>, vector<16xi32>,
      %shift_right_logical3A_288 = arith.constant 2 : i32
      %shift_right_logical3A_289 = vector.broadcast %shift_right_logical3A_288 : i32 to vector<16xi32>
      %shift_right_logical3A_290 = arith.shrui %get3A_287, %shift_right_logical3A_289 : vector<16xi32>
      %swap3A_291 = arith.constant 16 : index
      %swap3A_292 = tpu.vector_load %arg7[%swap3A_291] {strides = array<i32>} : memref<128xi32, #tpu.memory_space<vmem>>, vector<16xi32>,
      tpu.vector_store %arg7[%swap3A_291], %shift_right_logical3A_290 {strides = array<i32>} : memref<128xi32, #tpu.memory_space<vmem>>, vector<16xi32>,
      %get3A_293 = arith.index_cast %min3A_126 : i32 to index
      %get3A_294 = arith.constant 32 : index
      %get3A_295 = tpu.vector_load %arg6[%get3A_293, %get3A_294] {strides = array<i32>} : memref<200x128xi32, #tpu.memory_space<vmem>>, vector<16xi32>,
      %shift_right_logical3A_296 = arith.constant 2 : i32
      %shift_right_logical3A_297 = vector.broadcast %shift_right_logical3A_296 : i32 to vector<16xi32>
      %shift_right_logical3A_298 = arith.shrui %get3A_295, %shift_right_logical3A_297 : vector<16xi32>
      %swap3A_299 = arith.constant 32 : index
      %swap3A_300 = tpu.vector_load %arg7[%swap3A_299] {strides = array<i32>} : memref<128xi32, #tpu.memory_space<vmem>>, vector<16xi32>,
      tpu.vector_store %arg7[%swap3A_299], %shift_right_logical3A_298 {strides = array<i32>} : memref<128xi32, #tpu.memory_space<vmem>>, vector<16xi32>,
      %get3A_301 = arith.index_cast %min3A_126 : i32 to index
      %get3A_302 = arith.constant 48 : index
      %get3A_303 = tpu.vector_load %arg6[%get3A_301, %get3A_302] {strides = array<i32>} : memref<200x128xi32, #tpu.memory_space<vmem>>, vector<16xi32>,
      %shift_right_logical3A_304 = arith.constant 2 : i32
      %shift_right_logical3A_305 = vector.broadcast %shift_right_logical3A_304 : i32 to vector<16xi32>
      %shift_right_logical3A_306 = arith.shrui %get3A_303, %shift_right_logical3A_305 : vector<16xi32>
      %swap3A_307 = arith.constant 48 : index
      %swap3A_308 = tpu.vector_load %arg7[%swap3A_307] {strides = array<i32>} : memref<128xi32, #tpu.memory_space<vmem>>, vector<16xi32>,
      tpu.vector_store %arg7[%swap3A_307], %shift_right_logical3A_306 {strides = array<i32>} : memref<128xi32, #tpu.memory_space<vmem>>, vector<16xi32>,
      %get3A_309 = arith.index_cast %min3A_126 : i32 to index
      %get3A_310 = arith.constant 64 : index
      %get3A_311 = tpu.vector_load %arg6[%get3A_309, %get3A_310] {strides = array<i32>} : memref<200x128xi32, #tpu.memory_space<vmem>>, vector<16xi32>,
      %shift_right_logical3A_312 = arith.constant 2 : i32
      %shift_right_logical3A_313 = vector.broadcast %shift_right_logical3A_312 : i32 to vector<16xi32>
      %shift_right_logical3A_314 = arith.shrui %get3A_311, %shift_right_logical3A_313 : vector<16xi32>
      %swap3A_315 = arith.constant 64 : index
      %swap3A_316 = tpu.vector_load %arg7[%swap3A_315] {strides = array<i32>} : memref<128xi32, #tpu.memory_space<vmem>>, vector<16xi32>,
      tpu.vector_store %arg7[%swap3A_315], %shift_right_logical3A_314 {strides = array<i32>} : memref<128xi32, #tpu.memory_space<vmem>>, vector<16xi32>,
      %get3A_317 = arith.index_cast %min3A_126 : i32 to index
      %get3A_318 = arith.constant 80 : index
      %get3A_319 = tpu.vector_load %arg6[%get3A_317, %get3A_318] {strides = array<i32>} : memref<200x128xi32, #tpu.memory_space<vmem>>, vector<16xi32>,
      %shift_right_logical3A_320 = arith.constant 2 : i32
      %shift_right_logical3A_321 = vector.broadcast %shift_right_logical3A_320 : i32 to vector<16xi32>
      %shift_right_logical3A_322 = arith.shrui %get3A_319, %shift_right_logical3A_321 : vector<16xi32>
      %swap3A_323 = arith.constant 80 : index
      %swap3A_324 = tpu.vector_load %arg7[%swap3A_323] {strides = array<i32>} : memref<128xi32, #tpu.memory_space<vmem>>, vector<16xi32>,
      tpu.vector_store %arg7[%swap3A_323], %shift_right_logical3A_322 {strides = array<i32>} : memref<128xi32, #tpu.memory_space<vmem>>, vector<16xi32>,
      %get3A_325 = arith.index_cast %min3A_126 : i32 to index
      %get3A_326 = arith.constant 96 : index
      %get3A_327 = tpu.vector_load %arg6[%get3A_325, %get3A_326] {strides = array<i32>} : memref<200x128xi32, #tpu.memory_space<vmem>>, vector<16xi32>,
      %shift_right_logical3A_328 = arith.constant 2 : i32
      %shift_right_logical3A_329 = vector.broadcast %shift_right_logical3A_328 : i32 to vector<16xi32>
      %shift_right_logical3A_330 = arith.shrui %get3A_327, %shift_right_logical3A_329 : vector<16xi32>
      %swap3A_331 = arith.constant 96 : index
      %swap3A_332 = tpu.vector_load %arg7[%swap3A_331] {strides = array<i32>} : memref<128xi32, #tpu.memory_space<vmem>>, vector<16xi32>,
      tpu.vector_store %arg7[%swap3A_331], %shift_right_logical3A_330 {strides = array<i32>} : memref<128xi32, #tpu.memory_space<vmem>>, vector<16xi32>,
      %get3A_333 = arith.index_cast %min3A_126 : i32 to index
      %get3A_334 = arith.constant 112 : index
      %get3A_335 = tpu.vector_load %arg6[%get3A_333, %get3A_334] {strides = array<i32>} : memref<200x128xi32, #tpu.memory_space<vmem>>, vector<16xi32>,
      %shift_right_logical3A_336 = arith.constant 2 : i32
      %shift_right_logical3A_337 = vector.broadcast %shift_right_logical3A_336 : i32 to vector<16xi32>
      %shift_right_logical3A_338 = arith.shrui %get3A_335, %shift_right_logical3A_337 : vector<16xi32>
      %swap3A_339 = arith.constant 112 : index
      %swap3A_340 = tpu.vector_load %arg7[%swap3A_339] {strides = array<i32>} : memref<128xi32, #tpu.memory_space<vmem>>, vector<16xi32>,
      tpu.vector_store %arg7[%swap3A_339], %shift_right_logical3A_338 {strides = array<i32>} : memref<128xi32, #tpu.memory_space<vmem>>, vector<16xi32>,
      %dma_start3A_341 = arith.constant 0 : i32
      %dma_start3A_342 = arith.constant 0 : i32
      %dma_start3A_343 = tpu.memref_slice %arg3[%dma_start3A_341, %dma_start3A_342] : memref<250000x128xf32, #tpu.memory_space<hbm>> -> memref<250000x128xf32, #tpu.memory_space<hbm>>
      tpu.enqueue_indirect_dma source(%dma_start3A_343 : memref<250000x128xf32, #tpu.memory_space<hbm>>) target(%arg9 : memref<128x128xf32, #tpu.memory_space<vmem>>) offsets(%arg7 : memref<128xi32, #tpu.memory_space<vmem>>) semaphore(%arg14 : memref<!tpu.dma_semaphore, #tpu.memory_space<semaphore_mem>>)
      %dma_wait3A_344 = arith.constant 0 : i32
      %dma_wait3A_345 = arith.constant 0 : i32
      %dma_wait3A_346 = tpu.memref_slice %arg3[%dma_wait3A_344, %dma_wait3A_345] : memref<250000x128xf32, #tpu.memory_space<hbm>> -> memref<250000x128xf32, #tpu.memory_space<hbm>>
      tpu.wait_indirect_dma semaphore(%arg15 : memref<!tpu.dma_semaphore, #tpu.memory_space<semaphore_mem>>) src(%dma_wait3A_346 : memref<250000x128xf32, #tpu.memory_space<hbm>>) dst(%arg10 : memref<128x128xf32, #tpu.memory_space<vmem>>)
      %ge3A_347 = arith.constant 2 : i32
      %ge3A_348 = arith.cmpi sge, %add3A_123, %ge3A_347 : i32
      %convert_element_type3A_349 = arith.extui %ge3A_348 : i1 to i32
      %cond3A_350 = arith.constant 0 : i32
      %cond3A_351 = arith.cmpi ne, %convert_element_type3A_349, %cond3A_350 : i32
      scf.if %cond3A_351 {
        %dma_wait3A_434 = arith.constant 0 : i32
        %dma_wait3A_435 = arith.constant 0 : i32
        %dma_wait3A_436 = tpu.memref_slice %arg5[%dma_wait3A_434, %dma_wait3A_435, %mul3A_2] : memref<200x32x4096xf32, #tpu.memory_space<hbm>> -> memref<1x32x128xf32, #tpu.memory_space<hbm>>
        %dma_wait3A_437 = tpu.memref_squeeze %dma_wait3A_436 : memref<1x32x128xf32, #tpu.memory_space<hbm>> -> memref<32x128xf32, #tpu.memory_space<hbm>>
        %dma_wait3A_438 = arith.constant 0 : i32
        %dma_wait3A_439 = tpu.memref_slice %arg5[%dma_wait3A_434, %dma_wait3A_438, %mul3A_2] : memref<200x32x4096xf32, #tpu.memory_space<hbm>> -> memref<1x32x128xf32, #tpu.memory_space<hbm>>
        %dma_wait3A_440 = tpu.memref_squeeze %dma_wait3A_439 : memref<1x32x128xf32, #tpu.memory_space<hbm>> -> memref<32x128xf32, #tpu.memory_space<hbm>>
        tpu.wait_dma2 semaphore(%arg17 : memref<!tpu.dma_semaphore, #tpu.memory_space<semaphore_mem>>) src(%dma_wait3A_440 : memref<32x128xf32, #tpu.memory_space<hbm>>) dst(%arg12 : memref<32x128xf32, #tpu.memory_space<vmem>>)
      } else {
      }
      %broadcast_in_dim3A_352 = vector.broadcast %add3A_123 : i32 to vector<16xi32>
      %get3A_353 = arith.index_cast %add3A_123 : i32 to index
      %get3A_354 = arith.constant 0 : index
      %get3A_355 = tpu.vector_load %arg6[%get3A_353, %get3A_354] {strides = array<i32>} : memref<200x128xi32, #tpu.memory_space<vmem>>, vector<16xi32>,
      %and3A_356 = arith.constant 3 : i32
      %and3A_357 = vector.broadcast %and3A_356 : i32 to vector<16xi32>
      %and3A_358 = arith.andi %get3A_355, %and3A_357 : vector<16xi32>
      %shift_left3A_359 = arith.constant 5 : i32
      %shift_left3A_360 = vector.broadcast %shift_left3A_359 : i32 to vector<16xi32>
      %shift_left3A_361 = arith.shli %and3A_358, %shift_left3A_360 : vector<16xi32>
      %get3A_362 = arith.index_cast %add3A_123 : i32 to index
      %get3A_363 = arith.constant 16 : index
      %get3A_364 = tpu.vector_load %arg6[%get3A_362, %get3A_363] {strides = array<i32>} : memref<200x128xi32, #tpu.memory_space<vmem>>, vector<16xi32>,
      %and3A_365 = arith.constant 3 : i32
      %and3A_366 = vector.broadcast %and3A_365 : i32 to vector<16xi32>
      %and3A_367 = arith.andi %get3A_364, %and3A_366 : vector<16xi32>
      %shift_left3A_368 = arith.constant 5 : i32
      %shift_left3A_369 = vector.broadcast %shift_left3A_368 : i32 to vector<16xi32>
      %shift_left3A_370 = arith.shli %and3A_367, %shift_left3A_369 : vector<16xi32>
      %get3A_371 = arith.index_cast %add3A_123 : i32 to index
      %get3A_372 = arith.constant 32 : index
      %get3A_373 = tpu.vector_load %arg6[%get3A_371, %get3A_372] {strides = array<i32>} : memref<200x128xi32, #tpu.memory_space<vmem>>, vector<16xi32>,
      %and3A_374 = arith.constant 3 : i32
      %and3A_375 = vector.broadcast %and3A_374 : i32 to vector<16xi32>
      %and3A_376 = arith.andi %get3A_373, %and3A_375 : vector<16xi32>
      %shift_left3A_377 = arith.constant 5 : i32
      %shift_left3A_378 = vector.broadcast %shift_left3A_377 : i32 to vector<16xi32>
      %shift_left3A_379 = arith.shli %and3A_376, %shift_left3A_378 : vector<16xi32>
      %get3A_380 = arith.index_cast %add3A_123 : i32 to index
      %get3A_381 = arith.constant 48 : index
      %get3A_382 = tpu.vector_load %arg6[%get3A_380, %get3A_381] {strides = array<i32>} : memref<200x128xi32, #tpu.memory_space<vmem>>, vector<16xi32>,
      %and3A_383 = arith.constant 3 : i32
      %and3A_384 = vector.broadcast %and3A_383 : i32 to vector<16xi32>
      %and3A_385 = arith.andi %get3A_382, %and3A_384 : vector<16xi32>
      %shift_left3A_386 = arith.constant 5 : i32
      %shift_left3A_387 = vector.broadcast %shift_left3A_386 : i32 to vector<16xi32>
      %shift_left3A_388 = arith.shli %and3A_385, %shift_left3A_387 : vector<16xi32>
      %get3A_389 = arith.index_cast %add3A_123 : i32 to index
      %get3A_390 = arith.constant 64 : index
      %get3A_391 = tpu.vector_load %arg6[%get3A_389, %get3A_390] {strides = array<i32>} : memref<200x128xi32, #tpu.memory_space<vmem>>, vector<16xi32>,
      %and3A_392 = arith.constant 3 : i32
      %and3A_393 = vector.broadcast %and3A_392 : i32 to vector<16xi32>
      %and3A_394 = arith.andi %get3A_391, %and3A_393 : vector<16xi32>
      %shift_left3A_395 = arith.constant 5 : i32
      %shift_left3A_396 = vector.broadcast %shift_left3A_395 : i32 to vector<16xi32>
      %shift_left3A_397 = arith.shli %and3A_394, %shift_left3A_396 : vector<16xi32>
      %get3A_398 = arith.index_cast %add3A_123 : i32 to index
      %get3A_399 = arith.constant 80 : index
      %get3A_400 = tpu.vector_load %arg6[%get3A_398, %get3A_399] {strides = array<i32>} : memref<200x128xi32, #tpu.memory_space<vmem>>, vector<16xi32>,
      %and3A_401 = arith.constant 3 : i32
      %and3A_402 = vector.broadcast %and3A_401 : i32 to vector<16xi32>
      %and3A_403 = arith.andi %get3A_400, %and3A_402 : vector<16xi32>
      %shift_left3A_404 = arith.constant 5 : i32
      %shift_left3A_405 = vector.broadcast %shift_left3A_404 : i32 to vector<16xi32>
      %shift_left3A_406 = arith.shli %and3A_403, %shift_left3A_405 : vector<16xi32>
      %get3A_407 = arith.index_cast %add3A_123 : i32 to index
      %get3A_408 = arith.constant 96 : index
      %get3A_409 = tpu.vector_load %arg6[%get3A_407, %get3A_408] {strides = array<i32>} : memref<200x128xi32, #tpu.memory_space<vmem>>, vector<16xi32>,
      %and3A_410 = arith.constant 3 : i32
      %and3A_411 = vector.broadcast %and3A_410 : i32 to vector<16xi32>
      %and3A_412 = arith.andi %get3A_409, %and3A_411 : vector<16xi32>
      %shift_left3A_413 = arith.constant 5 : i32
      %shift_left3A_414 = vector.broadcast %shift_left3A_413 : i32 to vector<16xi32>
      %shift_left3A_415 = arith.shli %and3A_412, %shift_left3A_414 : vector<16xi32>
      %get3A_416 = arith.index_cast %add3A_123 : i32 to index
      %get3A_417 = arith.constant 112 : index
      %get3A_418 = tpu.vector_load %arg6[%get3A_416, %get3A_417] {strides = array<i32>} : memref<200x128xi32, #tpu.memory_space<vmem>>, vector<16xi32>,
      %and3A_419 = arith.constant 3 : i32
      %and3A_420 = vector.broadcast %and3A_419 : i32 to vector<16xi32>
      %and3A_421 = arith.andi %get3A_418, %and3A_420 : vector<16xi32>
      %shift_left3A_422 = arith.constant 5 : i32
      %shift_left3A_423 = vector.broadcast %shift_left3A_422 : i32 to vector<16xi32>
      %shift_left3A_424 = arith.shli %and3A_421, %shift_left3A_423 : vector<16xi32>
      %parallel_loop3A_425 = arith.constant 0 : i32
      %parallel_loop3A_426 = arith.constant 32 : i32
      %parallel_loop3A_427 = arith.constant 1 : i32
      scf.for %parallel_loop3A_434 = %parallel_loop3A_425 to %parallel_loop3A_426 step %parallel_loop3A_427  : i32 {
        %parallel_loop3A_435 = vector.broadcast %parallel_loop3A_434 : i32 to vector<16xi32>
        %parallel_loop3A_436 = tpu.vector_load_idx %arg13[%parallel_loop3A_435, %broadcast_in_dim3A_352] : memref<32x200xf32, #tpu.memory_space<vmem>>[vector<16xi32>, vector<16xi32>], vector<16xf32>,
        %parallel_loop3A_437 = arith.addi %shift_left3A_361, %parallel_loop3A_435 : vector<16xi32>
        %parallel_loop3A_438 = tpu.vector_load_idx %arg10[%add3A_5, %parallel_loop3A_437] : memref<128x128xf32, #tpu.memory_space<vmem>>[vector<16xi32>, vector<16xi32>], vector<16xf32>,
        %parallel_loop3A_439 = arith.addf %parallel_loop3A_438, %parallel_loop3A_436 : vector<16xf32>
        %parallel_loop3A_440 = arith.index_cast %parallel_loop3A_434 : i32 to index
        %parallel_loop3A_441 = arith.constant 0 : index
        %parallel_loop3A_442 = tpu.vector_load %arg12[%parallel_loop3A_440, %parallel_loop3A_441] {strides = array<i32>} : memref<32x128xf32, #tpu.memory_space<vmem>>, vector<16xf32>,
        tpu.vector_store %arg12[%parallel_loop3A_440, %parallel_loop3A_441], %parallel_loop3A_439 {strides = array<i32>} : memref<32x128xf32, #tpu.memory_space<vmem>>, vector<16xf32>,
        %parallel_loop3A_443 = arith.addi %shift_left3A_370, %parallel_loop3A_435 : vector<16xi32>
        %parallel_loop3A_444 = tpu.vector_load_idx %arg10[%add3A_8, %parallel_loop3A_443] : memref<128x128xf32, #tpu.memory_space<vmem>>[vector<16xi32>, vector<16xi32>], vector<16xf32>,
        %parallel_loop3A_445 = arith.addf %parallel_loop3A_444, %parallel_loop3A_436 : vector<16xf32>
        %parallel_loop3A_446 = arith.index_cast %parallel_loop3A_434 : i32 to index
        %parallel_loop3A_447 = arith.constant 16 : index
        %parallel_loop3A_448 = tpu.vector_load %arg12[%parallel_loop3A_446, %parallel_loop3A_447] {strides = array<i32>} : memref<32x128xf32, #tpu.memory_space<vmem>>, vector<16xf32>,
        tpu.vector_store %arg12[%parallel_loop3A_446, %parallel_loop3A_447], %parallel_loop3A_445 {strides = array<i32>} : memref<32x128xf32, #tpu.memory_space<vmem>>, vector<16xf32>,
        %parallel_loop3A_449 = arith.addi %shift_left3A_379, %parallel_loop3A_435 : vector<16xi32>
        %parallel_loop3A_450 = tpu.vector_load_idx %arg10[%add3A_11, %parallel_loop3A_449] : memref<128x128xf32, #tpu.memory_space<vmem>>[vector<16xi32>, vector<16xi32>], vector<16xf32>,
        %parallel_loop3A_451 = arith.addf %parallel_loop3A_450, %parallel_loop3A_436 : vector<16xf32>
        %parallel_loop3A_452 = arith.index_cast %parallel_loop3A_434 : i32 to index
        %parallel_loop3A_453 = arith.constant 32 : index
        %parallel_loop3A_454 = tpu.vector_load %arg12[%parallel_loop3A_452, %parallel_loop3A_453] {strides = array<i32>} : memref<32x128xf32, #tpu.memory_space<vmem>>, vector<16xf32>,
        tpu.vector_store %arg12[%parallel_loop3A_452, %parallel_loop3A_453], %parallel_loop3A_451 {strides = array<i32>} : memref<32x128xf32, #tpu.memory_space<vmem>>, vector<16xf32>,
        %parallel_loop3A_455 = arith.addi %shift_left3A_388, %parallel_loop3A_435 : vector<16xi32>
        %parallel_loop3A_456 = tpu.vector_load_idx %arg10[%add3A_14, %parallel_loop3A_455] : memref<128x128xf32, #tpu.memory_space<vmem>>[vector<16xi32>, vector<16xi32>], vector<16xf32>,
        %parallel_loop3A_457 = arith.addf %parallel_loop3A_456, %parallel_loop3A_436 : vector<16xf32>
        %parallel_loop3A_458 = arith.index_cast %parallel_loop3A_434 : i32 to index
        %parallel_loop3A_459 = arith.constant 48 : index
        %parallel_loop3A_460 = tpu.vector_load %arg12[%parallel_loop3A_458, %parallel_loop3A_459] {strides = array<i32>} : memref<32x128xf32, #tpu.memory_space<vmem>>, vector<16xf32>,
        tpu.vector_store %arg12[%parallel_loop3A_458, %parallel_loop3A_459], %parallel_loop3A_457 {strides = array<i32>} : memref<32x128xf32, #tpu.memory_space<vmem>>, vector<16xf32>,
        %parallel_loop3A_461 = arith.addi %shift_left3A_397, %parallel_loop3A_435 : vector<16xi32>
        %parallel_loop3A_462 = tpu.vector_load_idx %arg10[%add3A_17, %parallel_loop3A_461] : memref<128x128xf32, #tpu.memory_space<vmem>>[vector<16xi32>, vector<16xi32>], vector<16xf32>,
        %parallel_loop3A_463 = arith.addf %parallel_loop3A_462, %parallel_loop3A_436 : vector<16xf32>
        %parallel_loop3A_464 = arith.index_cast %parallel_loop3A_434 : i32 to index
        %parallel_loop3A_465 = arith.constant 64 : index
        %parallel_loop3A_466 = tpu.vector_load %arg12[%parallel_loop3A_464, %parallel_loop3A_465] {strides = array<i32>} : memref<32x128xf32, #tpu.memory_space<vmem>>, vector<16xf32>,
        tpu.vector_store %arg12[%parallel_loop3A_464, %parallel_loop3A_465], %parallel_loop3A_463 {strides = array<i32>} : memref<32x128xf32, #tpu.memory_space<vmem>>, vector<16xf32>,
        %parallel_loop3A_467 = arith.addi %shift_left3A_406, %parallel_loop3A_435 : vector<16xi32>
        %parallel_loop3A_468 = tpu.vector_load_idx %arg10[%add3A_20, %parallel_loop3A_467] : memref<128x128xf32, #tpu.memory_space<vmem>>[vector<16xi32>, vector<16xi32>], vector<16xf32>,
        %parallel_loop3A_469 = arith.addf %parallel_loop3A_468, %parallel_loop3A_436 : vector<16xf32>
        %parallel_loop3A_470 = arith.index_cast %parallel_loop3A_434 : i32 to index
        %parallel_loop3A_471 = arith.constant 80 : index
        %parallel_loop3A_472 = tpu.vector_load %arg12[%parallel_loop3A_470, %parallel_loop3A_471] {strides = array<i32>} : memref<32x128xf32, #tpu.memory_space<vmem>>, vector<16xf32>,
        tpu.vector_store %arg12[%parallel_loop3A_470, %parallel_loop3A_471], %parallel_loop3A_469 {strides = array<i32>} : memref<32x128xf32, #tpu.memory_space<vmem>>, vector<16xf32>,
        %parallel_loop3A_473 = arith.addi %shift_left3A_415, %parallel_loop3A_435 : vector<16xi32>
        %parallel_loop3A_474 = tpu.vector_load_idx %arg10[%add3A_23, %parallel_loop3A_473] : memref<128x128xf32, #tpu.memory_space<vmem>>[vector<16xi32>, vector<16xi32>], vector<16xf32>,
        %parallel_loop3A_475 = arith.addf %parallel_loop3A_474, %parallel_loop3A_436 : vector<16xf32>
        %parallel_loop3A_476 = arith.index_cast %parallel_loop3A_434 : i32 to index
        %parallel_loop3A_477 = arith.constant 96 : index
        %parallel_loop3A_478 = tpu.vector_load %arg12[%parallel_loop3A_476, %parallel_loop3A_477] {strides = array<i32>} : memref<32x128xf32, #tpu.memory_space<vmem>>, vector<16xf32>,
        tpu.vector_store %arg12[%parallel_loop3A_476, %parallel_loop3A_477], %parallel_loop3A_475 {strides = array<i32>} : memref<32x128xf32, #tpu.memory_space<vmem>>, vector<16xf32>,
        %parallel_loop3A_479 = arith.addi %shift_left3A_424, %parallel_loop3A_435 : vector<16xi32>
        %parallel_loop3A_480 = tpu.vector_load_idx %arg10[%add3A_26, %parallel_loop3A_479] : memref<128x128xf32, #tpu.memory_space<vmem>>[vector<16xi32>, vector<16xi32>], vector<16xf32>,
        %parallel_loop3A_481 = arith.addf %parallel_loop3A_480, %parallel_loop3A_436 : vector<16xf32>
        %parallel_loop3A_482 = arith.index_cast %parallel_loop3A_434 : i32 to index
        %parallel_loop3A_483 = arith.constant 112 : index
        %parallel_loop3A_484 = tpu.vector_load %arg12[%parallel_loop3A_482, %parallel_loop3A_483] {strides = array<i32>} : memref<32x128xf32, #tpu.memory_space<vmem>>, vector<16xf32>,
        tpu.vector_store %arg12[%parallel_loop3A_482, %parallel_loop3A_483], %parallel_loop3A_481 {strides = array<i32>} : memref<32x128xf32, #tpu.memory_space<vmem>>, vector<16xf32>,
      } {sc.loop_unroll_factor = 4 : i64, sc.parallel_access}
      %dma_start3A_428 = arith.constant 0 : i32
      %dma_start3A_429 = tpu.memref_slice %arg5[%add3A_123, %dma_start3A_428, %mul3A_2] : memref<200x32x4096xf32, #tpu.memory_space<hbm>> -> memref<1x32x128xf32, #tpu.memory_space<hbm>>
      %dma_start3A_430 = tpu.memref_squeeze %dma_start3A_429 : memref<1x32x128xf32, #tpu.memory_space<hbm>> -> memref<32x128xf32, #tpu.memory_space<hbm>>
      %dma_start3A_431 = arith.constant 0 : i32
      %dma_start3A_432 = tpu.memref_slice %arg5[%add3A_123, %dma_start3A_431, %mul3A_2] : memref<200x32x4096xf32, #tpu.memory_space<hbm>> -> memref<1x32x128xf32, #tpu.memory_space<hbm>>
      %dma_start3A_433 = tpu.memref_squeeze %dma_start3A_432 : memref<1x32x128xf32, #tpu.memory_space<hbm>> -> memref<32x128xf32, #tpu.memory_space<hbm>>
      tpu.enqueue_dma source(%arg12 : memref<32x128xf32, #tpu.memory_space<vmem>>) target(%dma_start3A_433 : memref<32x128xf32, #tpu.memory_space<hbm>>) target_semaphore(%arg17 : memref<!tpu.dma_semaphore, #tpu.memory_space<semaphore_mem>>)
    }
    %scan3A_102 = arith.constant 100 : i32
    %dma_wait3A = arith.constant 0 : i32
    %dma_wait3A_103 = arith.constant 0 : i32
    %dma_wait3A_104 = tpu.memref_slice %arg3[%dma_wait3A, %dma_wait3A_103] : memref<250000x128xf32, #tpu.memory_space<hbm>> -> memref<250000x128xf32, #tpu.memory_space<hbm>>
    tpu.wait_indirect_dma semaphore(%arg14 : memref<!tpu.dma_semaphore, #tpu.memory_space<semaphore_mem>>) src(%dma_wait3A_104 : memref<250000x128xf32, #tpu.memory_space<hbm>>) dst(%arg9 : memref<128x128xf32, #tpu.memory_space<vmem>>)
    %dma_wait3A_105 = arith.constant 0 : i32
    %dma_wait3A_106 = arith.constant 0 : i32
    %dma_wait3A_107 = tpu.memref_slice %arg5[%dma_wait3A_105, %dma_wait3A_106, %mul3A_2] : memref<200x32x4096xf32, #tpu.memory_space<hbm>> -> memref<1x32x128xf32, #tpu.memory_space<hbm>>
    %dma_wait3A_108 = tpu.memref_squeeze %dma_wait3A_107 : memref<1x32x128xf32, #tpu.memory_space<hbm>> -> memref<32x128xf32, #tpu.memory_space<hbm>>
    %dma_wait3A_109 = arith.constant 0 : i32
    %dma_wait3A_110 = tpu.memref_slice %arg5[%dma_wait3A_105, %dma_wait3A_109, %mul3A_2] : memref<200x32x4096xf32, #tpu.memory_space<hbm>> -> memref<1x32x128xf32, #tpu.memory_space<hbm>>
    %dma_wait3A_111 = tpu.memref_squeeze %dma_wait3A_110 : memref<1x32x128xf32, #tpu.memory_space<hbm>> -> memref<32x128xf32, #tpu.memory_space<hbm>>
    tpu.wait_dma2 semaphore(%arg16 : memref<!tpu.dma_semaphore, #tpu.memory_space<semaphore_mem>>) src(%dma_wait3A_111 : memref<32x128xf32, #tpu.memory_space<hbm>>) dst(%arg11 : memref<32x128xf32, #tpu.memory_space<vmem>>)
    %dma_wait3A_112 = arith.constant 0 : i32
    %dma_wait3A_113 = arith.constant 0 : i32
    %dma_wait3A_114 = tpu.memref_slice %arg5[%dma_wait3A_112, %dma_wait3A_113, %mul3A_2] : memref<200x32x4096xf32, #tpu.memory_space<hbm>> -> memref<1x32x128xf32, #tpu.memory_space<hbm>>
    %dma_wait3A_115 = tpu.memref_squeeze %dma_wait3A_114 : memref<1x32x128xf32, #tpu.memory_space<hbm>> -> memref<32x128xf32, #tpu.memory_space<hbm>>
    %dma_wait3A_116 = arith.constant 0 : i32
    %dma_wait3A_117 = tpu.memref_slice %arg5[%dma_wait3A_112, %dma_wait3A_116, %mul3A_2] : memref<200x32x4096xf32, #tpu.memory_space<hbm>> -> memref<1x32x128xf32, #tpu.memory_space<hbm>>
    %dma_wait3A_118 = tpu.memref_squeeze %dma_wait3A_117 : memref<1x32x128xf32, #tpu.memory_space<hbm>> -> memref<32x128xf32, #tpu.memory_space<hbm>>
    tpu.wait_dma2 semaphore(%arg17 : memref<!tpu.dma_semaphore, #tpu.memory_space<semaphore_mem>>) src(%dma_wait3A_118 : memref<32x128xf32, #tpu.memory_space<hbm>>) dst(%arg12 : memref<32x128xf32, #tpu.memory_space<vmem>>)
    return
  }
}

</mosaic_0001>

<sc_bundles>
// kernel: kernel.4.cloned.1.call-start
scs
__scs_entry_jumppad:
0x0: {  	(pc) =	sbr.rel $0x88, $3  }
0x1: {  	(tag) =	ssettag $0x0;
	lr =	simm.s32 $0x1  }
0x2: {  	[smem:$0x3F9E] =	sst lr;
	_ =	strace $0xD0000000  }
0x3: {  	_ = 	snop  }
0x4: {  	_ = 	snop  }
0x5: {  	_ = 	snop  }
0x6: {  	_ = 	snop  }
0x7: {  	_ = 	snop  }
__scs_overlays_trampoline_lowered:
0x8: {  	[smem:$0x3FAD] =	sst s0  }
0x9: {  	[smem:$0x3FAE] =	sst s1  }
0xa: {  	[smem:$0x3FAF] =	sst s2  }
0xb: {  	[smem:$0x3FB0] =	sst s3  }
0xc: {  	[smem:$0x3FB1] =	sst s4  }
0xd: {  	[smem:$0x3FB2] =	sst s5  }
0xe: {  	[smem:$0x3FB3] =	sst s6  }
0xf: {  	[smem:$0x3FB4] =	sst s7  }
0x10: {  	[smem:$0x3FB5] =	sst s8  }
0x11: {  	[smem:$0x3FB6] =	sst s9;
	s0 =	simm.s32 @!p0 $0x0  }
0x12: {  	s1 =	sld [smem:$0x3F9C];
	s0 =	simm.s32 @p0 $0x1  }
0x13: {  	[smem:$0x3FB7] =	sst s0;
	s0 =	simm.s32 @!p1 $0x0  }
0x14: {  	s2 =	sld [smem:$0x3F9B];
	s0 =	simm.s32 @p1 $0x1  }
0x15: {  	[smem:$0x3FB8] =	sst s0;
	s0 =	simm.s32 @!p2 $0x0  }
0x16: {  	s3 =	sld [smem:$0x3FDB];
	s0 =	simm.s32 @p2 $0x1  }
0x17: {  	s4 =	simm.s32 $0x1BF5;
	[smem:$0x3FBA] =	sst s0  }
0x18: {  	s0 =	sld [smem:$0x3F9D];
	_ =	swait.ge [sflag:s4], $0x0  }
0x19: {  	s7 =	sld [smem:$0x3F9E]  }
0x1a: {  	s8 =	sadd.s32 $0xFFFFE003, lr  }
0x1b: {  	s9 =	sadd.s32 $0xFFFFFEF7, lr;
	s5 =	simm.s32 $0xFFFFFFFF;
	p2 =	slt.u32 s8, $0xFFFFF086  }
0x1c: {  	p1 =	slt.u32 s9, $0xF7A;
	s5 =	simm.s32 @!p2 $0x0  }
0x1d: {  	s5 =	simm.s32 @p1 $0x1;
	p0 =	seq.s32 s7, s2  }
0x1e: {  	s7 =	smul.u32 @!p0 $0xF7A, s2;
	p2 =	seq.s32 @!p0 s5, $0x0  }
0x1f: {  	s9 =	smul.u32 $0xF7A, s1;
	s8 =	simm.s32 @!p0 $0x1BF5;
	p2 =	por !p2, p0  }
0x20: {  	[sflag:s8] =	ssyncset.s32 @!p0 $0xFFFFF086;
	s6 =	sadd.s32 @!p0 s3, s7;
	s7 =	simm.s32 @!p0 $0x108  }
0x21: {  	s3 =	sadd.s32 s3, s9;
	s6 =	sadd.s32 @!p0 $0x88, s6;
	s7 =	simm.s32 @p2 $0x1082  }
0x22: {  	[simem:s7], [sflag:s8] =	dma.local @!p0 [hbm:s6], $0xF7A  }
0x23: {  	s9 =	sor.u32 $0xD0000000, s2;
	s6 =	simm.s32 $0x108;
	_ =	swait.ge @!p0 [sflag:s8], $0x0  }
0x24: {  	s3 =	sadd.s32 $0x88, s3;
	s6 =	simm.s32 @!p1 $0x1082;
	[sflag:s4] =	ssyncset.s32 $0xFFFFF086  }
0x25: {  	[simem:s6], [sflag:s4] =	dma.local [hbm:s3], $0xF7A  }
0x26: {  	[smem:$0x3F9E] =	sst s1;
	(tag) =	ssettag s2;
	_ =	strace s9  }
0x27: {  	s1 =	sld [smem:$0x3FAE]  }
0x28: {  	s2 =	sld [smem:$0x3FAF]  }
0x29: {  	s4 =	sld [smem:$0x3FB1]  }
0x2a: {  	p0 =	seq.s32 s5, $0x0;
	s5 =	sld [smem:$0x3FB2]  }
0x2b: {  	s6 =	sld [smem:$0x3FB3]  }
0x2c: {  	s7 =	sld [smem:$0x3FB4]  }
0x2d: {  	s3 =	simm.s32 $0x108;
	s8 =	sld [smem:$0x3FB5]  }
0x2e: {  	s3 =	simm.s32 @!p0 $0x1082;
	s9 =	sld [smem:$0x3FB6]  }
0x2f: {  	lr =	sadd.s32 s0, s3;
	s0 =	sld [smem:$0x3FAD]  }
0x30: {  	s3 =	sld [smem:$0x3FB0]  }
0x31: {  	[smem:$0x3FB9] =	sst s10  }
0x32: {  	s10 =	sld [smem:$0x3FB7];
	_ =	sdelay $0x3  }
0x33: {  	p0 =	seq.s32 s10, $0x1;
	s10 =	sld [smem:$0x3FB9];
	_ =	sdelay $0x3  }
0x34: {  	[smem:$0x3FB9] =	sst s10  }
0x35: {  	s10 =	sld [smem:$0x3FB8];
	_ =	sdelay $0x3  }
0x36: {  	p1 =	seq.s32 s10, $0x1;
	s10 =	sld [smem:$0x3FB9];
	_ =	sdelay $0x3  }
0x37: {  	[smem:$0x3FB9] =	sst s10  }
0x38: {  	s10 =	sld [smem:$0x3FBA]  }
0x39: {  	_ = 	snop;
	(pc) =	sbr.ind lr, $3  }
0x3a: {  	_ = 	snop  }
0x3b: {  	_ = 	snop  }
0x3c: {  	p2 =	seq.s32 s10, $0x1;
	s10 =	sld [smem:$0x3FB9]  }
0x3d: {  	_ =	shalt  }
0x3e: {  	_ =	shalt  }
0x3f: {  	_ =	shalt  }
0x40: {  	_ =	shalt  }
0x41: {  	_ =	shalt  }
0x42: {  	_ =	shalt  }
0x43: {  	_ =	shalt  }
0x44: {  	_ =	shalt  }
0x45: {  	_ =	shalt  }
0x46: {  	_ =	shalt  }
0x47: {  	_ =	shalt  }
0x48: {  	_ =	shalt  }
0x49: {  	_ =	shalt  }
0x4a: {  	_ =	shalt  }
0x4b: {  	_ =	shalt  }
0x4c: {  	_ =	shalt  }
0x4d: {  	_ =	shalt  }
0x4e: {  	_ =	shalt  }
0x4f: {  	_ =	shalt  }
0x50: {  	_ =	shalt  }
0x51: {  	_ =	shalt  }
0x52: {  	_ =	shalt  }
0x53: {  	_ =	shalt  }
0x54: {  	_ =	shalt  }
0x55: {  	_ =	shalt  }
0x56: {  	_ =	shalt  }
0x57: {  	_ =	shalt  }
0x58: {  	_ =	shalt  }
0x59: {  	_ =	shalt  }
0x5a: {  	_ =	shalt  }
0x5b: {  	_ =	shalt  }
0x5c: {  	_ =	shalt  }
0x5d: {  	_ =	shalt  }
0x5e: {  	_ =	shalt  }
0x5f: {  	_ =	shalt  }
0x60: {  	_ =	shalt  }
0x61: {  	_ =	shalt  }
0x62: {  	_ =	shalt  }
0x63: {  	_ =	shalt  }
0x64: {  	_ =	shalt  }
0x65: {  	_ =	shalt  }
0x66: {  	_ =	shalt  }
0x67: {  	_ =	shalt  }
0x68: {  	_ =	shalt  }
0x69: {  	_ =	shalt  }
0x6a: {  	_ =	shalt  }
0x6b: {  	_ =	shalt  }
0x6c: {  	_ =	shalt  }
0x6d: {  	_ =	shalt  }
0x6e: {  	_ =	shalt  }
0x6f: {  	_ =	shalt  }
0x70: {  	_ =	shalt  }
0x71: {  	_ =	shalt  }
0x72: {  	_ =	shalt  }
0x73: {  	_ =	shalt  }
0x74: {  	_ =	shalt  }
0x75: {  	_ =	shalt  }
0x76: {  	_ =	shalt  }
0x77: {  	_ =	shalt  }
0x78: {  	_ =	shalt  }
0x79: {  	_ =	shalt  }
0x7a: {  	_ =	shalt  }
0x7b: {  	_ =	shalt  }
0x7c: {  	_ =	shalt  }
0x7d: {  	_ =	shalt  }
0x7e: {  	_ =	shalt  }
0x7f: {  	_ =	shalt  }
0x80: {  	_ =	shalt  }
0x81: {  	_ =	shalt  }
0x82: {  	_ =	shalt  }
0x83: {  	_ =	shalt  }
0x84: {  	_ =	shalt  }
0x85: {  	_ =	shalt  }
0x86: {  	_ =	shalt  }
0x87: {  	_ =	shalt  }
.Lfunc_end0:
.L_simem_size_0:
called_computation_lowered:
.L_overlay_start_0:
0x88: {  	s2 =	sld [smem:$0x3FD9]  }
0x89: {  	s3 =	sld [smem:$0x3FFE];
	_ =	sdelay $0x1  }
0x8a: {  	s1 =	srdreg.scid  }
0x8b: {  	s0 =	sand.u32 $0x1, s1  }
0x8c: {  	s17 =	sshll.u32 s0, $0xA;
	s2 =	sadd.s32 s3, s2  }
0x8d: {  	s2 =	sadd.s32 s2, s17  }
0x8e: {  	[smem:$0x3FC5] =	sst s2  }
0x8f: {  	_ = 	snop  }
0x90: {  	s2 =	sld [smem:$0x3FC8];
	(tm) =	ssettm $0x1  }
0x91: {  	s18 =	sld [smem:$0x3FFB];
	_ =	sdelay $0x3  }
0x92: {  	_ =	strace s18  }
0x93: {  	s3 =	sld [smem:$0x3FFC];
	_ =	sdelay $0x3  }
0x94: {  	_ =	strace s3  }
0x95: {  	s3 =	sld [smem:$0x3FFD];
	_ =	sdelay $0x3  }
0x96: {  	_ =	strace s3  }
0x97: {  	_ =	strace $0x8FFFFFFF  }
0x98: {  	s19 =	sld [smem:$0x3FDB];
	_ =	sdelay $0x1  }
0x99: {  	s4 =	simm.s32 $_scs_section_size  }
0x9a: {  	s5 =	simm.s32 $_size__tile_overlayer_lowered;
	s6 =	simm.s32 $_tile_overlayer_lowered  }
0x9b: {  	s22 =	simm.s32 $0x1BFF;
	s21 =	sshll.u32 s6, $0x1;
	s3 =	sadd.s32 s4, s19  }
0x9c: {  	s7 =	simm.s32 $0x0;
	s20 =	sshll.u32 s5, $0x1;
	s5 =	sadd.s32 s21, s3  }
0x9d: {  	[timem:s7], [sflag:s22] =	dma.local [hbm:s5], s20  }
0x9e: {  	_ =	swait.ge [sflag:s22], s20  }
0x9f: {  	s4 =	ssub.s32 $0x0, s20;
	[sflag:s22] =	ssyncset.done $0x0  }
0xa0: {  	[sflag:s22] =	ssyncadd.s32 s4;
	_ =	sdelay $0x1  }
0xa1: {  	s23 =	simm.s32 $0x1B8B  }
0xa2: {  	_ =	swait.ge [sflag:s23], $0x1  }
0xa3: {  	[sflag:s23] =	ssyncset.done $0x0  }
0xa4: {  	s25 =	simm.s32 $0x1B8E;
	s24 =	sld [smem:$0x3FFE];
	[sflag:s23] =	ssyncadd.s32 $0xFFFFFFFF  }
0xa5: {  	s26 =	simm.s32 $execute0_lowered;
	[smem:$0x3FD2] =	sst s25  }
0xa6: {  	s5 =	sshll.u32 s26, $0x1;
	_ =	strace $0x80000046;
	[dreg:$0x1] =	wrdreg $0xFFFFFFFF  }
0xa7: {  	s28 =	simm.s32 $_size_execute0_lowered;
	s3 =	sadd.s32 s3, s5;
	[dreg:$0x0] =	wrdreg $0x0  }
0xa8: {  	s5 =	sshll.u32 s28, $0x1;
	[dreg:$0x2] =	wrdreg s3  }
0xa9: {  	[dreg:$0x3] =	wrdreg s5  }
0xaa: {  	[dreg:$0x4] =	wrdreg $0xC0  }
0xab: {  	_ =	task [dreg:s7], $0x5FFFF  }
0xac: {  	[dreg:$0x1] =	wrdreg $0xFFFFFFFF  }
0xad: {  	[dreg:$0x0] =	wrdreg $0x60  }
0xae: {  	[dreg:$0x2] =	wrdreg s2  }
0xaf: {  	[dreg:$0x3] =	wrdreg s24  }
0xb0: {  	[dreg:$0x4] =	wrdreg $0x9  }
0xb1: {  	_ =	task.clear_ibuf [dreg:s7], $0x5FFFF;
	_ =	strace $0x90000046  }
0xb2: {  	s29 =	simm.s32 $0x9;
	_ =	strace $0x80000048  }
0xb3: {  	_ =	swait.ge [sflag:s29], $0x1  }
0xb4: {  	[sflag:s29] =	ssyncadd.s32 $0xFFFFFFFF  }
0xb5: {  	_ =	strace $0x90000048  }
0xb6: {  	_ =	sfence  }
0xb7: {  	s30 =	sld [smem:$0x0];
	_ =	sdelay $0x2  }
0xb8: {  	s31 =	sshll.u32 s1, $0xD;
	s1 =	sshrl.u32 s1, $0x2  }
0xb9: {  	s3 =	sand.u32 $0x4000, s31;
	s1 =	sadd.s32 s1, s30  }
0xba: {  	s0 =	sor.u32 s3, s0;
	s1 =	sshll.u32 s1, $0x11  }
0xbb: {  	s0 =	sor.u32 s1, s0  }
0xbc: {  	s0 =	sadd.s32 $0x8F2B, s0  }
0xbd: {  	[sflag:s0] =	ssyncadd.remote.s32 $0x1  }
0xbe: {  	_ =	sfence.sel $0xFFFF  }
0xbf: {  	[dreg:$0x0] =	wrdreg $0xFFFFFFFF;
	(pc) =	sbr.abs _section_cstart, $3  }
0xc0: {  	[dreg:$0x1] =	wrdreg $0xFFFFFFFF  }
0xc1: {  	_ =	task.clear_ibuf [dreg:s7], $0x2FFFF;
	_ =	strace $0x9FFFFFFF  }
0xc2: {  	(tm) =	ssettm $0x7FFFFFFF  }
0xc3: {  	_ =	shalt  }
tec
execute0_lowered:
.L_overlay_start_1:
0x0: {  	(tag) =	ssettag $0x1  }
0x1: {  	s2 =	rddreg [dreg:$0x0];
	s3 =	stileid.u32  }
0x2: {  	s1 =	rddreg [dreg:$0x1];
	s4 =	sshll.u32 s3, $0x1;
	s3 =	simm.s32 $0x0  }
0x3: {  	s0 =	srdreg.scid;
	s25 =	sadd.s32 $0x80, s2;
	[smem:$0x7FF] =	sst s3  }
0x4: {  	s30 =	sadd.s32 $0x100, s2;
	_ =	strace $0x80000047;
	[dreg:$0x5] =	wrdreg s25  }
0x5: {  	s0 =	sand.u32 $0x1, s0;
	s31 =	sadd.s32 $0x180, s2;
	[dreg:$0x8] =	wrdreg s30  }
0x6: {  	s20 =	sadd.s32 $0x3D1000, s1;
	s4 =	sor.u32 s0, s4;
	[dreg:$0x9] =	wrdreg s31  }
0x7: {  	s8 =	sshll.u32 s4, $0x9;
	[dreg:$0x16] =	wrdreg s20  }
0x8: {  	[dreg:$0x3] =	wrdreg s4;
	s16 =	sadd.s32 s8, s31  }
0x9: {  	s26 =	sadd.s32 s2, s8;
	[dreg:$0x12] =	wrdreg s16  }
0xa: {  	s31 =	sadd.s32 $0x3D0980, s2;
	[dreg:$0x6] =	wrdreg s26  }
0xb: {  	s9 =	sadd.s32 $0xF4280, s26;
	[dreg:$0x1e] =	wrdreg s31  }
0xc: {  	s10 =	sadd.s32 $0xF4300, s26;
	[dreg:$0xa] =	wrdreg s9  }
0xd: {  	s11 =	sadd.s32 $0xF4380, s26;
	[dreg:$0xb] =	wrdreg s10  }
0xe: {  	s12 =	sadd.s32 $0xF4400, s26;
	[dreg:$0xc] =	wrdreg s11  }
0xf: {  	s13 =	sadd.s32 $0x1E8500, s26;
	[dreg:$0xd] =	wrdreg s12  }
0x10: {  	s14 =	sadd.s32 $0x1E8580, s26;
	[dreg:$0xe] =	wrdreg s13  }
0x11: {  	s15 =	sadd.s32 $0x1E8600, s26;
	[dreg:$0x10] =	wrdreg s14  }
0x12: {  	s0 =	ssub.s32 $0x2, s0;
	s17 =	sadd.s32 $0x1E8680, s26;
	[dreg:$0x11] =	wrdreg s15  }
0x13: {  	s6 =	sshrl.u32 s0, $0x1;
	s18 =	sadd.s32 $0x2DC780, s26;
	[dreg:$0x13] =	wrdreg s17  }
0x14: {  	s6 =	ssub.s32 s0, s6;
	s19 =	sadd.s32 $0x2DC800, s26;
	[dreg:$0x14] =	wrdreg s18  }
0x15: {  	s21 =	smax.u32 s6, $0x1;
	[dreg:$0x15] =	wrdreg s19  }
0x16: {  	s5 =	ssub.s32 $0x7C0, s4;
	s22 =	sadd.s32 $0x2DC880, s26;
	[dreg:$0x17] =	wrdreg s21  }
0x17: {  	s7 =	sand.u32 $0x7E0, s5;
	s23 =	sadd.s32 $0x2DC900, s26;
	[dreg:$0x18] =	wrdreg s22  }
0x18: {  	s24 =	sor.u32 s4, s7;
	s26 =	sadd.s32 $0x2DC700, s2;
	[dreg:$0x19] =	wrdreg s23  }
0x19: {  	s28 =	simm.s32 $0x10000;
	s0 =	sadd.s32 $0xFFFFFFE0, s24;
	[dreg:$0x1c] =	wrdreg s26  }
0x1a: {  	s29 =	sadd.s32 $0x800, s1;
	s24 =	sor.u32 $0x40, s4;
	[dreg:$0x4] =	wrdreg s0  }
.Ltmp0:
0x1b: {  	v2 =	vlaneseq.u32;
	s0 =	sadd.s32 s8, s25;
	[dreg:$0x1a] =	wrdreg s24;
	(pc) =	sbr.rel .LBB2_1-.Ltmp0, $4  }
0x1c: {  	v0 =	vshrl.u32 v2, $0x3;
	s1 =	simm.s32 $0x0;
	s25 =	sadd.s32 $0x1E8480, s2;
	[dreg:$0x7] =	wrdreg s0  }
0x1d: {  	v1 =	vmul.u32 $0x80, v2;
	v0 =	vmul.u32 $0x1000, v0;
	p0 =	sne.s32 s4, $0x1;
	s0 =	sadd.s32 s8, s30;
	[dreg:$0x1b] =	wrdreg s25  }
0x1e: {  	v3 =	vand.u32 $0x7, v2;
	s21 =	simm.s32 $0x1;
	s30 =	sadd.s32 $0xF4200, s2;
	[dreg:$0xf] =	wrdreg s0  }
0x1f: {  	v3 =	vmul.u32 $0x80, v3;
	v4 =	vor.u32 $0x800, v1;
	v2 =	vor.u32 $0x2000, v0;
	s22 =	simm.s32 $0x4000;
	s25 =	simm.s32 $0x2;
	[dreg:$0x1d] =	wrdreg s30  }
.LBB2_11:
0x20: {  	s1 =	sadd.s32 $0x1, s1;
	s0 =	rddreg [dreg:$0x17]  }
0x21: {  	p1 =	sne.s32 s1, s0  }
.Ltmp1:
0x22: {  	_ = 	snop;
	(pc) =	sbr.rel @!p1 .LBB2_12-.Ltmp1, $1  }
0x23: {  	_ =	sdelay $0x3  }
.LBB2_1:
0x24: {  	[dreg:$0x1f] =	wrdreg s1  }
0x25: {  	s0 =	rddreg [dreg:$0x6]  }
0x26: {  	[tilespmem:s3], [sflag:$0x1] =	stream.linear.gather [hbm4b:s0+s3], $0x400, $0x38;
	[tilespmem:$0x11000] =	vst v63  }
0x27: {  	s18 =	rddreg [dreg:$0x7];
	s19 =	simm.s32 $0x400  }
0x28: {  	[tilespmem:s19], [sflag:$0x1] =	stream.linear.gather [hbm4b:s18+s3], $0x400, $0x38;
	[tilespmem:$0x11000] =	vst v63  }
0x29: {  	s20 =	rddreg [dreg:$0xf];
	s23 =	simm.s32 $0x800  }
0x2a: {  	[tilespmem:s23], [sflag:$0x1] =	stream.linear.gather [hbm4b:s20+s3], $0x400, $0x38;
	[tilespmem:$0x11000] =	vst v63  }
0x2b: {  	s24 =	rddreg [dreg:$0x12];
	s26 =	simm.s32 $0xC00  }
0x2c: {  	[tilespmem:s26], [sflag:$0x1] =	stream.linear.gather [hbm4b:s24+s3], $0x400, $0x38;
	[tilespmem:$0x11000] =	vst v63  }
0x2d: {  	s30 =	rddreg [dreg:$0xa];
	s31 =	simm.s32 $0x1000  }
0x2e: {  	[tilespmem:s31], [sflag:$0x1] =	stream.linear.gather [hbm4b:s30+s3], $0x400, $0x38;
	[tilespmem:$0x11000] =	vst v63  }
0x2f: {  	s4 =	rddreg [dreg:$0xb];
	s5 =	simm.s32 $0x1400  }
0x30: {  	[tilespmem:s5], [sflag:$0x1] =	stream.linear.gather [hbm4b:s4+s3], $0x400, $0x38;
	[tilespmem:$0x11000] =	vst v63  }
0x31: {  	s6 =	rddreg [dreg:$0xc];
	s7 =	simm.s32 $0x1800  }
0x32: {  	[tilespmem:s7], [sflag:$0x1] =	stream.linear.gather [hbm4b:s6+s3], $0x400, $0x38;
	[tilespmem:$0x11000] =	vst v63  }
0x33: {  	s8 =	rddreg [dreg:$0xd];
	s9 =	simm.s32 $0x1C00  }
0x34: {  	[tilespmem:s9], [sflag:$0x1] =	stream.linear.gather [hbm4b:s8+s3], $0x400, $0x38;
	[tilespmem:$0x11000] =	vst v63  }
0x35: {  	s10 =	rddreg [dreg:$0xe];
	s11 =	simm.s32 $0x2000  }
0x36: {  	[tilespmem:s11], [sflag:$0x1] =	stream.linear.gather [hbm4b:s10+s3], $0x400, $0x38;
	[tilespmem:$0x11000] =	vst v63  }
0x37: {  	s12 =	rddreg [dreg:$0x10];
	s13 =	simm.s32 $0x2400  }
0x38: {  	[tilespmem:s13], [sflag:$0x1] =	stream.linear.gather [hbm4b:s12+s3], $0x400, $0x38;
	[tilespmem:$0x11000] =	vst v63  }
0x39: {  	s14 =	rddreg [dreg:$0x11];
	s15 =	simm.s32 $0x2800  }
0x3a: {  	[tilespmem:s15], [sflag:$0x1] =	stream.linear.gather [hbm4b:s14+s3], $0x400, $0x38;
	[tilespmem:$0x11000] =	vst v63  }
0x3b: {  	s16 =	rddreg [dreg:$0x13];
	s17 =	simm.s32 $0x2C00  }
0x3c: {  	[tilespmem:s17], [sflag:$0x1] =	stream.linear.gather [hbm4b:s16+s3], $0x400, $0x38;
	[tilespmem:$0x11000] =	vst v63  }
0x3d: {  	s18 =	rddreg [dreg:$0x14];
	s19 =	simm.s32 $0x3000  }
0x3e: {  	[tilespmem:s19], [sflag:$0x1] =	stream.linear.gather [hbm4b:s18+s3], $0x400, $0x38;
	[tilespmem:$0x11000] =	vst v63  }
0x3f: {  	s20 =	rddreg [dreg:$0x15];
	s23 =	simm.s32 $0x3400  }
0x40: {  	[tilespmem:s23], [sflag:$0x1] =	stream.linear.gather [hbm4b:s20+s3], $0x400, $0x38;
	[tilespmem:$0x11000] =	vst v63  }
0x41: {  	s24 =	rddreg [dreg:$0x18];
	s26 =	simm.s32 $0x3800  }
0x42: {  	[tilespmem:s26], [sflag:$0x1] =	stream.linear.gather [hbm4b:s24+s3], $0x400, $0x38;
	[tilespmem:$0x11000] =	vst v63  }
0x43: {  	s30 =	rddreg [dreg:$0x19];
	s31 =	simm.s32 $0x3C00;
	s8 =	simm.s32 $0x0  }
0x44: {  	[tilespmem:s31], [sflag:$0x1] =	stream.linear.gather [hbm4b:s30+s3], $0x400, $0x38;
	[tilespmem:$0x11000] =	vst v63  }
.LBB2_2:
0x45: {  	_ =	swait.ge [sflag:s21], $0x400  }
0x46: {  	[sflag:s21] =	ssyncset.done $0x0  }
0x47: {  	[sflag:s21] =	ssyncadd.s32 $0xFFFFFC00  }
0x48: {  	_ =	swait.ge [sflag:s21], $0x400  }
0x49: {  	[sflag:s21] =	ssyncset.done $0x0  }
0x4a: {  	[sflag:s21] =	ssyncadd.s32 $0xFFFFFC00  }
0x4b: {  	_ =	swait.ge [sflag:s21], $0x400  }
0x4c: {  	[sflag:s21] =	ssyncset.done $0x0  }
0x4d: {  	[sflag:s21] =	ssyncadd.s32 $0xFFFFFC00  }
0x4e: {  	_ =	swait.ge [sflag:s21], $0x400  }
0x4f: {  	[sflag:s21] =	ssyncset.done $0x0  }
0x50: {  	[sflag:s21] =	ssyncadd.s32 $0xFFFFFC00  }
0x51: {  	_ =	swait.ge [sflag:s21], $0x400  }
0x52: {  	[sflag:s21] =	ssyncset.done $0x0  }
0x53: {  	[sflag:s21] =	ssyncadd.s32 $0xFFFFFC00  }
0x54: {  	_ =	swait.ge [sflag:s21], $0x400  }
0x55: {  	[sflag:s21] =	ssyncset.done $0x0  }
0x56: {  	[sflag:s21] =	ssyncadd.s32 $0xFFFFFC00  }
0x57: {  	_ =	swait.ge [sflag:s21], $0x400  }
0x58: {  	[sflag:s21] =	ssyncset.done $0x0  }
0x59: {  	[sflag:s21] =	ssyncadd.s32 $0xFFFFFC00  }
0x5a: {  	_ =	swait.ge [sflag:s21], $0x400  }
0x5b: {  	[sflag:s21] =	ssyncset.done $0x0  }
0x5c: {  	[sflag:s21] =	ssyncadd.s32 $0xFFFFFC00  }
0x5d: {  	_ =	swait.ge [sflag:s21], $0x400  }
0x5e: {  	[sflag:s21] =	ssyncset.done $0x0  }
0x5f: {  	[sflag:s21] =	ssyncadd.s32 $0xFFFFFC00  }
0x60: {  	_ =	swait.ge [sflag:s21], $0x400  }
0x61: {  	[sflag:s21] =	ssyncset.done $0x0  }
0x62: {  	[sflag:s21] =	ssyncadd.s32 $0xFFFFFC00  }
0x63: {  	_ =	swait.ge [sflag:s21], $0x400  }
0x64: {  	[sflag:s21] =	ssyncset.done $0x0  }
0x65: {  	[sflag:s21] =	ssyncadd.s32 $0xFFFFFC00  }
0x66: {  	_ =	swait.ge [sflag:s21], $0x400  }
0x67: {  	[sflag:s21] =	ssyncset.done $0x0  }
0x68: {  	[sflag:s21] =	ssyncadd.s32 $0xFFFFFC00  }
0x69: {  	_ =	swait.ge [sflag:s21], $0x400  }
0x6a: {  	[sflag:s21] =	ssyncset.done $0x0  }
0x6b: {  	[sflag:s21] =	ssyncadd.s32 $0xFFFFFC00  }
0x6c: {  	_ =	swait.ge [sflag:s21], $0x400  }
0x6d: {  	[sflag:s21] =	ssyncset.done $0x0  }
0x6e: {  	s23 =	sshll.u32 s8, $0x6;
	s1 =	rddreg [dreg:$0x3];
	[sflag:s21] =	ssyncadd.s32 $0xFFFFFC00  }
0x6f: {  	s30 =	sor.u32 s1, s23;
	_ =	swait.ge [sflag:s21], $0x400  }
0x70: {  	s1 =	sor.u32 $0x20, s30;
	s4 =	rddreg [dreg:$0x4]  }
0x71: {  	[sflag:s21] =	ssyncset.done $0x0;
	p1 =	slt.s32 s1, s4;
	s6 =	smov.u32 s4  }
0x72: {  	[sflag:s21] =	ssyncadd.s32 $0xFFFFFC00;
	s6 =	smov.u32 @p1 s1  }
0x73: {  	_ =	swait.ge [sflag:s21], $0x400;
	s1 =	sshll.u32 s6, $0xC  }
0x74: {  	s0 =	smov.u32 s29;
	[sflag:s21] =	ssyncset.done $0x0;
	s9 =	sshrl.u32 s1, $0x3  }
0x75: {  	s5 =	rddreg [dreg:$0x5];
	[sflag:s21] =	ssyncadd.s32 $0xFFFFFC00;
	s12 =	sadd.s32 s2, s9  }
0x76: {  	[tilespmem:s22], [sflag:$0x2] =	stream.linear.gather [hbm4b:s12+s3], $0x400, $0x38;
	[tilespmem:$0x11000] =	vst v63  }
0x77: {  	s18 =	simm.s32 $0x4400;
	s19 =	rddreg [dreg:$0x8];
	s17 =	sadd.s32 s9, s5  }
0x78: {  	[tilespmem:s18], [sflag:$0x2] =	stream.linear.gather [hbm4b:s17+s3], $0x400, $0x38;
	[tilespmem:$0x11000] =	vst v63  }
0x79: {  	s24 =	simm.s32 $0x4800;
	s26 =	rddreg [dreg:$0x9];
	s20 =	sadd.s32 s9, s19  }
0x7a: {  	[tilespmem:s24], [sflag:$0x2] =	stream.linear.gather [hbm4b:s20+s3], $0x400, $0x38;
	[tilespmem:$0x11000] =	vst v63  }
0x7b: {  	s29 =	simm.s32 $0x4C00;
	s9 =	sadd.s32 s9, s26;
	s5 =	sadd.s32 $0x7A1400, s1  }
0x7c: {  	[tilespmem:s29], [sflag:$0x2] =	stream.linear.gather [hbm4b:s9+s3], $0x400, $0x38;
	[tilespmem:$0x11000] =	vst v63  }
0x7d: {  	s9 =	sshrl.u32 s5, $0x3  }
0x7e: {  	s7 =	simm.s32 $0x5000;
	s10 =	sadd.s32 $0x7A1800, s1;
	s9 =	sadd.s32 s2, s9  }
0x7f: {  	[tilespmem:s7], [sflag:$0x2] =	stream.linear.gather [hbm4b:s9+s3], $0x400, $0x38;
	[tilespmem:$0x11000] =	vst v63  }
0x80: {  	s9 =	sshrl.u32 s10, $0x3  }
0x81: {  	s11 =	simm.s32 $0x5400;
	s12 =	sadd.s32 $0x7A1C00, s1;
	s9 =	sadd.s32 s2, s9  }
0x82: {  	[tilespmem:s11], [sflag:$0x2] =	stream.linear.gather [hbm4b:s9+s3], $0x400, $0x38;
	[tilespmem:$0x11000] =	vst v63  }
0x83: {  	s9 =	sshrl.u32 s12, $0x3  }
0x84: {  	s13 =	simm.s32 $0x5800;
	s14 =	sadd.s32 $0x7A2000, s1;
	s9 =	sadd.s32 s2, s9  }
0x85: {  	[tilespmem:s13], [sflag:$0x2] =	stream.linear.gather [hbm4b:s9+s3], $0x400, $0x38;
	[tilespmem:$0x11000] =	vst v63  }
0x86: {  	s9 =	sshrl.u32 s14, $0x3  }
0x87: {  	s15 =	simm.s32 $0x5C00;
	s16 =	sadd.s32 $0xF42800, s1;
	s9 =	sadd.s32 s2, s9  }
0x88: {  	[tilespmem:s15], [sflag:$0x2] =	stream.linear.gather [hbm4b:s9+s3], $0x400, $0x38;
	[tilespmem:$0x11000] =	vst v63  }
0x89: {  	s9 =	sshrl.u32 s16, $0x3  }
0x8a: {  	s17 =	simm.s32 $0x6000;
	s18 =	sadd.s32 $0xF42C00, s1;
	s9 =	sadd.s32 s2, s9  }
0x8b: {  	[tilespmem:s17], [sflag:$0x2] =	stream.linear.gather [hbm4b:s9+s3], $0x400, $0x38;
	[tilespmem:$0x11000] =	vst v63  }
0x8c: {  	s9 =	sshrl.u32 s18, $0x3  }
0x8d: {  	s19 =	simm.s32 $0x6400;
	s20 =	sadd.s32 $0xF43000, s1;
	s9 =	sadd.s32 s2, s9  }
0x8e: {  	[tilespmem:s19], [sflag:$0x2] =	stream.linear.gather [hbm4b:s9+s3], $0x400, $0x38;
	[tilespmem:$0x11000] =	vst v63  }
0x8f: {  	s9 =	sshrl.u32 s20, $0x3  }
0x90: {  	s26 =	sadd.s32 $0xF43400, s1;
	s24 =	simm.s32 $0x6800;
	s9 =	sadd.s32 s2, s9  }
0x91: {  	[tilespmem:s24], [sflag:$0x2] =	stream.linear.gather [hbm4b:s9+s3], $0x400, $0x38;
	[tilespmem:$0x11000] =	vst v63  }
0x92: {  	s9 =	sshrl.u32 s26, $0x3  }
0x93: {  	s29 =	simm.s32 $0x6C00;
	s5 =	sadd.s32 $0x16E3C00, s1;
	s9 =	sadd.s32 s2, s9  }
0x94: {  	[tilespmem:s29], [sflag:$0x2] =	stream.linear.gather [hbm4b:s9+s3], $0x400, $0x38;
	[tilespmem:$0x11000] =	vst v63  }
0x95: {  	p1 =	seq.s32 s8, $0x0;
	s7 =	simm.s32 $0x7000;
	s9 =	sshrl.u32 s5, $0x3  }
0x96: {  	s10 =	sadd.s32 $0x16E4000, s1;
	s11 =	simm.s32 $0x7400;
	s9 =	sadd.s32 s2, s9  }
0x97: {  	[tilespmem:s7], [sflag:$0x2] =	stream.linear.gather [hbm4b:s9+s3], $0x400, $0x38;
	[tilespmem:$0x11000] =	vst v63  }
0x98: {  	s12 =	sadd.s32 $0x16E4400, s1;
	s1 =	sadd.s32 $0x16E4800, s1;
	s9 =	sshrl.u32 s10, $0x3  }
0x99: {  	s1 =	sshrl.u32 s1, $0x3;
	s14 =	simm.s32 $0x0;
	s9 =	sadd.s32 s2, s9  }
0x9a: {  	[tilespmem:s11], [sflag:$0x2] =	stream.linear.gather [hbm4b:s9+s3], $0x400, $0x38;
	[tilespmem:$0x11000] =	vst v63  }
0x9b: {  	s13 =	simm.s32 $0x7800;
	s1 =	sadd.s32 s2, s1;
	v5 =	vmov s14;
	s9 =	sshrl.u32 s12, $0x3  }
0x9c: {  	v5 =	vshll.u32 v5, $0xA;
	s16 =	simm.s32 $0x8;
	s17 =	simm.s32 $0x4;
	s9 =	sadd.s32 s2, s9  }
0x9d: {  	v6 =	vadd.s32 v0, v5;
	[tilespmem:s13], [sflag:$0x2] =	stream.linear.gather [hbm4b:s9+s3], $0x400, $0x38;
	[tilespmem:$0x11000] =	vst v63  }
0x9e: {  	s15 =	simm.s32 $0x7C00;
	s31 =	sand.u32 $0x78, s16;
	v6 =	vor.u32 v3, v6;
	s26 =	sand.u32 $0x74, s17  }
0x9f: {  	v7 =	vor.u32 s31, v6;
	[tilespmem:s15], [sflag:$0x2] =	stream.linear.gather [hbm4b:s1+s3], $0x400, $0x38;
	[tilespmem:$0x11000] =	vst v63  }
0xa0: {  	v8 =	vor.u32 s26, v6;
	s1 =	simm.s32 @!p1 $0x3  }
0xa1: {  	s18 =	simm.s32 $0x0;
	_ =	swait.ge @!p1 [sflag:s1], $0x4000  }
0xa2: {  	s19 =	simm.s32 $0xC;
	s9 =	sand.u32 $0x70, s18;
	[sflag:s1] =	ssyncset.done @!p1 $0x0  }
0xa3: {  	v5 =	vadd.s32 v2, v5;
	s12 =	sand.u32 $0x7C, s19;
	v9 =	vor.u32 s9, v6;
	[sflag:s1] =	ssyncadd.s32 @!p1 $0xFFFFC000  }
0xa4: {  	v12 =	vor.u32 v3, v5;
	v10 =	vor.u32 s12, v6;
	v5 =	vld.idx.msk [tilespmem:v7+s3+$0x0], $0xffff  }
0xa5: {  	v7 =	vld.idx.msk [tilespmem:v8+s3+$0x0], $0xffff;
	v8 =	vor.u32 s31, v12  }
0xa6: {  	v11 =	vor.u32 s26, v12;
	_ =	sdelay $0x1  }
0xa7: {  	s24 =	simm.s32 $0x8100;
	v9 =	vld.idx.msk [tilespmem:v9+s3+$0x0], $0xffff  }
0xa8: {  	v13 =	vor.u32 s9, v12;
	v10 =	vld.idx.msk [tilespmem:v10+s3+$0x0], $0xffff;
	[tilespmem:s24+$0x0] =	vst v5  }
0xa9: {  	s20 =	sor.u32 $0x1, s31;
	v5 =	vor.u32 s12, v12;
	[tilespmem:s24+$0xFFFFFF80] =	vst v7;
	v7 =	vld.idx.msk [tilespmem:v8+s3+$0x0], $0xffff  }
0xaa: {  	s13 =	sor.u32 $0x1, s26;
	v8 =	vor.u32 s20, v6;
	v11 =	vld.idx.msk [tilespmem:v11+s3+$0x0], $0xffff  }
0xab: {  	v14 =	vor.u32 s13, v6  }
0xac: {  	[tilespmem:s24+$0xFFFFFF00] =	vst v9  }
0xad: {  	s14 =	sor.u32 $0x1, s9;
	[tilespmem:s24+$0x80] =	vst v10;
	v9 =	vld.idx.msk [tilespmem:v13+s3+$0x0], $0xffff  }
0xae: {  	s15 =	sor.u32 $0x1, s12;
	v10 =	vor.u32 s14, v6;
	v5 =	vld.idx.msk [tilespmem:v5+s3+$0x0], $0xffff;
	[tilespmem:s24+$0x10] =	vst v7  }
0xaf: {  	v7 =	vor.u32 s15, v6;
	[tilespmem:s24+$0xFFFFFF90] =	vst v11;
	v8 =	vld.idx.msk [tilespmem:v8+s3+$0x0], $0xffff  }
0xb0: {  	v11 =	vor.u32 s20, v12;
	v13 =	vld.idx.msk [tilespmem:v14+s3+$0x0], $0xffff  }
0xb1: {  	v14 =	vor.u32 s13, v12  }
0xb2: {  	[tilespmem:s24+$0xFFFFFF10] =	vst v9  }
0xb3: {  	s29 =	simm.s32 $0x0;
	v9 =	vld.idx.msk [tilespmem:v10+s3+$0x0], $0xffff;
	[tilespmem:s24+$0x90] =	vst v5  }
0xb4: {  	v5 =	vor.u32 s14, v12;
	v7 =	vld.idx.msk [tilespmem:v7+s3+$0x0], $0xffff;
	[tilespmem:s24+$0x20] =	vst v8;
	v8 =	vmov s29  }
0xb5: {  	s17 =	sor.u32 $0x2, s31;
	v10 =	vor.u32 s15, v12;
	[tilespmem:s24+$0xFFFFFFA0] =	vst v13;
	v11 =	vld.idx.msk [tilespmem:v11+s3+$0x0], $0xffff;
	v8 =	vshll.u32 v8, $0xA  }
0xb6: {  	s5 =	simm.s32 $0x14;
	s18 =	sor.u32 $0x2, s26;
	v13 =	vor.u32 s17, v6;
	v14 =	vld.idx.msk [tilespmem:v14+s3+$0x0], $0xffff;
	v15 =	vadd.s32 v0, v8  }
0xb7: {  	s7 =	simm.s32 $0x18;
	v16 =	vor.u32 s18, v6;
	s14 =	sand.u32 $0x74, s5;
	v21 =	vor.u32 v3, v15  }
0xb8: {  	s16 =	sand.u32 $0x78, s7;
	s1 =	simm.s32 $0x10;
	[tilespmem:s24+$0xFFFFFF20] =	vst v9;
	v9 =	vor.u32 s14, v21  }
0xb9: {  	s10 =	simm.s32 $0x1C;
	s13 =	sand.u32 $0x70, s1;
	v5 =	vld.idx.msk [tilespmem:v5+s3+$0x0], $0xffff;
	[tilespmem:s24+$0xA0] =	vst v7;
	v7 =	vor.u32 s16, v21  }
0xba: {  	s15 =	sand.u32 $0x7C, s10;
	v15 =	vor.u32 s13, v21;
	v10 =	vld.idx.msk [tilespmem:v10+s3+$0x0], $0xffff;
	[tilespmem:s24+$0x30] =	vst v11  }
0xbb: {  	s11 =	sor.u32 $0x2, s12;
	[tilespmem:s24+$0xFFFFFFB0] =	vst v14;
	v11 =	vor.u32 s15, v21;
	v13 =	vld.idx.msk [tilespmem:v13+s3+$0x0], $0xffff  }
0xbc: {  	v18 =	vor.u32 s11, v6;
	v16 =	vld.idx.msk [tilespmem:v16+s3+$0x0], $0xffff  }
0xbd: {  	s19 =	sor.u32 $0x2, s9;
	v8 =	vadd.s32 v2, v8;
	v14 =	vor.u32 s17, v12;
	v9 =	vld.idx.msk [tilespmem:v9+s3+$0x0], $0xffff  }
0xbe: {  	v17 =	vor.u32 s19, v6;
	v34 =	vor.u32 v3, v8;
	[tilespmem:s24+$0xFFFFFF30] =	vst v5;
	v7 =	vld.idx.msk [tilespmem:v7+s3+$0x0], $0xffff  }
0xbf: {  	v8 =	vor.u32 s14, v34;
	v5 =	vld.idx.msk [tilespmem:v15+s3+$0x0], $0xffff;
	[tilespmem:s24+$0xB0] =	vst v10  }
0xc0: {  	v15 =	vor.u32 s16, v34;
	v19 =	vld.idx.msk [tilespmem:v11+s3+$0x0], $0xffff;
	[tilespmem:s24+$0x40] =	vst v13  }
0xc1: {  	s20 =	sor.u32 $0x3, s31;
	s31 =	simm.s32 $0x8300;
	v10 =	vor.u32 s13, v34;
	v24 =	vld.idx.msk [tilespmem:v18+s3+$0x0], $0xffff;
	[tilespmem:s24+$0xFFFFFFC0] =	vst v16  }
0xc2: {  	v11 =	vld.idx.msk [tilespmem:v14+s3+$0x0], $0xffff;
	[tilespmem:s31+$0xFFFFFF80] =	vst v9  }
0xc3: {  	v23 =	vor.u32 s11, v12;
	v14 =	vld.idx.msk [tilespmem:v17+s3+$0x0], $0xffff;
	[tilespmem:s31+$0x0] =	vst v7  }
0xc4: {  	v25 =	vor.u32 s20, v12;
	s5 =	sor.u32 $0x1, s15;
	s11 =	sor.u32 $0x2, s14;
	v20 =	vor.u32 s15, v34;
	v13 =	vor.u32 s20, v6;
	[tilespmem:s31+$0xFFFFFF00] =	vst v5;
	v22 =	vld.idx.msk [tilespmem:v8+s3+$0x0], $0xffff  }
0xc5: {  	s29 =	sor.u32 $0x2, s16;
	v39 =	vor.u32 s5, v21;
	v28 =	vor.u32 s5, v34;
	v30 =	vor.u32 s11, v34;
	v15 =	vld.idx.msk [tilespmem:v15+s3+$0x0], $0xffff;
	[tilespmem:s31+$0x80] =	vst v19  }
0xc6: {  	s17 =	sor.u32 $0x1, s14;
	v18 =	vor.u32 s29, v21;
	s20 =	sor.u32 $0x1, s16;
	v17 =	vor.u32 s19, v12;
	v33 =	vld.idx.msk [tilespmem:v10+s3+$0x0], $0xffff;
	[tilespmem:s24+$0xC0] =	vst v24  }
0xc7: {  	v16 =	vor.u32 s17, v21;
	s19 =	sor.u32 $0x3, s26;
	v26 =	vor.u32 s20, v21;
	v29 =	vor.u32 s20, v34;
	[tilespmem:s24+$0x50] =	vst v11  }
0xc8: {  	s10 =	sor.u32 $0x2, s15;
	s26 =	sor.u32 $0x1, s13;
	v9 =	vor.u32 s18, v12;
	v7 =	vor.u32 s19, v6;
	v5 =	vor.u32 s19, v12;
	[tilespmem:s24+$0xFFFFFF40] =	vst v14  }
0xc9: {  	s12 =	sor.u32 $0x3, s12;
	v36 =	vor.u32 s26, v21;
	v27 =	vor.u32 s26, v34;
	v19 =	vor.u32 s10, v21;
	v35 =	vld.idx.msk [tilespmem:v13+s3+$0x0], $0xffff;
	[tilespmem:s31+$0xFFFFFF90] =	vst v22  }
0xca: {  	s9 =	sor.u32 $0x3, s9;
	v8 =	vor.u32 s12, v12;
	v37 =	vld.idx.msk [tilespmem:v20+s3+$0x0], $0xffff;
	v20 =	vor.u32 s11, v21;
	v11 =	vor.u32 s12, v6;
	[tilespmem:s31+$0x10] =	vst v15  }
0xcb: {  	s7 =	sor.u32 $0x2, s13;
	s18 =	sor.u32 $0x3, s16;
	v10 =	vor.u32 s9, v6;
	v6 =	vor.u32 s9, v12;
	v14 =	vor.u32 s29, v34;
	v38 =	vld.idx.msk [tilespmem:v17+s3+$0x0], $0xffff;
	[tilespmem:s31+$0xFFFFFF10] =	vst v33  }
0xcc: {  	s19 =	sor.u32 $0x3, s14;
	v12 =	vor.u32 s18, v34;
	v17 =	vor.u32 s7, v21;
	v13 =	vor.u32 s7, v34;
	v33 =	vld.idx.msk [tilespmem:v23+s3+$0x0], $0xffff;
	s20 =	rddreg [dreg:$0x1a]  }
0xcd: {  	v15 =	vor.u32 s18, v21;
	v23 =	vor.u32 s19, v21;
	v22 =	vor.u32 s19, v34;
	v31 =	vld.idx.msk [tilespmem:v16+s3+$0x0], $0xffff;
	s9 =	sadd.s32 s20, s23;
	s23 =	sor.u32 $0x3, s15  }
0xce: {  	s29 =	sor.u32 $0x3, s13;
	v32 =	vld.idx.msk [tilespmem:v26+s3+$0x0], $0xffff;
	v16 =	vor.u32 s10, v34;
	v26 =	vor.u32 s23, v21;
	v24 =	vor.u32 s23, v34;
	[tilespmem:s24+$0x60] =	vst v35  }
0xcf: {  	v35 =	vld.idx.msk [tilespmem:v25+s3+$0x0], $0xffff;
	v25 =	vor.u32 s29, v21;
	v21 =	vor.u32 s29, v34;
	v34 =	vor.u32 s17, v34  }
0xd0: {  	p2 =	slt.s32 s30, s4;
	s26 =	smov.u32 s4  }
0xd1: {  	s26 =	smov.u32 @p2 s30;
	s30 =	smov.u32 s4;
	v36 =	vld.idx.msk [tilespmem:v36+s3+$0x0], $0xffff;
	[tilespmem:s31+$0x90] =	vst v37;
	p2 =	slt.s32 s9, s4  }
0xd2: {  	v37 =	vld.idx.msk [tilespmem:v39+s3+$0x0], $0xffff;
	s23 =	simm.s32 $0x8300;
	s30 =	smov.u32 @p2 s9;
	s9 =	simm.s32 $0x4;
	[tilespmem:s24+$0xFFFFFF50] =	vst v38  }
.LBB2_3:
0xd3: {  	s9 =	sadd.s32 $0x4, s9;
	[tilespmem:s31+$0xFFFFFFA0] =	vst v31;
	v31 =	vld.idx.msk [tilespmem:v9+s3+$0x0], $0xffff;
	v9 =	vmov v30  }
0xd4: {  	s12 =	sshrl.u32 s9, $0x5;
	p2 =	slt.u32 s9, $0x7C;
	v30 =	vld.idx.msk [tilespmem:v34+s3+$0x0], $0xffff;
	[tilespmem:s31+$0x20] =	vst v32  }
0xd5: {  	v32 =	vmov s12;
	v29 =	vld.idx.msk [tilespmem:v29+s3+$0x0], $0xffff;
	[tilespmem:s24+$0xD0] =	vst v33  }
0xd6: {  	v32 =	vshll.u32 v32, $0xA;
	[tilespmem:s31+$0xFFFFFF20] =	vst v36;
	v33 =	vld.idx.msk [tilespmem:v11+s3+$0x0], $0xffff;
	v11 =	vmov v26  }
0xd7: {  	s1 =	sadd.s32 $0x10, s1;
	v26 =	vadd.s32 v0, v32;
	v27 =	vld.idx.msk [tilespmem:v27+s3+$0x0], $0xffff;
	[tilespmem:s24+$0x70] =	vst v35  }
0xd8: {  	s14 =	sand.u32 $0x70, s1;
	s12 =	sadd.s32 $0x4, s1;
	v34 =	vor.u32 v3, v26;
	[tilespmem:s31+$0xA0] =	vst v37;
	v26 =	vld.idx.msk [tilespmem:v10+s3+$0x0], $0xffff;
	v10 =	vmov v25  }
0xd9: {  	s16 =	sadd.s32 $0x8, s1;
	s15 =	sor.u32 $0x1, s14;
	s12 =	sand.u32 $0x74, s12;
	v25 =	vor.u32 s14, v34;
	v28 =	vld.idx.msk [tilespmem:v28+s3+$0x0], $0xffff;
	[tilespmem:s24+$0xFFFFFFD0] =	vst v31  }
0xda: {  	s17 =	sand.u32 $0x78, s16;
	s16 =	sadd.s32 $0xC, s1;
	s13 =	sor.u32 $0x2, s12;
	v35 =	vor.u32 s15, v34;
	v31 =	vor.u32 s12, v34;
	[tilespmem:s31+$0xFFFFFFB0] =	vst v30;
	v30 =	vld.idx.msk [tilespmem:v7+s3+$0x0], $0xffff;
	v7 =	vmov v23  }
0xdb: {  	s18 =	sor.u32 $0x1, s17;
	s19 =	sor.u32 $0x2, s17;
	s20 =	sand.u32 $0x7C, s16;
	v36 =	vor.u32 s17, v34;
	v37 =	vld.idx.msk [tilespmem:v20+s3+$0x0], $0xffff;
	v20 =	vor.u32 s13, v34;
	[tilespmem:s31+$0x30] =	vst v29  }
0xdc: {  	s4 =	sor.u32 $0x2, s14;
	s29 =	sor.u32 $0x1, s20;
	s5 =	sor.u32 $0x2, s20;
	v38 =	vor.u32 s18, v34;
	v29 =	vor.u32 s20, v34;
	v39 =	vld.idx.msk [tilespmem:v18+s3+$0x0], $0xffff;
	[tilespmem:s24+$0xE0] =	vst v33  }
0xdd: {  	s16 =	sor.u32 $0x3, s14;
	s7 =	sor.u32 $0x3, s17;
	s10 =	sor.u32 $0x3, s20;
	v40 =	vor.u32 s29, v34;
	v18 =	vor.u32 s19, v34;
	[tilespmem:s31+$0xFFFFFF30] =	vst v27;
	v33 =	vld.idx.msk [tilespmem:v8+s3+$0x0], $0xffff;
	v8 =	vmov v24  }
0xde: {  	s11 =	sor.u32 $0x3, s12;
	v41 =	vor.u32 s4, v34;
	v42 =	vor.u32 s5, v34;
	v24 =	vld.idx.msk [tilespmem:v25+s3+$0x0], $0xffff;
	[tilespmem:s24+$0xFFFFFF60] =	vst v26  }
0xdf: {  	v23 =	vadd.s32 v2, v32;
	v32 =	vor.u32 s7, v34;
	v26 =	vor.u32 s10, v34;
	v31 =	vld.idx.msk [tilespmem:v31+s3+$0x0], $0xffff;
	[tilespmem:s31+$0xB0] =	vst v28  }
0xe0: {  	v43 =	vor.u32 v3, v23;
	v23 =	vor.u32 s11, v34;
	v25 =	vor.u32 s16, v34;
	v36 =	vld.idx.msk [tilespmem:v36+s3+$0x0], $0xffff;
	[tilespmem:s24+$0xFFFFFFE0] =	vst v30  }
0xe1: {  	v44 =	vor.u32 s20, v43;
	v30 =	vor.u32 s12, v43;
	[tilespmem:s31+$0xFFFFFFC0] =	vst v37;
	v37 =	vld.idx.msk [tilespmem:v5+s3+$0x0], $0xffff;
	v5 =	vmov v22  }
0xe2: {  	v45 =	vor.u32 s14, v43;
	v46 =	vor.u32 s17, v43;
	v47 =	vld.idx.msk [tilespmem:v29+s3+$0x0], $0xffff;
	[tilespmem:s31+$0x40] =	vst v39  }
0xe3: {  	v27 =	vor.u32 s15, v43;
	v29 =	vor.u32 s18, v43;
	s31 =	sadd.s32 $0x200, s31;
	v39 =	vld.idx.msk [tilespmem:v14+s3+$0x0], $0xffff;
	[tilespmem:s24+$0xF0] =	vst v33  }
0xe4: {  	v28 =	vor.u32 s29, v43;
	v14 =	vor.u32 s19, v43;
	[tilespmem:s31+$0xFFFFFF00] =	vst v24;
	v33 =	vld.idx.msk [tilespmem:v6+s3+$0x0], $0xffff;
	v6 =	vmov v21  }
0xe5: {  	v48 =	vor.u32 s4, v43;
	v49 =	vor.u32 s5, v43;
	[tilespmem:s31+$0xFFFFFF80] =	vst v31;
	v31 =	vld.idx.msk [tilespmem:v17+s3+$0x0], $0xffff;
	v17 =	vmov v41  }
0xe6: {  	v50 =	vor.u32 s7, v43;
	v41 =	vld.idx.msk [tilespmem:v30+s3+$0x0], $0xffff;
	v30 =	vor.u32 s13, v43;
	[tilespmem:s31+$0x0] =	vst v36  }
0xe7: {  	s4 =	sor.u32 $0x1, s12;
	v22 =	vor.u32 s11, v43;
	v24 =	vor.u32 s10, v43;
	v36 =	vld.idx.msk [tilespmem:v46+s3+$0x0], $0xffff;
	[tilespmem:s24+$0xFFFFFFF0] =	vst v37  }
0xe8: {  	v21 =	vor.u32 s16, v43;
	v37 =	vor.u32 s4, v34;
	v34 =	vor.u32 s4, v43;
	[tilespmem:s31+$0x80] =	vst v47;
	v43 =	vld.idx.msk [tilespmem:v19+s3+$0x0], $0xffff;
	v19 =	vmovc v42  }
0xe9: {  	v42 =	vld.idx.msk [tilespmem:v45+s3+$0x0], $0xffff;
	[tilespmem:s23+$0x50] =	vst v39  }
0xea: {  	v39 =	vld.idx.msk [tilespmem:v15+s3+$0x0], $0xffff;
	[tilespmem:s24+$0xFFFFFF70] =	vst v33;
	v15 =	vmov v32;
	s24 =	smov.u32 s23;
	s23 =	smov.u32 s31  }
0xeb: {  	v44 =	vld.idx.msk [tilespmem:v44+s3+$0x0], $0xffff;
	[tilespmem:s24+$0xFFFFFF40] =	vst v31  }
0xec: {  	[tilespmem:s31+$0xFFFFFF90] =	vst v41;
	v41 =	vld.idx.msk [tilespmem:v13+s3+$0x0], $0xffff;
	v13 =	vmov v48  }
0xed: {  	v31 =	vld.idx.msk [tilespmem:v37+s3+$0x0], $0xffff;
	[tilespmem:s31+$0x10] =	vst v36  }
.Ltmp2:
0xee: {  	v32 =	vld.idx.msk [tilespmem:v38+s3+$0x0], $0xffff;
	[tilespmem:s24+$0xC0] =	vst v43;
	(pc) =	sbr.rel @p2 .LBB2_3-.Ltmp2, $4  }
0xef: {  	[tilespmem:s31+$0xFFFFFF10] =	vst v42;
	v33 =	vld.idx.msk [tilespmem:v16+s3+$0x0], $0xffff;
	v16 =	vmov v49  }
0xf0: {  	v36 =	vld.idx.msk [tilespmem:v35+s3+$0x0], $0xffff;
	[tilespmem:s24+$0x60] =	vst v39  }
0xf1: {  	[tilespmem:s31+$0x90] =	vst v44;
	v35 =	vld.idx.msk [tilespmem:v12+s3+$0x0], $0xffff;
	v12 =	vmov v50  }
0xf2: {  	v37 =	vld.idx.msk [tilespmem:v40+s3+$0x0], $0xffff;
	[tilespmem:s24+$0xFFFFFF50] =	vst v41  }
0xf3: {  	_ =	sdelay $0x2  }
0xf4: {  	[tilespmem:s31+$0x20] =	vst v32  }
0xf5: {  	v29 =	vld.idx.msk [tilespmem:v29+s3+$0x0], $0xffff;
	[tilespmem:s31+$0xFFFFFF20] =	vst v36  }
0xf6: {  	v27 =	vld.idx.msk [tilespmem:v27+s3+$0x0], $0xffff;
	[tilespmem:s31+$0xA0] =	vst v37  }
0xf7: {  	[tilespmem:s31+$0xFFFFFFA0] =	vst v31;
	v28 =	vld.idx.msk [tilespmem:v28+s3+$0x0], $0xffff  }
0xf8: {  	v31 =	vld.idx.msk [tilespmem:v34+s3+$0x0], $0xffff  }
0xf9: {  	v9 =	vld.idx.msk [tilespmem:v9+s3+$0x0], $0xffff;
	[tilespmem:s24+$0xD0] =	vst v33  }
0xfa: {  	v11 =	vld.idx.msk [tilespmem:v11+s3+$0x0], $0xffff;
	[tilespmem:s31+$0x30] =	vst v29  }
0xfb: {  	v18 =	vld.idx.msk [tilespmem:v18+s3+$0x0], $0xffff;
	[tilespmem:s31+$0xFFFFFF30] =	vst v27  }
0xfc: {  	v17 =	vld.idx.msk [tilespmem:v17+s3+$0x0], $0xffff;
	[tilespmem:s31+$0xB0] =	vst v28  }
0xfd: {  	[tilespmem:s31+$0xFFFFFFB0] =	vst v31;
	v19 =	vld.idx.msk [tilespmem:v19+s3+$0x0], $0xffff  }
0xfe: {  	[tilespmem:s24+$0xFFFFFFD0] =	vst v9;
	v20 =	vld.idx.msk [tilespmem:v20+s3+$0x0], $0xffff  }
0xff: {  	v9 =	vld.idx.msk [tilespmem:v10+s3+$0x0], $0xffff;
	[tilespmem:s24+$0xE0] =	vst v11  }
0x100: {  	v7 =	vld.idx.msk [tilespmem:v7+s3+$0x0], $0xffff;
	[tilespmem:s31+$0x40] =	vst v18  }
0x101: {  	v10 =	vld.idx.msk [tilespmem:v14+s3+$0x0], $0xffff;
	[tilespmem:s23+$0xFFFFFF40] =	vst v17  }
0x102: {  	v11 =	vld.idx.msk [tilespmem:v13+s3+$0x0], $0xffff;
	[tilespmem:s23+$0xC0] =	vst v19  }
0x103: {  	[tilespmem:s31+$0xFFFFFFC0] =	vst v20;
	v14 =	vld.idx.msk [tilespmem:v16+s3+$0x0], $0xffff  }
0x104: {  	[tilespmem:s24+$0xFFFFFF60] =	vst v9;
	v16 =	vld.idx.msk [tilespmem:v30+s3+$0x0], $0xffff  }
0x105: {  	v8 =	vld.idx.msk [tilespmem:v8+s3+$0x0], $0xffff;
	[tilespmem:s24+$0xFFFFFFE0] =	vst v7  }
0x106: {  	v5 =	vld.idx.msk [tilespmem:v5+s3+$0x0], $0xffff;
	[tilespmem:s23+$0x50] =	vst v10  }
0x107: {  	v9 =	vld.idx.msk [tilespmem:v15+s3+$0x0], $0xffff;
	[tilespmem:s23+$0xFFFFFF50] =	vst v11  }
0x108: {  	v7 =	vld.idx.msk [tilespmem:v25+s3+$0x0], $0xffff;
	[tilespmem:s23+$0xD0] =	vst v14  }
0x109: {  	[tilespmem:s23+$0xFFFFFFD0] =	vst v16;
	v10 =	vld.idx.msk [tilespmem:v26+s3+$0x0], $0xffff  }
0x10a: {  	[tilespmem:s24+$0xF0] =	vst v8;
	v11 =	vld.idx.msk [tilespmem:v23+s3+$0x0], $0xffff  }
0x10b: {  	[tilespmem:s24+$0xFFFFFFF0] =	vst v5  }
0x10c: {  	v6 =	vld.idx.msk [tilespmem:v6+s3+$0x0], $0xffff;
	[tilespmem:s23+$0x60] =	vst v9  }
0x10d: {  	v8 =	vld.idx.msk [tilespmem:v12+s3+$0x0], $0xffff;
	[tilespmem:s23+$0xFFFFFF60] =	vst v7  }
0x10e: {  	v5 =	vld.idx.msk [tilespmem:v21+s3+$0x0], $0xffff;
	[tilespmem:s23+$0xE0] =	vst v10  }
0x10f: {  	[tilespmem:s23+$0xFFFFFFE0] =	vst v11;
	v9 =	vld.idx.msk [tilespmem:v24+s3+$0x0], $0xffff  }
0x110: {  	[tilespmem:s24+$0x70] =	vst v35;
	v7 =	vld.idx.msk [tilespmem:v22+s3+$0x0], $0xffff  }
0x111: {  	[tilespmem:s24+$0xFFFFFF70] =	vst v6  }
0x112: {  	[tilespmem:s23+$0x70] =	vst v8  }
0x113: {  	s1 =	sshll.u32 s26, $0xB;
	[tilespmem:s23+$0xFFFFFF70] =	vst v5  }
0x114: {  	s1 =	sand.u32 $0x1FFFF800, s1;
	[tilespmem:s23+$0xF0] =	vst v9  }
0x115: {  	s20 =	simm.s32 $0x8000;
	s1 =	sadd.s32 s0, s1;
	[tilespmem:s23+$0xFFFFFFF0] =	vst v7  }
0x116: {  	[hbm4b:s1+s3] =	stream.linear.scatter [tilespmem:s20], [sflag:$0x3], $0x4000, $0x38;
	[tilespmem:$0x11000] =	vst v63  }
0x117: {  	_ =	swait.ge [sflag:s25], $0x400  }
0x118: {  	[sflag:s25] =	ssyncset.done $0x0  }
0x119: {  	[sflag:s25] =	ssyncadd.s32 $0xFFFFFC00  }
0x11a: {  	_ =	swait.ge [sflag:s25], $0x400  }
0x11b: {  	[sflag:s25] =	ssyncset.done $0x0  }
0x11c: {  	[sflag:s25] =	ssyncadd.s32 $0xFFFFFC00  }
0x11d: {  	_ =	swait.ge [sflag:s25], $0x400  }
0x11e: {  	[sflag:s25] =	ssyncset.done $0x0  }
0x11f: {  	[sflag:s25] =	ssyncadd.s32 $0xFFFFFC00  }
0x120: {  	_ =	swait.ge [sflag:s25], $0x400  }
0x121: {  	[sflag:s25] =	ssyncset.done $0x0  }
0x122: {  	[sflag:s25] =	ssyncadd.s32 $0xFFFFFC00  }
0x123: {  	_ =	swait.ge [sflag:s25], $0x400  }
0x124: {  	[sflag:s25] =	ssyncset.done $0x0  }
0x125: {  	[sflag:s25] =	ssyncadd.s32 $0xFFFFFC00  }
0x126: {  	_ =	swait.ge [sflag:s25], $0x400  }
0x127: {  	[sflag:s25] =	ssyncset.done $0x0  }
0x128: {  	[sflag:s25] =	ssyncadd.s32 $0xFFFFFC00  }
0x129: {  	_ =	swait.ge [sflag:s25], $0x400  }
0x12a: {  	[sflag:s25] =	ssyncset.done $0x0  }
0x12b: {  	[sflag:s25] =	ssyncadd.s32 $0xFFFFFC00  }
0x12c: {  	_ =	swait.ge [sflag:s25], $0x400  }
0x12d: {  	[sflag:s25] =	ssyncset.done $0x0  }
0x12e: {  	[sflag:s25] =	ssyncadd.s32 $0xFFFFFC00  }
0x12f: {  	_ =	swait.ge [sflag:s25], $0x400  }
0x130: {  	[sflag:s25] =	ssyncset.done $0x0  }
0x131: {  	[sflag:s25] =	ssyncadd.s32 $0xFFFFFC00  }
0x132: {  	_ =	swait.ge [sflag:s25], $0x400  }
0x133: {  	[sflag:s25] =	ssyncset.done $0x0  }
0x134: {  	[sflag:s25] =	ssyncadd.s32 $0xFFFFFC00  }
0x135: {  	_ =	swait.ge [sflag:s25], $0x400  }
0x136: {  	[sflag:s25] =	ssyncset.done $0x0  }
0x137: {  	[sflag:s25] =	ssyncadd.s32 $0xFFFFFC00  }
0x138: {  	_ =	swait.ge [sflag:s25], $0x400  }
0x139: {  	[sflag:s25] =	ssyncset.done $0x0  }
0x13a: {  	[sflag:s25] =	ssyncadd.s32 $0xFFFFFC00  }
0x13b: {  	_ =	swait.ge [sflag:s25], $0x400  }
0x13c: {  	[sflag:s25] =	ssyncset.done $0x0  }
0x13d: {  	[sflag:s25] =	ssyncadd.s32 $0xFFFFFC00  }
0x13e: {  	_ =	swait.ge [sflag:s25], $0x400  }
0x13f: {  	[sflag:s25] =	ssyncset.done $0x0  }
0x140: {  	[sflag:s25] =	ssyncadd.s32 $0xFFFFFC00  }
0x141: {  	_ =	swait.ge [sflag:s25], $0x400  }
0x142: {  	[sflag:s25] =	ssyncset.done $0x0  }
0x143: {  	[sflag:s25] =	ssyncadd.s32 $0xFFFFFC00  }
0x144: {  	s1 =	sshll.u32 s30, $0xC;
	_ =	swait.ge [sflag:s25], $0x400  }
0x145: {  	s29 =	smov.u32 s0;
	s4 =	sshrl.u32 s1, $0x3;
	[sflag:s25] =	ssyncset.done $0x0  }
0x146: {  	s5 =	sadd.s32 s2, s4;
	s23 =	rddreg [dreg:$0x5];
	[sflag:s25] =	ssyncadd.s32 $0xFFFFFC00  }
0x147: {  	[tilespmem:s3], [sflag:$0x1] =	stream.linear.gather [hbm4b:s5+s3], $0x400, $0x38;
	[tilespmem:$0x11000] =	vst v63  }
0x148: {  	s26 =	simm.s32 $0x400;
	s31 =	rddreg [dreg:$0x8];
	s24 =	sadd.s32 s4, s23  }
0x149: {  	[tilespmem:s26], [sflag:$0x1] =	stream.linear.gather [hbm4b:s24+s3], $0x400, $0x38;
	[tilespmem:$0x11000] =	vst v63  }
0x14a: {  	s7 =	simm.s32 $0x800;
	s9 =	rddreg [dreg:$0x9];
	s0 =	sadd.s32 s4, s31  }
0x14b: {  	[tilespmem:s7], [sflag:$0x1] =	stream.linear.gather [hbm4b:s0+s3], $0x400, $0x38;
	[tilespmem:$0x11000] =	vst v63  }
0x14c: {  	s10 =	simm.s32 $0xC00;
	s11 =	sadd.s32 $0x7A1400, s1;
	s4 =	sadd.s32 s4, s9  }
0x14d: {  	[tilespmem:s10], [sflag:$0x1] =	stream.linear.gather [hbm4b:s4+s3], $0x400, $0x38;
	[tilespmem:$0x11000] =	vst v63  }
0x14e: {  	s4 =	sshrl.u32 s11, $0x3  }
0x14f: {  	s12 =	simm.s32 $0x1000;
	s13 =	sadd.s32 $0x7A1800, s1;
	s4 =	sadd.s32 s2, s4  }
0x150: {  	[tilespmem:s12], [sflag:$0x1] =	stream.linear.gather [hbm4b:s4+s3], $0x400, $0x38;
	[tilespmem:$0x11000] =	vst v63  }
0x151: {  	s4 =	sshrl.u32 s13, $0x3  }
0x152: {  	s14 =	simm.s32 $0x1400;
	s15 =	sadd.s32 $0x7A1C00, s1;
	s4 =	sadd.s32 s2, s4  }
0x153: {  	[tilespmem:s14], [sflag:$0x1] =	stream.linear.gather [hbm4b:s4+s3], $0x400, $0x38;
	[tilespmem:$0x11000] =	vst v63  }
0x154: {  	s4 =	sshrl.u32 s15, $0x3  }
0x155: {  	s16 =	simm.s32 $0x1800;
	s17 =	sadd.s32 $0x7A2000, s1;
	s4 =	sadd.s32 s2, s4  }
0x156: {  	[tilespmem:s16], [sflag:$0x1] =	stream.linear.gather [hbm4b:s4+s3], $0x400, $0x38;
	[tilespmem:$0x11000] =	vst v63  }
0x157: {  	s4 =	sshrl.u32 s17, $0x3  }
0x158: {  	s18 =	simm.s32 $0x1C00;
	s19 =	sadd.s32 $0xF42800, s1;
	s4 =	sadd.s32 s2, s4  }
0x159: {  	[tilespmem:s18], [sflag:$0x1] =	stream.linear.gather [hbm4b:s4+s3], $0x400, $0x38;
	[tilespmem:$0x11000] =	vst v63  }
0x15a: {  	s4 =	sshrl.u32 s19, $0x3  }
0x15b: {  	s20 =	simm.s32 $0x2000;
	s23 =	sadd.s32 $0xF42C00, s1;
	s4 =	sadd.s32 s2, s4  }
0x15c: {  	[tilespmem:s20], [sflag:$0x1] =	stream.linear.gather [hbm4b:s4+s3], $0x400, $0x38;
	[tilespmem:$0x11000] =	vst v63  }
0x15d: {  	s4 =	sshrl.u32 s23, $0x3  }
0x15e: {  	s24 =	simm.s32 $0x2400;
	s26 =	sadd.s32 $0xF43000, s1;
	s4 =	sadd.s32 s2, s4  }
0x15f: {  	[tilespmem:s24], [sflag:$0x1] =	stream.linear.gather [hbm4b:s4+s3], $0x400, $0x38;
	[tilespmem:$0x11000] =	vst v63  }
0x160: {  	s4 =	sshrl.u32 s26, $0x3  }
0x161: {  	s31 =	simm.s32 $0x2800;
	s0 =	sadd.s32 $0xF43400, s1;
	s4 =	sadd.s32 s2, s4  }
0x162: {  	[tilespmem:s31], [sflag:$0x1] =	stream.linear.gather [hbm4b:s4+s3], $0x400, $0x38;
	[tilespmem:$0x11000] =	vst v63  }
0x163: {  	s4 =	sshrl.u32 s0, $0x3  }
0x164: {  	s5 =	simm.s32 $0x2C00;
	s7 =	sadd.s32 $0x16E3C00, s1;
	s4 =	sadd.s32 s2, s4  }
0x165: {  	[tilespmem:s5], [sflag:$0x1] =	stream.linear.gather [hbm4b:s4+s3], $0x400, $0x38;
	[tilespmem:$0x11000] =	vst v63  }
0x166: {  	s9 =	simm.s32 $0x3000;
	s4 =	sshrl.u32 s7, $0x3  }
0x167: {  	s10 =	sadd.s32 $0x16E4000, s1;
	s11 =	simm.s32 $0x3400;
	s4 =	sadd.s32 s2, s4  }
0x168: {  	[tilespmem:s9], [sflag:$0x1] =	stream.linear.gather [hbm4b:s4+s3], $0x400, $0x38;
	[tilespmem:$0x11000] =	vst v63  }
0x169: {  	s12 =	sadd.s32 $0x16E4400, s1;
	s1 =	sadd.s32 $0x16E4800, s1;
	s4 =	sshrl.u32 s10, $0x3  }
0x16a: {  	s1 =	sshrl.u32 s1, $0x3;
	s14 =	simm.s32 $0x0;
	s4 =	sadd.s32 s2, s4  }
0x16b: {  	[tilespmem:s11], [sflag:$0x1] =	stream.linear.gather [hbm4b:s4+s3], $0x400, $0x38;
	[tilespmem:$0x11000] =	vst v63  }
0x16c: {  	s13 =	simm.s32 $0x3800;
	s1 =	sadd.s32 s2, s1;
	v5 =	vmov s14;
	s4 =	sshrl.u32 s12, $0x3  }
0x16d: {  	v5 =	vshll.u32 v5, $0xA;
	s16 =	simm.s32 $0x8;
	s17 =	simm.s32 $0x4;
	s4 =	sadd.s32 s2, s4  }
0x16e: {  	v6 =	vadd.s32 v0, v5;
	[tilespmem:s13], [sflag:$0x1] =	stream.linear.gather [hbm4b:s4+s3], $0x400, $0x38;
	[tilespmem:$0x11000] =	vst v63  }
0x16f: {  	s15 =	simm.s32 $0x3C00;
	v6 =	vor.u32 v3, v6;
	s23 =	sand.u32 $0x74, s17;
	s26 =	sand.u32 $0x78, s16  }
0x170: {  	v7 =	vor.u32 s26, v6;
	[tilespmem:s15], [sflag:$0x1] =	stream.linear.gather [hbm4b:s1+s3], $0x400, $0x38;
	[tilespmem:$0x11000] =	vst v63  }
0x171: {  	v8 =	vor.u32 s23, v6;
	s1 =	simm.s32 @!p1 $0x4  }
0x172: {  	s18 =	simm.s32 $0x0;
	_ =	swait.ge @!p1 [sflag:s1], $0x4000  }
0x173: {  	s19 =	simm.s32 $0xC;
	s9 =	sand.u32 $0x70, s18;
	[sflag:s1] =	ssyncset.done @!p1 $0x0  }
0x174: {  	v5 =	vadd.s32 v2, v5;
	v9 =	vor.u32 s9, v6;
	s12 =	sand.u32 $0x7C, s19;
	[sflag:s1] =	ssyncadd.s32 @!p1 $0xFFFFC000  }
0x175: {  	v12 =	vor.u32 v3, v5;
	v10 =	vor.u32 s12, v6;
	v5 =	vld.idx.msk [tilespmem:v7+s22+$0x0], $0xffff  }
0x176: {  	v7 =	vld.idx.msk [tilespmem:v8+s22+$0x0], $0xffff;
	v8 =	vor.u32 s26, v12  }
0x177: {  	v11 =	vor.u32 s23, v12;
	_ =	sdelay $0x1  }
0x178: {  	s24 =	simm.s32 $0xC100;
	v9 =	vld.idx.msk [tilespmem:v9+s22+$0x0], $0xffff  }
0x179: {  	v13 =	vor.u32 s9, v12;
	v10 =	vld.idx.msk [tilespmem:v10+s22+$0x0], $0xffff;
	[tilespmem:s24+$0x0] =	vst v5  }
0x17a: {  	s20 =	sor.u32 $0x1, s26;
	v5 =	vor.u32 s12, v12;
	[tilespmem:s24+$0xFFFFFF80] =	vst v7;
	v7 =	vld.idx.msk [tilespmem:v8+s22+$0x0], $0xffff  }
0x17b: {  	s31 =	sor.u32 $0x1, s23;
	v8 =	vor.u32 s20, v6;
	v11 =	vld.idx.msk [tilespmem:v11+s22+$0x0], $0xffff  }
0x17c: {  	v14 =	vor.u32 s31, v6  }
0x17d: {  	[tilespmem:s24+$0xFFFFFF00] =	vst v9  }
0x17e: {  	s0 =	sor.u32 $0x1, s9;
	[tilespmem:s24+$0x80] =	vst v10;
	v9 =	vld.idx.msk [tilespmem:v13+s22+$0x0], $0xffff  }
0x17f: {  	s7 =	sor.u32 $0x1, s12;
	v10 =	vor.u32 s0, v6;
	v5 =	vld.idx.msk [tilespmem:v5+s22+$0x0], $0xffff;
	[tilespmem:s24+$0x10] =	vst v7  }
0x180: {  	v7 =	vor.u32 s7, v6;
	[tilespmem:s24+$0xFFFFFF90] =	vst v11;
	v8 =	vld.idx.msk [tilespmem:v8+s22+$0x0], $0xffff  }
0x181: {  	v11 =	vor.u32 s20, v12;
	v13 =	vld.idx.msk [tilespmem:v14+s22+$0x0], $0xffff  }
0x182: {  	v14 =	vor.u32 s31, v12  }
0x183: {  	[tilespmem:s24+$0xFFFFFF10] =	vst v9  }
0x184: {  	s4 =	simm.s32 $0x0;
	v9 =	vld.idx.msk [tilespmem:v10+s22+$0x0], $0xffff;
	[tilespmem:s24+$0x90] =	vst v5  }
0x185: {  	v5 =	vor.u32 s0, v12;
	v7 =	vld.idx.msk [tilespmem:v7+s22+$0x0], $0xffff;
	[tilespmem:s24+$0x20] =	vst v8;
	v8 =	vmov s4  }
0x186: {  	s10 =	sor.u32 $0x2, s26;
	v10 =	vor.u32 s7, v12;
	[tilespmem:s24+$0xFFFFFFA0] =	vst v13;
	v11 =	vld.idx.msk [tilespmem:v11+s22+$0x0], $0xffff;
	v8 =	vshll.u32 v8, $0xA  }
0x187: {  	s16 =	simm.s32 $0x14;
	s11 =	sor.u32 $0x2, s23;
	v13 =	vor.u32 s10, v6;
	v14 =	vld.idx.msk [tilespmem:v14+s22+$0x0], $0xffff;
	v15 =	vadd.s32 v0, v8  }
0x188: {  	s17 =	simm.s32 $0x18;
	s14 =	sand.u32 $0x74, s16;
	v16 =	vor.u32 s11, v6;
	v20 =	vor.u32 v3, v15  }
0x189: {  	s15 =	sand.u32 $0x78, s17;
	s1 =	simm.s32 $0x10;
	[tilespmem:s24+$0xFFFFFF20] =	vst v9;
	v9 =	vor.u32 s14, v20  }
0x18a: {  	s18 =	simm.s32 $0x1C;
	s13 =	sand.u32 $0x70, s1;
	v5 =	vld.idx.msk [tilespmem:v5+s22+$0x0], $0xffff;
	[tilespmem:s24+$0xA0] =	vst v7;
	v7 =	vor.u32 s15, v20  }
0x18b: {  	s16 =	sand.u32 $0x7C, s18;
	v15 =	vor.u32 s13, v20;
	v10 =	vld.idx.msk [tilespmem:v10+s22+$0x0], $0xffff;
	[tilespmem:s24+$0x30] =	vst v11  }
0x18c: {  	s20 =	sor.u32 $0x2, s12;
	[tilespmem:s24+$0xFFFFFFB0] =	vst v14;
	v11 =	vor.u32 s16, v20;
	v13 =	vld.idx.msk [tilespmem:v13+s22+$0x0], $0xffff  }
0x18d: {  	v18 =	vor.u32 s20, v6;
	v16 =	vld.idx.msk [tilespmem:v16+s22+$0x0], $0xffff  }
0x18e: {  	s19 =	sor.u32 $0x2, s9;
	v8 =	vadd.s32 v2, v8;
	v14 =	vor.u32 s10, v12;
	v9 =	vld.idx.msk [tilespmem:v9+s22+$0x0], $0xffff  }
0x18f: {  	v17 =	vor.u32 s19, v6;
	v59 =	vor.u32 v3, v8;
	v7 =	vld.idx.msk [tilespmem:v7+s22+$0x0], $0xffff  }
0x190: {  	v8 =	vor.u32 s14, v59;
	[tilespmem:s24+$0xFFFFFF30] =	vst v5;
	v5 =	vld.idx.msk [tilespmem:v15+s22+$0x0], $0xffff  }
0x191: {  	v15 =	vor.u32 s15, v59;
	[tilespmem:s24+$0xB0] =	vst v10;
	v19 =	vld.idx.msk [tilespmem:v11+s22+$0x0], $0xffff  }
0x192: {  	v10 =	vor.u32 s13, v59;
	v24 =	vld.idx.msk [tilespmem:v18+s22+$0x0], $0xffff;
	[tilespmem:s24+$0x40] =	vst v13  }
0x193: {  	s30 =	simm.s32 $0xC300;
	v21 =	vor.u32 s16, v59;
	[tilespmem:s24+$0xFFFFFFC0] =	vst v16;
	v11 =	vld.idx.msk [tilespmem:v14+s22+$0x0], $0xffff  }
0x194: {  	v23 =	vor.u32 s20, v12;
	s10 =	sor.u32 $0x3, s26;
	v14 =	vld.idx.msk [tilespmem:v17+s22+$0x0], $0xffff;
	[tilespmem:s30+$0xFFFFFF80] =	vst v9  }
0x195: {  	s31 =	sor.u32 $0x3, s9;
	s9 =	sor.u32 $0x1, s13;
	v13 =	vor.u32 s10, v6;
	[tilespmem:s30+$0x0] =	vst v7;
	v22 =	vld.idx.msk [tilespmem:v8+s22+$0x0], $0xffff  }
0x196: {  	s17 =	sor.u32 $0x1, s14;
	v62 =	vor.u32 s9, v20;
	v27 =	vor.u32 s9, v59;
	v17 =	vor.u32 s19, v12;
	[tilespmem:s30+$0xFFFFFF00] =	vst v5;
	v15 =	vld.idx.msk [tilespmem:v15+s22+$0x0], $0xffff  }
0x197: {  	v32 =	vor.u32 s17, v59;
	s26 =	sor.u32 $0x1, s15;
	v25 =	vor.u32 s10, v12;
	v16 =	vor.u32 s17, v20;
	v60 =	vld.idx.msk [tilespmem:v10+s22+$0x0], $0xffff;
	[tilespmem:s30+$0x80] =	vst v19  }
0x198: {  	s23 =	sor.u32 $0x3, s23;
	v26 =	vor.u32 s26, v20;
	v29 =	vor.u32 s26, v59;
	v9 =	vor.u32 s11, v12;
	[tilespmem:s24+$0xC0] =	vst v24;
	v63 =	vld.idx.msk [tilespmem:v21+s22+$0x0], $0xffff  }
0x199: {  	s18 =	sor.u32 $0x2, s16;
	v7 =	vor.u32 s23, v6;
	v5 =	vor.u32 s23, v12;
	s11 =	sor.u32 $0x1, s16;
	v10 =	vor.u32 s31, v6;
	v34 =	vld.idx.msk [tilespmem:v23+s22+$0x0], $0xffff;
	[tilespmem:s24+$0x50] =	vst v11  }
0x19a: {  	s26 =	sor.u32 $0x3, s16;
	s19 =	sor.u32 $0x2, s14;
	v39 =	vor.u32 s11, v20;
	v28 =	vor.u32 s11, v59;
	v19 =	vor.u32 s18, v20;
	[tilespmem:s24+$0xFFFFFF40] =	vst v14;
	v61 =	vld.idx.msk [tilespmem:v13+s22+$0x0], $0xffff  }
0x19b: {  	s0 =	sor.u32 $0x3, s12;
	v30 =	vor.u32 s19, v59;
	v24 =	vor.u32 s26, v59;
	v21 =	vor.u32 s19, v20;
	v38 =	vld.idx.msk [tilespmem:v17+s22+$0x0], $0xffff;
	[tilespmem:s30+$0xFFFFFF90] =	vst v22  }
0x19c: {  	s20 =	sor.u32 $0x3, s15;
	s10 =	sor.u32 $0x2, s15;
	v8 =	vor.u32 s0, v12;
	v11 =	vor.u32 s0, v6;
	v6 =	vor.u32 s31, v12;
	[tilespmem:s30+$0x10] =	vst v15;
	v31 =	vld.idx.msk [tilespmem:v16+s22+$0x0], $0xffff  }
0x19d: {  	s12 =	sor.u32 $0x2, s13;
	v18 =	vor.u32 s10, v20;
	v14 =	vor.u32 s10, v59;
	v12 =	vor.u32 s20, v59;
	[tilespmem:s30+$0xFFFFFF10] =	vst v60;
	v33 =	vld.idx.msk [tilespmem:v26+s22+$0x0], $0xffff  }
0x19e: {  	s23 =	sor.u32 $0x3, s14;
	v17 =	vor.u32 s12, v20;
	v13 =	vor.u32 s12, v59;
	v15 =	vor.u32 s20, v20;
	v36 =	vld.idx.msk [tilespmem:v62+s22+$0x0], $0xffff;
	[tilespmem:s30+$0x90] =	vst v63  }
0x19f: {  	v23 =	vor.u32 s23, v20;
	s31 =	sor.u32 $0x3, s13;
	v22 =	vor.u32 s23, v59;
	v16 =	vor.u32 s18, v59;
	v37 =	vld.idx.msk [tilespmem:v39+s22+$0x0], $0xffff;
	[tilespmem:s24+$0x60] =	vst v61  }
0x1a0: {  	s9 =	simm.s32 $0x4;
	s23 =	simm.s32 $0xC300;
	v26 =	vor.u32 s26, v20;
	[tilespmem:s24+$0xFFFFFF50] =	vst v38;
	v35 =	vld.idx.msk [tilespmem:v25+s22+$0x0], $0xffff;
	v25 =	vor.u32 s31, v20;
	v20 =	vor.u32 s31, v59  }
.LBB2_5:
0x1a1: {  	s9 =	sadd.s32 $0x4, s9;
	[tilespmem:s30+$0xFFFFFFA0] =	vst v31;
	v31 =	vld.idx.msk [tilespmem:v9+s22+$0x0], $0xffff;
	v9 =	vmov v30  }
0x1a2: {  	s4 =	sshrl.u32 s9, $0x5;
	p1 =	slt.u32 s9, $0x7C;
	v30 =	vld.idx.msk [tilespmem:v32+s22+$0x0], $0xffff;
	[tilespmem:s30+$0x20] =	vst v33  }
0x1a3: {  	v32 =	vmov s4;
	v29 =	vld.idx.msk [tilespmem:v29+s22+$0x0], $0xffff;
	[tilespmem:s24+$0xD0] =	vst v34  }
0x1a4: {  	v32 =	vshll.u32 v32, $0xA;
	[tilespmem:s30+$0xFFFFFF20] =	vst v36;
	v33 =	vld.idx.msk [tilespmem:v11+s22+$0x0], $0xffff;
	v11 =	vmov v26  }
0x1a5: {  	s1 =	sadd.s32 $0x10, s1;
	v26 =	vadd.s32 v0, v32;
	v27 =	vld.idx.msk [tilespmem:v27+s22+$0x0], $0xffff;
	[tilespmem:s24+$0x70] =	vst v35  }
0x1a6: {  	s14 =	sand.u32 $0x70, s1;
	s4 =	sadd.s32 $0x4, s1;
	v34 =	vor.u32 v3, v26;
	[tilespmem:s30+$0xA0] =	vst v37;
	v26 =	vld.idx.msk [tilespmem:v10+s22+$0x0], $0xffff;
	v10 =	vmov v25  }
0x1a7: {  	s15 =	sor.u32 $0x1, s14;
	s12 =	sand.u32 $0x74, s4;
	s4 =	sadd.s32 $0x8, s1;
	v25 =	vor.u32 s14, v34;
	v28 =	vld.idx.msk [tilespmem:v28+s22+$0x0], $0xffff;
	[tilespmem:s24+$0xFFFFFFD0] =	vst v31  }
0x1a8: {  	s5 =	sadd.s32 $0xC, s1;
	s13 =	sor.u32 $0x2, s12;
	s4 =	sand.u32 $0x78, s4;
	v35 =	vor.u32 s15, v34;
	v31 =	vor.u32 s12, v34;
	[tilespmem:s30+$0xFFFFFFB0] =	vst v30;
	v30 =	vld.idx.msk [tilespmem:v7+s22+$0x0], $0xffff;
	v7 =	vmov v23  }
0x1a9: {  	s5 =	sand.u32 $0x7C, s5;
	s7 =	sor.u32 $0x1, s4;
	s10 =	sor.u32 $0x2, s4;
	v36 =	vor.u32 s4, v34;
	v37 =	vld.idx.msk [tilespmem:v21+s22+$0x0], $0xffff;
	v21 =	vor.u32 s13, v34;
	[tilespmem:s30+$0x30] =	vst v29  }
0x1aa: {  	s11 =	sor.u32 $0x2, s14;
	s17 =	sor.u32 $0x1, s5;
	s18 =	sor.u32 $0x2, s5;
	v38 =	vor.u32 s7, v34;
	v29 =	vor.u32 s5, v34;
	v39 =	vld.idx.msk [tilespmem:v18+s22+$0x0], $0xffff;
	[tilespmem:s24+$0xE0] =	vst v33  }
0x1ab: {  	s16 =	sor.u32 $0x3, s14;
	s20 =	sor.u32 $0x3, s5;
	s19 =	sor.u32 $0x3, s4;
	v40 =	vor.u32 s17, v34;
	v18 =	vor.u32 s10, v34;
	[tilespmem:s30+$0xFFFFFF30] =	vst v27;
	v33 =	vld.idx.msk [tilespmem:v8+s22+$0x0], $0xffff;
	v8 =	vmov v24  }
0x1ac: {  	s26 =	sor.u32 $0x3, s12;
	v41 =	vor.u32 s11, v34;
	v42 =	vor.u32 s18, v34;
	v24 =	vld.idx.msk [tilespmem:v25+s22+$0x0], $0xffff;
	[tilespmem:s24+$0xFFFFFF60] =	vst v26  }
0x1ad: {  	v43 =	vor.u32 s19, v34;
	v23 =	vadd.s32 v2, v32;
	v26 =	vor.u32 s20, v34;
	v31 =	vld.idx.msk [tilespmem:v31+s22+$0x0], $0xffff;
	[tilespmem:s30+$0xB0] =	vst v28  }
0x1ae: {  	v32 =	vor.u32 v3, v23;
	v23 =	vor.u32 s26, v34;
	v25 =	vor.u32 s16, v34;
	v36 =	vld.idx.msk [tilespmem:v36+s22+$0x0], $0xffff;
	[tilespmem:s24+$0xFFFFFFE0] =	vst v30  }
0x1af: {  	v44 =	vor.u32 s5, v32;
	v30 =	vor.u32 s12, v32;
	[tilespmem:s30+$0xFFFFFFC0] =	vst v37;
	v37 =	vld.idx.msk [tilespmem:v5+s22+$0x0], $0xffff;
	v5 =	vmov v22  }
0x1b0: {  	v45 =	vor.u32 s14, v32;
	v46 =	vor.u32 s4, v32;
	v47 =	vld.idx.msk [tilespmem:v29+s22+$0x0], $0xffff;
	[tilespmem:s30+$0x40] =	vst v39  }
0x1b1: {  	v27 =	vor.u32 s15, v32;
	v29 =	vor.u32 s7, v32;
	s30 =	sadd.s32 $0x200, s30;
	v39 =	vld.idx.msk [tilespmem:v14+s22+$0x0], $0xffff;
	[tilespmem:s24+$0xF0] =	vst v33  }
0x1b2: {  	v28 =	vor.u32 s17, v32;
	v14 =	vor.u32 s10, v32;
	[tilespmem:s30+$0xFFFFFF00] =	vst v24;
	v33 =	vld.idx.msk [tilespmem:v6+s22+$0x0], $0xffff;
	v6 =	vmov v20  }
0x1b3: {  	v48 =	vor.u32 s11, v32;
	v49 =	vor.u32 s18, v32;
	[tilespmem:s30+$0xFFFFFF80] =	vst v31;
	v31 =	vld.idx.msk [tilespmem:v17+s22+$0x0], $0xffff;
	v17 =	vmov v41  }
0x1b4: {  	v50 =	vor.u32 s19, v32;
	v41 =	vld.idx.msk [tilespmem:v30+s22+$0x0], $0xffff;
	v30 =	vor.u32 s13, v32;
	[tilespmem:s30+$0x0] =	vst v36  }
0x1b5: {  	s4 =	sor.u32 $0x1, s12;
	v22 =	vor.u32 s26, v32;
	v24 =	vor.u32 s20, v32;
	v36 =	vld.idx.msk [tilespmem:v46+s22+$0x0], $0xffff;
	[tilespmem:s24+$0xFFFFFFF0] =	vst v37  }
0x1b6: {  	v34 =	vor.u32 s4, v34;
	v20 =	vor.u32 s16, v32;
	v32 =	vor.u32 s4, v32;
	[tilespmem:s30+$0x80] =	vst v47;
	v37 =	vld.idx.msk [tilespmem:v19+s22+$0x0], $0xffff;
	v19 =	vmovc v42  }
0x1b7: {  	v42 =	vld.idx.msk [tilespmem:v45+s22+$0x0], $0xffff;
	[tilespmem:s23+$0x50] =	vst v39  }
0x1b8: {  	v39 =	vld.idx.msk [tilespmem:v15+s22+$0x0], $0xffff;
	[tilespmem:s24+$0xFFFFFF70] =	vst v33;
	v15 =	vmov v43;
	s24 =	smov.u32 s23;
	s23 =	smov.u32 s30  }
0x1b9: {  	v43 =	vld.idx.msk [tilespmem:v44+s22+$0x0], $0xffff;
	[tilespmem:s24+$0xFFFFFF40] =	vst v31  }
0x1ba: {  	[tilespmem:s30+$0xFFFFFF90] =	vst v41;
	v41 =	vld.idx.msk [tilespmem:v13+s22+$0x0], $0xffff;
	v13 =	vmov v48  }
0x1bb: {  	v31 =	vld.idx.msk [tilespmem:v34+s22+$0x0], $0xffff;
	[tilespmem:s30+$0x10] =	vst v36  }
.Ltmp3:
0x1bc: {  	v33 =	vld.idx.msk [tilespmem:v38+s22+$0x0], $0xffff;
	[tilespmem:s24+$0xC0] =	vst v37;
	(pc) =	sbr.rel @p1 .LBB2_5-.Ltmp3, $4  }
0x1bd: {  	[tilespmem:s30+$0xFFFFFF10] =	vst v42;
	v34 =	vld.idx.msk [tilespmem:v16+s22+$0x0], $0xffff;
	v16 =	vmov v49  }
0x1be: {  	v36 =	vld.idx.msk [tilespmem:v35+s22+$0x0], $0xffff;
	[tilespmem:s24+$0x60] =	vst v39  }
0x1bf: {  	[tilespmem:s30+$0x90] =	vst v43;
	v35 =	vld.idx.msk [tilespmem:v12+s22+$0x0], $0xffff;
	v12 =	vmov v50  }
0x1c0: {  	v37 =	vld.idx.msk [tilespmem:v40+s22+$0x0], $0xffff;
	[tilespmem:s24+$0xFFFFFF50] =	vst v41  }
0x1c1: {  	_ =	sdelay $0x2  }
0x1c2: {  	[tilespmem:s30+$0x20] =	vst v33  }
0x1c3: {  	[tilespmem:s30+$0xFFFFFFA0] =	vst v31;
	v29 =	vld.idx.msk [tilespmem:v29+s22+$0x0], $0xffff  }
0x1c4: {  	v31 =	vld.idx.msk [tilespmem:v32+s22+$0x0], $0xffff;
	[tilespmem:s30+$0xFFFFFF20] =	vst v36  }
0x1c5: {  	v27 =	vld.idx.msk [tilespmem:v27+s22+$0x0], $0xffff;
	[tilespmem:s30+$0xA0] =	vst v37  }
0x1c6: {  	v28 =	vld.idx.msk [tilespmem:v28+s22+$0x0], $0xffff  }
0x1c7: {  	[tilespmem:s24+$0xD0] =	vst v34  }
0x1c8: {  	v9 =	vld.idx.msk [tilespmem:v9+s22+$0x0], $0xffff;
	[tilespmem:s30+$0x30] =	vst v29  }
0x1c9: {  	[tilespmem:s30+$0xFFFFFFB0] =	vst v31;
	v18 =	vld.idx.msk [tilespmem:v18+s22+$0x0], $0xffff  }
0x1ca: {  	v21 =	vld.idx.msk [tilespmem:v21+s22+$0x0], $0xffff;
	[tilespmem:s30+$0xFFFFFF30] =	vst v27  }
0x1cb: {  	v17 =	vld.idx.msk [tilespmem:v17+s22+$0x0], $0xffff;
	[tilespmem:s30+$0xB0] =	vst v28  }
0x1cc: {  	[tilespmem:s24+$0x70] =	vst v35;
	v19 =	vld.idx.msk [tilespmem:v19+s22+$0x0], $0xffff  }
0x1cd: {  	v54 =	vld.idx.msk [tilespmem:v10+s22+$0x0], $0xffff;
	[tilespmem:s24+$0xFFFFFFD0] =	vst v9  }
0x1ce: {  	v7 =	vld.idx.msk [tilespmem:v7+s22+$0x0], $0xffff;
	[tilespmem:s30+$0x40] =	vst v18  }
0x1cf: {  	[tilespmem:s30+$0xFFFFFFC0] =	vst v21;
	v55 =	vld.idx.msk [tilespmem:v14+s22+$0x0], $0xffff  }
0x1d0: {  	v57 =	vld.idx.msk [tilespmem:v30+s22+$0x0], $0xffff;
	[tilespmem:s23+$0xFFFFFF40] =	vst v17  }
0x1d1: {  	v58 =	vld.idx.msk [tilespmem:v13+s22+$0x0], $0xffff;
	[tilespmem:s23+$0xC0] =	vst v19  }
0x1d2: {  	[tilespmem:s24+$0xFFFFFF60] =	vst v54;
	v56 =	vld.idx.msk [tilespmem:v16+s22+$0x0], $0xffff  }
0x1d3: {  	v11 =	vld.idx.msk [tilespmem:v11+s22+$0x0], $0xffff;
	[tilespmem:s24+$0xFFFFFFE0] =	vst v7  }
0x1d4: {  	v5 =	vld.idx.msk [tilespmem:v5+s22+$0x0], $0xffff;
	[tilespmem:s23+$0x50] =	vst v55  }
0x1d5: {  	[tilespmem:s23+$0xFFFFFFD0] =	vst v57;
	v59 =	vld.idx.msk [tilespmem:v15+s22+$0x0], $0xffff  }
0x1d6: {  	v61 =	vld.idx.msk [tilespmem:v23+s22+$0x0], $0xffff;
	[tilespmem:s23+$0xFFFFFF50] =	vst v58  }
0x1d7: {  	v7 =	vld.idx.msk [tilespmem:v25+s22+$0x0], $0xffff;
	[tilespmem:s23+$0xD0] =	vst v56  }
0x1d8: {  	[tilespmem:s24+$0xE0] =	vst v11;
	v60 =	vld.idx.msk [tilespmem:v26+s22+$0x0], $0xffff  }
0x1d9: {  	v6 =	vld.idx.msk [tilespmem:v6+s22+$0x0], $0xffff;
	[tilespmem:s24+$0xFFFFFFF0] =	vst v5  }
0x1da: {  	v8 =	vld.idx.msk [tilespmem:v8+s22+$0x0], $0xffff;
	[tilespmem:s23+$0x60] =	vst v59  }
0x1db: {  	[tilespmem:s23+$0xFFFFFFE0] =	vst v61;
	v62 =	vld.idx.msk [tilespmem:v12+s22+$0x0], $0xffff  }
0x1dc: {  	[tilespmem:s23+$0xFFFFFF60] =	vst v7;
	v7 =	vld.idx.msk [tilespmem:v22+s22+$0x0], $0xffff  }
0x1dd: {  	v5 =	vld.idx.msk [tilespmem:v20+s22+$0x0], $0xffff;
	[tilespmem:s23+$0xE0] =	vst v60  }
0x1de: {  	s8 =	sadd.s32 $0x1, s8;
	[tilespmem:s24+$0xFFFFFF70] =	vst v6;
	v63 =	vld.idx.msk [tilespmem:v24+s22+$0x0], $0xffff  }
0x1df: {  	p1 =	sne.s32 s8, $0x1F;
	[tilespmem:s24+$0xF0] =	vst v8  }
.Ltmp4:
0x1e0: {  	[tilespmem:s23+$0x70] =	vst v62;
	(pc) =	sbr.rel @p1 .LBB2_2-.Ltmp4, $4  }
0x1e1: {  	s1 =	sshll.u32 s6, $0xB;
	[tilespmem:s23+$0xFFFFFFF0] =	vst v7  }
0x1e2: {  	s1 =	sand.u32 $0x1FFFF800, s1;
	[tilespmem:s23+$0xFFFFFF70] =	vst v5  }
0x1e3: {  	s0 =	simm.s32 $0xC000;
	s1 =	sadd.s32 s29, s1;
	[tilespmem:s23+$0xF0] =	vst v63  }
0x1e4: {  	[hbm4b:s1+s3] =	stream.linear.scatter [tilespmem:s0], [sflag:$0x4], $0x4000, $0x38;
	[tilespmem:$0x11000] =	vst v63  }
0x1e5: {  	_ =	swait.ge [sflag:s21], $0x400  }
0x1e6: {  	[sflag:s21] =	ssyncset.done $0x0  }
0x1e7: {  	[sflag:s21] =	ssyncadd.s32 $0xFFFFFC00  }
0x1e8: {  	_ =	swait.ge [sflag:s21], $0x400  }
0x1e9: {  	[sflag:s21] =	ssyncset.done $0x0  }
0x1ea: {  	[sflag:s21] =	ssyncadd.s32 $0xFFFFFC00  }
0x1eb: {  	_ =	swait.ge [sflag:s21], $0x400  }
0x1ec: {  	[sflag:s21] =	ssyncset.done $0x0  }
0x1ed: {  	[sflag:s21] =	ssyncadd.s32 $0xFFFFFC00  }
0x1ee: {  	_ =	swait.ge [sflag:s21], $0x400  }
0x1ef: {  	[sflag:s21] =	ssyncset.done $0x0  }
0x1f0: {  	[sflag:s21] =	ssyncadd.s32 $0xFFFFFC00  }
0x1f1: {  	_ =	swait.ge [sflag:s21], $0x400  }
0x1f2: {  	[sflag:s21] =	ssyncset.done $0x0  }
0x1f3: {  	[sflag:s21] =	ssyncadd.s32 $0xFFFFFC00  }
0x1f4: {  	_ =	swait.ge [sflag:s21], $0x400  }
0x1f5: {  	[sflag:s21] =	ssyncset.done $0x0  }
0x1f6: {  	[sflag:s21] =	ssyncadd.s32 $0xFFFFFC00  }
0x1f7: {  	_ =	swait.ge [sflag:s21], $0x400  }
0x1f8: {  	[sflag:s21] =	ssyncset.done $0x0  }
0x1f9: {  	[sflag:s21] =	ssyncadd.s32 $0xFFFFFC00  }
0x1fa: {  	_ =	swait.ge [sflag:s21], $0x400  }
0x1fb: {  	[sflag:s21] =	ssyncset.done $0x0  }
0x1fc: {  	[sflag:s21] =	ssyncadd.s32 $0xFFFFFC00  }
0x1fd: {  	_ =	swait.ge [sflag:s21], $0x400  }
0x1fe: {  	[sflag:s21] =	ssyncset.done $0x0  }
0x1ff: {  	[sflag:s21] =	ssyncadd.s32 $0xFFFFFC00  }
0x200: {  	_ =	swait.ge [sflag:s21], $0x400  }
0x201: {  	[sflag:s21] =	ssyncset.done $0x0  }
0x202: {  	[sflag:s21] =	ssyncadd.s32 $0xFFFFFC00  }
0x203: {  	_ =	swait.ge [sflag:s21], $0x400  }
0x204: {  	[sflag:s21] =	ssyncset.done $0x0  }
0x205: {  	[sflag:s21] =	ssyncadd.s32 $0xFFFFFC00  }
0x206: {  	_ =	swait.ge [sflag:s21], $0x400  }
0x207: {  	[sflag:s21] =	ssyncset.done $0x0  }
0x208: {  	[sflag:s21] =	ssyncadd.s32 $0xFFFFFC00  }
0x209: {  	_ =	swait.ge [sflag:s21], $0x400  }
0x20a: {  	[sflag:s21] =	ssyncset.done $0x0  }
0x20b: {  	[sflag:s21] =	ssyncadd.s32 $0xFFFFFC00  }
0x20c: {  	_ =	swait.ge [sflag:s21], $0x400  }
0x20d: {  	[sflag:s21] =	ssyncset.done $0x0  }
0x20e: {  	[sflag:s21] =	ssyncadd.s32 $0xFFFFFC00  }
0x20f: {  	_ =	swait.ge [sflag:s21], $0x400  }
0x210: {  	[sflag:s21] =	ssyncset.done $0x0  }
0x211: {  	[sflag:s21] =	ssyncadd.s32 $0xFFFFFC00  }
0x212: {  	_ =	swait.ge [sflag:s21], $0x400  }
0x213: {  	[sflag:s21] =	ssyncset.done $0x0  }
0x214: {  	s0 =	simm.s32 $0x3;
	[sflag:s21] =	ssyncadd.s32 $0xFFFFFC00  }
0x215: {  	_ =	swait.ge [sflag:s0], $0x4000  }
.Ltmp5:
0x216: {  	[sflag:s0] =	ssyncset.done $0x0;
	(pc) =	sbr.rel @p0 .LBB2_11-.Ltmp5, $4  }
0x217: {  	s31 =	simm.s32 $0x4;
	[sflag:s0] =	ssyncadd.s32 $0xFFFFC000  }
0x218: {  	_ =	swait.ge [sflag:s31], $0x4000  }
0x219: {  	[sflag:s31] =	ssyncset.done $0x0  }
0x21a: {  	s1 =	rddreg [dreg:$0x1f];
	[sflag:s31] =	ssyncadd.s32 $0xFFFFC000  }
0x21b: {  	s0 =	rddreg [dreg:$0x1d];
	s5 =	simm.s32 $0x5  }
0x21c: {  	s1 =	simm.s32 $0x10400;
	s24 =	simm.s32 $0x0;
	s4 =	simm.s32 $0x10800  }
0x21d: {  	[tilespmem:s28], [sflag:$0x5] =	stream.linear.gather [hbm4b:s0+s3], $0x400, $0x38;
	[tilespmem:$0x11000] =	vst v63  }
0x21e: {  	s6 =	simm.s32 $0x8;
	s7 =	simm.s32 $0x4;
	_ =	swait.ge [sflag:s5], $0x400  }
0x21f: {  	s8 =	simm.s32 $0xC;
	s9 =	simm.s32 $0x1;
	[sflag:s5] =	ssyncset.done $0x0  }
0x220: {  	s12 =	simm.s32 $0x5;
	s23 =	rddreg [dreg:$0x1b];
	[sflag:s5] =	ssyncadd.s32 $0xFFFFFC00  }
0x221: {  	[tilespmem:s1], [sflag:$0x5] =	stream.linear.gather [hbm4b:s23+s3], $0x400, $0x38;
	[tilespmem:$0x11000] =	vst v63  }
0x222: {  	s13 =	simm.s32 $0x9;
	s14 =	simm.s32 $0xD;
	v5 =	vmov s24;
	v6 =	vmov s6;
	_ =	swait.ge [sflag:s5], $0x400  }
0x223: {  	s16 =	simm.s32 $0x10;
	s17 =	simm.s32 $0x18;
	v7 =	vmov s7;
	v8 =	vmov s8;
	v12 =	vmov s9;
	[sflag:s5] =	ssyncset.done $0x0  }
0x224: {  	s18 =	simm.s32 $0x14;
	v14 =	vmov s12;
	v15 =	vmov s13;
	v16 =	vmov s14;
	s26 =	rddreg [dreg:$0x1c];
	[sflag:s5] =	ssyncadd.s32 $0xFFFFFC00  }
0x225: {  	v20 =	vmov s16;
	v21 =	vmov s17;
	v5 =	vand.u32 $0x70, v5;
	[tilespmem:s4], [sflag:$0x5] =	stream.linear.gather [hbm4b:s26+s3], $0x400, $0x38;
	[tilespmem:$0x11000] =	vst v63  }
0x226: {  	s19 =	simm.s32 $0x1C;
	v22 =	vmov s18;
	v7 =	vand.u32 $0x74, v7;
	v5 =	vbroadcast v5, $0x0;
	_ =	swait.ge [sflag:s5], $0x400  }
0x227: {  	v24 =	vmov s19;
	v6 =	vand.u32 $0x78, v6;
	v7 =	vbroadcast v7, $0x0;
	[sflag:s5] =	ssyncset.done $0x0  }
0x228: {  	s11 =	simm.s32 $0x10C00;
	v8 =	vand.u32 $0x7C, v8;
	v6 =	vbroadcast v6, $0x0;
	v9 =	vor.u32 v1, v5;
	s10 =	rddreg [dreg:$0x1e];
	[sflag:s5] =	ssyncadd.s32 $0xFFFFFC00  }
0x229: {  	v12 =	vand.u32 $0x71, v12;
	v8 =	vbroadcast v8, $0x0;
	v10 =	vor.u32 v1, v7;
	[tilespmem:s11], [sflag:$0x5] =	stream.linear.gather [hbm4b:s10+s3], $0x400, $0x38;
	[tilespmem:$0x11000] =	vst v63  }
0x22a: {  	v14 =	vand.u32 $0x75, v14;
	v15 =	vand.u32 $0x79, v15;
	v11 =	vor.u32 v1, v6;
	_ =	swait.ge [sflag:s5], $0x400  }
0x22b: {  	v16 =	vand.u32 $0x7D, v16;
	v20 =	vand.u32 $0x70, v20;
	v13 =	vor.u32 v1, v8;
	[sflag:s5] =	ssyncset.done $0x0  }
0x22c: {  	s13 =	simm.s32 $0x2C;
	v22 =	vand.u32 $0x74, v22;
	v12 =	vbroadcast v12, $0x0;
	v14 =	vbroadcast v14, $0x0;
	[sflag:s5] =	ssyncadd.s32 $0xFFFFFC00  }
0x22d: {  	v58 =	vmov s13;
	v15 =	vbroadcast v15, $0x0;
	v16 =	vbroadcast v16, $0x0;
	v9 =	vld.idx.msk [tilespmem:v9+s28+$0x0], $0xffff  }
0x22e: {  	v20 =	vbroadcast v20, $0x0;
	v5 =	vor.u32 v4, v5;
	v7 =	vor.u32 v4, v7;
	v10 =	vld.idx.msk [tilespmem:v10+s28+$0x0], $0xffff  }
0x22f: {  	v8 =	vor.u32 v4, v8;
	v6 =	vor.u32 v4, v6;
	v17 =	vor.u32 v1, v12;
	v11 =	vld.idx.msk [tilespmem:v11+s28+$0x0], $0xffff  }
0x230: {  	s15 =	simm.s32 $0xA;
	v18 =	vor.u32 v1, v14;
	v19 =	vor.u32 v1, v15;
	v23 =	vor.u32 v1, v16;
	v13 =	vld.idx.msk [tilespmem:v13+s28+$0x0], $0xffff  }
0x231: {  	s8 =	simm.s32 $0x8100;
	v15 =	vor.u32 v4, v15;
	v25 =	vor.u32 v4, v14;
	v14 =	vmov s15  }
0x232: {  	v14 =	vand.u32 $0x7A, v14;
	[tilespmem:s8+$0xFFFFFF00] =	vst v9;
	v9 =	vand.u32 $0x78, v21;
	v21 =	vbroadcast v22, $0x0  }
0x233: {  	s10 =	simm.s32 $0x28;
	s11 =	simm.s32 $0x24;
	v22 =	vand.u32 $0x7C, v24;
	v24 =	vbroadcast v14, $0x0;
	v14 =	vor.u32 v1, v20;
	[tilespmem:s8+$0xFFFFFF80] =	vst v10;
	v5 =	vld.idx.msk [tilespmem:v5+s28+$0x0], $0xffff  }
0x234: {  	s20 =	simm.s32 $0x11;
	v16 =	vor.u32 v4, v16;
	s23 =	simm.s32 $0x15;
	v54 =	vmov s10;
	v55 =	vmov s11;
	[tilespmem:s8+$0x0] =	vst v11;
	v7 =	vld.idx.msk [tilespmem:v7+s28+$0x0], $0xffff  }
0x235: {  	v30 =	vor.u32 v4, v20;
	v10 =	vmov s20;
	v20 =	vmov s23;
	[tilespmem:s8+$0x80] =	vst v13;
	v6 =	vld.idx.msk [tilespmem:v6+s28+$0x0], $0xffff  }
0x236: {  	s4 =	simm.s32 $0x6;
	v9 =	vbroadcast v9, $0x0;
	v22 =	vbroadcast v22, $0x0;
	v10 =	vand.u32 $0x71, v10;
	v34 =	vld.idx.msk [tilespmem:v8+s28+$0x0], $0xffff  }
0x237: {  	s24 =	simm.s32 $0x19;
	v8 =	vmov s4;
	v26 =	vor.u32 v1, v21;
	v29 =	vor.u32 v1, v24  }
0x238: {  	v31 =	vor.u32 v4, v21;
	v11 =	vbroadcast v10, $0x0;
	v21 =	vmov s24;
	v32 =	vld.idx.msk [tilespmem:v14+s28+$0x0], $0xffff;
	[tilespmem:s8+$0xFFFFFF10] =	vst v5  }
0x239: {  	s0 =	simm.s32 $0x2;
	v27 =	vor.u32 v1, v9;
	v28 =	vor.u32 v1, v22;
	v21 =	vand.u32 $0x79, v21;
	[tilespmem:s8+$0xFFFFFF90] =	vst v7;
	v17 =	vld.idx.msk [tilespmem:v17+s28+$0x0], $0xffff  }
0x23a: {  	s26 =	simm.s32 $0x1D;
	v10 =	vor.u32 v4, v22;
	v13 =	vbroadcast v21, $0x0;
	v21 =	vmov s0;
	[tilespmem:s8+$0x10] =	vst v6;
	v18 =	vld.idx.msk [tilespmem:v18+s28+$0x0], $0xffff  }
0x23b: {  	v5 =	vor.u32 v4, v12;
	v12 =	vand.u32 $0x75, v20;
	v7 =	vmov s26;
	[tilespmem:s8+$0x90] =	vst v34;
	v19 =	vld.idx.msk [tilespmem:v19+s28+$0x0], $0xffff  }
0x23c: {  	v20 =	vor.u32 v4, v9;
	v9 =	vor.u32 v1, v11;
	v7 =	vand.u32 $0x7D, v7;
	v23 =	vld.idx.msk [tilespmem:v23+s28+$0x0], $0xffff  }
0x23d: {  	s6 =	simm.s32 $0x8300;
	v11 =	vor.u32 v4, v11;
	v12 =	vbroadcast v12, $0x0;
	v26 =	vld.idx.msk [tilespmem:v26+s28+$0x0], $0xffff;
	v33 =	vbroadcast v7, $0x0  }
0x23e: {  	s23 =	simm.s32 $0x12;
	v14 =	vld.idx.msk [tilespmem:v27+s28+$0x0], $0xffff;
	v27 =	vor.u32 v4, v24;
	v7 =	vand.u32 $0x72, v21;
	v21 =	vor.u32 v1, v13;
	[tilespmem:s6+$0xFFFFFF00] =	vst v32  }
0x23f: {  	v63 =	vmov s23;
	v22 =	vor.u32 v1, v12;
	v6 =	vor.u32 v1, v33;
	v30 =	vld.idx.msk [tilespmem:v30+s28+$0x0], $0xffff;
	[tilespmem:s8+$0xFFFFFF20] =	vst v17  }
0x240: {  	s7 =	simm.s32 $0x1A;
	v17 =	vbroadcast v7, $0x0;
	v7 =	vand.u32 $0x76, v8;
	[tilespmem:s8+$0xFFFFFFA0] =	vst v18;
	v8 =	vor.u32 v4, v12;
	v35 =	vld.idx.msk [tilespmem:v5+s28+$0x0], $0xffff  }
0x241: {  	s9 =	simm.s32 $0x20;
	s5 =	simm.s32 $0xB;
	v18 =	vmov s7;
	[tilespmem:s8+$0x20] =	vst v19;
	v53 =	vbroadcast v7, $0x0;
	v7 =	vor.u32 v4, v13;
	v13 =	vld.idx.msk [tilespmem:v28+s28+$0x0], $0xffff  }
0x242: {  	[tilespmem:s8+$0xA0] =	vst v23;
	v5 =	vmov s5;
	v28 =	vmov s9;
	v15 =	vld.idx.msk [tilespmem:v15+s28+$0x0], $0xffff;
	v36 =	vor.u32 v1, v17  }
0x243: {  	[tilespmem:s6+$0xFFFFFF80] =	vst v26;
	v25 =	vld.idx.msk [tilespmem:v25+s28+$0x0], $0xffff;
	v18 =	vand.u32 $0x7A, v18;
	v5 =	vand.u32 $0x7B, v5;
	v28 =	vand.u32 $0x70, v28  }
0x244: {  	v16 =	vld.idx.msk [tilespmem:v16+s28+$0x0], $0xffff;
	[tilespmem:s6+$0x0] =	vst v14;
	v38 =	vbroadcast v18, $0x0;
	v17 =	vor.u32 v4, v17;
	v12 =	vor.u32 v1, v53  }
0x245: {  	v20 =	vld.idx.msk [tilespmem:v20+s28+$0x0], $0xffff;
	v24 =	vbroadcast v5, $0x0;
	v5 =	vor.u32 v4, v33;
	v19 =	vbroadcast v28, $0x0;
	[tilespmem:s6+$0xFFFFFF10] =	vst v30  }
0x246: {  	v28 =	vand.u32 $0x74, v55;
	v26 =	vor.u32 v4, v53;
	v30 =	vand.u32 $0x78, v54;
	v56 =	vld.idx.msk [tilespmem:v9+s28+$0x0], $0xffff;
	[tilespmem:s8+$0xFFFFFF30] =	vst v35  }
0x247: {  	s12 =	simm.s32 $0xE;
	v28 =	vbroadcast v28, $0x0;
	v37 =	vor.u32 v1, v24;
	v57 =	vor.u32 v1, v19;
	[tilespmem:s8+$0x30] =	vst v15;
	v18 =	vld.idx.msk [tilespmem:v36+s28+$0x0], $0xffff  }
0x248: {  	s14 =	simm.s32 $0x3;
	v30 =	vbroadcast v30, $0x0;
	v9 =	vmov s12;
	v41 =	vor.u32 v4, v19;
	[tilespmem:s6+$0x80] =	vst v13;
	v29 =	vld.idx.msk [tilespmem:v29+s28+$0x0], $0xffff  }
0x249: {  	v19 =	vmov s14;
	v24 =	vor.u32 v4, v24;
	[tilespmem:s8+$0xFFFFFFB0] =	vst v25;
	v9 =	vand.u32 $0x7E, v9;
	v47 =	vld.idx.msk [tilespmem:v10+s28+$0x0], $0xffff  }
0x24a: {  	v25 =	vand.u32 $0x7C, v58;
	v39 =	vor.u32 v1, v28;
	v23 =	vbroadcast v9, $0x0;
	v60 =	vld.idx.msk [tilespmem:v12+s28+$0x0], $0xffff  }
0x24b: {  	s17 =	simm.s32 $0x29;
	v19 =	vand.u32 $0x73, v19;
	v59 =	vor.u32 v1, v30;
	[tilespmem:s6+$0x10] =	vst v20;
	v12 =	vor.u32 v4, v28;
	v28 =	vld.idx.msk [tilespmem:v31+s28+$0x0], $0xffff  }
0x24c: {  	s16 =	simm.s32 $0x25;
	[tilespmem:s8+$0xB0] =	vst v16;
	v16 =	vmov s17;
	v25 =	vbroadcast v25, $0x0;
	v36 =	vld.idx.msk [tilespmem:v21+s28+$0x0], $0xffff;
	v61 =	vor.u32 v1, v23  }
0x24d: {  	v9 =	vor.u32 v1, v38;
	v31 =	vor.u32 v4, v23;
	v23 =	vmov s16;
	v34 =	vld.idx.msk [tilespmem:v57+s28+$0x0], $0xffff;
	[tilespmem:s6+$0xFFFFFF20] =	vst v56  }
0x24e: {  	s24 =	simm.s32 $0x16;
	v42 =	vbroadcast v19, $0x0;
	v16 =	vand.u32 $0x79, v16;
	v19 =	vand.u32 $0x75, v23;
	v23 =	vld.idx.msk [tilespmem:v11+s28+$0x0], $0xffff  }
0x24f: {  	v10 =	vmov s24;
	v44 =	vbroadcast v16, $0x0;
	v40 =	vor.u32 v1, v25;
	v39 =	vld.idx.msk [tilespmem:v39+s28+$0x0], $0xffff  }
0x250: {  	s15 =	simm.s32 $0x21;
	v10 =	vand.u32 $0x76, v10;
	v13 =	vor.u32 v4, v25;
	v43 =	vor.u32 v1, v42;
	[tilespmem:s8+$0xFFFFFF40] =	vst v18;
	v15 =	vld.idx.msk [tilespmem:v59+s28+$0x0], $0xffff  }
0x251: {  	v16 =	vor.u32 v1, v44;
	v20 =	vor.u32 v4, v44;
	v18 =	vmov s15;
	[tilespmem:s8+$0x40] =	vst v29;
	v32 =	vld.idx.msk [tilespmem:v61+s28+$0x0], $0xffff  }
0x252: {  	s18 =	simm.s32 $0xF;
	s19 =	simm.s32 $0x2D;
	v11 =	vor.u32 v4, v38;
	v29 =	vbroadcast v19, $0x0;
	[tilespmem:s6+$0x90] =	vst v47;
	v18 =	vand.u32 $0x71, v18;
	v62 =	vld.idx.msk [tilespmem:v17+s28+$0x0], $0xffff  }
0x253: {  	s20 =	simm.s32 $0x7;
	v17 =	vor.u32 v4, v30;
	v27 =	vld.idx.msk [tilespmem:v27+s28+$0x0], $0xffff;
	[tilespmem:s6+$0xFFFFFF90] =	vst v28;
	v28 =	vmov s18;
	v30 =	vmov s19  }
0x254: {  	s31 =	simm.s32 $0x8500;
	[tilespmem:s8+$0xFFFFFFC0] =	vst v60;
	v18 =	vbroadcast v18, $0x0;
	v14 =	vor.u32 v1, v29;
	v45 =	vld.idx.msk [tilespmem:v22+s28+$0x0], $0xffff;
	v22 =	vmov s20  }
0x255: {  	v28 =	vand.u32 $0x7F, v28;
	v30 =	vand.u32 $0x7D, v30;
	v46 =	vld.idx.msk [tilespmem:v26+s28+$0x0], $0xffff;
	[tilespmem:s31+$0xFFFFFF00] =	vst v34;
	v26 =	vand.u32 $0x77, v22  }
0x256: {  	v25 =	vld.idx.msk [tilespmem:v40+s28+$0x0], $0xffff;
	v22 =	vbroadcast v30, $0x0;
	v30 =	vand.u32 $0x72, v63;
	v35 =	vbroadcast v28, $0x0;
	[tilespmem:s8+$0xC0] =	vst v32  }
0x257: {  	s26 =	simm.s32 $0x1B;
	v19 =	vor.u32 v1, v18;
	v48 =	vbroadcast v26, $0x0;
	[tilespmem:s6+$0xFFFFFF30] =	vst v23;
	v23 =	vbroadcast v30, $0x0;
	v38 =	vld.idx.msk [tilespmem:v31+s28+$0x0], $0xffff  }
0x258: {  	v34 =	vld.idx.msk [tilespmem:v41+s28+$0x0], $0xffff;
	v26 =	vbroadcast v10, $0x0;
	v10 =	vmov s26;
	v28 =	vor.u32 v1, v22;
	[tilespmem:s8+$0xFFFFFF50] =	vst v62  }
0x259: {  	v40 =	vor.u32 v1, v35;
	v33 =	vor.u32 v1, v48;
	[tilespmem:s8+$0x50] =	vst v27;
	v30 =	vor.u32 v1, v23  }
0x25a: {  	s30 =	simm.s32 $0x2F;
	s1 =	simm.s32 $0x1F;
	s23 =	simm.s32 $0x8;
	v10 =	vand.u32 $0x7B, v10;
	v27 =	vor.u32 v4, v29;
	v29 =	vor.u32 v1, v26;
	v37 =	vld.idx.msk [tilespmem:v37+s28+$0x0], $0xffff;
	[tilespmem:s6+$0xFFFFFFA0] =	vst v45  }
0x25b: {  	s9 =	simm.s32 $0x2A;
	s24 =	simm.s32 $0x8500;
	s26 =	simm.s32 $0x3F;
	v10 =	vbroadcast v10, $0x0;
	v32 =	vor.u32 v4, v42;
	v41 =	vld.idx.msk [tilespmem:v43+s28+$0x0], $0xffff;
	[tilespmem:s8+$0xFFFFFFD0] =	vst v46;
	v31 =	vor.u32 v4, v48  }
.LBB2_9:
0x25c: {  	s4 =	sadd.s32 $0xFFFFFFF1, s26;
	s5 =	sadd.s32 $0xFFFFFFF9, s26;
	s23 =	sadd.s32 $0x4, s23;
	v42 =	vmov s9;
	v22 =	vor.u32 v4, v22;
	v43 =	vld.idx.msk [tilespmem:v6+s28+$0x0], $0xffff;
	[tilespmem:s8+$0xD0] =	vst v38;
	v35 =	vor.u32 v4, v35;
	v6 =	vmovc v28  }
0x25d: {  	v28 =	vmov s4;
	s4 =	sadd.s32 $0xFFFFFFF5, s26;
	v38 =	vmov s5;
	p1 =	slt.u32 s23, $0xC;
	[tilespmem:s31+$0x80] =	vst v25;
	v25 =	vld.idx.msk [tilespmem:v8+s28+$0x0], $0xffff;
	v21 =	vor.u32 v1, v10;
	v8 =	vmovc v27  }
0x25e: {  	v27 =	vand.u32 $0x70, v28;
	v28 =	vmov s4;
	[tilespmem:s31+$0xFFFFFF10] =	vst v34;
	v34 =	vand.u32 $0x7A, v42;
	v40 =	vld.idx.msk [tilespmem:v40+s28+$0x0], $0xffff  }
0x25f: {  	v38 =	vand.u32 $0x78, v38;
	s4 =	sadd.s32 $0xFFFFFFFD, s26;
	v27 =	vbroadcast v27, $0x0;
	v28 =	vand.u32 $0x74, v28;
	v19 =	vld.idx.msk [tilespmem:v19+s28+$0x0], $0xffff;
	[tilespmem:s8+$0x60] =	vst v37  }
0x260: {  	v37 =	vmov s4;
	v34 =	vbroadcast v34, $0x0;
	v28 =	vbroadcast v28, $0x0;
	[tilespmem:s8+$0xFFFFFF60] =	vst v41;
	v41 =	vld.idx.msk [tilespmem:v24+s28+$0x0], $0xffff  }
0x261: {  	v38 =	vbroadcast v38, $0x0;
	v37 =	vand.u32 $0x7C, v37;
	v42 =	vor.u32 v1, v27;
	[tilespmem:s6+$0x20] =	vst v36;
	v33 =	vld.idx.msk [tilespmem:v33+s28+$0x0], $0xffff  }
0x262: {  	v26 =	vor.u32 v4, v26;
	v36 =	vbroadcast v37, $0x0;
	v24 =	vor.u32 v1, v28;
	[tilespmem:s31+$0xFFFFFF80] =	vst v39;
	v37 =	vld.idx.msk [tilespmem:v7+s28+$0x0], $0xffff  }
0x263: {  	v23 =	vor.u32 v4, v23;
	s4 =	sadd.s32 $0xFFFFFFFF, s1;
	v39 =	vor.u32 v1, v38;
	v7 =	vmov v20;
	v30 =	vld.idx.msk [tilespmem:v30+s28+$0x0], $0xffff;
	[tilespmem:s6+$0xFFFFFFB0] =	vst v25  }
0x264: {  	v20 =	vor.u32 v1, v36;
	v25 =	vmov s4;
	v32 =	vld.idx.msk [tilespmem:v32+s28+$0x0], $0xffff;
	[tilespmem:s8+$0xE0] =	vst v40  }
0x265: {  	[tilespmem:s31+$0xFFFFFF20] =	vst v19;
	v19 =	vand.u32 $0x7E, v25;
	v25 =	vld.idx.msk [tilespmem:v35+s28+$0x0], $0xffff  }
0x266: {  	v29 =	vld.idx.msk [tilespmem:v29+s28+$0x0], $0xffff;
	[tilespmem:s6+$0xA0] =	vst v43;
	v19 =	vbroadcast v19, $0x0  }
0x267: {  	v35 =	vor.u32 v1, v34;
	v40 =	vld.idx.msk [tilespmem:v5+s28+$0x0], $0xffff;
	[tilespmem:s8+$0xFFFFFFE0] =	vst v33;
	v5 =	vmov v22  }
0x268: {  	v27 =	vor.u32 v4, v27;
	[tilespmem:s6+$0x30] =	vst v37;
	v22 =	vor.u32 v1, v19;
	v31 =	vld.idx.msk [tilespmem:v31+s28+$0x0], $0xffff  }
0x269: {  	v28 =	vor.u32 v4, v28;
	s4 =	sadd.s32 $0xFFFFFFF4, s1;
	v33 =	vor.u32 v4, v18;
	[tilespmem:s6+$0xFFFFFF40] =	vst v30;
	v30 =	vld.idx.msk [tilespmem:v9+s28+$0x0], $0xffff;
	v9 =	vmov v35  }
0x26a: {  	s5 =	sadd.s32 $0xFFFFFFF2, s26;
	v18 =	vmov s4;
	v37 =	vor.u32 v4, v19;
	v35 =	vld.idx.msk [tilespmem:v42+s28+$0x0], $0xffff;
	[tilespmem:s8+$0x70] =	vst v41  }
0x26b: {  	v36 =	vor.u32 v4, v36;
	s31 =	sadd.s32 $0x200, s31;
	s4 =	sadd.s32 $0xFFFFFFF6, s26;
	v19 =	vmov s5;
	v18 =	vand.u32 $0x73, v18;
	v41 =	vld.idx.msk [tilespmem:v12+s28+$0x0], $0xffff;
	[tilespmem:s8+$0xFFFFFF70] =	vst v32;
	v12 =	vmovc v28  }
0x26c: {  	v19 =	vand.u32 $0x71, v19;
	v28 =	vmov s4;
	v32 =	vld.idx.msk [tilespmem:v39+s28+$0x0], $0xffff;
	v39 =	vbroadcast v18, $0x0;
	[tilespmem:s8+$0xF0] =	vst v25  }
0x26d: {  	s4 =	sadd.s32 $0xFFFFFFFA, s26;
	v18 =	vbroadcast v19, $0x0;
	v19 =	vand.u32 $0x75, v28;
	v28 =	vor.u32 v4, v38;
	v23 =	vld.idx.msk [tilespmem:v23+s28+$0x0], $0xffff;
	[tilespmem:s6+$0xB0] =	vst v40  }
0x26e: {  	v25 =	vmov s4;
	v42 =	vbroadcast v19, $0x0;
	v43 =	vor.u32 v1, v39;
	v38 =	vld.idx.msk [tilespmem:v22+s28+$0x0], $0xffff;
	[tilespmem:s8+$0xFFFFFFF0] =	vst v31;
	s8 =	smov.u32 s6;
	s6 =	smov.u32 s24;
	s24 =	smov.u32 s31  }
0x26f: {  	v19 =	vor.u32 v1, v18;
	v22 =	vand.u32 $0x79, v25;
	v25 =	vor.u32 v4, v34;
	v31 =	vld.idx.msk [tilespmem:v33+s28+$0x0], $0xffff;
	[tilespmem:s8+$0x40] =	vst v30  }
0x270: {  	v30 =	vor.u32 v1, v42;
	v44 =	vbroadcast v22, $0x0;
	[tilespmem:s31+$0xFFFFFF00] =	vst v35;
	v40 =	vld.idx.msk [tilespmem:v11+s28+$0x0], $0xffff;
	v11 =	vmov v25  }
0x271: {  	v25 =	vld.idx.msk [tilespmem:v20+s28+$0x0], $0xffff;
	[tilespmem:s6+$0x0] =	vst v15  }
0x272: {  	s5 =	sadd.s32 $0xFFFFFFF8, s1;
	s4 =	sadd.s32 $0xFFFFFFFE, s26;
	v22 =	vmov s1;
	s1 =	smov.u32 s30;
	v45 =	vor.u32 v1, v44;
	v15 =	vmovc v32;
	[tilespmem:s6+$0xFFFFFF90] =	vst v41;
	v20 =	vld.idx.msk [tilespmem:v17+s28+$0x0], $0xffff;
	v17 =	vmov v28  }
0x273: {  	s30 =	smov.u32 s26;
	v33 =	vand.u32 $0x7F, v22;
	v28 =	vmov s4;
	s4 =	sadd.s32 $0xFFFFFFF3, s1;
	v32 =	vld.idx.msk [tilespmem:v14+s28+$0x0], $0xffff;
	[tilespmem:s8+$0xFFFFFFC0] =	vst v29;
	v29 =	vmov s5;
	v14 =	vmovc v30  }
0x274: {  	v22 =	vand.u32 $0x7D, v28;
	v28 =	vmov s4;
	[tilespmem:s8+$0xFFFFFF50] =	vst v23;
	v46 =	vld.idx.msk [tilespmem:v26+s28+$0x0], $0xffff;
	v23 =	vand.u32 $0x77, v29  }
0x275: {  	s4 =	sadd.s32 $0xFFFFFFF7, s1;
	v22 =	vbroadcast v22, $0x0;
	v26 =	vand.u32 $0x72, v28;
	v47 =	vld.idx.msk [tilespmem:v13+s28+$0x0], $0xffff;
	v48 =	vbroadcast v23, $0x0;
	[tilespmem:s8+$0xC0] =	vst v38;
	v13 =	vmovc v36  }
0x276: {  	v35 =	vbroadcast v33, $0x0;
	v23 =	vbroadcast v26, $0x0;
	v26 =	vmov s4;
	[tilespmem:s6+$0xFFFFFF30] =	vst v31;
	v38 =	vld.idx.msk [tilespmem:v37+s28+$0x0], $0xffff  }
.Ltmp6:
0x277: {  	v28 =	vor.u32 v1, v22;
	v26 =	vand.u32 $0x76, v26;
	v34 =	vld.idx.msk [tilespmem:v27+s28+$0x0], $0xffff;
	v33 =	vor.u32 v1, v48;
	[tilespmem:s8+$0x50] =	vst v40;
	(pc) =	sbr.rel @p1 .LBB2_9-.Ltmp6, $4  }
0x278: {  	s4 =	sadd.s32 $0xFFFFFFFC, s1;
	v30 =	vor.u32 v1, v23;
	v26 =	vbroadcast v26, $0x0;
	v40 =	vor.u32 v1, v35;
	[tilespmem:s6+$0x10] =	vst v20;
	v37 =	vld.idx.msk [tilespmem:v21+s28+$0x0], $0xffff  }
0x279: {  	v20 =	vor.u32 v4, v44;
	v21 =	vmov s4;
	[tilespmem:s6+$0xFFFFFFA0] =	vst v32;
	v36 =	vld.idx.msk [tilespmem:v16+s28+$0x0], $0xffff;
	v32 =	vor.u32 v4, v39;
	v16 =	vmovc v45  }
0x27a: {  	v27 =	vor.u32 v4, v42;
	v29 =	vor.u32 v1, v26;
	v21 =	vand.u32 $0x7B, v21;
	v41 =	vld.idx.msk [tilespmem:v43+s28+$0x0], $0xffff;
	[tilespmem:s8+$0xFFFFFFD0] =	vst v46  }
0x27b: {  	s26 =	sadd.s32 $0x10, s26;
	s9 =	sadd.s32 $0xFFFFFFFB, s30;
	v31 =	vor.u32 v4, v48;
	v39 =	vld.idx.msk [tilespmem:v24+s28+$0x0], $0xffff;
	[tilespmem:s6+$0x90] =	vst v47;
	v24 =	vor.u32 v4, v10;
	v10 =	vbroadcast v21, $0x0  }
0x27c: {  	_ = 	snop  }
0x27d: {  	[tilespmem:s8+$0xD0] =	vst v38  }
0x27e: {  	[tilespmem:s31+$0x80] =	vst v25  }
0x27f: {  	[tilespmem:s31+$0xFFFFFF10] =	vst v34  }
0x280: {  	v8 =	vld.idx.msk [tilespmem:v8+s28+$0x0], $0xffff;
	[tilespmem:s24+$0x0] =	vst v15  }
0x281: {  	v6 =	vld.idx.msk [tilespmem:v6+s28+$0x0], $0xffff;
	[tilespmem:s8+$0x60] =	vst v37  }
0x282: {  	v50 =	vld.idx.msk [tilespmem:v33+s28+$0x0], $0xffff;
	[tilespmem:s6+$0x20] =	vst v36  }
0x283: {  	v52 =	vld.idx.msk [tilespmem:v30+s28+$0x0], $0xffff;
	[tilespmem:s8+$0xFFFFFF60] =	vst v41  }
0x284: {  	v21 =	vld.idx.msk [tilespmem:v40+s28+$0x0], $0xffff;
	[tilespmem:s31+$0xFFFFFF80] =	vst v39  }
0x285: {  	v19 =	vld.idx.msk [tilespmem:v19+s28+$0x0], $0xffff;
	[tilespmem:s6+$0xFFFFFFB0] =	vst v8  }
0x286: {  	v53 =	vld.idx.msk [tilespmem:v24+s28+$0x0], $0xffff;
	[tilespmem:s6+$0xA0] =	vst v6  }
0x287: {  	v7 =	vld.idx.msk [tilespmem:v7+s28+$0x0], $0xffff;
	[tilespmem:s8+$0xFFFFFFE0] =	vst v50  }
0x288: {  	v57 =	vor.u32 v4, v23;
	v6 =	vld.idx.msk [tilespmem:v32+s28+$0x0], $0xffff;
	[tilespmem:s6+$0xFFFFFF40] =	vst v52  }
0x289: {  	v12 =	vld.idx.msk [tilespmem:v12+s28+$0x0], $0xffff;
	[tilespmem:s8+$0xE0] =	vst v21  }
0x28a: {  	v51 =	vor.u32 v4, v35;
	[tilespmem:s31+$0xFFFFFF20] =	vst v19;
	v5 =	vld.idx.msk [tilespmem:v5+s28+$0x0], $0xffff  }
0x28b: {  	s4 =	sadd.s32 $0xFFFFFFFF, s1;
	v56 =	vld.idx.msk [tilespmem:v31+s28+$0x0], $0xffff;
	[tilespmem:s8+$0x70] =	vst v53  }
0x28c: {  	v54 =	vmov s4;
	v60 =	vld.idx.msk [tilespmem:v29+s28+$0x0], $0xffff;
	[tilespmem:s6+$0x30] =	vst v7  }
0x28d: {  	v59 =	vor.u32 v4, v18;
	v61 =	vld.idx.msk [tilespmem:v57+s28+$0x0], $0xffff;
	v7 =	vand.u32 $0x7E, v54;
	[tilespmem:s8+$0xFFFFFF70] =	vst v6  }
0x28e: {  	s17 =	sadd.s32 $0xFFFFFFF3, s30;
	v7 =	vbroadcast v7, $0x0;
	v6 =	vld.idx.msk [tilespmem:v17+s28+$0x0], $0xffff;
	[tilespmem:s24+$0xFFFFFF90] =	vst v12  }
0x28f: {  	v32 =	vmov s17;
	v55 =	vld.idx.msk [tilespmem:v51+s28+$0x0], $0xffff;
	[tilespmem:s6+$0xB0] =	vst v5  }
0x290: {  	v21 =	vand.u32 $0x72, v32;
	v58 =	vor.u32 v1, v7;
	v5 =	vld.idx.msk [tilespmem:v13+s28+$0x0], $0xffff;
	[tilespmem:s8+$0xFFFFFFF0] =	vst v56  }
0x291: {  	v35 =	vbroadcast v21, $0x0;
	v9 =	vld.idx.msk [tilespmem:v9+s28+$0x0], $0xffff;
	[tilespmem:s6+$0xFFFFFFC0] =	vst v60  }
0x292: {  	v17 =	vld.idx.msk [tilespmem:v59+s28+$0x0], $0xffff;
	[tilespmem:s6+$0xFFFFFF50] =	vst v61  }
0x293: {  	s16 =	sadd.s32 $0xFFFFFFF4, s1;
	v38 =	vor.u32 v1, v35;
	v14 =	vld.idx.msk [tilespmem:v14+s28+$0x0], $0xffff;
	[tilespmem:s24+$0x10] =	vst v6  }
0x294: {  	v63 =	vor.u32 v4, v26;
	s5 =	sadd.s32 $0xFFFFFFF7, s30;
	v23 =	vmov s16;
	[tilespmem:s8+$0xF0] =	vst v55;
	v6 =	vmov s9;
	v24 =	vld.idx.msk [tilespmem:v16+s28+$0x0], $0xffff  }
0x295: {  	v25 =	vand.u32 $0x73, v23;
	v36 =	vmov s5;
	v62 =	vld.idx.msk [tilespmem:v58+s28+$0x0], $0xffff;
	v6 =	vand.u32 $0x7A, v6;
	[tilespmem:s24+$0x90] =	vst v5  }
0x296: {  	[tilespmem:s6+$0x40] =	vst v9;
	v5 =	vbroadcast v6, $0x0;
	v6 =	vor.u32 v4, v7;
	v7 =	vbroadcast v25, $0x0;
	v26 =	vld.idx.msk [tilespmem:v28+s28+$0x0], $0xffff  }
0x297: {  	v21 =	vand.u32 $0x76, v36;
	v11 =	vld.idx.msk [tilespmem:v11+s28+$0x0], $0xffff;
	[tilespmem:s24+$0xFFFFFF30] =	vst v17;
	v28 =	vor.u32 v4, v22  }
0x298: {  	s18 =	sadd.s32 $0xFFFFFFFF, s30;
	v21 =	vbroadcast v21, $0x0;
	[tilespmem:s24+$0xFFFFFFA0] =	vst v14;
	v46 =	vld.idx.msk [tilespmem:v38+s28+$0x0], $0xffff;
	v31 =	vor.u32 v1, v7  }
0x299: {  	v34 =	vmov s18;
	v41 =	vld.idx.msk [tilespmem:v27+s28+$0x0], $0xffff;
	[tilespmem:s24+$0x20] =	vst v24  }
0x29a: {  	s19 =	sadd.s32 $0xFFFFFFF8, s1;
	v12 =	vand.u32 $0x7E, v34;
	v43 =	vor.u32 v1, v21;
	[tilespmem:s6+$0xC0] =	vst v62;
	v20 =	vld.idx.msk [tilespmem:v20+s28+$0x0], $0xffff  }
0x29b: {  	v37 =	vmov s19;
	v12 =	vbroadcast v12, $0x0;
	v30 =	vor.u32 v1, v5;
	v6 =	vld.idx.msk [tilespmem:v6+s28+$0x0], $0xffff;
	[tilespmem:s24+$0xA0] =	vst v26  }
0x29c: {  	v40 =	vand.u32 $0x77, v37;
	v29 =	vor.u32 v1, v10;
	[tilespmem:s6+$0x50] =	vst v11;
	v39 =	vld.idx.msk [tilespmem:v28+s28+$0x0], $0xffff  }
0x29d: {  	v42 =	vor.u32 v1, v12;
	v16 =	vbroadcast v40, $0x0;
	[tilespmem:s24+$0xFFFFFF40] =	vst v46;
	v19 =	vld.idx.msk [tilespmem:v31+s28+$0x0], $0xffff  }
0x29e: {  	v48 =	vor.u32 v4, v35;
	v15 =	vld.idx.msk [tilespmem:v63+s28+$0x0], $0xffff;
	[tilespmem:s24+$0xFFFFFFB0] =	vst v41  }
0x29f: {  	s20 =	sadd.s32 $0xFFFFFFFC, s30;
	v45 =	vor.u32 v1, v16;
	v50 =	vld.idx.msk [tilespmem:v43+s28+$0x0], $0xffff;
	[tilespmem:s24+$0x30] =	vst v20  }
0x2a0: {  	v33 =	vmov s1;
	s23 =	sadd.s32 $0xFFFFFFF4, s30;
	v47 =	vmov s20;
	v51 =	vor.u32 v4, v21;
	[tilespmem:s6+$0xD0] =	vst v6;
	v6 =	vld.idx.msk [tilespmem:v30+s28+$0x0], $0xffff  }
0x2a1: {  	v52 =	vmov s23;
	v9 =	vand.u32 $0x7F, v33;
	v7 =	vor.u32 v4, v7;
	v18 =	vld.idx.msk [tilespmem:v29+s28+$0x0], $0xffff;
	[tilespmem:s24+$0xB0] =	vst v39  }
0x2a2: {  	s26 =	sadd.s32 $0xFFFFFFF8, s30;
	v9 =	vbroadcast v9, $0x0;
	v5 =	vor.u32 v4, v5;
	v49 =	vld.idx.msk [tilespmem:v42+s28+$0x0], $0xffff;
	[tilespmem:s6+$0xFFFFFF60] =	vst v19;
	v19 =	vand.u32 $0x73, v52  }
0x2a3: {  	v55 =	vmov s26;
	v12 =	vor.u32 v4, v12;
	[tilespmem:s6+$0xFFFFFFD0] =	vst v15;
	v14 =	vld.idx.msk [tilespmem:v48+s28+$0x0], $0xffff;
	v54 =	vbroadcast v19, $0x0  }
0x2a4: {  	v13 =	vand.u32 $0x7B, v47;
	v44 =	vor.u32 v1, v9;
	v20 =	vld.idx.msk [tilespmem:v45+s28+$0x0], $0xffff;
	[tilespmem:s24+$0xFFFFFFC0] =	vst v50;
	v19 =	vand.u32 $0x77, v55  }
0x2a5: {  	v59 =	vld.idx.msk [tilespmem:v51+s28+$0x0], $0xffff;
	v58 =	vbroadcast v19, $0x0;
	v57 =	vor.u32 v1, v54;
	[tilespmem:s24+$0x40] =	vst v6;
	v6 =	vmov s30  }
0x2a6: {  	v53 =	vor.u32 v4, v10;
	v13 =	vbroadcast v13, $0x0;
	[tilespmem:s6+$0x60] =	vst v18;
	v7 =	vld.idx.msk [tilespmem:v7+s28+$0x0], $0xffff;
	v6 =	vand.u32 $0x7F, v6  }
0x2a7: {  	v19 =	vor.u32 v1, v58;
	v5 =	vld.idx.msk [tilespmem:v5+s28+$0x0], $0xffff;
	[tilespmem:s24+$0xC0] =	vst v49;
	v6 =	vbroadcast v6, $0x0  }
0x2a8: {  	v56 =	vor.u32 v1, v13;
	[tilespmem:s24+$0xFFFFFF50] =	vst v14;
	v12 =	vld.idx.msk [tilespmem:v12+s28+$0x0], $0xffff  }
0x2a9: {  	v15 =	vld.idx.msk [tilespmem:v44+s28+$0x0], $0xffff;
	[tilespmem:s6+$0xFFFFFFE0] =	vst v20;
	v60 =	vor.u32 v1, v6  }
0x2aa: {  	v9 =	vor.u32 v4, v9;
	[tilespmem:s24+$0xFFFFFFD0] =	vst v59;
	v11 =	vld.idx.msk [tilespmem:v57+s28+$0x0], $0xffff  }
0x2ab: {  	v10 =	vld.idx.msk [tilespmem:v53+s28+$0x0], $0xffff;
	v8 =	vor.u32 v4, v54;
	[tilespmem:s6+$0xFFFFFF70] =	vst v7  }
0x2ac: {  	v62 =	vld.idx.msk [tilespmem:v19+s28+$0x0], $0xffff;
	[tilespmem:s24+$0x50] =	vst v5;
	v5 =	vor.u32 v4, v16  }
0x2ad: {  	v7 =	vor.u32 v4, v58;
	v61 =	vld.idx.msk [tilespmem:v56+s28+$0x0], $0xffff;
	[tilespmem:s24+$0xD0] =	vst v12  }
0x2ae: {  	v13 =	vor.u32 v4, v13;
	[tilespmem:s6+$0xE0] =	vst v15;
	v12 =	vld.idx.msk [tilespmem:v60+s28+$0x0], $0xffff  }
0x2af: {  	v9 =	vld.idx.msk [tilespmem:v9+s28+$0x0], $0xffff;
	v6 =	vor.u32 v4, v6;
	[tilespmem:s24+$0xFFFFFF60] =	vst v11  }
0x2b0: {  	[tilespmem:s6+$0x70] =	vst v10;
	v8 =	vld.idx.msk [tilespmem:v8+s28+$0x0], $0xffff  }
0x2b1: {  	[tilespmem:s24+$0xFFFFFFE0] =	vst v62;
	v5 =	vld.idx.msk [tilespmem:v5+s28+$0x0], $0xffff  }
0x2b2: {  	v7 =	vld.idx.msk [tilespmem:v7+s28+$0x0], $0xffff;
	[tilespmem:s24+$0x60] =	vst v61  }
0x2b3: {  	v63 =	vld.idx.msk [tilespmem:v13+s28+$0x0], $0xffff;
	[tilespmem:s24+$0xE0] =	vst v12  }
0x2b4: {  	[tilespmem:s6+$0xF0] =	vst v9;
	v6 =	vld.idx.msk [tilespmem:v6+s28+$0x0], $0xffff  }
0x2b5: {  	[tilespmem:s24+$0xFFFFFF70] =	vst v8  }
0x2b6: {  	[tilespmem:s6+$0xFFFFFFF0] =	vst v5  }
0x2b7: {  	[tilespmem:s24+$0xFFFFFFF0] =	vst v7  }
0x2b8: {  	[tilespmem:s24+$0x70] =	vst v63  }
0x2b9: {  	s31 =	simm.s32 $0x5;
	[tilespmem:s24+$0xF0] =	vst v6  }
.Ltmp7:
0x2ba: {  	s30 =	simm.s32 $0x8000;
	s0 =	rddreg [dreg:$0x16];
	(pc) =	sbr.rel .LBB2_11-.Ltmp7, $4  }
0x2bb: {  	[hbm4b:s0+s3] =	stream.linear.scatter [tilespmem:s30], [sflag:$0x5], $0x800, $0x38;
	[tilespmem:$0x11000] =	vst v63  }
0x2bc: {  	_ =	swait.ge [sflag:s31], $0x800  }
0x2bd: {  	[sflag:s31] =	ssyncset.done $0x0  }
0x2be: {  	s1 =	rddreg [dreg:$0x1f];
	[sflag:s31] =	ssyncadd.s32 $0xFFFFF800  }
.LBB2_12:
0x2bf: {  	_ =	sfence.sel $0x180000  }
0x2c0: {  	[bflag:$0x0] =	sbarrier.arrive $0xFFFF  }
0x2c1: {  	_ =	strace $0x90000047  }
0x2c2: {  	s0 =	stileid.u32;
	[bflag:$0x2] =	sbarrier.arrive $0xFFFF  }
0x2c3: {  	p0 =	sne.s32 s0, $0x0;
	s0 =	rddreg [dreg:$0x2]  }
0x2c4: {  	s0 =	sadd.s32 @!p0 $0x100000, s0  }
0x2c5: {  	[sflag:s0] =	ssyncadd.tile.s32 @!p0 $0x1;
	_ =	shalt  }
.Lfunc_end2:
_tile_overlayer_lowered:
.L_overlay_start_2:
0x2c6: {  	(tag) =	ssettag $0x2  }
0x2c7: {  	s0 =	rddreg [dreg:$0x0];
	s2 =	stileid.u32  }
0x2c8: {  	s1 =	rddreg [dreg:$0x1];
	p0 =	sne.s32 s2, $0x0  }
0x2c9: {  	s3 =	rddreg [dreg:$0x2];
	[bflag:$0x3] =	sbarrier.arrive $0xFFFF;
	s2 =	simm.s32 @!p0 $0x1C05  }
0x2ca: {  	[timem:s3], [sflag:s2] =	dma.local @!p0 [hbm:s0], s1  }
0x2cb: {  	s0 =	simm.s32 @!p0 $0x5  }
0x2cc: {  	_ =	swait.ge @!p0 [sflag:s0], s1  }
0x2cd: {  	s1 =	ssub.s32 @!p0 $0x0, s1;
	[sflag:s0] =	ssyncset.done @!p0 $0x0  }
0x2ce: {  	[sflag:s0] =	ssyncadd.s32 @!p0 s1  }
0x2cf: {  	[bflag:$0x3] =	sbarrier.arrive $0xFFFF  }
0x2d0: {  	_ =	shalt  }

// kernel: kernel.7.cloned.1.call-start
scs
__scs_entry_jumppad:
0x0: {  	(pc) =	sbr.rel $0x88, $3  }
0x1: {  	(tag) =	ssettag $0x0;
	lr =	simm.s32 $0x1  }
0x2: {  	[smem:$0x3F9E] =	sst lr;
	_ =	strace $0xD0000000  }
0x3: {  	_ = 	snop  }
0x4: {  	_ = 	snop  }
0x5: {  	_ = 	snop  }
0x6: {  	_ = 	snop  }
0x7: {  	_ = 	snop  }
__scs_overlays_trampoline_lowered:
0x8: {  	[smem:$0x3FAD] =	sst s0  }
0x9: {  	[smem:$0x3FAE] =	sst s1  }
0xa: {  	[smem:$0x3FAF] =	sst s2  }
0xb: {  	[smem:$0x3FB0] =	sst s3  }
0xc: {  	[smem:$0x3FB1] =	sst s4  }
0xd: {  	[smem:$0x3FB2] =	sst s5  }
0xe: {  	[smem:$0x3FB3] =	sst s6  }
0xf: {  	[smem:$0x3FB4] =	sst s7  }
0x10: {  	[smem:$0x3FB5] =	sst s8  }
0x11: {  	[smem:$0x3FB6] =	sst s9;
	s0 =	simm.s32 @!p0 $0x0  }
0x12: {  	s1 =	sld [smem:$0x3F9C];
	s0 =	simm.s32 @p0 $0x1  }
0x13: {  	[smem:$0x3FB7] =	sst s0;
	s0 =	simm.s32 @!p1 $0x0  }
0x14: {  	s2 =	sld [smem:$0x3F9B];
	s0 =	simm.s32 @p1 $0x1  }
0x15: {  	[smem:$0x3FB8] =	sst s0;
	s0 =	simm.s32 @!p2 $0x0  }
0x16: {  	s3 =	sld [smem:$0x3FDB];
	s0 =	simm.s32 @p2 $0x1  }
0x17: {  	s4 =	simm.s32 $0x1BF5;
	[smem:$0x3FBA] =	sst s0  }
0x18: {  	s0 =	sld [smem:$0x3F9D];
	_ =	swait.ge [sflag:s4], $0x0  }
0x19: {  	s7 =	sld [smem:$0x3F9E]  }
0x1a: {  	s8 =	sadd.s32 $0xFFFFE003, lr  }
0x1b: {  	s9 =	sadd.s32 $0xFFFFFEF7, lr;
	s5 =	simm.s32 $0xFFFFFFFF;
	p2 =	slt.u32 s8, $0xFFFFF086  }
0x1c: {  	p1 =	slt.u32 s9, $0xF7A;
	s5 =	simm.s32 @!p2 $0x0  }
0x1d: {  	s5 =	simm.s32 @p1 $0x1;
	p0 =	seq.s32 s7, s2  }
0x1e: {  	s7 =	smul.u32 @!p0 $0xF7A, s2;
	p2 =	seq.s32 @!p0 s5, $0x0  }
0x1f: {  	s9 =	smul.u32 $0xF7A, s1;
	s8 =	simm.s32 @!p0 $0x1BF5;
	p2 =	por !p2, p0  }
0x20: {  	[sflag:s8] =	ssyncset.s32 @!p0 $0xFFFFF086;
	s6 =	sadd.s32 @!p0 s3, s7;
	s7 =	simm.s32 @!p0 $0x108  }
0x21: {  	s3 =	sadd.s32 s3, s9;
	s6 =	sadd.s32 @!p0 $0x88, s6;
	s7 =	simm.s32 @p2 $0x1082  }
0x22: {  	[simem:s7], [sflag:s8] =	dma.local @!p0 [hbm:s6], $0xF7A  }
0x23: {  	s9 =	sor.u32 $0xD0000000, s2;
	s6 =	simm.s32 $0x108;
	_ =	swait.ge @!p0 [sflag:s8], $0x0  }
0x24: {  	s3 =	sadd.s32 $0x88, s3;
	s6 =	simm.s32 @!p1 $0x1082;
	[sflag:s4] =	ssyncset.s32 $0xFFFFF086  }
0x25: {  	[simem:s6], [sflag:s4] =	dma.local [hbm:s3], $0xF7A  }
0x26: {  	[smem:$0x3F9E] =	sst s1;
	(tag) =	ssettag s2;
	_ =	strace s9  }
0x27: {  	s1 =	sld [smem:$0x3FAE]  }
0x28: {  	s2 =	sld [smem:$0x3FAF]  }
0x29: {  	s4 =	sld [smem:$0x3FB1]  }
0x2a: {  	p0 =	seq.s32 s5, $0x0;
	s5 =	sld [smem:$0x3FB2]  }
0x2b: {  	s6 =	sld [smem:$0x3FB3]  }
0x2c: {  	s7 =	sld [smem:$0x3FB4]  }
0x2d: {  	s3 =	simm.s32 $0x108;
	s8 =	sld [smem:$0x3FB5]  }
0x2e: {  	s3 =	simm.s32 @!p0 $0x1082;
	s9 =	sld [smem:$0x3FB6]  }
0x2f: {  	lr =	sadd.s32 s0, s3;
	s0 =	sld [smem:$0x3FAD]  }
0x30: {  	s3 =	sld [smem:$0x3FB0]  }
0x31: {  	[smem:$0x3FB9] =	sst s10  }
0x32: {  	s10 =	sld [smem:$0x3FB7];
	_ =	sdelay $0x3  }
0x33: {  	p0 =	seq.s32 s10, $0x1;
	s10 =	sld [smem:$0x3FB9];
	_ =	sdelay $0x3  }
0x34: {  	[smem:$0x3FB9] =	sst s10  }
0x35: {  	s10 =	sld [smem:$0x3FB8];
	_ =	sdelay $0x3  }
0x36: {  	p1 =	seq.s32 s10, $0x1;
	s10 =	sld [smem:$0x3FB9];
	_ =	sdelay $0x3  }
0x37: {  	[smem:$0x3FB9] =	sst s10  }
0x38: {  	s10 =	sld [smem:$0x3FBA]  }
0x39: {  	_ = 	snop;
	(pc) =	sbr.ind lr, $3  }
0x3a: {  	_ = 	snop  }
0x3b: {  	_ = 	snop  }
0x3c: {  	p2 =	seq.s32 s10, $0x1;
	s10 =	sld [smem:$0x3FB9]  }
0x3d: {  	_ =	shalt  }
0x3e: {  	_ =	shalt  }
0x3f: {  	_ =	shalt  }
0x40: {  	_ =	shalt  }
0x41: {  	_ =	shalt  }
0x42: {  	_ =	shalt  }
0x43: {  	_ =	shalt  }
0x44: {  	_ =	shalt  }
0x45: {  	_ =	shalt  }
0x46: {  	_ =	shalt  }
0x47: {  	_ =	shalt  }
0x48: {  	_ =	shalt  }
0x49: {  	_ =	shalt  }
0x4a: {  	_ =	shalt  }
0x4b: {  	_ =	shalt  }
0x4c: {  	_ =	shalt  }
0x4d: {  	_ =	shalt  }
0x4e: {  	_ =	shalt  }
0x4f: {  	_ =	shalt  }
0x50: {  	_ =	shalt  }
0x51: {  	_ =	shalt  }
0x52: {  	_ =	shalt  }
0x53: {  	_ =	shalt  }
0x54: {  	_ =	shalt  }
0x55: {  	_ =	shalt  }
0x56: {  	_ =	shalt  }
0x57: {  	_ =	shalt  }
0x58: {  	_ =	shalt  }
0x59: {  	_ =	shalt  }
0x5a: {  	_ =	shalt  }
0x5b: {  	_ =	shalt  }
0x5c: {  	_ =	shalt  }
0x5d: {  	_ =	shalt  }
0x5e: {  	_ =	shalt  }
0x5f: {  	_ =	shalt  }
0x60: {  	_ =	shalt  }
0x61: {  	_ =	shalt  }
0x62: {  	_ =	shalt  }
0x63: {  	_ =	shalt  }
0x64: {  	_ =	shalt  }
0x65: {  	_ =	shalt  }
0x66: {  	_ =	shalt  }
0x67: {  	_ =	shalt  }
0x68: {  	_ =	shalt  }
0x69: {  	_ =	shalt  }
0x6a: {  	_ =	shalt  }
0x6b: {  	_ =	shalt  }
0x6c: {  	_ =	shalt  }
0x6d: {  	_ =	shalt  }
0x6e: {  	_ =	shalt  }
0x6f: {  	_ =	shalt  }
0x70: {  	_ =	shalt  }
0x71: {  	_ =	shalt  }
0x72: {  	_ =	shalt  }
0x73: {  	_ =	shalt  }
0x74: {  	_ =	shalt  }
0x75: {  	_ =	shalt  }
0x76: {  	_ =	shalt  }
0x77: {  	_ =	shalt  }
0x78: {  	_ =	shalt  }
0x79: {  	_ =	shalt  }
0x7a: {  	_ =	shalt  }
0x7b: {  	_ =	shalt  }
0x7c: {  	_ =	shalt  }
0x7d: {  	_ =	shalt  }
0x7e: {  	_ =	shalt  }
0x7f: {  	_ =	shalt  }
0x80: {  	_ =	shalt  }
0x81: {  	_ =	shalt  }
0x82: {  	_ =	shalt  }
0x83: {  	_ =	shalt  }
0x84: {  	_ =	shalt  }
0x85: {  	_ =	shalt  }
0x86: {  	_ =	shalt  }
0x87: {  	_ =	shalt  }
.Lfunc_end0:
.L_simem_size_0:
called_computation.1_lowered:
.L_overlay_start_0:
0x88: {  	s2 =	sld [smem:$0x3FD9]  }
0x89: {  	s3 =	sld [smem:$0x3FFE];
	_ =	sdelay $0x1  }
0x8a: {  	s1 =	srdreg.scid  }
0x8b: {  	s0 =	sand.u32 $0x1, s1  }
0x8c: {  	s17 =	sshll.u32 s0, $0xA;
	s2 =	sadd.s32 s3, s2  }
0x8d: {  	s2 =	sadd.s32 s2, s17  }
0x8e: {  	[smem:$0x3FC5] =	sst s2  }
0x8f: {  	_ = 	snop  }
0x90: {  	s2 =	sld [smem:$0x3FC9]  }
0x91: {  	s18 =	sld [smem:$0x3FC7]  }
0x92: {  	s4 =	sld [smem:$0x3FD0];
	(tm) =	ssettm $0x1  }
0x93: {  	s5 =	sld [smem:$0x3FFB];
	_ =	sdelay $0x3  }
0x94: {  	_ =	strace s5  }
0x95: {  	s5 =	sld [smem:$0x3FFC];
	_ =	sdelay $0x3  }
0x96: {  	_ =	strace s5  }
0x97: {  	s5 =	sld [smem:$0x3FFD];
	_ =	sdelay $0x3  }
0x98: {  	_ =	strace s5  }
0x99: {  	_ =	strace $0x8FFFFFFF  }
0x9a: {  	s19 =	sld [smem:$0x3FDB];
	_ =	sdelay $0x1  }
0x9b: {  	s6 =	simm.s32 $_scs_section_size  }
0x9c: {  	s7 =	simm.s32 $_size__tile_overlayer_lowered;
	s8 =	simm.s32 $_tile_overlayer_lowered  }
0x9d: {  	s22 =	simm.s32 $0x1BFF;
	s21 =	sshll.u32 s8, $0x1;
	s5 =	sadd.s32 s6, s19  }
0x9e: {  	s9 =	simm.s32 $0x0;
	s20 =	sshll.u32 s7, $0x1;
	s7 =	sadd.s32 s21, s5  }
0x9f: {  	[timem:s9], [sflag:s22] =	dma.local [hbm:s7], s20  }
0xa0: {  	_ =	swait.ge [sflag:s22], s20  }
0xa1: {  	s6 =	ssub.s32 $0x0, s20;
	[sflag:s22] =	ssyncset.done $0x0  }
0xa2: {  	[sflag:s22] =	ssyncadd.s32 s6;
	_ =	sdelay $0x1  }
0xa3: {  	s23 =	simm.s32 $0x1B8B  }
0xa4: {  	_ =	swait.ge [sflag:s23], $0x1  }
0xa5: {  	[sflag:s23] =	ssyncset.done $0x0  }
0xa6: {  	s25 =	simm.s32 $0x1B8E;
	s24 =	sld [smem:$0x3FFE];
	[sflag:s23] =	ssyncadd.s32 $0xFFFFFFFF  }
0xa7: {  	s26 =	simm.s32 $execute0_lowered;
	[smem:$0x3FD2] =	sst s25  }
0xa8: {  	s7 =	sshll.u32 s26, $0x1;
	_ =	strace $0x80000049;
	[dreg:$0x1] =	wrdreg $0xFFFFFFFF  }
0xa9: {  	s28 =	simm.s32 $_size_execute0_lowered;
	s5 =	sadd.s32 s5, s7;
	[dreg:$0x0] =	wrdreg $0x0  }
0xaa: {  	s7 =	sshll.u32 s28, $0x1;
	[dreg:$0x2] =	wrdreg s5  }
0xab: {  	[dreg:$0x3] =	wrdreg s7  }
0xac: {  	[dreg:$0x4] =	wrdreg $0xC0  }
0xad: {  	_ =	task [dreg:s9], $0x5FFFF  }
0xae: {  	[dreg:$0x1] =	wrdreg $0xFFFFFFFF  }
0xaf: {  	[dreg:$0x0] =	wrdreg $0x60  }
0xb0: {  	[dreg:$0x2] =	wrdreg s2  }
0xb1: {  	[dreg:$0x3] =	wrdreg s24  }
0xb2: {  	[dreg:$0x4] =	wrdreg s18  }
0xb3: {  	[dreg:$0x5] =	wrdreg s4  }
0xb4: {  	[dreg:$0x6] =	wrdreg $0x9  }
0xb5: {  	_ =	task.clear_ibuf [dreg:s9], $0x7FFFF;
	_ =	strace $0x90000049  }
0xb6: {  	s29 =	simm.s32 $0x9;
	_ =	strace $0x8000004B  }
0xb7: {  	_ =	swait.ge [sflag:s29], $0x1  }
0xb8: {  	[sflag:s29] =	ssyncadd.s32 $0xFFFFFFFF  }
0xb9: {  	_ =	strace $0x9000004B  }
0xba: {  	_ =	sfence  }
0xbb: {  	s30 =	sld [smem:$0x0];
	_ =	sdelay $0x2  }
0xbc: {  	s31 =	sshll.u32 s1, $0xD;
	s1 =	sshrl.u32 s1, $0x2  }
0xbd: {  	s3 =	sand.u32 $0x4000, s31;
	s1 =	sadd.s32 s1, s30  }
0xbe: {  	s0 =	sor.u32 s3, s0;
	s1 =	sshll.u32 s1, $0x11  }
0xbf: {  	s0 =	sor.u32 s1, s0  }
0xc0: {  	s0 =	sadd.s32 $0x8F2B, s0  }
0xc1: {  	[sflag:s0] =	ssyncadd.remote.s32 $0x1  }
0xc2: {  	_ =	sfence.sel $0xFFFF  }
0xc3: {  	[dreg:$0x0] =	wrdreg $0xFFFFFFFF;
	(pc) =	sbr.abs _section_cstart, $3  }
0xc4: {  	[dreg:$0x1] =	wrdreg $0xFFFFFFFF  }
0xc5: {  	_ =	task.clear_ibuf [dreg:s9], $0x2FFFF;
	_ =	strace $0x9FFFFFFF  }
0xc6: {  	(tm) =	ssettm $0x7FFFFFFF  }
0xc7: {  	_ =	shalt  }
tec
execute0_lowered:
.L_overlay_start_1:
0x0: {  	(tag) =	ssettag $0x1  }
0x1: {  	s0 =	rddreg [dreg:$0x0]  }
0x2: {  	s1 =	rddreg [dreg:$0x1]  }
0x3: {  	s2 =	rddreg [dreg:$0x3]  }
0x4: {  	s4 =	simm.s32 $0x0;
	s3 =	srdreg.scid;
	s5 =	stileid.u32  }
0x5: {  	s9 =	simm.s32 $0x10500;
	s11 =	simm.s32 $0x400;
	s12 =	simm.s32 $0x8000  }
0x6: {  	s13 =	simm.s32 $0x80;
	s14 =	simm.s32 $0x6400;
	s15 =	simm.s32 $0x6500  }
0x7: {  	s17 =	simm.s32 $0xA500;
	s18 =	simm.s32 $0x1;
	s3 =	sand.u32 $0x1, s3  }
0x8: {  	v0 =	vlaneseq.u32;
	s5 =	sshll.u32 s5, $0xB;
	s29 =	ssub.s32 $0x2, s3;
	s3 =	sshll.u32 s3, $0xA  }
0x9: {  	s19 =	simm.s32 $0xE500;
	s20 =	simm.s32 $0x2;
	v0 =	vmul.u32 $0x80, v0;
	s5 =	sor.u32 s3, s5  }
0xa: {  	s21 =	simm.s32 $0xF500;
	s7 =	sshrl.u32 s29, $0x1;
	s3 =	sshrl.u32 s5, $0x3  }
0xb: {  	[smem:$0x7FF] =	sst s4;
	v1 =	vor.u32 $0x800, v0;
	s30 =	ssub.s32 s29, s7;
	s0 =	sadd.s32 s0, s3  }
0xc: {  	_ =	strace $0x8000004A;
	v2 =	vor.u32 $0x1000, v0;
	v3 =	vor.u32 $0x1800, v0;
	v4 =	vor.u32 $0x2000, v0;
	s31 =	smax.u32 s30, $0x1;
	[dreg:$0x5] =	wrdreg s0  }
0xd: {  	s6 =	sadd.s32 $0x800, s1;
	v5 =	vor.u32 $0x2800, v0;
	v6 =	vor.u32 $0x3000, v0;
	v7 =	vor.u32 $0x3800, v0;
	s3 =	simm.s32 $0x0;
	[dreg:$0x6] =	wrdreg s31  }
.LBB2_1:
0xe: {  	[dreg:$0x7] =	wrdreg s3  }
0xf: {  	s0 =	rddreg [dreg:$0x2];
	s1 =	simm.s32 $0x0;
	s30 =	simm.s32 $0x5  }
0x10: {  	[tilespmem:s9], [sflag:$0x5] =	stream.linear.gather [hbm4b:s0+s1], $0x2000, $0x38;
	[tilespmem:$0x12500] =	vst v63  }
0x11: {  	_ =	swait.ge [sflag:s30], $0x2000  }
0x12: {  	[sflag:s30] =	ssyncset.done $0x0  }
0x13: {  	s31 =	rddreg [dreg:$0x5];
	[sflag:s30] =	ssyncadd.s32 $0xFFFFE000  }
0x14: {  	[tilespmem:s1], [sflag:$0x5] =	stream.strided.gather [hbm4b:s31+s11], $0x6400, s12, s11, $0x38;
	[tilespmem:$0x12500] =	vst v63  }
0x15: {  	_ =	swait.ge [sflag:s30], $0x6400  }
0x16: {  	[sflag:s30] =	ssyncset.done $0x0  }
0x17: {  	[sflag:s30] =	ssyncadd.s32 $0xFFFF9C00  }
0x18: {  	v8 =	vld [tilespmem:$0x0]  }
0x19: {  	v9 =	vld [tilespmem:$0x10]  }
0x1a: {  	v10 =	vld [tilespmem:$0x20]  }
0x1b: {  	v11 =	vld [tilespmem:$0x30]  }
0x1c: {  	v12 =	vld [tilespmem:$0x40]  }
0x1d: {  	v13 =	vld [tilespmem:$0x50];
	v8 =	vshrl.u32 v8, $0x2  }
0x1e: {  	v62 =	vld [tilespmem:$0x60];
	[tilespmem:$0x6400] =	vst v8;
	v8 =	vshrl.u32 v9, $0x2  }
0x1f: {  	v63 =	vld [tilespmem:$0x70];
	[tilespmem:$0x6410] =	vst v8;
	v8 =	vshrl.u32 v10, $0x2  }
0x20: {  	[tilespmem:$0x6420] =	vst v8;
	v8 =	vshrl.u32 v11, $0x2  }
0x21: {  	[tilespmem:$0x6430] =	vst v8;
	v8 =	vshrl.u32 v12, $0x2  }
0x22: {  	[tilespmem:$0x6440] =	vst v8;
	v8 =	vshrl.u32 v13, $0x2  }
0x23: {  	[tilespmem:$0x6450] =	vst v8;
	v8 =	vshrl.u32 v62, $0x2  }
0x24: {  	[tilespmem:$0x6460] =	vst v8;
	v8 =	vshrl.u32 v63, $0x2  }
0x25: {  	s25 =	simm.s32 $0x0;
	[tilespmem:$0x6470] =	vst v8  }
0x26: {  	[tilespmem:s15], [sflag:$0x1] =	stream.indirect.gather [hbm4b:s6+s13], $0x80, s14, s13, $0xb8;
	[tilespmem:$0x12500] =	vst v63  }
.LBB2_2:
0x27: {  	s26 =	sshllo.u32 s25, $0x1  }
0x28: {  	s0 =	sshll.u32 s26, $0x7  }
0x29: {  	s28 =	sand.u32 $0x3FFFFF80, s0  }
0x2a: {  	v8 =	vld [tilespmem:s28+$0x0];
	_ =	sdelay $0x4  }
0x2b: {  	v8 =	vshrl.u32 v8, $0x2  }
0x2c: {  	[tilespmem:$0x6480] =	vst v8  }
0x2d: {  	v8 =	vld [tilespmem:s28+$0x10];
	_ =	sdelay $0x4  }
0x2e: {  	v8 =	vshrl.u32 v8, $0x2  }
0x2f: {  	[tilespmem:$0x6490] =	vst v8  }
0x30: {  	v8 =	vld [tilespmem:s28+$0x20];
	_ =	sdelay $0x4  }
0x31: {  	v8 =	vshrl.u32 v8, $0x2  }
0x32: {  	[tilespmem:$0x64A0] =	vst v8  }
0x33: {  	v8 =	vld [tilespmem:s28+$0x30];
	_ =	sdelay $0x4  }
0x34: {  	v8 =	vshrl.u32 v8, $0x2  }
0x35: {  	[tilespmem:$0x64B0] =	vst v8  }
0x36: {  	v8 =	vld [tilespmem:s28+$0x40];
	_ =	sdelay $0x4  }
0x37: {  	v8 =	vshrl.u32 v8, $0x2  }
0x38: {  	[tilespmem:$0x64C0] =	vst v8  }
0x39: {  	v8 =	vld [tilespmem:s28+$0x50];
	_ =	sdelay $0x4  }
0x3a: {  	v8 =	vshrl.u32 v8, $0x2  }
0x3b: {  	[tilespmem:$0x64D0] =	vst v8  }
0x3c: {  	v8 =	vld [tilespmem:s28+$0x60];
	_ =	sdelay $0x4  }
0x3d: {  	v8 =	vshrl.u32 v8, $0x2  }
0x3e: {  	[tilespmem:$0x64E0] =	vst v8  }
0x3f: {  	v8 =	vld [tilespmem:s28+$0x70];
	_ =	sdelay $0x4  }
0x40: {  	v8 =	vshrl.u32 v8, $0x2  }
0x41: {  	s7 =	simm.s32 $0x6480;
	[tilespmem:$0x64F0] =	vst v8  }
0x42: {  	[tilespmem:s17], [sflag:$0x2] =	stream.indirect.gather [hbm4b:s6+s13], $0x80, s7, s13, $0xb8;
	[tilespmem:$0x12500] =	vst v63  }
0x43: {  	_ =	swait.ge [sflag:s18], $0x4000  }
0x44: {  	p0 =	seq.s32 s25, $0x0;
	[sflag:s18] =	ssyncset.done $0x0  }
0x45: {  	s0 =	simm.s32 @!p0 $0x3;
	[sflag:s18] =	ssyncadd.s32 $0xFFFFC000  }
0x46: {  	_ =	swait.ge @!p0 [sflag:s0], $0x1000  }
0x47: {  	s1 =	sshll.u32 s25, $0x8;
	[sflag:s0] =	ssyncset.done @!p0 $0x0  }
0x48: {  	s8 =	sand.u32 $0x3FFFFF00, s1;
	[sflag:s0] =	ssyncadd.s32 @!p0 $0xFFFFF000  }
0x49: {  	s22 =	sshll.u32 s25, $0x1;
	s10 =	simm.s32 $0x1;
	s24 =	simm.s32 $0x2;
	v8 =	vld [tilespmem:s8+$0x0]  }
0x4a: {  	v9 =	vmov s22;
	v12 =	vmov s10;
	v18 =	vmov s24  }
0x4b: {  	v10 =	vshll.u32 v9, $0x3;
	v9 =	vand.u32 $0x7E, v9;
	v13 =	vshll.u32 v12, $0x8  }
0x4c: {  	v12 =	vshll.u32 v12, $0x7;
	v21 =	vshll.u32 v18, $0x8;
	v18 =	vshll.u32 v18, $0x7  }
0x4d: {  	v10 =	vand.u32 $0x400, v10;
	v13 =	vand.u32 $0x1800, v13;
	v12 =	vand.u32 $0x280, v12  }
0x4e: {  	s23 =	simm.s32 $0x0;
	v21 =	vand.u32 $0x1800, v21;
	v18 =	vand.u32 $0x300, v18;
	v8 =	vshll.u32 v8, $0x5  }
0x4f: {  	s16 =	simm.s32 $0x3;
	v17 =	vor.u32 v10, v9;
	v9 =	vmov s23;
	v8 =	vand.u32 $0x60, v8  }
0x50: {  	v12 =	vor.u32 v13, v12;
	v13 =	vmov s16;
	v16 =	vor.u32 v0, v8  }
0x51: {  	v19 =	vshll.u32 v13, $0x8;
	v13 =	vshll.u32 v13, $0x7;
	v10 =	vor.u32 s10, v16  }
0x52: {  	v19 =	vand.u32 $0x1800, v19;
	v13 =	vand.u32 $0x380, v13;
	v15 =	vld [tilespmem:s8+$0x10];
	v14 =	vor.u32 s24, v16  }
0x53: {  	v18 =	vor.u32 v21, v18;
	v13 =	vor.u32 v19, v13;
	v20 =	vld [tilespmem:s8+$0x20];
	v19 =	vor.u32 s16, v16  }
0x54: {  	v11 =	vshll.u32 v9, $0x8;
	v9 =	vshll.u32 v9, $0x7;
	v13 =	vor.u32 v17, v13;
	v22 =	vld [tilespmem:s8+$0x30]  }
0x55: {  	v12 =	vor.u32 v17, v12;
	v11 =	vand.u32 $0x1800, v11;
	v9 =	vand.u32 $0x200, v9;
	v23 =	vld [tilespmem:s8+$0x40]  }
0x56: {  	v9 =	vor.u32 v11, v9;
	v11 =	vor.u32 v17, v18;
	v10 =	vld.idx.msk [tilespmem:v10+s15+$0x0], $0xffff  }
0x57: {  	v9 =	vor.u32 v17, v9;
	v24 =	vld.idx.msk [tilespmem:v14+s15+$0x0], $0xffff  }
0x58: {  	v8 =	vor.u32 s23, v16;
	v19 =	vld.idx.msk [tilespmem:v19+s15+$0x0], $0xffff  }
0x59: {  	v14 =	vshll.u32 v15, $0x5;
	v15 =	vld.idx.msk [tilespmem:v13+s9+$0x0], $0xffff  }
0x5a: {  	v13 =	vld.idx.msk [tilespmem:v12+s9+$0x0], $0xffff;
	v14 =	vand.u32 $0x60, v14  }
0x5b: {  	v21 =	vor.u32 v1, v14;
	v14 =	vld.idx.msk [tilespmem:v11+s9+$0x0], $0xffff  }
0x5c: {  	v11 =	vld.idx.msk [tilespmem:v9+s9+$0x0], $0xffff;
	v9 =	vor.u32 s16, v21  }
0x5d: {  	v8 =	vld.idx.msk [tilespmem:v8+s15+$0x0], $0xffff;
	v12 =	vor.u32 s10, v21  }
0x5e: {  	s30 =	simm.s32 $0x5;
	v26 =	vld [tilespmem:s8+$0x50];
	v19 =	vadd.f32 v19, v15  }
0x5f: {  	s3 =	simm.s32 $0xE600;
	s31 =	simm.s32 $0x6;
	v33 =	vmov s30;
	v18 =	vld [tilespmem:s8+$0x60];
	v27 =	vor.u32 s24, v21;
	v10 =	vadd.f32 v10, v13  }
0x60: {  	v61 =	vmov s31;
	v25 =	vld [tilespmem:s8+$0x70];
	v22 =	vshll.u32 v22, $0x5;
	v28 =	vor.u32 s23, v21;
	[tilespmem:s3+$0x80] =	vst v19  }
0x61: {  	v20 =	vshll.u32 v20, $0x5;
	v22 =	vand.u32 $0x60, v22;
	v24 =	vadd.f32 v24, v14;
	[tilespmem:s3+$0xFFFFFF80] =	vst v10;
	v9 =	vld.idx.msk [tilespmem:v9+s15+$0x0], $0xffff  }
0x62: {  	s29 =	simm.s32 $0x4;
	v31 =	vor.u32 s31, v16;
	v19 =	vand.u32 $0x60, v20;
	v8 =	vadd.f32 v8, v11;
	v12 =	vld.idx.msk [tilespmem:v12+s15+$0x0], $0xffff  }
0x63: {  	v10 =	vshll.u32 v23, $0x5;
	v23 =	vmov s29;
	v20 =	vor.u32 v2, v19;
	[tilespmem:s3+$0x0] =	vst v24  }
0x64: {  	v19 =	vor.u32 v3, v22;
	v22 =	vor.u32 s29, v16;
	[tilespmem:s3+$0xFFFFFF00] =	vst v8;
	v29 =	vor.u32 s16, v20;
	v8 =	vld.idx.msk [tilespmem:v27+s15+$0x0], $0xffff  }
0x65: {  	v30 =	vor.u32 s10, v20;
	v27 =	vshll.u32 v23, $0x8;
	v23 =	vshll.u32 v23, $0x7;
	v28 =	vld.idx.msk [tilespmem:v28+s15+$0x0], $0xffff  }
0x66: {  	v27 =	vand.u32 $0x1800, v27;
	v23 =	vand.u32 $0x200, v23;
	v9 =	vadd.f32 v9, v15  }
0x67: {  	v23 =	vor.u32 v27, v23;
	v27 =	vor.u32 s24, v20;
	v12 =	vadd.f32 v12, v13  }
0x68: {  	v24 =	vor.u32 s30, v16;
	v32 =	vor.u32 s23, v20;
	v23 =	vor.u32 v17, v23;
	[tilespmem:s3+$0x90] =	vst v9  }
0x69: {  	v8 =	vadd.f32 v8, v14;
	v9 =	vshll.u32 v33, $0x8;
	v33 =	vshll.u32 v33, $0x7;
	[tilespmem:s3+$0xFFFFFF90] =	vst v12;
	v29 =	vld.idx.msk [tilespmem:v29+s15+$0x0], $0xffff  }
0x6a: {  	v28 =	vadd.f32 v28, v11;
	v9 =	vand.u32 $0x1800, v9;
	v12 =	vand.u32 $0x280, v33;
	v30 =	vld.idx.msk [tilespmem:v30+s15+$0x0], $0xffff  }
0x6b: {  	v31 =	vld.idx.msk [tilespmem:v31+s15+$0x0], $0xffff;
	[tilespmem:s3+$0x10] =	vst v8;
	v8 =	vor.u32 v9, v12;
	v9 =	vshll.u32 v61, $0x8;
	v12 =	vshll.u32 v61, $0x7  }
0x6c: {  	v62 =	vor.u32 s16, v19;
	[tilespmem:s3+$0xFFFFFF10] =	vst v28;
	v27 =	vld.idx.msk [tilespmem:v27+s15+$0x0], $0xffff;
	v9 =	vand.u32 $0x1800, v9;
	v12 =	vand.u32 $0x300, v12  }
0x6d: {  	v28 =	vld.idx.msk [tilespmem:v32+s15+$0x0], $0xffff;
	v34 =	vor.u32 v17, v8;
	v8 =	vor.u32 v9, v12;
	v9 =	vor.u32 s10, v19  }
0x6e: {  	s1 =	simm.s32 $0x7;
	v63 =	vld.idx.msk [tilespmem:v22+s15+$0x0], $0xffff;
	v12 =	vor.u32 v17, v8;
	v22 =	vadd.f32 v29, v15  }
0x6f: {  	v36 =	vmov s1;
	v8 =	vld.idx.msk [tilespmem:v23+s9+$0x0], $0xffff;
	v29 =	vor.u32 s24, v19;
	v30 =	vadd.f32 v30, v13  }
0x70: {  	v41 =	vor.u32 s29, v21;
	v10 =	vand.u32 $0x60, v10;
	v35 =	vor.u32 s23, v19;
	v24 =	vld.idx.msk [tilespmem:v24+s15+$0x0], $0xffff;
	[tilespmem:s3+$0xA0] =	vst v22  }
0x71: {  	v23 =	vshll.u32 v36, $0x8;
	v22 =	vadd.f32 v27, v14;
	v27 =	vshll.u32 v36, $0x7;
	[tilespmem:s3+$0xFFFFFFA0] =	vst v30;
	v32 =	vld.idx.msk [tilespmem:v62+s15+$0x0], $0xffff  }
0x72: {  	v23 =	vand.u32 $0x1800, v23;
	v28 =	vadd.f32 v28, v11;
	v27 =	vand.u32 $0x380, v27;
	v30 =	vld.idx.msk [tilespmem:v9+s15+$0x0], $0xffff  }
0x73: {  	[tilespmem:s3+$0x20] =	vst v22;
	v9 =	vor.u32 v23, v27;
	v23 =	vor.u32 s1, v16;
	v22 =	vor.u32 v4, v10;
	v10 =	vld.idx.msk [tilespmem:v12+s9+$0x0], $0xffff  }
0x74: {  	[tilespmem:s3+$0xFFFFFF20] =	vst v28;
	v33 =	vadd.f32 v63, v8;
	v27 =	vld.idx.msk [tilespmem:v29+s15+$0x0], $0xffff;
	v28 =	vor.u32 v17, v9  }
0x75: {  	s0 =	simm.s32 $0x8;
	s8 =	simm.s32 $0xE800;
	v29 =	vld.idx.msk [tilespmem:v35+s15+$0x0], $0xffff;
	v48 =	vor.u32 s16, v22  }
0x76: {  	s4 =	simm.s32 $0x9;
	v38 =	vmov s0;
	v51 =	vor.u32 s0, v16;
	v9 =	vld.idx.msk [tilespmem:v34+s9+$0x0], $0xffff;
	[tilespmem:s8+$0xFFFFFF00] =	vst v33  }
0x77: {  	v39 =	vor.u32 s4, v16;
	v50 =	vor.u32 s10, v22;
	v61 =	vld.idx.msk [tilespmem:v41+s15+$0x0], $0xffff;
	v12 =	vadd.f32 v32, v15  }
0x78: {  	v55 =	vor.u32 s30, v21;
	v43 =	vor.u32 s31, v21;
	v37 =	vor.u32 s24, v22;
	v40 =	vld.idx.msk [tilespmem:v23+s15+$0x0], $0xffff  }
0x79: {  	v23 =	vadd.f32 v30, v13;
	v30 =	vshll.u32 v38, $0x8;
	v38 =	vshll.u32 v38, $0x7;
	[tilespmem:s3+$0xB0] =	vst v12;
	v12 =	vld.idx.msk [tilespmem:v28+s9+$0x0], $0xffff  }
0x7a: {  	v31 =	vadd.f32 v31, v10;
	v28 =	vand.u32 $0x1800, v30;
	v30 =	vand.u32 $0x200, v38;
	v35 =	vld.idx.msk [tilespmem:v48+s15+$0x0], $0xffff  }
0x7b: {  	v29 =	vadd.f32 v29, v11;
	[tilespmem:s3+$0xFFFFFFB0] =	vst v23;
	v23 =	vshll.u32 v26, $0x5;
	v26 =	vor.u32 v28, v30;
	v28 =	vld.idx.msk [tilespmem:v51+s15+$0x0], $0xffff  }
0x7c: {  	v49 =	vor.u32 s23, v22;
	v24 =	vadd.f32 v24, v9;
	[tilespmem:s8+$0x0] =	vst v31;
	v36 =	vld.idx.msk [tilespmem:v50+s15+$0x0], $0xffff  }
0x7d: {  	v27 =	vadd.f32 v27, v14;
	v23 =	vand.u32 $0x60, v23;
	v26 =	vor.u32 v17, v26;
	[tilespmem:s3+$0xFFFFFF30] =	vst v29;
	v29 =	vld.idx.msk [tilespmem:v39+s15+$0x0], $0xffff  }
0x7e: {  	v45 =	vmov s4;
	v52 =	vor.u32 s1, v21;
	[tilespmem:s8+$0xFFFFFF80] =	vst v24;
	v60 =	vld.idx.msk [tilespmem:v43+s15+$0x0], $0xffff;
	v23 =	vor.u32 v5, v23  }
0x7f: {  	v56 =	vshll.u32 v45, $0x7;
	s7 =	simm.s32 $0xA;
	[tilespmem:s3+$0x30] =	vst v27;
	v58 =	vld.idx.msk [tilespmem:v55+s15+$0x0], $0xffff;
	v54 =	vor.u32 s16, v23  }
0x80: {  	v57 =	vand.u32 $0x280, v56;
	v30 =	vor.u32 s7, v16;
	v27 =	vld.idx.msk [tilespmem:v37+s15+$0x0], $0xffff;
	v40 =	vadd.f32 v40, v12  }
0x81: {  	v53 =	vshll.u32 v18, $0x5;
	v34 =	vld.idx.msk [tilespmem:v49+s15+$0x0], $0xffff;
	v42 =	vor.u32 s10, v23;
	v35 =	vadd.f32 v35, v15  }
0x82: {  	v63 =	vor.u32 s29, v20;
	v48 =	vor.u32 s30, v20;
	v18 =	vld.idx.msk [tilespmem:v26+s9+$0x0], $0xffff;
	[tilespmem:s8+$0x80] =	vst v40;
	v26 =	vshll.u32 v45, $0x8  }
0x83: {  	v44 =	vor.u32 s24, v23;
	v36 =	vadd.f32 v36, v13;
	v37 =	vld.idx.msk [tilespmem:v52+s15+$0x0], $0xffff;
	[tilespmem:s3+$0xC0] =	vst v35;
	v26 =	vand.u32 $0x1800, v26  }
0x84: {  	v35 =	vadd.f32 v58, v9;
	v32 =	vld.idx.msk [tilespmem:v54+s15+$0x0], $0xffff;
	v24 =	vor.u32 v26, v57;
	v26 =	vor.u32 s23, v23  }
0x85: {  	v31 =	vand.u32 $0x60, v53;
	v30 =	vld.idx.msk [tilespmem:v30+s15+$0x0], $0xffff;
	v27 =	vadd.f32 v27, v14;
	[tilespmem:s3+$0xFFFFFFC0] =	vst v36;
	v59 =	vor.u32 v17, v24  }
0x86: {  	v62 =	vor.u32 s1, v20;
	v24 =	vor.u32 v6, v31;
	v31 =	vadd.f32 v34, v11;
	v36 =	vld.idx.msk [tilespmem:v42+s15+$0x0], $0xffff;
	[tilespmem:s8+$0xFFFFFF90] =	vst v35  }
0x87: {  	[tilespmem:s3+$0x40] =	vst v27;
	v34 =	vadd.f32 v61, v8;
	v27 =	vor.u32 s16, v24;
	v47 =	vld.idx.msk [tilespmem:v48+s15+$0x0], $0xffff  }
0x88: {  	v25 =	vshll.u32 v25, $0x5;
	v49 =	vor.u32 s31, v20;
	[tilespmem:s3+$0xFFFFFF40] =	vst v31;
	v31 =	vld.idx.msk [tilespmem:v44+s15+$0x0], $0xffff;
	v37 =	vadd.f32 v37, v12  }
0x89: {  	v33 =	vadd.f32 v60, v10;
	v52 =	vmov s7;
	[tilespmem:s8+$0xFFFFFF10] =	vst v34;
	v50 =	vld.idx.msk [tilespmem:v26+s15+$0x0], $0xffff;
	v32 =	vadd.f32 v32, v15  }
0x8a: {  	v54 =	vshll.u32 v52, $0x8;
	v38 =	vshll.u32 v52, $0x7;
	v51 =	vor.u32 s10, v24;
	v39 =	vld.idx.msk [tilespmem:v63+s15+$0x0], $0xffff;
	[tilespmem:s8+$0x90] =	vst v37  }
0x8b: {  	v55 =	vand.u32 $0x1800, v54;
	v56 =	vand.u32 $0x300, v38;
	v53 =	vor.u32 s24, v24;
	v46 =	vld.idx.msk [tilespmem:v62+s15+$0x0], $0xffff;
	[tilespmem:s3+$0xD0] =	vst v32  }
0x8c: {  	v57 =	vor.u32 s23, v24;
	v58 =	vadd.f32 v36, v13;
	v32 =	vor.u32 v55, v56;
	v27 =	vld.idx.msk [tilespmem:v27+s15+$0x0], $0xffff  }
0x8d: {  	v25 =	vand.u32 $0x60, v25;
	[tilespmem:s8+$0x10] =	vst v33;
	v26 =	vld.idx.msk [tilespmem:v59+s9+$0x0], $0xffff;
	v32 =	vor.u32 v17, v32;
	v31 =	vadd.f32 v31, v14  }
0x8e: {  	v25 =	vor.u32 v7, v25;
	v60 =	vor.u32 s1, v19;
	v59 =	vld.idx.msk [tilespmem:v49+s15+$0x0], $0xffff;
	[tilespmem:s3+$0xFFFFFFD0] =	vst v58;
	v61 =	vadd.f32 v50, v11  }
0x8f: {  	v37 =	vor.u32 s16, v25;
	v38 =	vld.idx.msk [tilespmem:v51+s15+$0x0], $0xffff;
	[tilespmem:s3+$0x50] =	vst v31  }
0x90: {  	v36 =	vor.u32 s30, v19;
	v41 =	vld.idx.msk [tilespmem:v53+s15+$0x0], $0xffff;
	v62 =	vadd.f32 v46, v12;
	[tilespmem:s3+$0xFFFFFF50] =	vst v61  }
0x91: {  	v33 =	vor.u32 s29, v19;
	v35 =	vor.u32 s31, v19;
	v40 =	vld.idx.msk [tilespmem:v57+s15+$0x0], $0xffff;
	v63 =	vadd.f32 v27, v15  }
0x92: {  	v34 =	vor.u32 s24, v25;
	v43 =	vadd.f32 v47, v9;
	v31 =	vor.u32 s23, v25;
	s23 =	simm.s32 $0xB;
	v27 =	vld.idx.msk [tilespmem:v32+s9+$0x0], $0xffff;
	[tilespmem:s8+$0xA0] =	vst v62  }
0x93: {  	s22 =	smin.u32 s22, $0xC5;
	v45 =	vmov s23;
	v44 =	vadd.f32 v59, v10;
	v32 =	vor.u32 s10, v25;
	s10 =	simm.s32 $0xC;
	v42 =	vld.idx.msk [tilespmem:v60+s15+$0x0], $0xffff;
	[tilespmem:s3+$0xE0] =	vst v63  }
.LBB2_3:
0x94: {  	p1 =	slt.u32 s10, $0x1C;
	v46 =	vshll.u32 v45, $0x8;
	v45 =	vshll.u32 v45, $0x7;
	v39 =	vadd.f32 v39, v8;
	[tilespmem:s8+$0xFFFFFFA0] =	vst v43;
	v37 =	vld.idx.msk [tilespmem:v37+s15+$0x0], $0xffff  }
0x95: {  	v38 =	vadd.f32 v38, v13;
	v43 =	vand.u32 $0x1800, v46;
	v45 =	vand.u32 $0x380, v45;
	v36 =	vld.idx.msk [tilespmem:v36+s15+$0x0], $0xffff;
	[tilespmem:s8+$0x20] =	vst v44  }
0x96: {  	v44 =	vor.u32 s23, v16;
	v43 =	vor.u32 v43, v45;
	[tilespmem:s8+$0xFFFFFF20] =	vst v39;
	v35 =	vld.idx.msk [tilespmem:v35+s15+$0x0], $0xffff;
	v39 =	vadd.f32 v41, v14  }
0x97: {  	v40 =	vadd.f32 v40, v11;
	v41 =	vor.u32 v17, v43;
	v33 =	vld.idx.msk [tilespmem:v33+s15+$0x0], $0xffff;
	[tilespmem:s3+$0xFFFFFFE0] =	vst v38  }
0x98: {  	v38 =	vor.u32 s1, v22;
	v32 =	vld.idx.msk [tilespmem:v32+s15+$0x0], $0xffff;
	[tilespmem:s3+$0x60] =	vst v39  }
0x99: {  	v43 =	vor.u32 s30, v22;
	v39 =	vor.u32 s29, v22;
	v42 =	vadd.f32 v42, v12;
	[tilespmem:s3+$0xFFFFFF60] =	vst v40;
	v34 =	vld.idx.msk [tilespmem:v34+s15+$0x0], $0xffff  }
0x9a: {  	s16 =	sadd.s32 $0x1, s10;
	v45 =	vor.u32 s31, v22;
	v40 =	vor.u32 s10, v16;
	v37 =	vadd.f32 v37, v15;
	v15 =	vmovc v12;
	v31 =	vld.idx.msk [tilespmem:v31+s15+$0x0], $0xffff  }
0x9b: {  	v46 =	vor.u32 s16, v16;
	v12 =	vmov s10;
	v36 =	vadd.f32 v36, v9;
	v44 =	vld.idx.msk [tilespmem:v44+s15+$0x0], $0xffff;
	[tilespmem:s8+$0xB0] =	vst v42  }
0x9c: {  	v47 =	vshll.u32 v12, $0x7;
	v42 =	vshll.u32 v12, $0x8;
	v35 =	vadd.f32 v35, v10;
	v12 =	vld.idx.msk [tilespmem:v41+s9+$0x0], $0xffff;
	[tilespmem:s3+$0xF0] =	vst v37  }
0x9d: {  	s24 =	sadd.s32 $0x2, s10;
	v37 =	vand.u32 $0x1800, v42;
	v41 =	vand.u32 $0x200, v47;
	v33 =	vadd.f32 v33, v8;
	[tilespmem:s8+$0xFFFFFFB0] =	vst v36;
	v36 =	vld.idx.msk [tilespmem:v38+s15+$0x0], $0xffff  }
0x9e: {  	v37 =	vor.u32 v37, v41;
	v38 =	vor.u32 s24, v16;
	v47 =	vadd.f32 v32, v13;
	v41 =	vld.idx.msk [tilespmem:v43+s15+$0x0], $0xffff;
	[tilespmem:s8+$0x30] =	vst v35  }
0x9f: {  	v32 =	vor.u32 v17, v37;
	v35 =	vor.u32 s0, v21;
	v48 =	vadd.f32 v34, v14;
	[tilespmem:s8+$0xFFFFFF30] =	vst v33;
	v33 =	vld.idx.msk [tilespmem:v45+s15+$0x0], $0xffff  }
0xa0: {  	v34 =	vor.u32 s23, v21;
	v31 =	vadd.f32 v31, v11;
	v11 =	vmovc v8;
	v37 =	vld.idx.msk [tilespmem:v39+s15+$0x0], $0xffff;
	v39 =	vor.u32 s30, v23;
	[tilespmem:s3+$0xFFFFFFF0] =	vst v47  }
0xa1: {  	v42 =	vor.u32 s31, v23;
	v13 =	vmovc v9;
	v9 =	vmovc v26;
	v43 =	vor.u32 s1, v23;
	v8 =	vmov v18;
	v40 =	vld.idx.msk [tilespmem:v40+s15+$0x0], $0xffff;
	[tilespmem:s3+$0x70] =	vst v48  }
0xa2: {  	v26 =	vmov s16;
	v14 =	vmovc v10;
	v10 =	vmovc v27;
	v44 =	vadd.f32 v44, v12;
	v45 =	vld.idx.msk [tilespmem:v46+s15+$0x0], $0xffff;
	v46 =	vor.u32 s4, v21;
	[tilespmem:s3+$0xFFFFFF70] =	vst v31;
	s3 =	smov.u32 s8  }
0xa3: {  	v27 =	vshll.u32 v26, $0x8;
	v36 =	vadd.f32 v36, v15;
	s8 =	sadd.s32 $0x200, s8;
	v31 =	vld.idx.msk [tilespmem:v38+s15+$0x0], $0xffff;
	v38 =	vor.u32 s7, v21  }
0xa4: {  	v26 =	vshll.u32 v26, $0x7;
	v29 =	vadd.f32 v29, v9;
	v18 =	vld.idx.msk [tilespmem:v32+s9+$0x0], $0xffff;
	[tilespmem:s8+$0x80] =	vst v44;
	v32 =	vadd.f32 v41, v13  }
0xa5: {  	v27 =	vand.u32 $0x1800, v27;
	v30 =	vadd.f32 v30, v10;
	v33 =	vadd.f32 v33, v14;
	v34 =	vld.idx.msk [tilespmem:v34+s15+$0x0], $0xffff;
	[tilespmem:s3+$0xC0] =	vst v36  }
0xa6: {  	v26 =	vand.u32 $0x280, v26;
	v36 =	vadd.f32 v28, v8;
	v37 =	vadd.f32 v37, v11;
	[tilespmem:s8+$0xFFFFFF80] =	vst v29;
	v41 =	vld.idx.msk [tilespmem:v43+s15+$0x0], $0xffff  }
0xa7: {  	v26 =	vor.u32 v27, v26;
	v43 =	vor.u32 s29, v23;
	v28 =	vmov v40;
	v27 =	vld.idx.msk [tilespmem:v46+s15+$0x0], $0xffff;
	[tilespmem:s8+$0x0] =	vst v30  }
0xa8: {  	v26 =	vor.u32 v17, v26;
	v29 =	vmov v45;
	[tilespmem:s8+$0xFFFFFF00] =	vst v36;
	v36 =	vld.idx.msk [tilespmem:v38+s15+$0x0], $0xffff  }
0xa9: {  	v38 =	vor.u32 s23, v20;
	v30 =	vmov v31;
	v35 =	vld.idx.msk [tilespmem:v35+s15+$0x0], $0xffff;
	[tilespmem:s3+$0xFFFFFFC0] =	vst v32  }
0xaa: {  	v32 =	vor.u32 s1, v24;
	v31 =	vld.idx.msk [tilespmem:v39+s15+$0x0], $0xffff;
	[tilespmem:s3+$0x40] =	vst v33  }
0xab: {  	v33 =	vor.u32 s0, v20;
	v39 =	vor.u32 s4, v20;
	v34 =	vadd.f32 v34, v12;
	[tilespmem:s3+$0xFFFFFF40] =	vst v37;
	v37 =	vld.idx.msk [tilespmem:v42+s15+$0x0], $0xffff  }
0xac: {  	v40 =	vor.u32 s7, v20;
	v41 =	vadd.f32 v41, v15;
	v42 =	vld.idx.msk [tilespmem:v43+s15+$0x0], $0xffff;
	v43 =	vor.u32 s30, v24  }
0xad: {  	v44 =	vmov s24;
	v27 =	vadd.f32 v27, v9;
	v26 =	vld.idx.msk [tilespmem:v26+s9+$0x0], $0xffff;
	[tilespmem:s8+$0x90] =	vst v34;
	v34 =	vor.u32 s31, v24  }
0xae: {  	v45 =	vshll.u32 v44, $0x8;
	v44 =	vshll.u32 v44, $0x7;
	v36 =	vadd.f32 v36, v10;
	v46 =	vld.idx.msk [tilespmem:v38+s15+$0x0], $0xffff;
	[tilespmem:s3+$0xD0] =	vst v41  }
0xaf: {  	v38 =	vand.u32 $0x1800, v45;
	v41 =	vand.u32 $0x300, v44;
	v35 =	vadd.f32 v35, v8;
	[tilespmem:s8+$0xFFFFFF90] =	vst v27;
	v27 =	vld.idx.msk [tilespmem:v32+s15+$0x0], $0xffff  }
0xb0: {  	v45 =	vor.u32 s29, v24;
	v32 =	vor.u32 v38, v41;
	v31 =	vadd.f32 v31, v13;
	v44 =	vld.idx.msk [tilespmem:v39+s15+$0x0], $0xffff;
	[tilespmem:s8+$0x10] =	vst v36  }
0xb1: {  	v32 =	vor.u32 v17, v32;
	[tilespmem:s8+$0xFFFFFF10] =	vst v35;
	v47 =	vld.idx.msk [tilespmem:v40+s15+$0x0], $0xffff;
	v35 =	vadd.f32 v37, v14  }
0xb2: {  	v48 =	vor.u32 s23, v19;
	v39 =	vld.idx.msk [tilespmem:v33+s15+$0x0], $0xffff;
	v33 =	vadd.f32 v42, v11;
	[tilespmem:s3+$0xFFFFFFD0] =	vst v31  }
.Ltmp0:
0xb3: {  	v37 =	vor.u32 s1, v25;
	s1 =	smov.u32 s23;
	v38 =	vld.idx.msk [tilespmem:v43+s15+$0x0], $0xffff;
	[tilespmem:s3+$0x50] =	vst v35;
	(pc) =	sbr.rel @p1 .LBB2_3-.Ltmp0, $4  }
0xb4: {  	v36 =	vor.u32 s4, v19;
	v42 =	vadd.f32 v46, v12;
	[tilespmem:s3+$0xFFFFFF50] =	vst v33;
	v41 =	vld.idx.msk [tilespmem:v34+s15+$0x0], $0xffff  }
0xb5: {  	v31 =	vor.u32 s29, v25;
	s29 =	smov.u32 s0;
	s0 =	smov.u32 s10;
	v35 =	vor.u32 s7, v19;
	v46 =	vadd.f32 v27, v15;
	v40 =	vld.idx.msk [tilespmem:v45+s15+$0x0], $0xffff  }
0xb6: {  	s23 =	sadd.s32 $0x3, s10;
	v33 =	vor.u32 s29, v19;
	v43 =	vadd.f32 v44, v9;
	v27 =	vld.idx.msk [tilespmem:v32+s9+$0x0], $0xffff;
	[tilespmem:s8+$0xA0] =	vst v42;
	v32 =	vor.u32 s30, v25;
	s30 =	smov.u32 s4;
	s4 =	smov.u32 s16  }
0xb7: {  	s10 =	sadd.s32 $0x4, s10;
	v34 =	vor.u32 s31, v25;
	s31 =	smov.u32 s7;
	s7 =	smov.u32 s24;
	v45 =	vmov s23;
	v44 =	vadd.f32 v47, v10;
	v42 =	vld.idx.msk [tilespmem:v48+s15+$0x0], $0xffff;
	[tilespmem:s3+$0xE0] =	vst v46  }
0xb8: {  	v46 =	vshll.u32 v45, $0x8;
	v58 =	vshll.u32 v45, $0x7  }
0xb9: {  	v46 =	vand.u32 $0x1800, v46;
	v45 =	vand.u32 $0x380, v58  }
0xba: {  	v16 =	vor.u32 s23, v16;
	v45 =	vor.u32 v46, v45  }
0xbb: {  	v17 =	vor.u32 v17, v45;
	_ =	sdelay $0x3  }
0xbc: {  	v59 =	vld.idx.msk [tilespmem:v16+s15+$0x0], $0xffff  }
0xbd: {  	v16 =	vld.idx.msk [tilespmem:v17+s9+$0x0], $0xffff;
	_ =	sdelay $0x2  }
0xbe: {  	v17 =	vor.u32 s23, v21  }
0xbf: {  	v60 =	vor.u32 s4, v21  }
0xc0: {  	[tilespmem:s8+$0xFFFFFFA0] =	vst v43;
	v62 =	vor.u32 s7, v21;
	v61 =	vadd.f32 v59, v16  }
0xc1: {  	s10 =	sadd.s32 $0x200, s8;
	v29 =	vadd.f32 v29, v26;
	[tilespmem:s8+$0x20] =	vst v44;
	v21 =	vor.u32 s0, v21  }
0xc2: {  	v30 =	vadd.f32 v30, v27;
	[tilespmem:s10+$0x80] =	vst v61  }
0xc3: {  	v28 =	vadd.f32 v28, v18;
	[tilespmem:s10+$0xFFFFFF80] =	vst v29;
	v17 =	vld.idx.msk [tilespmem:v17+s15+$0x0], $0xffff  }
0xc4: {  	v29 =	vadd.f32 v39, v8;
	v63 =	vld.idx.msk [tilespmem:v60+s15+$0x0], $0xffff;
	[tilespmem:s10+$0x0] =	vst v30  }
0xc5: {  	[tilespmem:s10+$0xFFFFFF00] =	vst v28;
	v30 =	vadd.f32 v38, v13;
	v28 =	vld.idx.msk [tilespmem:v62+s15+$0x0], $0xffff  }
0xc6: {  	v44 =	vor.u32 s23, v20;
	[tilespmem:s8+$0xFFFFFF20] =	vst v29;
	v29 =	vadd.f32 v41, v14;
	v21 =	vld.idx.msk [tilespmem:v21+s15+$0x0], $0xffff  }
0xc7: {  	v40 =	vadd.f32 v40, v11;
	[tilespmem:s3+$0xFFFFFFE0] =	vst v30;
	v30 =	vor.u32 s4, v20  }
0xc8: {  	v37 =	vld.idx.msk [tilespmem:v37+s15+$0x0], $0xffff;
	[tilespmem:s3+$0x60] =	vst v29;
	v29 =	vor.u32 s7, v20;
	v17 =	vadd.f32 v17, v16  }
0xc9: {  	v36 =	vld.idx.msk [tilespmem:v36+s15+$0x0], $0xffff;
	[tilespmem:s3+$0xFFFFFF60] =	vst v40;
	v20 =	vor.u32 s0, v20;
	v39 =	vadd.f32 v63, v26  }
0xca: {  	v35 =	vld.idx.msk [tilespmem:v35+s15+$0x0], $0xffff;
	[tilespmem:s10+$0x90] =	vst v17;
	v17 =	vadd.f32 v28, v27  }
0xcb: {  	[tilespmem:s10+$0xFFFFFF90] =	vst v39;
	v21 =	vadd.f32 v21, v18;
	v28 =	vld.idx.msk [tilespmem:v44+s15+$0x0], $0xffff  }
0xcc: {  	v45 =	vadd.f32 v42, v12;
	v30 =	vld.idx.msk [tilespmem:v30+s15+$0x0], $0xffff;
	[tilespmem:s10+$0x10] =	vst v17  }
0xcd: {  	v15 =	vadd.f32 v37, v15;
	[tilespmem:s10+$0xFFFFFF10] =	vst v21;
	v17 =	vld.idx.msk [tilespmem:v29+s15+$0x0], $0xffff  }
0xce: {  	[tilespmem:s8+$0xB0] =	vst v45;
	v21 =	vadd.f32 v36, v9;
	v20 =	vld.idx.msk [tilespmem:v20+s15+$0x0], $0xffff;
	v29 =	vor.u32 s23, v19  }
0xcf: {  	v33 =	vld.idx.msk [tilespmem:v33+s15+$0x0], $0xffff;
	v35 =	vadd.f32 v35, v10;
	[tilespmem:s3+$0xF0] =	vst v15;
	v15 =	vor.u32 s4, v19  }
0xd0: {  	v32 =	vld.idx.msk [tilespmem:v32+s15+$0x0], $0xffff;
	[tilespmem:s8+$0xFFFFFFB0] =	vst v21;
	v21 =	vadd.f32 v28, v16;
	v28 =	vor.u32 s7, v19  }
0xd1: {  	v34 =	vld.idx.msk [tilespmem:v34+s15+$0x0], $0xffff;
	[tilespmem:s8+$0x30] =	vst v35;
	v30 =	vadd.f32 v30, v26;
	v19 =	vor.u32 s0, v19  }
0xd2: {  	v46 =	vor.u32 s1, v22;
	v31 =	vld.idx.msk [tilespmem:v31+s15+$0x0], $0xffff;
	[tilespmem:s10+$0xA0] =	vst v21;
	v17 =	vadd.f32 v17, v27  }
0xd3: {  	[tilespmem:s10+$0xFFFFFFA0] =	vst v30;
	v20 =	vadd.f32 v20, v18;
	v21 =	vor.u32 s30, v22;
	v29 =	vld.idx.msk [tilespmem:v29+s15+$0x0], $0xffff  }
0xd4: {  	v33 =	vadd.f32 v33, v8;
	v30 =	vor.u32 s31, v22;
	v15 =	vld.idx.msk [tilespmem:v15+s15+$0x0], $0xffff;
	[tilespmem:s10+$0x20] =	vst v17  }
0xd5: {  	v13 =	vadd.f32 v32, v13;
	[tilespmem:s10+$0xFFFFFF20] =	vst v20;
	v17 =	vor.u32 s29, v22;
	v20 =	vld.idx.msk [tilespmem:v28+s15+$0x0], $0xffff  }
0xd6: {  	[tilespmem:s8+$0xFFFFFF30] =	vst v33;
	v14 =	vadd.f32 v34, v14;
	v19 =	vld.idx.msk [tilespmem:v19+s15+$0x0], $0xffff;
	v28 =	vor.u32 s23, v22  }
0xd7: {  	v47 =	vld.idx.msk [tilespmem:v46+s15+$0x0], $0xffff;
	v11 =	vadd.f32 v31, v11;
	[tilespmem:s3+$0xFFFFFFF0] =	vst v13;
	v13 =	vor.u32 s4, v22  }
0xd8: {  	[tilespmem:s3+$0x70] =	vst v14;
	v21 =	vld.idx.msk [tilespmem:v21+s15+$0x0], $0xffff;
	v14 =	vadd.f32 v29, v16;
	v29 =	vor.u32 s7, v22  }
0xd9: {  	[tilespmem:s3+$0xFFFFFF70] =	vst v11;
	v11 =	vor.u32 s0, v22;
	v30 =	vld.idx.msk [tilespmem:v30+s15+$0x0], $0xffff;
	v15 =	vadd.f32 v15, v26  }
0xda: {  	v22 =	vor.u32 s1, v23;
	v17 =	vld.idx.msk [tilespmem:v17+s15+$0x0], $0xffff;
	[tilespmem:s10+$0xB0] =	vst v14;
	v14 =	vadd.f32 v20, v27  }
0xdb: {  	[tilespmem:s10+$0xFFFFFFB0] =	vst v15;
	v20 =	vor.u32 s30, v23;
	v19 =	vadd.f32 v19, v18;
	v15 =	vld.idx.msk [tilespmem:v28+s15+$0x0], $0xffff  }
0xdc: {  	v31 =	vadd.f32 v47, v12;
	v13 =	vld.idx.msk [tilespmem:v13+s15+$0x0], $0xffff;
	v28 =	vor.u32 s31, v23;
	[tilespmem:s10+$0x30] =	vst v14  }
0xdd: {  	v14 =	vadd.f32 v21, v9;
	v21 =	vor.u32 s29, v23;
	[tilespmem:s10+$0xFFFFFF30] =	vst v19;
	v19 =	vld.idx.msk [tilespmem:v29+s15+$0x0], $0xffff  }
0xde: {  	[tilespmem:s8+$0xC0] =	vst v31;
	v29 =	vadd.f32 v30, v10;
	v11 =	vld.idx.msk [tilespmem:v11+s15+$0x0], $0xffff;
	v30 =	vor.u32 s23, v23  }
0xdf: {  	v22 =	vld.idx.msk [tilespmem:v22+s15+$0x0], $0xffff;
	v17 =	vadd.f32 v17, v8;
	[tilespmem:s8+$0xFFFFFFC0] =	vst v14;
	v14 =	vor.u32 s4, v23  }
0xe0: {  	v20 =	vld.idx.msk [tilespmem:v20+s15+$0x0], $0xffff;
	[tilespmem:s8+$0x40] =	vst v29;
	v29 =	vor.u32 s7, v23;
	v15 =	vadd.f32 v15, v16  }
0xe1: {  	v13 =	vadd.f32 v13, v26;
	v23 =	vor.u32 s0, v23;
	[tilespmem:s8+$0xFFFFFF40] =	vst v17;
	v17 =	vld.idx.msk [tilespmem:v28+s15+$0x0], $0xffff  }
0xe2: {  	v28 =	vor.u32 s1, v24;
	v21 =	vld.idx.msk [tilespmem:v21+s15+$0x0], $0xffff;
	v19 =	vadd.f32 v19, v27;
	[tilespmem:s10+$0xC0] =	vst v15  }
0xe3: {  	[tilespmem:s10+$0xFFFFFFC0] =	vst v13;
	v15 =	vor.u32 s30, v24;
	v11 =	vadd.f32 v11, v18;
	v30 =	vld.idx.msk [tilespmem:v30+s15+$0x0], $0xffff  }
0xe4: {  	v13 =	vadd.f32 v22, v12;
	v22 =	vor.u32 s31, v24;
	v14 =	vld.idx.msk [tilespmem:v14+s15+$0x0], $0xffff;
	[tilespmem:s10+$0x40] =	vst v19  }
0xe5: {  	v19 =	vor.u32 s29, v24;
	v20 =	vadd.f32 v20, v9;
	[tilespmem:s10+$0xFFFFFF40] =	vst v11;
	v11 =	vld.idx.msk [tilespmem:v29+s15+$0x0], $0xffff  }
0xe6: {  	[tilespmem:s8+$0xD0] =	vst v13;
	v13 =	vadd.f32 v17, v10;
	v17 =	vor.u32 s23, v24;
	v23 =	vld.idx.msk [tilespmem:v23+s15+$0x0], $0xffff  }
0xe7: {  	v28 =	vld.idx.msk [tilespmem:v28+s15+$0x0], $0xffff;
	v21 =	vadd.f32 v21, v8;
	[tilespmem:s8+$0xFFFFFFD0] =	vst v20;
	v20 =	vor.u32 s4, v24  }
0xe8: {  	v29 =	vor.u32 s7, v24;
	v15 =	vld.idx.msk [tilespmem:v15+s15+$0x0], $0xffff;
	[tilespmem:s8+$0x50] =	vst v13;
	v13 =	vadd.f32 v30, v16  }
0xe9: {  	[tilespmem:s8+$0xFFFFFF50] =	vst v21;
	v21 =	vld.idx.msk [tilespmem:v22+s15+$0x0], $0xffff;
	v22 =	vor.u32 s0, v24;
	v14 =	vadd.f32 v14, v26  }
0xea: {  	v24 =	vor.u32 s1, v25;
	v19 =	vld.idx.msk [tilespmem:v19+s15+$0x0], $0xffff;
	[tilespmem:s10+$0xD0] =	vst v13;
	v11 =	vadd.f32 v11, v27  }
0xeb: {  	v13 =	vor.u32 s30, v25;
	v23 =	vadd.f32 v23, v18;
	[tilespmem:s10+$0xFFFFFFD0] =	vst v14;
	v17 =	vld.idx.msk [tilespmem:v17+s15+$0x0], $0xffff  }
0xec: {  	v14 =	vadd.f32 v28, v12;
	v28 =	vor.u32 s31, v25;
	v20 =	vld.idx.msk [tilespmem:v20+s15+$0x0], $0xffff;
	[tilespmem:s10+$0x50] =	vst v11  }
0xed: {  	v11 =	vor.u32 s29, v25;
	v15 =	vadd.f32 v15, v9;
	[tilespmem:s10+$0xFFFFFF50] =	vst v23;
	v23 =	vld.idx.msk [tilespmem:v29+s15+$0x0], $0xffff  }
0xee: {  	[tilespmem:s8+$0xE0] =	vst v14;
	v14 =	vadd.f32 v21, v10;
	v21 =	vor.u32 s23, v25;
	v22 =	vld.idx.msk [tilespmem:v22+s15+$0x0], $0xffff  }
0xef: {  	v24 =	vld.idx.msk [tilespmem:v24+s15+$0x0], $0xffff;
	v19 =	vadd.f32 v19, v8;
	[tilespmem:s8+$0xFFFFFFE0] =	vst v15;
	v15 =	vor.u32 s4, v25  }
0xf0: {  	v13 =	vld.idx.msk [tilespmem:v13+s15+$0x0], $0xffff;
	[tilespmem:s8+$0x60] =	vst v14;
	v14 =	vadd.f32 v17, v16;
	v17 =	vor.u32 s7, v25  }
0xf1: {  	[tilespmem:s8+$0xFFFFFF60] =	vst v19;
	v19 =	vld.idx.msk [tilespmem:v28+s15+$0x0], $0xffff;
	v25 =	vor.u32 s0, v25;
	v20 =	vadd.f32 v20, v26  }
0xf2: {  	v11 =	vld.idx.msk [tilespmem:v11+s15+$0x0], $0xffff;
	[tilespmem:s10+$0xE0] =	vst v14;
	v14 =	vadd.f32 v23, v27  }
0xf3: {  	v22 =	vadd.f32 v22, v18;
	[tilespmem:s10+$0xFFFFFFE0] =	vst v20;
	v21 =	vld.idx.msk [tilespmem:v21+s15+$0x0], $0xffff  }
0xf4: {  	v12 =	vadd.f32 v24, v12;
	v15 =	vld.idx.msk [tilespmem:v15+s15+$0x0], $0xffff;
	[tilespmem:s10+$0x60] =	vst v14  }
0xf5: {  	v9 =	vadd.f32 v13, v9;
	[tilespmem:s10+$0xFFFFFF60] =	vst v22;
	v13 =	vld.idx.msk [tilespmem:v17+s15+$0x0], $0xffff  }
0xf6: {  	[tilespmem:s8+$0xF0] =	vst v12;
	v10 =	vadd.f32 v19, v10;
	v12 =	vld.idx.msk [tilespmem:v25+s15+$0x0], $0xffff  }
0xf7: {  	v8 =	vadd.f32 v11, v8;
	[tilespmem:s8+$0xFFFFFFF0] =	vst v9  }
0xf8: {  	[tilespmem:s8+$0x70] =	vst v10;
	v9 =	vadd.f32 v21, v16  }
0xf9: {  	[tilespmem:s8+$0xFFFFFF70] =	vst v8;
	v8 =	vadd.f32 v15, v26  }
0xfa: {  	s16 =	sshll.u32 s25, $0x12;
	[tilespmem:s10+$0xF0] =	vst v9;
	v9 =	vadd.f32 v13, v27  }
0xfb: {  	s0 =	sor.u32 s5, s16;
	v10 =	vadd.f32 v12, v18;
	[tilespmem:s10+$0xFFFFFFF0] =	vst v8  }
0xfc: {  	s0 =	sshrl.u32 s0, $0x3;
	[tilespmem:s10+$0x70] =	vst v9  }
0xfd: {  	s22 =	sshll.u32 s22, $0x7;
	s0 =	sadd.s32 s2, s0;
	[tilespmem:s10+$0xFFFFFF70] =	vst v10  }
0xfe: {  	[hbm4b:s0+s11] =	stream.strided.scatter [tilespmem:s19], [sflag:$0x3], $0x1000, s12, s11, $0x38;
	[tilespmem:$0x12500] =	vst v63  }
0xff: {  	v8 =	vld [tilespmem:s22+$0x100];
	_ =	sdelay $0x4  }
0x100: {  	v8 =	vshrl.u32 v8, $0x2  }
0x101: {  	[tilespmem:$0x6400] =	vst v8  }
0x102: {  	v8 =	vld [tilespmem:s22+$0x110];
	_ =	sdelay $0x4  }
0x103: {  	v8 =	vshrl.u32 v8, $0x2  }
0x104: {  	[tilespmem:$0x6410] =	vst v8  }
0x105: {  	v8 =	vld [tilespmem:s22+$0x120];
	_ =	sdelay $0x4  }
0x106: {  	v8 =	vshrl.u32 v8, $0x2  }
0x107: {  	[tilespmem:$0x6420] =	vst v8  }
0x108: {  	v8 =	vld [tilespmem:s22+$0x130];
	_ =	sdelay $0x4  }
0x109: {  	v8 =	vshrl.u32 v8, $0x2  }
0x10a: {  	[tilespmem:$0x6430] =	vst v8  }
0x10b: {  	v8 =	vld [tilespmem:s22+$0x140];
	_ =	sdelay $0x4  }
0x10c: {  	v8 =	vshrl.u32 v8, $0x2  }
0x10d: {  	[tilespmem:$0x6440] =	vst v8  }
0x10e: {  	v8 =	vld [tilespmem:s22+$0x150];
	_ =	sdelay $0x4  }
0x10f: {  	v8 =	vshrl.u32 v8, $0x2  }
0x110: {  	[tilespmem:$0x6450] =	vst v8  }
0x111: {  	v8 =	vld [tilespmem:s22+$0x160];
	_ =	sdelay $0x4  }
0x112: {  	v8 =	vshrl.u32 v8, $0x2  }
0x113: {  	[tilespmem:$0x6460] =	vst v8  }
0x114: {  	v8 =	vld [tilespmem:s22+$0x170];
	_ =	sdelay $0x4  }
0x115: {  	v8 =	vshrl.u32 v8, $0x2  }
0x116: {  	[tilespmem:$0x6470] =	vst v8  }
0x117: {  	[tilespmem:s15], [sflag:$0x1] =	stream.indirect.gather [hbm4b:s6+s13], $0x80, s14, s13, $0xb8;
	[tilespmem:$0x12500] =	vst v63  }
0x118: {  	_ =	swait.ge [sflag:s20], $0x4000  }
0x119: {  	s24 =	simm.s32 $0x1;
	[sflag:s20] =	ssyncset.done $0x0  }
0x11a: {  	v14 =	vmov s24;
	s0 =	simm.s32 @!p0 $0x4;
	[sflag:s20] =	ssyncadd.s32 $0xFFFFC000  }
0x11b: {  	v15 =	vshll.u32 v14, $0x8;
	v14 =	vshll.u32 v14, $0x7;
	_ =	swait.ge @!p0 [sflag:s0], $0x1000  }
0x11c: {  	s16 =	simm.s32 $0x3;
	v15 =	vand.u32 $0x1800, v15;
	v14 =	vand.u32 $0x280, v14;
	[sflag:s0] =	ssyncset.done @!p0 $0x0  }
0x11d: {  	s31 =	simm.s32 $0x2;
	v14 =	vor.u32 v15, v14;
	v15 =	vmov s16;
	[sflag:s0] =	ssyncadd.s32 @!p0 $0xFFFFF000  }
0x11e: {  	v18 =	vmov s31;
	v19 =	vshll.u32 v15, $0x8;
	v9 =	vmov s26;
	v8 =	vld [tilespmem:s28+$0x0]  }
0x11f: {  	v20 =	vshll.u32 v18, $0x8;
	v18 =	vshll.u32 v18, $0x7;
	v10 =	vshll.u32 v9, $0x3  }
0x120: {  	s23 =	simm.s32 $0x0;
	v20 =	vand.u32 $0x1800, v20;
	v9 =	vand.u32 $0x7F, v9;
	v10 =	vand.u32 $0x400, v10  }
0x121: {  	v18 =	vand.u32 $0x300, v18;
	v13 =	vor.u32 v10, v9;
	v9 =	vmov s23  }
0x122: {  	v15 =	vshll.u32 v15, $0x7;
	v18 =	vor.u32 v20, v18;
	v11 =	vshll.u32 v9, $0x8  }
0x123: {  	v9 =	vshll.u32 v9, $0x7;
	v14 =	vor.u32 v13, v14;
	v8 =	vshll.u32 v8, $0x5  }
0x124: {  	v11 =	vand.u32 $0x1800, v11;
	v9 =	vand.u32 $0x200, v9;
	v8 =	vand.u32 $0x60, v8  }
0x125: {  	v9 =	vor.u32 v11, v9;
	v11 =	vor.u32 v13, v18;
	v12 =	vor.u32 v0, v8  }
0x126: {  	v19 =	vand.u32 $0x1800, v19;
	v15 =	vand.u32 $0x380, v15;
	v17 =	vld [tilespmem:s28+$0x10];
	v8 =	vor.u32 s23, v12  }
0x127: {  	v15 =	vor.u32 v19, v15;
	v22 =	vld [tilespmem:s28+$0x20];
	v19 =	vor.u32 s16, v12  }
0x128: {  	v15 =	vor.u32 v13, v15;
	v23 =	vld [tilespmem:s28+$0x30]  }
0x129: {  	v21 =	vld.idx.msk [tilespmem:v14+s9+$0x0], $0xffff;
	v10 =	vor.u32 s24, v12  }
0x12a: {  	v20 =	vld.idx.msk [tilespmem:v11+s9+$0x0], $0xffff;
	v16 =	vor.u32 s31, v12  }
0x12b: {  	v9 =	vor.u32 v13, v9;
	v8 =	vld.idx.msk [tilespmem:v8+s17+$0x0], $0xffff  }
0x12c: {  	v18 =	vld.idx.msk [tilespmem:v19+s17+$0x0], $0xffff  }
0x12d: {  	v19 =	vshll.u32 v17, $0x5;
	v17 =	vld.idx.msk [tilespmem:v15+s9+$0x0], $0xffff  }
0x12e: {  	v10 =	vld.idx.msk [tilespmem:v10+s17+$0x0], $0xffff;
	v15 =	vand.u32 $0x60, v19  }
0x12f: {  	v16 =	vld.idx.msk [tilespmem:v16+s17+$0x0], $0xffff;
	v19 =	vor.u32 v1, v15  }
0x130: {  	v15 =	vld.idx.msk [tilespmem:v9+s9+$0x0], $0xffff;
	v9 =	vor.u32 s16, v19  }
0x131: {  	v24 =	vld [tilespmem:s28+$0x40];
	v11 =	vor.u32 s24, v19  }
0x132: {  	v26 =	vld [tilespmem:s28+$0x50];
	v27 =	vor.u32 s31, v19;
	v18 =	vadd.f32 v18, v17  }
0x133: {  	s30 =	simm.s32 $0x6;
	s29 =	simm.s32 $0x5;
	s8 =	simm.s32 $0xF600;
	v14 =	vld [tilespmem:s28+$0x60];
	v28 =	vor.u32 s23, v19;
	v10 =	vadd.f32 v10, v21  }
0x134: {  	v50 =	vmov s30;
	v49 =	vmov s29;
	v25 =	vld [tilespmem:s28+$0x70];
	v29 =	vadd.f32 v16, v20;
	[tilespmem:s8+$0x80] =	vst v18  }
0x135: {  	v33 =	vshll.u32 v49, $0x7;
	v22 =	vshll.u32 v22, $0x5;
	v8 =	vadd.f32 v8, v15;
	[tilespmem:s8+$0xFFFFFF80] =	vst v10;
	v9 =	vld.idx.msk [tilespmem:v9+s17+$0x0], $0xffff  }
0x136: {  	s28 =	simm.s32 $0x4;
	v23 =	vshll.u32 v23, $0x5;
	v31 =	vor.u32 s30, v12;
	v16 =	vand.u32 $0x60, v22;
	[tilespmem:s8+$0x0] =	vst v29;
	v11 =	vld.idx.msk [tilespmem:v11+s17+$0x0], $0xffff  }
0x137: {  	v22 =	vand.u32 $0x60, v23;
	v23 =	vmov s28;
	v18 =	vor.u32 v2, v16;
	[tilespmem:s8+$0xFFFFFF00] =	vst v8;
	v8 =	vld.idx.msk [tilespmem:v27+s17+$0x0], $0xffff  }
0x138: {  	v29 =	vor.u32 s16, v18;
	v27 =	vshll.u32 v23, $0x8;
	v23 =	vshll.u32 v23, $0x7;
	v28 =	vld.idx.msk [tilespmem:v28+s17+$0x0], $0xffff  }
0x139: {  	v30 =	vor.u32 s24, v18;
	v27 =	vand.u32 $0x1800, v27;
	v23 =	vand.u32 $0x200, v23  }
0x13a: {  	v23 =	vor.u32 v27, v23;
	v27 =	vor.u32 s31, v18;
	v9 =	vadd.f32 v9, v17  }
0x13b: {  	v10 =	vshll.u32 v24, $0x5;
	v48 =	vor.u32 s23, v18;
	v11 =	vadd.f32 v11, v21  }
0x13c: {  	v16 =	vor.u32 v3, v22;
	v22 =	vor.u32 s28, v12;
	v8 =	vadd.f32 v8, v20;
	[tilespmem:s8+$0x90] =	vst v9  }
0x13d: {  	v24 =	vor.u32 s29, v12;
	v9 =	vshll.u32 v49, $0x8;
	v28 =	vadd.f32 v28, v15;
	[tilespmem:s8+$0xFFFFFF90] =	vst v11;
	v29 =	vld.idx.msk [tilespmem:v29+s17+$0x0], $0xffff  }
0x13e: {  	v23 =	vor.u32 v13, v23;
	v11 =	vand.u32 $0x280, v33;
	v9 =	vand.u32 $0x1800, v9;
	v30 =	vld.idx.msk [tilespmem:v30+s17+$0x0], $0xffff;
	[tilespmem:s8+$0x10] =	vst v8  }
0x13f: {  	v8 =	vor.u32 v9, v11;
	v9 =	vshll.u32 v50, $0x8;
	v11 =	vshll.u32 v50, $0x7;
	[tilespmem:s8+$0xFFFFFF10] =	vst v28;
	v27 =	vld.idx.msk [tilespmem:v27+s17+$0x0], $0xffff  }
0x140: {  	v51 =	vor.u32 s16, v16;
	v9 =	vand.u32 $0x1800, v9;
	v11 =	vand.u32 $0x300, v11;
	v28 =	vld.idx.msk [tilespmem:v48+s17+$0x0], $0xffff  }
0x141: {  	s1 =	simm.s32 $0x7;
	v31 =	vld.idx.msk [tilespmem:v31+s17+$0x0], $0xffff;
	v52 =	vor.u32 v13, v8;
	v8 =	vor.u32 v9, v11;
	v9 =	vor.u32 s24, v16  }
0x142: {  	v54 =	vmov s1;
	v33 =	vld.idx.msk [tilespmem:v22+s17+$0x0], $0xffff;
	v11 =	vor.u32 v13, v8;
	v22 =	vadd.f32 v29, v17  }
0x143: {  	v53 =	vor.u32 s23, v16;
	v24 =	vld.idx.msk [tilespmem:v24+s17+$0x0], $0xffff;
	v29 =	vor.u32 s31, v16;
	v30 =	vadd.f32 v30, v21  }
0x144: {  	v8 =	vld.idx.msk [tilespmem:v23+s9+$0x0], $0xffff;
	v23 =	vshll.u32 v54, $0x8;
	[tilespmem:s8+$0xA0] =	vst v22;
	v22 =	vadd.f32 v27, v20;
	v27 =	vshll.u32 v54, $0x7  }
0x145: {  	v23 =	vand.u32 $0x1800, v23;
	v28 =	vadd.f32 v28, v15;
	[tilespmem:s8+$0xFFFFFFA0] =	vst v30;
	v32 =	vld.idx.msk [tilespmem:v51+s17+$0x0], $0xffff;
	v27 =	vand.u32 $0x380, v27  }
0x146: {  	v10 =	vand.u32 $0x60, v10;
	v30 =	vld.idx.msk [tilespmem:v9+s17+$0x0], $0xffff;
	[tilespmem:s8+$0x20] =	vst v22;
	v9 =	vor.u32 v23, v27;
	v23 =	vor.u32 s1, v12  }
0x147: {  	v22 =	vor.u32 v4, v10;
	[tilespmem:s8+$0xFFFFFF20] =	vst v28;
	v10 =	vld.idx.msk [tilespmem:v11+s9+$0x0], $0xffff;
	v28 =	vor.u32 v13, v9  }
0x148: {  	s0 =	simm.s32 $0x8;
	v27 =	vld.idx.msk [tilespmem:v29+s17+$0x0], $0xffff;
	v55 =	vor.u32 s16, v22  }
0x149: {  	v60 =	vmov s0;
	v58 =	vor.u32 s0, v12;
	v29 =	vld.idx.msk [tilespmem:v53+s17+$0x0], $0xffff  }
0x14a: {  	s3 =	simm.s32 $0x9;
	v38 =	vshll.u32 v60, $0x7;
	v9 =	vld.idx.msk [tilespmem:v52+s9+$0x0], $0xffff;
	v57 =	vor.u32 s24, v22;
	v11 =	vadd.f32 v32, v17  }
0x14b: {  	v61 =	vor.u32 s3, v12;
	v50 =	vor.u32 s28, v19;
	v51 =	vor.u32 s29, v19;
	v62 =	vld.idx.msk [tilespmem:v23+s17+$0x0], $0xffff  }
0x14c: {  	v53 =	vor.u32 s30, v19;
	v23 =	vadd.f32 v30, v21;
	v30 =	vshll.u32 v60, $0x8;
	[tilespmem:s8+$0xB0] =	vst v11;
	v11 =	vld.idx.msk [tilespmem:v28+s9+$0x0], $0xffff  }
0x14d: {  	v31 =	vadd.f32 v31, v10;
	v28 =	vand.u32 $0x1800, v30;
	v30 =	vand.u32 $0x200, v38;
	v35 =	vld.idx.msk [tilespmem:v55+s17+$0x0], $0xffff  }
0x14e: {  	s7 =	simm.s32 $0xF800;
	v29 =	vadd.f32 v29, v15;
	[tilespmem:s8+$0xFFFFFFB0] =	vst v23;
	v23 =	vshll.u32 v26, $0x5;
	v26 =	vor.u32 v28, v30;
	v28 =	vld.idx.msk [tilespmem:v58+s17+$0x0], $0xffff  }
0x14f: {  	v33 =	vadd.f32 v33, v8;
	v59 =	vor.u32 s31, v22;
	[tilespmem:s7+$0x0] =	vst v31;
	v36 =	vld.idx.msk [tilespmem:v57+s17+$0x0], $0xffff  }
0x150: {  	v56 =	vor.u32 s23, v22;
	v24 =	vadd.f32 v24, v9;
	[tilespmem:s8+$0xFFFFFF30] =	vst v29;
	v29 =	vld.idx.msk [tilespmem:v61+s17+$0x0], $0xffff  }
0x151: {  	[tilespmem:s7+$0xFFFFFF00] =	vst v33;
	v27 =	vadd.f32 v27, v20;
	v23 =	vand.u32 $0x60, v23;
	v26 =	vor.u32 v13, v26;
	v60 =	vld.idx.msk [tilespmem:v53+s17+$0x0], $0xffff  }
0x152: {  	s4 =	simm.s32 $0xA;
	v63 =	vor.u32 s1, v19;
	[tilespmem:s7+$0xFFFFFF80] =	vst v24;
	v61 =	vld.idx.msk [tilespmem:v50+s17+$0x0], $0xffff;
	v23 =	vor.u32 v5, v23  }
0x153: {  	v48 =	vshll.u32 v14, $0x5;
	v30 =	vor.u32 s4, v12;
	[tilespmem:s8+$0x30] =	vst v27;
	v58 =	vld.idx.msk [tilespmem:v51+s17+$0x0], $0xffff;
	v49 =	vor.u32 s16, v23  }
0x154: {  	v55 =	vmov s3;
	v31 =	vand.u32 $0x60, v48;
	v27 =	vld.idx.msk [tilespmem:v59+s17+$0x0], $0xffff;
	v40 =	vadd.f32 v62, v11  }
0x155: {  	v48 =	vor.u32 s29, v18;
	v34 =	vld.idx.msk [tilespmem:v56+s17+$0x0], $0xffff;
	v52 =	vor.u32 s24, v23;
	v35 =	vadd.f32 v35, v17  }
0x156: {  	v56 =	vshll.u32 v55, $0x7;
	v54 =	vor.u32 s31, v23;
	v14 =	vld.idx.msk [tilespmem:v26+s9+$0x0], $0xffff;
	[tilespmem:s7+$0x80] =	vst v40;
	v26 =	vshll.u32 v55, $0x8  }
0x157: {  	v57 =	vand.u32 $0x280, v56;
	v36 =	vadd.f32 v36, v21;
	v37 =	vld.idx.msk [tilespmem:v63+s17+$0x0], $0xffff;
	[tilespmem:s8+$0xC0] =	vst v35;
	v26 =	vand.u32 $0x1800, v26  }
0x158: {  	v35 =	vadd.f32 v58, v9;
	v32 =	vld.idx.msk [tilespmem:v49+s17+$0x0], $0xffff;
	v24 =	vor.u32 v26, v57;
	v26 =	vor.u32 s23, v23  }
0x159: {  	v30 =	vld.idx.msk [tilespmem:v30+s17+$0x0], $0xffff;
	v27 =	vadd.f32 v27, v20;
	[tilespmem:s8+$0xFFFFFFC0] =	vst v36;
	v49 =	vor.u32 s30, v18;
	v59 =	vor.u32 v13, v24  }
0x15a: {  	v62 =	vor.u32 s1, v18;
	v24 =	vor.u32 v6, v31;
	v31 =	vadd.f32 v34, v15;
	v36 =	vld.idx.msk [tilespmem:v52+s17+$0x0], $0xffff;
	[tilespmem:s7+$0xFFFFFF90] =	vst v35  }
0x15b: {  	v33 =	vadd.f32 v60, v10;
	[tilespmem:s8+$0x40] =	vst v27;
	v27 =	vor.u32 s16, v24;
	v56 =	vld.idx.msk [tilespmem:v48+s17+$0x0], $0xffff  }
0x15c: {  	v25 =	vshll.u32 v25, $0x5;
	v63 =	vor.u32 s28, v18;
	[tilespmem:s8+$0xFFFFFF40] =	vst v31;
	v31 =	vld.idx.msk [tilespmem:v54+s17+$0x0], $0xffff;
	v37 =	vadd.f32 v37, v11  }
0x15d: {  	[tilespmem:s7+$0x10] =	vst v33;
	v52 =	vmov s4;
	v34 =	vadd.f32 v61, v8;
	v50 =	vld.idx.msk [tilespmem:v26+s17+$0x0], $0xffff;
	v32 =	vadd.f32 v32, v17  }
0x15e: {  	v51 =	vor.u32 s24, v24;
	v38 =	vshll.u32 v52, $0x7;
	v54 =	vshll.u32 v52, $0x8;
	v60 =	vld.idx.msk [tilespmem:v49+s17+$0x0], $0xffff;
	[tilespmem:s7+$0x90] =	vst v37  }
0x15f: {  	v53 =	vor.u32 s31, v24;
	v38 =	vand.u32 $0x300, v38;
	v55 =	vand.u32 $0x1800, v54;
	v39 =	vld.idx.msk [tilespmem:v62+s17+$0x0], $0xffff;
	[tilespmem:s8+$0xD0] =	vst v32  }
0x160: {  	v57 =	vor.u32 s23, v24;
	v58 =	vadd.f32 v36, v21;
	v32 =	vor.u32 v55, v38;
	v27 =	vld.idx.msk [tilespmem:v27+s17+$0x0], $0xffff  }
0x161: {  	v25 =	vand.u32 $0x60, v25;
	[tilespmem:s7+$0xFFFFFF10] =	vst v34;
	v26 =	vld.idx.msk [tilespmem:v59+s9+$0x0], $0xffff;
	v59 =	vor.u32 v13, v32;
	v61 =	vadd.f32 v31, v20  }
0x162: {  	v25 =	vor.u32 v7, v25;
	v62 =	vor.u32 s1, v16;
	v31 =	vld.idx.msk [tilespmem:v63+s17+$0x0], $0xffff;
	[tilespmem:s8+$0xFFFFFFD0] =	vst v58;
	v63 =	vadd.f32 v50, v15  }
0x163: {  	v41 =	vor.u32 s16, v25;
	v40 =	vld.idx.msk [tilespmem:v51+s17+$0x0], $0xffff;
	[tilespmem:s8+$0x50] =	vst v61  }
0x164: {  	s22 =	simm.s32 $0xB;
	v33 =	vor.u32 s29, v16;
	v42 =	vld.idx.msk [tilespmem:v53+s17+$0x0], $0xffff;
	v39 =	vadd.f32 v39, v11;
	[tilespmem:s8+$0xFFFFFF50] =	vst v63  }
0x165: {  	v45 =	vmov s22;
	v32 =	vor.u32 s30, v16;
	v38 =	vld.idx.msk [tilespmem:v57+s17+$0x0], $0xffff;
	v47 =	vadd.f32 v27, v17  }
0x166: {  	v43 =	vor.u32 s24, v25;
	v36 =	vor.u32 s28, v16;
	v37 =	vadd.f32 v56, v9;
	v27 =	vld.idx.msk [tilespmem:v59+s9+$0x0], $0xffff;
	[tilespmem:s7+$0xA0] =	vst v39  }
0x167: {  	s10 =	simm.s32 $0xC;
	v44 =	vor.u32 s31, v25;
	v35 =	vor.u32 s23, v25;
	v39 =	vadd.f32 v60, v10;
	v34 =	vld.idx.msk [tilespmem:v62+s17+$0x0], $0xffff;
	[tilespmem:s8+$0xE0] =	vst v47  }
.LBB2_5:
0x168: {  	p0 =	slt.u32 s10, $0x1C;
	v46 =	vshll.u32 v45, $0x8;
	v45 =	vshll.u32 v45, $0x7;
	v31 =	vadd.f32 v31, v8;
	[tilespmem:s7+$0xFFFFFFA0] =	vst v37;
	v37 =	vld.idx.msk [tilespmem:v41+s17+$0x0], $0xffff  }
0x169: {  	v41 =	vand.u32 $0x1800, v46;
	v45 =	vand.u32 $0x380, v45;
	v33 =	vld.idx.msk [tilespmem:v33+s17+$0x0], $0xffff;
	[tilespmem:s7+$0x20] =	vst v39;
	v39 =	vadd.f32 v40, v21  }
0x16a: {  	v40 =	vor.u32 v41, v45;
	v41 =	vor.u32 s22, v12;
	[tilespmem:s7+$0xFFFFFF20] =	vst v31;
	v31 =	vld.idx.msk [tilespmem:v32+s17+$0x0], $0xffff;
	v32 =	vadd.f32 v42, v20  }
0x16b: {  	v38 =	vadd.f32 v38, v15;
	v40 =	vor.u32 v13, v40;
	v36 =	vld.idx.msk [tilespmem:v36+s17+$0x0], $0xffff;
	[tilespmem:s8+$0xFFFFFFE0] =	vst v39  }
0x16c: {  	v39 =	vor.u32 s1, v22;
	v42 =	vld.idx.msk [tilespmem:v43+s17+$0x0], $0xffff;
	[tilespmem:s8+$0x60] =	vst v32  }
0x16d: {  	v32 =	vor.u32 s28, v22;
	v43 =	vor.u32 s29, v22;
	v34 =	vadd.f32 v34, v11;
	[tilespmem:s8+$0xFFFFFF60] =	vst v38;
	v38 =	vld.idx.msk [tilespmem:v44+s17+$0x0], $0xffff  }
0x16e: {  	s16 =	sadd.s32 $0x1, s10;
	v45 =	vor.u32 s30, v22;
	v44 =	vor.u32 s10, v12;
	v37 =	vadd.f32 v37, v17;
	v17 =	vmovc v11;
	v35 =	vld.idx.msk [tilespmem:v35+s17+$0x0], $0xffff  }
0x16f: {  	v46 =	vor.u32 s16, v12;
	v11 =	vmov s10;
	v33 =	vadd.f32 v33, v9;
	v41 =	vld.idx.msk [tilespmem:v41+s17+$0x0], $0xffff;
	[tilespmem:s7+$0xB0] =	vst v34  }
0x170: {  	v47 =	vshll.u32 v11, $0x7;
	v34 =	vshll.u32 v11, $0x8;
	v31 =	vadd.f32 v31, v10;
	v11 =	vld.idx.msk [tilespmem:v40+s9+$0x0], $0xffff;
	[tilespmem:s8+$0xF0] =	vst v37  }
0x171: {  	s23 =	sadd.s32 $0x2, s10;
	v34 =	vand.u32 $0x1800, v34;
	v37 =	vand.u32 $0x200, v47;
	v36 =	vadd.f32 v36, v8;
	[tilespmem:s7+$0xFFFFFFB0] =	vst v33;
	v33 =	vld.idx.msk [tilespmem:v39+s17+$0x0], $0xffff  }
0x172: {  	v34 =	vor.u32 v34, v37;
	v37 =	vor.u32 s23, v12;
	v47 =	vadd.f32 v42, v21;
	v39 =	vld.idx.msk [tilespmem:v43+s17+$0x0], $0xffff;
	[tilespmem:s7+$0x30] =	vst v31  }
0x173: {  	v31 =	vor.u32 v13, v34;
	v34 =	vor.u32 s0, v19;
	v48 =	vadd.f32 v38, v20;
	[tilespmem:s7+$0xFFFFFF30] =	vst v36;
	v36 =	vld.idx.msk [tilespmem:v45+s17+$0x0], $0xffff  }
0x174: {  	v40 =	vor.u32 s29, v23;
	v38 =	vor.u32 s22, v19;
	v35 =	vadd.f32 v35, v15;
	v15 =	vmovc v8;
	v32 =	vld.idx.msk [tilespmem:v32+s17+$0x0], $0xffff;
	[tilespmem:s8+$0xFFFFFFF0] =	vst v47  }
0x175: {  	v21 =	vmovc v9;
	v9 =	vmovc v26;
	v43 =	vor.u32 s30, v23;
	v8 =	vmov v14;
	v42 =	vld.idx.msk [tilespmem:v44+s17+$0x0], $0xffff;
	v44 =	vor.u32 s1, v23;
	[tilespmem:s8+$0x70] =	vst v48  }
0x176: {  	v26 =	vmov s16;
	v20 =	vmovc v10;
	v10 =	vmovc v27;
	v41 =	vadd.f32 v41, v11;
	v45 =	vld.idx.msk [tilespmem:v46+s17+$0x0], $0xffff;
	v46 =	vor.u32 s3, v19;
	[tilespmem:s8+$0xFFFFFF70] =	vst v35;
	s8 =	smov.u32 s7  }
0x177: {  	v27 =	vshll.u32 v26, $0x8;
	v33 =	vadd.f32 v33, v17;
	s7 =	sadd.s32 $0x200, s7;
	v35 =	vld.idx.msk [tilespmem:v37+s17+$0x0], $0xffff;
	v37 =	vor.u32 s4, v19  }
0x178: {  	v26 =	vshll.u32 v26, $0x7;
	v29 =	vadd.f32 v29, v9;
	v14 =	vld.idx.msk [tilespmem:v31+s9+$0x0], $0xffff;
	[tilespmem:s7+$0x80] =	vst v41;
	v31 =	vadd.f32 v39, v21  }
0x179: {  	v27 =	vand.u32 $0x1800, v27;
	v30 =	vadd.f32 v30, v10;
	v36 =	vadd.f32 v36, v20;
	v38 =	vld.idx.msk [tilespmem:v38+s17+$0x0], $0xffff;
	[tilespmem:s8+$0xC0] =	vst v33  }
0x17a: {  	v26 =	vand.u32 $0x280, v26;
	v33 =	vadd.f32 v28, v8;
	v32 =	vadd.f32 v32, v15;
	[tilespmem:s7+$0xFFFFFF80] =	vst v29;
	v39 =	vld.idx.msk [tilespmem:v44+s17+$0x0], $0xffff  }
0x17b: {  	v26 =	vor.u32 v27, v26;
	v41 =	vor.u32 s28, v23;
	v28 =	vmov v42;
	v27 =	vld.idx.msk [tilespmem:v46+s17+$0x0], $0xffff;
	[tilespmem:s7+$0x0] =	vst v30  }
0x17c: {  	v26 =	vor.u32 v13, v26;
	v29 =	vmov v45;
	[tilespmem:s7+$0xFFFFFF00] =	vst v33;
	v33 =	vld.idx.msk [tilespmem:v37+s17+$0x0], $0xffff  }
0x17d: {  	v37 =	vor.u32 s22, v18;
	v30 =	vmov v35;
	v34 =	vld.idx.msk [tilespmem:v34+s17+$0x0], $0xffff;
	[tilespmem:s8+$0xFFFFFFC0] =	vst v31  }
0x17e: {  	v35 =	vor.u32 s1, v24;
	v31 =	vld.idx.msk [tilespmem:v40+s17+$0x0], $0xffff;
	[tilespmem:s8+$0x40] =	vst v36  }
0x17f: {  	v36 =	vor.u32 s0, v18;
	v40 =	vor.u32 s3, v18;
	v38 =	vadd.f32 v38, v11;
	[tilespmem:s8+$0xFFFFFF40] =	vst v32;
	v32 =	vld.idx.msk [tilespmem:v43+s17+$0x0], $0xffff  }
0x180: {  	v42 =	vor.u32 s4, v18;
	v43 =	vor.u32 s29, v24;
	v39 =	vadd.f32 v39, v17;
	v41 =	vld.idx.msk [tilespmem:v41+s17+$0x0], $0xffff  }
0x181: {  	v44 =	vmov s23;
	v27 =	vadd.f32 v27, v9;
	v26 =	vld.idx.msk [tilespmem:v26+s9+$0x0], $0xffff;
	[tilespmem:s7+$0x90] =	vst v38;
	v38 =	vor.u32 s30, v24  }
0x182: {  	v45 =	vshll.u32 v44, $0x8;
	v44 =	vshll.u32 v44, $0x7;
	v33 =	vadd.f32 v33, v10;
	v37 =	vld.idx.msk [tilespmem:v37+s17+$0x0], $0xffff;
	[tilespmem:s8+$0xD0] =	vst v39  }
0x183: {  	v44 =	vand.u32 $0x300, v44;
	v39 =	vand.u32 $0x1800, v45;
	v34 =	vadd.f32 v34, v8;
	[tilespmem:s7+$0xFFFFFF90] =	vst v27;
	v27 =	vld.idx.msk [tilespmem:v35+s17+$0x0], $0xffff  }
0x184: {  	v35 =	vor.u32 v39, v44;
	v44 =	vor.u32 s28, v24;
	v39 =	vld.idx.msk [tilespmem:v40+s17+$0x0], $0xffff;
	[tilespmem:s7+$0x10] =	vst v33;
	v33 =	vadd.f32 v31, v21  }
0x185: {  	v45 =	vor.u32 v13, v35;
	v32 =	vadd.f32 v32, v20;
	[tilespmem:s7+$0xFFFFFF10] =	vst v34;
	v34 =	vld.idx.msk [tilespmem:v42+s17+$0x0], $0xffff  }
0x186: {  	v46 =	vor.u32 s22, v16;
	v35 =	vadd.f32 v41, v15;
	v31 =	vld.idx.msk [tilespmem:v36+s17+$0x0], $0xffff;
	[tilespmem:s8+$0xFFFFFFD0] =	vst v33  }
.Ltmp1:
0x187: {  	v41 =	vor.u32 s1, v25;
	s1 =	smov.u32 s22;
	v40 =	vld.idx.msk [tilespmem:v43+s17+$0x0], $0xffff;
	[tilespmem:s8+$0x50] =	vst v32;
	(pc) =	sbr.rel @p0 .LBB2_5-.Ltmp1, $4  }
0x188: {  	v33 =	vor.u32 s3, v16;
	v43 =	vadd.f32 v37, v11;
	[tilespmem:s8+$0xFFFFFF50] =	vst v35;
	v42 =	vld.idx.msk [tilespmem:v38+s17+$0x0], $0xffff  }
0x189: {  	v32 =	vor.u32 s4, v16;
	v35 =	vor.u32 s28, v25;
	v47 =	vadd.f32 v27, v17;
	s28 =	smov.u32 s0;
	s0 =	smov.u32 s10;
	v38 =	vld.idx.msk [tilespmem:v44+s17+$0x0], $0xffff  }
0x18a: {  	s22 =	sadd.s32 $0x3, s10;
	v36 =	vor.u32 s28, v16;
	v37 =	vadd.f32 v39, v9;
	v27 =	vld.idx.msk [tilespmem:v45+s9+$0x0], $0xffff;
	[tilespmem:s7+$0xA0] =	vst v43;
	v43 =	vor.u32 s29, v25;
	s29 =	smov.u32 s3;
	s3 =	smov.u32 s16  }
0x18b: {  	s10 =	sadd.s32 $0x4, s10;
	v44 =	vor.u32 s30, v25;
	s30 =	smov.u32 s4;
	s4 =	smov.u32 s23;
	v45 =	vmov s22;
	v39 =	vadd.f32 v34, v10;
	v34 =	vld.idx.msk [tilespmem:v46+s17+$0x0], $0xffff;
	[tilespmem:s8+$0xE0] =	vst v47  }
0x18c: {  	v46 =	vshll.u32 v45, $0x8;
	v52 =	vshll.u32 v45, $0x7  }
0x18d: {  	v46 =	vand.u32 $0x1800, v46;
	v45 =	vand.u32 $0x380, v52  }
0x18e: {  	v12 =	vor.u32 s22, v12;
	v45 =	vor.u32 v46, v45  }
0x18f: {  	v13 =	vor.u32 v13, v45;
	_ =	sdelay $0x1  }
0x190: {  	v56 =	vor.u32 s3, v19  }
0x191: {  	v41 =	vld.idx.msk [tilespmem:v41+s17+$0x0], $0xffff;
	v59 =	vor.u32 s0, v19  }
0x192: {  	v58 =	vor.u32 s4, v19;
	v29 =	vadd.f32 v29, v26;
	v53 =	vld.idx.msk [tilespmem:v12+s17+$0x0], $0xffff  }
0x193: {  	s10 =	sadd.s32 $0x200, s7;
	v28 =	vadd.f32 v28, v14;
	[tilespmem:s7+$0xFFFFFFA0] =	vst v37;
	v12 =	vld.idx.msk [tilespmem:v13+s9+$0x0], $0xffff  }
0x194: {  	[tilespmem:s10+$0xFFFFFF80] =	vst v29;
	v60 =	vadd.f32 v30, v27  }
0x195: {  	[tilespmem:s10+$0xFFFFFF00] =	vst v28;
	v63 =	vld.idx.msk [tilespmem:v56+s17+$0x0], $0xffff  }
0x196: {  	v54 =	vadd.f32 v40, v21;
	v55 =	vor.u32 s22, v19;
	[tilespmem:s10+$0x0] =	vst v60;
	v19 =	vld.idx.msk [tilespmem:v59+s17+$0x0], $0xffff  }
0x197: {  	v42 =	vadd.f32 v42, v20;
	[tilespmem:s7+$0x20] =	vst v39;
	v40 =	vadd.f32 v41, v17;
	v41 =	vld.idx.msk [tilespmem:v58+s17+$0x0], $0xffff  }
0x198: {  	[tilespmem:s8+$0xFFFFFFE0] =	vst v54;
	v46 =	vor.u32 s3, v18;
	v57 =	vadd.f32 v53, v12  }
0x199: {  	v49 =	vor.u32 s0, v18;
	v62 =	vadd.f32 v38, v15;
	[tilespmem:s8+$0x60] =	vst v42  }
0x19a: {  	v48 =	vor.u32 s4, v18;
	v43 =	vld.idx.msk [tilespmem:v43+s17+$0x0], $0xffff;
	v50 =	vadd.f32 v63, v26;
	[tilespmem:s10+$0x80] =	vst v57  }
0x19b: {  	[tilespmem:s8+$0xFFFFFF60] =	vst v62;
	v19 =	vadd.f32 v19, v14;
	v61 =	vld.idx.msk [tilespmem:v55+s17+$0x0], $0xffff  }
0x19c: {  	v42 =	vld.idx.msk [tilespmem:v44+s17+$0x0], $0xffff;
	v17 =	vadd.f32 v41, v27;
	[tilespmem:s10+$0xFFFFFF90] =	vst v50  }
0x19d: {  	v44 =	vor.u32 s22, v18;
	v62 =	vadd.f32 v34, v11;
	[tilespmem:s10+$0xFFFFFF10] =	vst v19;
	v18 =	vld.idx.msk [tilespmem:v46+s17+$0x0], $0xffff  }
0x19e: {  	[tilespmem:s10+$0x10] =	vst v17;
	v13 =	vld.idx.msk [tilespmem:v49+s17+$0x0], $0xffff  }
0x19f: {  	[tilespmem:s7+$0xB0] =	vst v62;
	v43 =	vadd.f32 v43, v21;
	v17 =	vld.idx.msk [tilespmem:v48+s17+$0x0], $0xffff  }
0x1a0: {  	v54 =	vor.u32 s3, v16;
	[tilespmem:s8+$0xF0] =	vst v40;
	v47 =	vadd.f32 v61, v12  }
0x1a1: {  	v29 =	vld.idx.msk [tilespmem:v35+s17+$0x0], $0xffff;
	v58 =	vor.u32 s0, v16;
	[tilespmem:s8+$0xFFFFFFF0] =	vst v43;
	v53 =	vadd.f32 v31, v8  }
0x1a2: {  	v56 =	vor.u32 s4, v16;
	v57 =	vld.idx.msk [tilespmem:v32+s17+$0x0], $0xffff;
	v18 =	vadd.f32 v18, v26;
	[tilespmem:s10+$0x90] =	vst v47  }
0x1a3: {  	[tilespmem:s7+$0xFFFFFF20] =	vst v53;
	v13 =	vadd.f32 v13, v14;
	v21 =	vld.idx.msk [tilespmem:v44+s17+$0x0], $0xffff  }
0x1a4: {  	v60 =	vor.u32 s1, v22;
	v59 =	vld.idx.msk [tilespmem:v36+s17+$0x0], $0xffff;
	v17 =	vadd.f32 v17, v27;
	[tilespmem:s10+$0xFFFFFFA0] =	vst v18  }
0x1a5: {  	v45 =	vadd.f32 v42, v20;
	v63 =	vor.u32 s30, v22;
	[tilespmem:s10+$0xFFFFFF20] =	vst v13;
	v20 =	vld.idx.msk [tilespmem:v54+s17+$0x0], $0xffff  }
0x1a6: {  	v52 =	vor.u32 s22, v16;
	v51 =	vadd.f32 v29, v15;
	[tilespmem:s10+$0x20] =	vst v17;
	v16 =	vld.idx.msk [tilespmem:v58+s17+$0x0], $0xffff  }
0x1a7: {  	[tilespmem:s8+$0x70] =	vst v45;
	v36 =	vor.u32 s28, v22;
	v38 =	vadd.f32 v57, v10;
	v37 =	vld.idx.msk [tilespmem:v56+s17+$0x0], $0xffff  }
0x1a8: {  	v42 =	vor.u32 s3, v22;
	[tilespmem:s8+$0xFFFFFF70] =	vst v51;
	v55 =	vld.idx.msk [tilespmem:v33+s17+$0x0], $0xffff;
	v21 =	vadd.f32 v21, v12  }
0x1a9: {  	v41 =	vld.idx.msk [tilespmem:v60+s17+$0x0], $0xffff;
	v45 =	vor.u32 s0, v22;
	v40 =	vadd.f32 v59, v8;
	[tilespmem:s7+$0x30] =	vst v38  }
0x1aa: {  	v43 =	vor.u32 s4, v22;
	v44 =	vld.idx.msk [tilespmem:v63+s17+$0x0], $0xffff;
	v20 =	vadd.f32 v20, v26;
	[tilespmem:s10+$0xA0] =	vst v21  }
0x1ab: {  	v61 =	vor.u32 s29, v22;
	[tilespmem:s7+$0xFFFFFF30] =	vst v40;
	v16 =	vadd.f32 v16, v14;
	v15 =	vld.idx.msk [tilespmem:v52+s17+$0x0], $0xffff  }
0x1ac: {  	v17 =	vld.idx.msk [tilespmem:v36+s17+$0x0], $0xffff;
	v13 =	vadd.f32 v37, v27;
	[tilespmem:s10+$0xFFFFFFB0] =	vst v20  }
0x1ad: {  	v46 =	vor.u32 s1, v23;
	v28 =	vadd.f32 v55, v9;
	[tilespmem:s10+$0xFFFFFF30] =	vst v16;
	v30 =	vld.idx.msk [tilespmem:v42+s17+$0x0], $0xffff  }
0x1ae: {  	v39 =	vor.u32 s22, v22;
	[tilespmem:s10+$0x30] =	vst v13;
	v22 =	vld.idx.msk [tilespmem:v45+s17+$0x0], $0xffff  }
0x1af: {  	v48 =	vor.u32 s30, v23;
	[tilespmem:s7+$0xFFFFFFB0] =	vst v28;
	v28 =	vadd.f32 v41, v11;
	v51 =	vld.idx.msk [tilespmem:v43+s17+$0x0], $0xffff  }
0x1b0: {  	v50 =	vor.u32 s28, v23;
	v21 =	vld.idx.msk [tilespmem:v61+s17+$0x0], $0xffff;
	v15 =	vadd.f32 v15, v12  }
0x1b1: {  	v55 =	vor.u32 s3, v23;
	[tilespmem:s7+$0xC0] =	vst v28;
	v52 =	vadd.f32 v44, v10  }
0x1b2: {  	v59 =	vor.u32 s0, v23;
	v54 =	vld.idx.msk [tilespmem:v46+s17+$0x0], $0xffff;
	v17 =	vadd.f32 v17, v8;
	[tilespmem:s10+$0xB0] =	vst v15  }
0x1b3: {  	v56 =	vor.u32 s4, v23;
	[tilespmem:s7+$0x40] =	vst v52;
	v58 =	vadd.f32 v30, v26;
	v19 =	vld.idx.msk [tilespmem:v39+s17+$0x0], $0xffff  }
0x1b4: {  	v47 =	vor.u32 s29, v23;
	[tilespmem:s7+$0xFFFFFF40] =	vst v17;
	v22 =	vadd.f32 v22, v14;
	v57 =	vld.idx.msk [tilespmem:v48+s17+$0x0], $0xffff  }
0x1b5: {  	v16 =	vadd.f32 v51, v27;
	v49 =	vadd.f32 v21, v9;
	v21 =	vld.idx.msk [tilespmem:v50+s17+$0x0], $0xffff;
	[tilespmem:s10+$0xFFFFFFC0] =	vst v58  }
0x1b6: {  	v53 =	vor.u32 s22, v23;
	[tilespmem:s10+$0xFFFFFF40] =	vst v22;
	v13 =	vld.idx.msk [tilespmem:v55+s17+$0x0], $0xffff  }
0x1b7: {  	v60 =	vor.u32 s1, v24;
	v62 =	vadd.f32 v54, v11;
	[tilespmem:s10+$0x40] =	vst v16;
	v22 =	vld.idx.msk [tilespmem:v59+s17+$0x0], $0xffff  }
0x1b8: {  	v63 =	vor.u32 s30, v24;
	[tilespmem:s7+$0xFFFFFFC0] =	vst v49;
	v18 =	vld.idx.msk [tilespmem:v56+s17+$0x0], $0xffff;
	v19 =	vadd.f32 v19, v12  }
0x1b9: {  	v32 =	vor.u32 s28, v24;
	[tilespmem:s7+$0xD0] =	vst v62;
	v15 =	vld.idx.msk [tilespmem:v47+s17+$0x0], $0xffff;
	v17 =	vadd.f32 v57, v10  }
0x1ba: {  	v39 =	vor.u32 s0, v24;
	v21 =	vadd.f32 v21, v8;
	[tilespmem:s10+$0xC0] =	vst v19  }
0x1bb: {  	v35 =	vor.u32 s3, v24;
	[tilespmem:s7+$0x50] =	vst v17;
	v13 =	vadd.f32 v13, v26;
	v28 =	vld.idx.msk [tilespmem:v53+s17+$0x0], $0xffff  }
0x1bc: {  	v37 =	vor.u32 s4, v24;
	v34 =	vld.idx.msk [tilespmem:v60+s17+$0x0], $0xffff;
	v22 =	vadd.f32 v22, v14;
	[tilespmem:s7+$0xFFFFFF50] =	vst v21  }
0x1bd: {  	v61 =	vor.u32 s29, v24;
	v38 =	vld.idx.msk [tilespmem:v63+s17+$0x0], $0xffff;
	v41 =	vadd.f32 v18, v27;
	[tilespmem:s10+$0xFFFFFFD0] =	vst v13  }
0x1be: {  	v33 =	vor.u32 s22, v24;
	v15 =	vadd.f32 v15, v9;
	v16 =	vld.idx.msk [tilespmem:v32+s17+$0x0], $0xffff;
	[tilespmem:s10+$0xFFFFFF50] =	vst v22  }
0x1bf: {  	v40 =	vor.u32 s1, v25;
	[tilespmem:s10+$0x50] =	vst v41;
	v24 =	vld.idx.msk [tilespmem:v39+s17+$0x0], $0xffff  }
0x1c0: {  	v44 =	vor.u32 s30, v25;
	[tilespmem:s7+$0xFFFFFFD0] =	vst v15;
	v15 =	vld.idx.msk [tilespmem:v35+s17+$0x0], $0xffff;
	v36 =	vadd.f32 v28, v12  }
0x1c1: {  	v45 =	vor.u32 s28, v25;
	v43 =	vadd.f32 v34, v11;
	v46 =	vld.idx.msk [tilespmem:v37+s17+$0x0], $0xffff  }
0x1c2: {  	v54 =	vor.u32 s0, v25;
	v19 =	vld.idx.msk [tilespmem:v61+s17+$0x0], $0xffff;
	v47 =	vadd.f32 v38, v10;
	[tilespmem:s10+$0xD0] =	vst v36  }
0x1c3: {  	v50 =	vor.u32 s3, v25;
	[tilespmem:s7+$0xE0] =	vst v43;
	v16 =	vadd.f32 v16, v8;
	v20 =	vld.idx.msk [tilespmem:v33+s17+$0x0], $0xffff  }
0x1c4: {  	v52 =	vor.u32 s4, v25;
	v49 =	vld.idx.msk [tilespmem:v40+s17+$0x0], $0xffff;
	[tilespmem:s7+$0x60] =	vst v47;
	v56 =	vadd.f32 v24, v14  }
0x1c5: {  	v42 =	vor.u32 s29, v25;
	[tilespmem:s7+$0xFFFFFF60] =	vst v16;
	v53 =	vld.idx.msk [tilespmem:v44+s17+$0x0], $0xffff;
	v15 =	vadd.f32 v15, v26  }
0x1c6: {  	v48 =	vor.u32 s22, v25;
	v55 =	vadd.f32 v46, v27;
	v17 =	vld.idx.msk [tilespmem:v45+s17+$0x0], $0xffff;
	[tilespmem:s10+$0xFFFFFF60] =	vst v56  }
0x1c7: {  	v19 =	vadd.f32 v19, v9;
	[tilespmem:s10+$0xFFFFFFE0] =	vst v15;
	v60 =	vld.idx.msk [tilespmem:v54+s17+$0x0], $0xffff  }
0x1c8: {  	[tilespmem:s10+$0x60] =	vst v55;
	v15 =	vld.idx.msk [tilespmem:v50+s17+$0x0], $0xffff;
	v51 =	vadd.f32 v20, v12  }
0x1c9: {  	v57 =	vadd.f32 v49, v11;
	[tilespmem:s7+$0xFFFFFFE0] =	vst v19;
	v13 =	vld.idx.msk [tilespmem:v52+s17+$0x0], $0xffff  }
0x1ca: {  	v18 =	vld.idx.msk [tilespmem:v42+s17+$0x0], $0xffff;
	v59 =	vadd.f32 v53, v10;
	[tilespmem:s10+$0xE0] =	vst v51  }
0x1cb: {  	[tilespmem:s7+$0xF0] =	vst v57;
	v8 =	vadd.f32 v17, v8;
	v21 =	vld.idx.msk [tilespmem:v48+s17+$0x0], $0xffff  }
0x1cc: {  	[tilespmem:s7+$0x70] =	vst v59;
	v63 =	vadd.f32 v60, v14  }
0x1cd: {  	s25 =	sadd.s32 $0x1, s25;
	[tilespmem:s7+$0xFFFFFF70] =	vst v8;
	v8 =	vadd.f32 v15, v26  }
0x1ce: {  	p0 =	sne.s32 s25, $0x64;
	v62 =	vadd.f32 v13, v27;
	[tilespmem:s10+$0xFFFFFF70] =	vst v63  }
.Ltmp2:
0x1cf: {  	s31 =	sshll.u32 s26, $0x11;
	v58 =	vadd.f32 v18, v9;
	[tilespmem:s10+$0xFFFFFFF0] =	vst v8;
	(pc) =	sbr.rel @p0 .LBB2_2-.Ltmp2, $4  }
0x1d0: {  	s0 =	sor.u32 s5, s31;
	[tilespmem:s10+$0x70] =	vst v62;
	v61 =	vadd.f32 v21, v12  }
0x1d1: {  	s0 =	sshrl.u32 s0, $0x3;
	[tilespmem:s7+$0xFFFFFFF0] =	vst v58  }
0x1d2: {  	s0 =	sadd.s32 s2, s0;
	[tilespmem:s10+$0xF0] =	vst v61  }
0x1d3: {  	[hbm4b:s0+s11] =	stream.strided.scatter [tilespmem:s21], [sflag:$0x4], $0x1000, s12, s11, $0x38;
	[tilespmem:$0x12500] =	vst v63  }
0x1d4: {  	_ =	swait.ge [sflag:s18], $0x4000  }
0x1d5: {  	[sflag:s18] =	ssyncset.done $0x0  }
0x1d6: {  	s0 =	simm.s32 $0x3;
	[sflag:s18] =	ssyncadd.s32 $0xFFFFC000  }
0x1d7: {  	_ =	swait.ge [sflag:s0], $0x1000  }
0x1d8: {  	[sflag:s0] =	ssyncset.done $0x0  }
0x1d9: {  	s1 =	simm.s32 $0x4;
	[sflag:s0] =	ssyncadd.s32 $0xFFFFF000  }
0x1da: {  	_ =	swait.ge [sflag:s1], $0x1000  }
0x1db: {  	s3 =	rddreg [dreg:$0x7]  }
0x1dc: {  	s31 =	rddreg [dreg:$0x6];
	s3 =	sadd.s32 $0x1, s3  }
0x1dd: {  	p0 =	sne.s32 s3, s31  }
.Ltmp3:
0x1de: {  	_ = 	snop;
	(pc) =	sbr.rel @p0 .LBB2_1-.Ltmp3, $3  }
0x1df: {  	_ =	sdelay $0x1  }
0x1e0: {  	[sflag:s1] =	ssyncset.done $0x0  }
0x1e1: {  	[sflag:s1] =	ssyncadd.s32 $0xFFFFF000  }
0x1e2: {  	_ =	sfence.sel $0x180000  }
0x1e3: {  	[bflag:$0x0] =	sbarrier.arrive $0xFFFF  }
0x1e4: {  	_ =	strace $0x9000004A  }
0x1e5: {  	s0 =	stileid.u32;
	[bflag:$0x2] =	sbarrier.arrive $0xFFFF  }
0x1e6: {  	p0 =	sne.s32 s0, $0x0;
	s0 =	rddreg [dreg:$0x4]  }
0x1e7: {  	s0 =	sadd.s32 @!p0 $0x100000, s0  }
0x1e8: {  	[sflag:s0] =	ssyncadd.tile.s32 @!p0 $0x1;
	_ =	shalt  }
.Lfunc_end2:
_tile_overlayer_lowered:
.L_overlay_start_2:
0x1e9: {  	(tag) =	ssettag $0x2  }
0x1ea: {  	s0 =	rddreg [dreg:$0x0];
	s2 =	stileid.u32  }
0x1eb: {  	s1 =	rddreg [dreg:$0x1];
	p0 =	sne.s32 s2, $0x0  }
0x1ec: {  	s3 =	rddreg [dreg:$0x2];
	[bflag:$0x3] =	sbarrier.arrive $0xFFFF;
	s2 =	simm.s32 @!p0 $0x1C05  }
0x1ed: {  	[timem:s3], [sflag:s2] =	dma.local @!p0 [hbm:s0], s1  }
0x1ee: {  	s0 =	simm.s32 @!p0 $0x5  }
0x1ef: {  	_ =	swait.ge @!p0 [sflag:s0], s1  }
0x1f0: {  	s1 =	ssub.s32 @!p0 $0x0, s1;
	[sflag:s0] =	ssyncset.done @!p0 $0x0  }
0x1f1: {  	[sflag:s0] =	ssyncadd.s32 @!p0 s1  }
0x1f2: {  	[bflag:$0x3] =	sbarrier.arrive $0xFFFF  }
0x1f3: {  	_ =	shalt  }

</sc_bundles>
